<compile_context>
chip_gen: v7x
topology: tpu7x:2x2x1
jax: 0.10.2.dev20260603
libtpu: 0.0.44.dev20260713+nightly
codegen_flags: <defaults>
</compile_context>

<pallas_src>
import jax
import jax.numpy as jnp
from jax import lax
from jax.experimental import pallas as pl
from jax.experimental.pallas import tpu as pltpu
from jax.experimental.pallas import tpu_sc as plsc

N = 10000
E = 320000
IN_DIM = 128
H0, H1, H2 = 128, 64, 128
OUT_DIM = 40
EPS = 1e-7

NC = 2
NS = 16
NW = NC * NS
EPW = E // NW
K2, IB2, NBLK2 = 125, 20, 4
NP = 10240
SEG = NP // NS
ZR = 32



def _norm_clip(v):
    return jnp.clip(jnp.sqrt(jnp.sum(v * v, axis=1, keepdims=True)), EPS, None)


def _exp_map(vr):
    vn = _norm_clip(vr)
    e = jnp.exp(vn)
    ei = 1.0 / e
    x0 = 0.5 * (e + ei)
    xr = (0.5 * (e - ei)) * vr / vn
    return x0, xr


def _log_map(x0, xr):
    xn = _norm_clip(xr)
    t = jnp.maximum(x0, 1.0 + EPS)
    d = jnp.log(t + jnp.sqrt(t * t - 1.0))
    return d * xr / xn



def _pre_body(f_ref, w_ref, b_ref, h_ref):
    f = f_ref[...]
    x0, xr = _exp_map(f)
    vr = _log_map(x0, xr)
    h_ref[...] = jnp.dot(vr, w_ref[...], preferred_element_type=jnp.float32) + b_ref[...]


def _mid_body(acc_ref, deg_ref, w_ref, b_ref, h_ref):
    agg = acc_ref[0, 0:N] + acc_ref[1, 0:N]
    deg = (deg_ref[0, 0:N, 0:1].astype(jnp.float32)
           + deg_ref[1, 0:N, 0:1].astype(jnp.float32))
    agg = agg / jnp.clip(deg, 1.0, None)
    x0, xr = _exp_map(agg)
    vr = _log_map(x0, xr)
    s = 1.0 / (1.0 + jnp.exp(-vr))
    y0, yr = _exp_map(s)
    vr2 = _log_map(y0, yr)
    h_ref[...] = jnp.dot(vr2, w_ref[...], preferred_element_type=jnp.float32) + b_ref[...]


def _post_body(acc_ref, deg_ref, wm1_ref, bm1_ref, wm2_ref, bm2_ref, o_ref):
    agg = acc_ref[0, 0:N, 0:H1] + acc_ref[1, 0:N, 0:H1]
    deg = (deg_ref[0, 0:N, 0:1].astype(jnp.float32)
           + deg_ref[1, 0:N, 0:1].astype(jnp.float32))
    agg = agg / jnp.clip(deg, 1.0, None)
    x0, xr = _exp_map(agg)
    vr = _log_map(x0, xr)
    s = 1.0 / (1.0 + jnp.exp(-vr))
    y0, yr = _exp_map(s)
    h = _log_map(y0, yr)
    h = jnp.maximum(
        jnp.dot(h, wm1_ref[...], preferred_element_type=jnp.float32) + bm1_ref[...], 0.0)
    o_ref[...] = jnp.dot(h, wm2_ref[...], preferred_element_type=jnp.float32) + bm2_ref[...]


_pre = pl.pallas_call(_pre_body, out_shape=jax.ShapeDtypeStruct((N, H0), jnp.float32))
_mid = pl.pallas_call(_mid_body, out_shape=jax.ShapeDtypeStruct((N, 128), jnp.float32))
_post = pl.pallas_call(_post_body, out_shape=jax.ShapeDtypeStruct((N, OUT_DIM), jnp.float32))



def _make_sc_agg(with_deg):
    mesh = plsc.VectorSubcoreMesh(core_axis_name="c", subcore_axis_name="s")
    out_type = [jax.ShapeDtypeStruct((NC, NP, 128), jnp.float32)]
    if with_deg:
        out_type.append(jax.ShapeDtypeStruct((NC, NP, 128), jnp.float32))
    scratch = [
        pltpu.VMEM((IB2, K2), jnp.int32),
        pltpu.VMEM((IB2, K2), jnp.int32),
        pltpu.VMEM((K2, 128), jnp.float32),
        pltpu.VMEM((K2, 128), jnp.float32),
        pltpu.VMEM_SHARED((NP, 128), jnp.float32),
        pltpu.SemaphoreType.DMA,
        pltpu.SemaphoreType.DMA,
        pltpu.SemaphoreType.DMA,
        pltpu.SemaphoreType.DMA,
    ]

    def body(h_hbm, src_hbm, dst_hbm, zacc_hbm, *rest):
        if with_deg:
            (ones_hbm, acc_out, deg_out, src_v, dst_v, rows_a, rows_b,
             acc_sh, sem_a, sem_b, sem_sa, sem_sb) = rest
        else:
            (acc_out, src_v, dst_v, rows_a, rows_b, acc_sh,
             sem_a, sem_b, sem_sa, sem_sb) = rest
        c = lax.axis_index("c")
        s = lax.axis_index("s")
        wid = s * NC + c
        pltpu.sync_copy(zacc_hbm.at[pl.ds(0, ZR)], rows_b.at[pl.ds(0, ZR)])

        def zstep(z, cz):
            pltpu.async_copy(rows_b.at[pl.ds(0, ZR)],
                             acc_sh.at[pl.ds(s * SEG + z * ZR, ZR)], sem_sa)
            return cz

        lax.fori_loop(0, SEG // ZR, zstep, 0)

        def zdrain(z, cz):
            pltpu.make_async_copy(
                rows_b.at[pl.ds(0, ZR)],
                acc_sh.at[pl.ds(s * SEG + z * ZR, ZR)], sem_sa).wait()
            return cz

        lax.fori_loop(0, SEG // ZR, zdrain, 0)
        plsc.subcore_barrier()

        def block(b, carry):
            pltpu.sync_copy(src_hbm.at[wid, b], src_v)
            pltpu.sync_copy(dst_hbm.at[wid, b], dst_v)
            pltpu.async_copy(h_hbm.at[src_v.at[0]], rows_a, sem_a)

            def step(g, c2):
                j = 2 * g

                @pl.when(g > 0)
                def _():
                    pltpu.make_async_copy(
                        rows_b, acc_sh.at[dst_v.at[j - 1]], sem_sb).wait()

                pltpu.async_copy(h_hbm.at[src_v.at[j + 1]], rows_b, sem_b)
                pltpu.make_async_copy(h_hbm.at[src_v.at[j]], rows_a, sem_a).wait()
                pltpu.async_copy(rows_a, acc_sh.at[dst_v.at[j]], sem_sa, add=True)

                @pl.when(j + 2 < IB2)
                def _():
                    pltpu.make_async_copy(
                        rows_a, acc_sh.at[dst_v.at[j]], sem_sa).wait()
                    pltpu.async_copy(h_hbm.at[src_v.at[j + 2]], rows_a, sem_a)

                pltpu.make_async_copy(h_hbm.at[src_v.at[j + 1]], rows_b, sem_b).wait()
                pltpu.async_copy(rows_b, acc_sh.at[dst_v.at[j + 1]], sem_sb, add=True)
                return c2

            lax.fori_loop(0, IB2 // 2, step, 0)
            pltpu.make_async_copy(rows_a, acc_sh.at[dst_v.at[IB2 - 2]], sem_sa).wait()
            pltpu.make_async_copy(rows_b, acc_sh.at[dst_v.at[IB2 - 1]], sem_sb).wait()
            return carry

        lax.fori_loop(0, NBLK2, block, 0)
        plsc.subcore_barrier()

        def _wb(out_ref):
            pltpu.sync_copy(acc_sh.at[pl.ds(s * SEG, ZR)], rows_a.at[pl.ds(0, ZR)])

            def wpair(g, cz):
                z = 2 * g
                ra = s * SEG + z * ZR
                rb = ra + ZR
                pltpu.async_copy(rows_a.at[pl.ds(0, ZR)],
                                 out_ref.at[c, pl.ds(ra, ZR)], sem_sa)
                pltpu.sync_copy(acc_sh.at[pl.ds(rb, ZR)], rows_b.at[pl.ds(0, ZR)])
                pltpu.make_async_copy(rows_a.at[pl.ds(0, ZR)],
                                      out_ref.at[c, pl.ds(ra, ZR)], sem_sa).wait()
                pltpu.async_copy(rows_b.at[pl.ds(0, ZR)],
                                 out_ref.at[c, pl.ds(rb, ZR)], sem_sb)

                @pl.when(z + 2 < SEG // ZR * 1)
                def _():
                    pltpu.sync_copy(acc_sh.at[pl.ds(rb + ZR, ZR)],
                                    rows_a.at[pl.ds(0, ZR)])

                pltpu.make_async_copy(rows_b.at[pl.ds(0, ZR)],
                                      out_ref.at[c, pl.ds(rb, ZR)], sem_sb).wait()
                return cz

            lax.fori_loop(0, SEG // ZR // 2, wpair, 0)

        _wb(acc_out)

        if with_deg:
            pltpu.sync_copy(zacc_hbm.at[pl.ds(0, ZR)], rows_b.at[pl.ds(0, ZR)])

            def z2step(z, cz):
                pltpu.async_copy(rows_b.at[pl.ds(0, ZR)],
                                 acc_sh.at[pl.ds(s * SEG + z * ZR, ZR)], sem_sa)
                return cz

            lax.fori_loop(0, SEG // ZR, z2step, 0)

            def z2drain(z, cz):
                pltpu.make_async_copy(
                    rows_b.at[pl.ds(0, ZR)],
                    acc_sh.at[pl.ds(s * SEG + z * ZR, ZR)], sem_sa).wait()
                return cz

            lax.fori_loop(0, SEG // ZR, z2drain, 0)
            pltpu.sync_copy(ones_hbm, rows_a)
            plsc.subcore_barrier()

            def dblock(b, carry):
                pltpu.sync_copy(dst_hbm.at[wid, b], dst_v)

                def dstep(j, c2):
                    pltpu.sync_copy(rows_a, acc_sh.at[dst_v.at[j]], add=True)
                    return c2

                lax.fori_loop(0, IB2, dstep, 0)
                return carry

            lax.fori_loop(0, NBLK2, dblock, 0)
            plsc.subcore_barrier()

            _wb(deg_out)

    return pl.kernel(body, mesh=mesh, out_type=out_type, scratch_types=scratch)


import functools as _functools


@_functools.lru_cache(maxsize=None)
def _get_agg(with_deg):
    return _make_sc_agg(with_deg)


def kernel(features, edge_index, W1, b1, W2, b2, Wm1, bm1, Wm2, bm2):
    src4 = edge_index[0].reshape(NW, NBLK2, IB2, K2)
    dst4 = edge_index[1].reshape(NW, NBLK2, IB2, K2)
    zacc = jnp.zeros((NP, 128), jnp.float32)
    ones_h = jnp.ones((K2, 128), jnp.float32)

    h1 = _pre(features, W1, b1.reshape(1, H0))
    acc1, degp = _get_agg(True)(h1, src4, dst4, zacc, ones_h)
    w2p = jnp.pad(W2, ((0, 0), (0, 128 - H1)))
    b2p = jnp.pad(b2, (0, 128 - H1)).reshape(1, 128)
    h2 = _mid(acc1, degp, w2p, b2p)
    (acc2,) = _get_agg(False)(h2, src4, dst4, zacc)
    return _post(acc2, degp, Wm1, bm1.reshape(1, H2), Wm2, bm2.reshape(1, OUT_DIM))

# --- scband reference (transcript-rebuilt; emitter-appended) ---
"""Pipeline reference for scband-hgcnmodel-64287070486573 (READ-ONLY COPY).

The authoritative reference and input builder live on the scoring server;
editing this copy changes nothing except your own understanding.
"""

import jax, jax.numpy as jnp
import numpy as np

N = 10000
E = 320000
IN_DIM = 128
H0, H1, H2 = 128, 64, 128
OUT_DIM = 40
C = 1.0
EPS = 1e-7


def lorentz_exp(v, c):
    # exponential map at the Lorentz origin; v has time coord 0 in v[:, :1]
    sqc = jnp.sqrt(c)
    vr = v[:, 1:]
    vn = jnp.clip(jnp.linalg.norm(vr, axis=1, keepdims=True), EPS, None)
    x0 = jnp.cosh(sqc * vn) / sqc
    xr = jnp.sinh(sqc * vn) * vr / (sqc * vn)
    return jnp.concatenate([x0, xr], axis=1)


def lorentz_log(x, c):
    # logarithmic map at the Lorentz origin; result has time coord 0
    sqc = jnp.sqrt(c)
    xr = x[:, 1:]
    xn = jnp.clip(jnp.linalg.norm(xr, axis=1, keepdims=True), EPS, None)
    t = jnp.maximum(sqc * x[:, :1], 1.0 + EPS)
    d = jnp.arccosh(t) / sqc
    return jnp.concatenate([jnp.zeros_like(x[:, :1]), d * xr / xn], axis=1)


def hgcn_layer(x, edge_index, W, b, c):
    # HGCN layer: log-map to tangent space, linear transform, mean-aggregate
    # over in-edges (gather src -> scatter-add at dst / degree), exp-map back.
    v = lorentz_log(x, c)
    h = v[:, 1:] @ W + b
    src = edge_index[0]
    dst = edge_index[1]
    msgs = jnp.take(h, src, axis=0)
    n = x.shape[0]
    agg = jax.ops.segment_sum(msgs, dst, num_segments=n)
    deg = jax.ops.segment_sum(jnp.ones((msgs.shape[0],), h.dtype), dst, num_segments=n)
    agg = agg / jnp.clip(deg, 1.0, None)[:, None]
    agg = jnp.concatenate([jnp.zeros((n, 1), h.dtype), agg], axis=1)
    return lorentz_exp(agg, c)


def sigmoid_nl(x, c_in, c_out):
    v = lorentz_log(x, c_in)
    s = jax.nn.sigmoid(v[:, 1:])
    v2 = jnp.concatenate([jnp.zeros_like(v[:, :1]), s], axis=1)
    return lorentz_exp(v2, c_out)


def setup_inputs(seed: int = 0) -> dict:
    key = jax.random.key(seed)
    ks = jax.random.split(key, 12)
    features = jax.random.normal(ks[0], (N, IN_DIM), dtype=jnp.float32)
    edge_index = jax.random.randint(ks[1], (2, E), 0, N, dtype=jnp.int32)
    W1 = jax.random.normal(ks[2], (IN_DIM, H0), dtype=jnp.float32) * 0.05
    b1 = jnp.zeros((H0,), dtype=jnp.float32)
    W2 = jax.random.normal(ks[3], (H0, H1), dtype=jnp.float32) * 0.05
    b2 = jnp.zeros((H1,), dtype=jnp.float32)
    Wm1 = jax.random.normal(ks[4], (H1, H2), dtype=jnp.float32) * 0.05
    bm1 = jnp.zeros((H2,), dtype=jnp.float32)
    Wm2 = jax.random.normal(ks[5], (H2, OUT_DIM), dtype=jnp.float32) * 0.05
    bm2 = jnp.zeros((OUT_DIM,), dtype=jnp.float32)
    return {"features": features, "edge_index": edge_index, "W1": W1, "b1": b1,
            "W2": W2, "b2": b2, "Wm1": Wm1, "bm1": bm1, "Wm2": Wm2, "bm2": bm2}


def reference(features, edge_index, W1, b1, W2, b2, Wm1, bm1, Wm2, bm2):
    c = jnp.float32(C)
    n = features.shape[0]
    # lift to Lorentz tangent space (prepend zero time coord) and exp-map
    x = jnp.concatenate([jnp.zeros((n, 1), features.dtype), features], axis=1)
    x = lorentz_exp(x, c)
    x = hgcn_layer(x, edge_index, W1, b1, c)
    x = sigmoid_nl(x, c, c)
    x = hgcn_layer(x, edge_index, W2, b2, c)
    x = sigmoid_nl(x, c, c)
    v = lorentz_log(x, c)
    h = v[:, 1:]  # drop Lorentz time coordinate
    # MLP classifier (dropout inactive in eval)
    h = jax.nn.relu(h @ Wm1 + bm1)
    out = h @ Wm2 + bm2
    return out

if __name__ == "__main__":
    import jax
    _d = setup_inputs()
    print(jax.jit(kernel)(*tuple(_d.values())))

</pallas_src>

<mosaic_0001>
#map = affine_map<(d0, d1) -> (0, 0)>
#map1 = affine_map<(d0, d1) -> (0, 0, 0, 0)>
#map2 = affine_map<(d0, d1) -> (0, 0, 0)>
module attributes {stable_mosaic.version = 14 : i64} {
  func.func @body(%arg0: i32, %arg1: i32, %arg2: memref<10000x128xf32, #tpu.memory_space<hbm>>, %arg3: memref<32x4x20x125xi32, #tpu.memory_space<hbm>>, %arg4: memref<32x4x20x125xi32, #tpu.memory_space<hbm>>, %arg5: memref<10240x128xf32, #tpu.memory_space<hbm>>, %arg6: memref<125x128xf32, #tpu.memory_space<hbm>>, %arg7: memref<2x10240x128xf32, #tpu.memory_space<hbm>>, %arg8: memref<2x10240x128xf32, #tpu.memory_space<hbm>>, %arg9: memref<20x125xi32, #tpu.memory_space<vmem>>, %arg10: memref<20x125xi32, #tpu.memory_space<vmem>>, %arg11: memref<125x128xf32, #tpu.memory_space<vmem>>, %arg12: memref<125x128xf32, #tpu.memory_space<vmem>>, %arg13: memref<10240x128xf32, #tpu.memory_space<vmem_shared>>, %arg14: memref<!tpu.dma_semaphore, #tpu.memory_space<semaphore_mem>>, %arg15: memref<!tpu.dma_semaphore, #tpu.memory_space<semaphore_mem>>, %arg16: memref<!tpu.dma_semaphore, #tpu.memory_space<semaphore_mem>>, %arg17: memref<!tpu.dma_semaphore, #tpu.memory_space<semaphore_mem>>) attributes {dimension_semantics = [#tpu.dimension_semantics<core_parallel>, #tpu.dimension_semantics<subcore_parallel>], iteration_bounds = array<i64: 2, 16>, scalar_prefetch = 0 : i64, scratch_operands = 9 : i64, tpu.core_type = #tpu.core_type<sc_vector_subcore>, window_params = [{transform_indices = #map}, {transform_indices = #map1}, {transform_indices = #map1}, {transform_indices = #map}, {transform_indices = #map}, {transform_indices = #map2}, {transform_indices = #map2}]} {
    %mul3A = arith.constant 2 : i32
    %mul3A_0 = arith.muli %arg1, %mul3A : i32
    %add3A = arith.addi %mul3A_0, %arg0 : i32
    "tpu.region"() ({
      %run_scoped3A = tpu.sem_alloc : memref<!tpu.dma_semaphore, #tpu.memory_space<semaphore_mem>>
      %dma_start3A = arith.constant 0 : i32
      %dma_start3A_55 = arith.constant 0 : i32
      %dma_start3A_56 = tpu.memref_slice %arg12[%dma_start3A, %dma_start3A_55] : memref<125x128xf32, #tpu.memory_space<vmem>> -> memref<32x128xf32, #tpu.memory_space<vmem>>
      %dma_start3A_57 = arith.constant 0 : i32
      %dma_start3A_58 = arith.constant 0 : i32
      %dma_start3A_59 = tpu.memref_slice %arg5[%dma_start3A_57, %dma_start3A_58] : memref<10240x128xf32, #tpu.memory_space<hbm>> -> memref<32x128xf32, #tpu.memory_space<hbm>>
      %dma_start3A_60 = arith.constant 0 : i32
      %dma_start3A_61 = arith.constant 0 : i32
      %dma_start3A_62 = tpu.memref_slice %arg12[%dma_start3A_60, %dma_start3A_61] : memref<125x128xf32, #tpu.memory_space<vmem>> -> memref<32x128xf32, #tpu.memory_space<vmem>>
      %dma_start3A_63 = arith.constant 0 : i32
      %dma_start3A_64 = arith.constant 0 : i32
      %dma_start3A_65 = tpu.memref_slice %arg5[%dma_start3A_63, %dma_start3A_64] : memref<10240x128xf32, #tpu.memory_space<hbm>> -> memref<32x128xf32, #tpu.memory_space<hbm>>
      tpu.enqueue_dma source(%dma_start3A_65 : memref<32x128xf32, #tpu.memory_space<hbm>>) target(%dma_start3A_62 : memref<32x128xf32, #tpu.memory_space<vmem>>) target_semaphore(%run_scoped3A : memref<!tpu.dma_semaphore, #tpu.memory_space<semaphore_mem>>)
      %dma_wait3A = arith.constant 0 : i32
      %dma_wait3A_66 = arith.constant 0 : i32
      %dma_wait3A_67 = tpu.memref_slice %arg12[%dma_wait3A, %dma_wait3A_66] : memref<125x128xf32, #tpu.memory_space<vmem>> -> memref<32x128xf32, #tpu.memory_space<vmem>>
      %dma_wait3A_68 = arith.constant 0 : i32
      %dma_wait3A_69 = arith.constant 0 : i32
      %dma_wait3A_70 = tpu.memref_slice %arg5[%dma_wait3A_68, %dma_wait3A_69] : memref<10240x128xf32, #tpu.memory_space<hbm>> -> memref<32x128xf32, #tpu.memory_space<hbm>>
      %dma_wait3A_71 = arith.constant 0 : i32
      %dma_wait3A_72 = arith.constant 0 : i32
      %dma_wait3A_73 = tpu.memref_slice %arg12[%dma_wait3A_71, %dma_wait3A_72] : memref<125x128xf32, #tpu.memory_space<vmem>> -> memref<32x128xf32, #tpu.memory_space<vmem>>
      %dma_wait3A_74 = arith.constant 0 : i32
      %dma_wait3A_75 = arith.constant 0 : i32
      %dma_wait3A_76 = tpu.memref_slice %arg5[%dma_wait3A_74, %dma_wait3A_75] : memref<10240x128xf32, #tpu.memory_space<hbm>> -> memref<32x128xf32, #tpu.memory_space<hbm>>
      tpu.wait_dma2 semaphore(%run_scoped3A : memref<!tpu.dma_semaphore, #tpu.memory_space<semaphore_mem>>) src(%dma_wait3A_76 : memref<32x128xf32, #tpu.memory_space<hbm>>) dst(%dma_wait3A_73 : memref<32x128xf32, #tpu.memory_space<vmem>>)
      tpu.yield
    }) : () -> ()
    %scan3A = arith.constant 0 : i32
    %scan3A_1 = arith.constant 0 : i32
    %scan3A_2 = arith.constant 20 : i32
    %scan3A_3 = arith.addi %scan3A_1, %scan3A_2 : i32
    %scan3A_4 = arith.constant 1 : i32
    scf.for %scan3A_55 = %scan3A_1 to %scan3A_3 step %scan3A_4  : i32 {
      %mul3A_56 = arith.constant 640 : i32
      %mul3A_57 = arith.muli %arg1, %mul3A_56 : i32
      %mul3A_58 = arith.constant 32 : i32
      %mul3A_59 = arith.muli %scan3A_55, %mul3A_58 : i32
      %add3A_60 = arith.addi %mul3A_57, %mul3A_59 : i32
      %dma_start3A = arith.constant 0 : i32
      %dma_start3A_61 = arith.constant 0 : i32
      %dma_start3A_62 = tpu.memref_slice %arg12[%dma_start3A, %dma_start3A_61] : memref<125x128xf32, #tpu.memory_space<vmem>> -> memref<32x128xf32, #tpu.memory_space<vmem>>
      %dma_start3A_63 = arith.constant 0 : i32
      %dma_start3A_64 = tpu.memref_slice %arg13[%add3A_60, %dma_start3A_63] : memref<10240x128xf32, #tpu.memory_space<vmem_shared>> -> memref<32x128xf32, #tpu.memory_space<vmem_shared>>
      %dma_start3A_65 = arith.constant 0 : i32
      %dma_start3A_66 = tpu.memref_slice %arg13[%add3A_60, %dma_start3A_65] : memref<10240x128xf32, #tpu.memory_space<vmem_shared>> -> memref<32x128xf32, #tpu.memory_space<vmem_shared>>
      %dma_start3A_67 = arith.constant 0 : i32
      %dma_start3A_68 = arith.constant 0 : i32
      %dma_start3A_69 = tpu.memref_slice %arg12[%dma_start3A_67, %dma_start3A_68] : memref<125x128xf32, #tpu.memory_space<vmem>> -> memref<32x128xf32, #tpu.memory_space<vmem>>
      tpu.enqueue_dma source(%dma_start3A_69 : memref<32x128xf32, #tpu.memory_space<vmem>>) target(%dma_start3A_66 : memref<32x128xf32, #tpu.memory_space<vmem_shared>>) target_semaphore(%arg16 : memref<!tpu.dma_semaphore, #tpu.memory_space<semaphore_mem>>)
    }
    %scan3A_5 = arith.constant 20 : i32
    %scan3A_6 = arith.constant 0 : i32
    %scan3A_7 = arith.constant 0 : i32
    %scan3A_8 = arith.constant 20 : i32
    %scan3A_9 = arith.addi %scan3A_7, %scan3A_8 : i32
    %scan3A_10 = arith.constant 1 : i32
    scf.for %scan3A_55 = %scan3A_7 to %scan3A_9 step %scan3A_10  : i32 {
      %mul3A_56 = arith.constant 640 : i32
      %mul3A_57 = arith.muli %arg1, %mul3A_56 : i32
      %mul3A_58 = arith.constant 32 : i32
      %mul3A_59 = arith.muli %scan3A_55, %mul3A_58 : i32
      %add3A_60 = arith.addi %mul3A_57, %mul3A_59 : i32
      %dma_wait3A = arith.constant 0 : i32
      %dma_wait3A_61 = arith.constant 0 : i32
      %dma_wait3A_62 = tpu.memref_slice %arg12[%dma_wait3A, %dma_wait3A_61] : memref<125x128xf32, #tpu.memory_space<vmem>> -> memref<32x128xf32, #tpu.memory_space<vmem>>
      %dma_wait3A_63 = arith.constant 0 : i32
      %dma_wait3A_64 = tpu.memref_slice %arg13[%add3A_60, %dma_wait3A_63] : memref<10240x128xf32, #tpu.memory_space<vmem_shared>> -> memref<32x128xf32, #tpu.memory_space<vmem_shared>>
      %dma_wait3A_65 = arith.constant 0 : i32
      %dma_wait3A_66 = tpu.memref_slice %arg13[%add3A_60, %dma_wait3A_65] : memref<10240x128xf32, #tpu.memory_space<vmem_shared>> -> memref<32x128xf32, #tpu.memory_space<vmem_shared>>
      %dma_wait3A_67 = arith.constant 0 : i32
      %dma_wait3A_68 = arith.constant 0 : i32
      %dma_wait3A_69 = tpu.memref_slice %arg12[%dma_wait3A_67, %dma_wait3A_68] : memref<125x128xf32, #tpu.memory_space<vmem>> -> memref<32x128xf32, #tpu.memory_space<vmem>>
      tpu.wait_dma2 semaphore(%arg16 : memref<!tpu.dma_semaphore, #tpu.memory_space<semaphore_mem>>) src(%dma_wait3A_69 : memref<32x128xf32, #tpu.memory_space<vmem>>) dst(%dma_wait3A_66 : memref<32x128xf32, #tpu.memory_space<vmem_shared>>)
    }
    %scan3A_11 = arith.constant 20 : i32
    %barrier3A = arith.constant 0 : index
    tpu.barrier barrier_id(%barrier3A)
    %scan3A_12 = arith.constant 0 : i32
    %scan3A_13 = arith.constant 0 : i32
    %scan3A_14 = arith.constant 4 : i32
    %scan3A_15 = arith.addi %scan3A_13, %scan3A_14 : i32
    %scan3A_16 = arith.constant 1 : i32
    scf.for %scan3A_55 = %scan3A_13 to %scan3A_15 step %scan3A_16  : i32 {
      "tpu.region"() ({
        %run_scoped3A = tpu.sem_alloc : memref<!tpu.dma_semaphore, #tpu.memory_space<semaphore_mem>>
        %dma_start3A_81 = arith.constant 0 : i32
        %dma_start3A_82 = arith.constant 0 : i32
        %dma_start3A_83 = tpu.memref_slice %arg3[%add3A, %scan3A_55, %dma_start3A_81, %dma_start3A_82] : memref<32x4x20x125xi32, #tpu.memory_space<hbm>> -> memref<1x1x20x125xi32, #tpu.memory_space<hbm>>
        %dma_start3A_84 = tpu.memref_squeeze %dma_start3A_83 : memref<1x1x20x125xi32, #tpu.memory_space<hbm>> -> memref<20x125xi32, #tpu.memory_space<hbm>>
        %dma_start3A_85 = arith.constant 0 : i32
        %dma_start3A_86 = arith.constant 0 : i32
        %dma_start3A_87 = tpu.memref_slice %arg3[%add3A, %scan3A_55, %dma_start3A_85, %dma_start3A_86] : memref<32x4x20x125xi32, #tpu.memory_space<hbm>> -> memref<1x1x20x125xi32, #tpu.memory_space<hbm>>
        %dma_start3A_88 = tpu.memref_squeeze %dma_start3A_87 : memref<1x1x20x125xi32, #tpu.memory_space<hbm>> -> memref<20x125xi32, #tpu.memory_space<hbm>>
        tpu.enqueue_dma source(%dma_start3A_88 : memref<20x125xi32, #tpu.memory_space<hbm>>) target(%arg9 : memref<20x125xi32, #tpu.memory_space<vmem>>) target_semaphore(%run_scoped3A : memref<!tpu.dma_semaphore, #tpu.memory_space<semaphore_mem>>)
        %dma_wait3A_89 = arith.constant 0 : i32
        %dma_wait3A_90 = arith.constant 0 : i32
        %dma_wait3A_91 = tpu.memref_slice %arg3[%add3A, %scan3A_55, %dma_wait3A_89, %dma_wait3A_90] : memref<32x4x20x125xi32, #tpu.memory_space<hbm>> -> memref<1x1x20x125xi32, #tpu.memory_space<hbm>>
        %dma_wait3A_92 = tpu.memref_squeeze %dma_wait3A_91 : memref<1x1x20x125xi32, #tpu.memory_space<hbm>> -> memref<20x125xi32, #tpu.memory_space<hbm>>
        %dma_wait3A_93 = arith.constant 0 : i32
        %dma_wait3A_94 = arith.constant 0 : i32
        %dma_wait3A_95 = tpu.memref_slice %arg3[%add3A, %scan3A_55, %dma_wait3A_93, %dma_wait3A_94] : memref<32x4x20x125xi32, #tpu.memory_space<hbm>> -> memref<1x1x20x125xi32, #tpu.memory_space<hbm>>
        %dma_wait3A_96 = tpu.memref_squeeze %dma_wait3A_95 : memref<1x1x20x125xi32, #tpu.memory_space<hbm>> -> memref<20x125xi32, #tpu.memory_space<hbm>>
        tpu.wait_dma2 semaphore(%run_scoped3A : memref<!tpu.dma_semaphore, #tpu.memory_space<semaphore_mem>>) src(%dma_wait3A_96 : memref<20x125xi32, #tpu.memory_space<hbm>>) dst(%arg9 : memref<20x125xi32, #tpu.memory_space<vmem>>)
        tpu.yield
      }) : () -> ()
      "tpu.region"() ({
        %run_scoped3A = tpu.sem_alloc : memref<!tpu.dma_semaphore, #tpu.memory_space<semaphore_mem>>
        %dma_start3A_81 = arith.constant 0 : i32
        %dma_start3A_82 = arith.constant 0 : i32
        %dma_start3A_83 = tpu.memref_slice %arg4[%add3A, %scan3A_55, %dma_start3A_81, %dma_start3A_82] : memref<32x4x20x125xi32, #tpu.memory_space<hbm>> -> memref<1x1x20x125xi32, #tpu.memory_space<hbm>>
        %dma_start3A_84 = tpu.memref_squeeze %dma_start3A_83 : memref<1x1x20x125xi32, #tpu.memory_space<hbm>> -> memref<20x125xi32, #tpu.memory_space<hbm>>
        %dma_start3A_85 = arith.constant 0 : i32
        %dma_start3A_86 = arith.constant 0 : i32
        %dma_start3A_87 = tpu.memref_slice %arg4[%add3A, %scan3A_55, %dma_start3A_85, %dma_start3A_86] : memref<32x4x20x125xi32, #tpu.memory_space<hbm>> -> memref<1x1x20x125xi32, #tpu.memory_space<hbm>>
        %dma_start3A_88 = tpu.memref_squeeze %dma_start3A_87 : memref<1x1x20x125xi32, #tpu.memory_space<hbm>> -> memref<20x125xi32, #tpu.memory_space<hbm>>
        tpu.enqueue_dma source(%dma_start3A_88 : memref<20x125xi32, #tpu.memory_space<hbm>>) target(%arg10 : memref<20x125xi32, #tpu.memory_space<vmem>>) target_semaphore(%run_scoped3A : memref<!tpu.dma_semaphore, #tpu.memory_space<semaphore_mem>>)
        %dma_wait3A_89 = arith.constant 0 : i32
        %dma_wait3A_90 = arith.constant 0 : i32
        %dma_wait3A_91 = tpu.memref_slice %arg4[%add3A, %scan3A_55, %dma_wait3A_89, %dma_wait3A_90] : memref<32x4x20x125xi32, #tpu.memory_space<hbm>> -> memref<1x1x20x125xi32, #tpu.memory_space<hbm>>
        %dma_wait3A_92 = tpu.memref_squeeze %dma_wait3A_91 : memref<1x1x20x125xi32, #tpu.memory_space<hbm>> -> memref<20x125xi32, #tpu.memory_space<hbm>>
        %dma_wait3A_93 = arith.constant 0 : i32
        %dma_wait3A_94 = arith.constant 0 : i32
        %dma_wait3A_95 = tpu.memref_slice %arg4[%add3A, %scan3A_55, %dma_wait3A_93, %dma_wait3A_94] : memref<32x4x20x125xi32, #tpu.memory_space<hbm>> -> memref<1x1x20x125xi32, #tpu.memory_space<hbm>>
        %dma_wait3A_96 = tpu.memref_squeeze %dma_wait3A_95 : memref<1x1x20x125xi32, #tpu.memory_space<hbm>> -> memref<20x125xi32, #tpu.memory_space<hbm>>
        tpu.wait_dma2 semaphore(%run_scoped3A : memref<!tpu.dma_semaphore, #tpu.memory_space<semaphore_mem>>) src(%dma_wait3A_96 : memref<20x125xi32, #tpu.memory_space<hbm>>) dst(%arg10 : memref<20x125xi32, #tpu.memory_space<vmem>>)
        tpu.yield
      }) : () -> ()
      %dma_start3A = arith.constant 0 : i32
      %dma_start3A_56 = arith.constant 0 : i32
      %dma_start3A_57 = tpu.memref_slice %arg9[%dma_start3A, %dma_start3A_56] : memref<20x125xi32, #tpu.memory_space<vmem>> -> memref<1x125xi32, #tpu.memory_space<vmem>>
      %dma_start3A_58 = tpu.memref_squeeze %dma_start3A_57 : memref<1x125xi32, #tpu.memory_space<vmem>> -> memref<125xi32, #tpu.memory_space<vmem>>
      %dma_start3A_59 = arith.constant 0 : i32
      %dma_start3A_60 = arith.constant 0 : i32
      %dma_start3A_61 = tpu.memref_slice %arg2[%dma_start3A_59, %dma_start3A_60] : memref<10000x128xf32, #tpu.memory_space<hbm>> -> memref<10000x128xf32, #tpu.memory_space<hbm>>
      tpu.enqueue_indirect_dma source(%dma_start3A_61 : memref<10000x128xf32, #tpu.memory_space<hbm>>) target(%arg11 : memref<125x128xf32, #tpu.memory_space<vmem>>) offsets(%dma_start3A_58 : memref<125xi32, #tpu.memory_space<vmem>>) semaphore(%arg14 : memref<!tpu.dma_semaphore, #tpu.memory_space<semaphore_mem>>)
      %scan3A_62 = arith.constant 0 : i32
      %scan3A_63 = arith.constant 0 : i32
      %scan3A_64 = arith.constant 10 : i32
      %scan3A_65 = arith.addi %scan3A_63, %scan3A_64 : i32
      %scan3A_66 = arith.constant 1 : i32
      scf.for %scan3A_81 = %scan3A_63 to %scan3A_65 step %scan3A_66  : i32 {
        %mul3A_82 = arith.constant 2 : i32
        %mul3A_83 = arith.muli %mul3A_82, %scan3A_81 : i32
        %gt3A = arith.constant 0 : i32
        %gt3A_84 = arith.cmpi sgt, %scan3A_81, %gt3A : i32
        %convert_element_type3A = arith.extui %gt3A_84 : i1 to i32
        %cond3A = arith.constant 0 : i32
        %cond3A_85 = arith.cmpi ne, %convert_element_type3A, %cond3A : i32
        scf.if %cond3A_85 {
          %sub3A = arith.constant 1 : i32
          %sub3A_128 = arith.subi %mul3A_83, %sub3A : i32
          %dma_wait3A_129 = arith.constant 0 : i32
          %dma_wait3A_130 = tpu.memref_slice %arg10[%sub3A_128, %dma_wait3A_129] : memref<20x125xi32, #tpu.memory_space<vmem>> -> memref<1x125xi32, #tpu.memory_space<vmem>>
          %dma_wait3A_131 = tpu.memref_squeeze %dma_wait3A_130 : memref<1x125xi32, #tpu.memory_space<vmem>> -> memref<125xi32, #tpu.memory_space<vmem>>
          %dma_wait3A_132 = arith.constant 0 : i32
          %dma_wait3A_133 = arith.constant 0 : i32
          %dma_wait3A_134 = tpu.memref_slice %arg13[%dma_wait3A_132, %dma_wait3A_133] : memref<10240x128xf32, #tpu.memory_space<vmem_shared>> -> memref<10240x128xf32, #tpu.memory_space<vmem_shared>>
          tpu.wait_indirect_dma semaphore(%arg17 : memref<!tpu.dma_semaphore, #tpu.memory_space<semaphore_mem>>) src(%arg12 : memref<125x128xf32, #tpu.memory_space<vmem>>) dst(%dma_wait3A_134 : memref<10240x128xf32, #tpu.memory_space<vmem_shared>>)
        } else {
        }
        %add3A_86 = arith.constant 1 : i32
        %add3A_87 = arith.addi %mul3A_83, %add3A_86 : i32
        %dma_start3A_88 = arith.constant 0 : i32
        %dma_start3A_89 = tpu.memref_slice %arg9[%add3A_87, %dma_start3A_88] : memref<20x125xi32, #tpu.memory_space<vmem>> -> memref<1x125xi32, #tpu.memory_space<vmem>>
        %dma_start3A_90 = tpu.memref_squeeze %dma_start3A_89 : memref<1x125xi32, #tpu.memory_space<vmem>> -> memref<125xi32, #tpu.memory_space<vmem>>
        %dma_start3A_91 = arith.constant 0 : i32
        %dma_start3A_92 = arith.constant 0 : i32
        %dma_start3A_93 = tpu.memref_slice %arg2[%dma_start3A_91, %dma_start3A_92] : memref<10000x128xf32, #tpu.memory_space<hbm>> -> memref<10000x128xf32, #tpu.memory_space<hbm>>
        tpu.enqueue_indirect_dma source(%dma_start3A_93 : memref<10000x128xf32, #tpu.memory_space<hbm>>) target(%arg12 : memref<125x128xf32, #tpu.memory_space<vmem>>) offsets(%dma_start3A_90 : memref<125xi32, #tpu.memory_space<vmem>>) semaphore(%arg15 : memref<!tpu.dma_semaphore, #tpu.memory_space<semaphore_mem>>)
        %dma_wait3A_94 = arith.constant 0 : i32
        %dma_wait3A_95 = tpu.memref_slice %arg9[%mul3A_83, %dma_wait3A_94] : memref<20x125xi32, #tpu.memory_space<vmem>> -> memref<1x125xi32, #tpu.memory_space<vmem>>
        %dma_wait3A_96 = tpu.memref_squeeze %dma_wait3A_95 : memref<1x125xi32, #tpu.memory_space<vmem>> -> memref<125xi32, #tpu.memory_space<vmem>>
        %dma_wait3A_97 = arith.constant 0 : i32
        %dma_wait3A_98 = arith.constant 0 : i32
        %dma_wait3A_99 = tpu.memref_slice %arg2[%dma_wait3A_97, %dma_wait3A_98] : memref<10000x128xf32, #tpu.memory_space<hbm>> -> memref<10000x128xf32, #tpu.memory_space<hbm>>
        tpu.wait_indirect_dma semaphore(%arg14 : memref<!tpu.dma_semaphore, #tpu.memory_space<semaphore_mem>>) src(%dma_wait3A_99 : memref<10000x128xf32, #tpu.memory_space<hbm>>) dst(%arg11 : memref<125x128xf32, #tpu.memory_space<vmem>>)
        %dma_start3A_100 = arith.constant 0 : i32
        %dma_start3A_101 = tpu.memref_slice %arg10[%mul3A_83, %dma_start3A_100] : memref<20x125xi32, #tpu.memory_space<vmem>> -> memref<1x125xi32, #tpu.memory_space<vmem>>
        %dma_start3A_102 = tpu.memref_squeeze %dma_start3A_101 : memref<1x125xi32, #tpu.memory_space<vmem>> -> memref<125xi32, #tpu.memory_space<vmem>>
        %dma_start3A_103 = arith.constant 0 : i32
        %dma_start3A_104 = arith.constant 0 : i32
        %dma_start3A_105 = tpu.memref_slice %arg13[%dma_start3A_103, %dma_start3A_104] : memref<10240x128xf32, #tpu.memory_space<vmem_shared>> -> memref<10240x128xf32, #tpu.memory_space<vmem_shared>>
        tpu.enqueue_indirect_dma source(%arg11 : memref<125x128xf32, #tpu.memory_space<vmem>>) target(%dma_start3A_105 : memref<10240x128xf32, #tpu.memory_space<vmem_shared>>) offsets(%dma_start3A_102 : memref<125xi32, #tpu.memory_space<vmem>>) semaphore(%arg16 : memref<!tpu.dma_semaphore, #tpu.memory_space<semaphore_mem>>) {add = true}
        %add3A_106 = arith.constant 2 : i32
        %add3A_107 = arith.addi %mul3A_83, %add3A_106 : i32
        %lt3A = arith.constant 20 : i32
        %lt3A_108 = arith.cmpi slt, %add3A_107, %lt3A : i32
        %convert_element_type3A_109 = arith.extui %lt3A_108 : i1 to i32
        %cond3A_110 = arith.constant 0 : i32
        %cond3A_111 = arith.cmpi ne, %convert_element_type3A_109, %cond3A_110 : i32
        scf.if %cond3A_111 {
          %dma_wait3A_128 = arith.constant 0 : i32
          %dma_wait3A_129 = tpu.memref_slice %arg10[%mul3A_83, %dma_wait3A_128] : memref<20x125xi32, #tpu.memory_space<vmem>> -> memref<1x125xi32, #tpu.memory_space<vmem>>
          %dma_wait3A_130 = tpu.memref_squeeze %dma_wait3A_129 : memref<1x125xi32, #tpu.memory_space<vmem>> -> memref<125xi32, #tpu.memory_space<vmem>>
          %dma_wait3A_131 = arith.constant 0 : i32
          %dma_wait3A_132 = arith.constant 0 : i32
          %dma_wait3A_133 = tpu.memref_slice %arg13[%dma_wait3A_131, %dma_wait3A_132] : memref<10240x128xf32, #tpu.memory_space<vmem_shared>> -> memref<10240x128xf32, #tpu.memory_space<vmem_shared>>
          tpu.wait_indirect_dma semaphore(%arg16 : memref<!tpu.dma_semaphore, #tpu.memory_space<semaphore_mem>>) src(%arg11 : memref<125x128xf32, #tpu.memory_space<vmem>>) dst(%dma_wait3A_133 : memref<10240x128xf32, #tpu.memory_space<vmem_shared>>)
          %add3A_134 = arith.constant 2 : i32
          %add3A_135 = arith.addi %mul3A_83, %add3A_134 : i32
          %dma_start3A_136 = arith.constant 0 : i32
          %dma_start3A_137 = tpu.memref_slice %arg9[%add3A_135, %dma_start3A_136] : memref<20x125xi32, #tpu.memory_space<vmem>> -> memref<1x125xi32, #tpu.memory_space<vmem>>
          %dma_start3A_138 = tpu.memref_squeeze %dma_start3A_137 : memref<1x125xi32, #tpu.memory_space<vmem>> -> memref<125xi32, #tpu.memory_space<vmem>>
          %dma_start3A_139 = arith.constant 0 : i32
          %dma_start3A_140 = arith.constant 0 : i32
          %dma_start3A_141 = tpu.memref_slice %arg2[%dma_start3A_139, %dma_start3A_140] : memref<10000x128xf32, #tpu.memory_space<hbm>> -> memref<10000x128xf32, #tpu.memory_space<hbm>>
          tpu.enqueue_indirect_dma source(%dma_start3A_141 : memref<10000x128xf32, #tpu.memory_space<hbm>>) target(%arg11 : memref<125x128xf32, #tpu.memory_space<vmem>>) offsets(%dma_start3A_138 : memref<125xi32, #tpu.memory_space<vmem>>) semaphore(%arg14 : memref<!tpu.dma_semaphore, #tpu.memory_space<semaphore_mem>>)
        } else {
        }
        %add3A_112 = arith.constant 1 : i32
        %add3A_113 = arith.addi %mul3A_83, %add3A_112 : i32
        %dma_wait3A_114 = arith.constant 0 : i32
        %dma_wait3A_115 = tpu.memref_slice %arg9[%add3A_113, %dma_wait3A_114] : memref<20x125xi32, #tpu.memory_space<vmem>> -> memref<1x125xi32, #tpu.memory_space<vmem>>
        %dma_wait3A_116 = tpu.memref_squeeze %dma_wait3A_115 : memref<1x125xi32, #tpu.memory_space<vmem>> -> memref<125xi32, #tpu.memory_space<vmem>>
        %dma_wait3A_117 = arith.constant 0 : i32
        %dma_wait3A_118 = arith.constant 0 : i32
        %dma_wait3A_119 = tpu.memref_slice %arg2[%dma_wait3A_117, %dma_wait3A_118] : memref<10000x128xf32, #tpu.memory_space<hbm>> -> memref<10000x128xf32, #tpu.memory_space<hbm>>
        tpu.wait_indirect_dma semaphore(%arg15 : memref<!tpu.dma_semaphore, #tpu.memory_space<semaphore_mem>>) src(%dma_wait3A_119 : memref<10000x128xf32, #tpu.memory_space<hbm>>) dst(%arg12 : memref<125x128xf32, #tpu.memory_space<vmem>>)
        %add3A_120 = arith.constant 1 : i32
        %add3A_121 = arith.addi %mul3A_83, %add3A_120 : i32
        %dma_start3A_122 = arith.constant 0 : i32
        %dma_start3A_123 = tpu.memref_slice %arg10[%add3A_121, %dma_start3A_122] : memref<20x125xi32, #tpu.memory_space<vmem>> -> memref<1x125xi32, #tpu.memory_space<vmem>>
        %dma_start3A_124 = tpu.memref_squeeze %dma_start3A_123 : memref<1x125xi32, #tpu.memory_space<vmem>> -> memref<125xi32, #tpu.memory_space<vmem>>
        %dma_start3A_125 = arith.constant 0 : i32
        %dma_start3A_126 = arith.constant 0 : i32
        %dma_start3A_127 = tpu.memref_slice %arg13[%dma_start3A_125, %dma_start3A_126] : memref<10240x128xf32, #tpu.memory_space<vmem_shared>> -> memref<10240x128xf32, #tpu.memory_space<vmem_shared>>
        tpu.enqueue_indirect_dma source(%arg12 : memref<125x128xf32, #tpu.memory_space<vmem>>) target(%dma_start3A_127 : memref<10240x128xf32, #tpu.memory_space<vmem_shared>>) offsets(%dma_start3A_124 : memref<125xi32, #tpu.memory_space<vmem>>) semaphore(%arg17 : memref<!tpu.dma_semaphore, #tpu.memory_space<semaphore_mem>>) {add = true}
      }
      %scan3A_67 = arith.constant 10 : i32
      %dma_wait3A = arith.constant 18 : i32
      %dma_wait3A_68 = arith.constant 0 : i32
      %dma_wait3A_69 = tpu.memref_slice %arg10[%dma_wait3A, %dma_wait3A_68] : memref<20x125xi32, #tpu.memory_space<vmem>> -> memref<1x125xi32, #tpu.memory_space<vmem>>
      %dma_wait3A_70 = tpu.memref_squeeze %dma_wait3A_69 : memref<1x125xi32, #tpu.memory_space<vmem>> -> memref<125xi32, #tpu.memory_space<vmem>>
      %dma_wait3A_71 = arith.constant 0 : i32
      %dma_wait3A_72 = arith.constant 0 : i32
      %dma_wait3A_73 = tpu.memref_slice %arg13[%dma_wait3A_71, %dma_wait3A_72] : memref<10240x128xf32, #tpu.memory_space<vmem_shared>> -> memref<10240x128xf32, #tpu.memory_space<vmem_shared>>
      tpu.wait_indirect_dma semaphore(%arg16 : memref<!tpu.dma_semaphore, #tpu.memory_space<semaphore_mem>>) src(%arg11 : memref<125x128xf32, #tpu.memory_space<vmem>>) dst(%dma_wait3A_73 : memref<10240x128xf32, #tpu.memory_space<vmem_shared>>)
      %dma_wait3A_74 = arith.constant 19 : i32
      %dma_wait3A_75 = arith.constant 0 : i32
      %dma_wait3A_76 = tpu.memref_slice %arg10[%dma_wait3A_74, %dma_wait3A_75] : memref<20x125xi32, #tpu.memory_space<vmem>> -> memref<1x125xi32, #tpu.memory_space<vmem>>
      %dma_wait3A_77 = tpu.memref_squeeze %dma_wait3A_76 : memref<1x125xi32, #tpu.memory_space<vmem>> -> memref<125xi32, #tpu.memory_space<vmem>>
      %dma_wait3A_78 = arith.constant 0 : i32
      %dma_wait3A_79 = arith.constant 0 : i32
      %dma_wait3A_80 = tpu.memref_slice %arg13[%dma_wait3A_78, %dma_wait3A_79] : memref<10240x128xf32, #tpu.memory_space<vmem_shared>> -> memref<10240x128xf32, #tpu.memory_space<vmem_shared>>
      tpu.wait_indirect_dma semaphore(%arg17 : memref<!tpu.dma_semaphore, #tpu.memory_space<semaphore_mem>>) src(%arg12 : memref<125x128xf32, #tpu.memory_space<vmem>>) dst(%dma_wait3A_80 : memref<10240x128xf32, #tpu.memory_space<vmem_shared>>)
    }
    %scan3A_17 = arith.constant 4 : i32
    %barrier3A_18 = arith.constant 0 : index
    tpu.barrier barrier_id(%barrier3A_18)
    %mul3A_19 = arith.constant 640 : i32
    %mul3A_20 = arith.muli %arg1, %mul3A_19 : i32
    "tpu.region"() ({
      %run_scoped3A = tpu.sem_alloc : memref<!tpu.dma_semaphore, #tpu.memory_space<semaphore_mem>>
      %dma_start3A = arith.constant 0 : i32
      %dma_start3A_55 = arith.constant 0 : i32
      %dma_start3A_56 = tpu.memref_slice %arg11[%dma_start3A, %dma_start3A_55] : memref<125x128xf32, #tpu.memory_space<vmem>> -> memref<32x128xf32, #tpu.memory_space<vmem>>
      %dma_start3A_57 = arith.constant 0 : i32
      %dma_start3A_58 = tpu.memref_slice %arg13[%mul3A_20, %dma_start3A_57] : memref<10240x128xf32, #tpu.memory_space<vmem_shared>> -> memref<32x128xf32, #tpu.memory_space<vmem_shared>>
      %dma_start3A_59 = arith.constant 0 : i32
      %dma_start3A_60 = arith.constant 0 : i32
      %dma_start3A_61 = tpu.memref_slice %arg11[%dma_start3A_59, %dma_start3A_60] : memref<125x128xf32, #tpu.memory_space<vmem>> -> memref<32x128xf32, #tpu.memory_space<vmem>>
      %dma_start3A_62 = arith.constant 0 : i32
      %dma_start3A_63 = tpu.memref_slice %arg13[%mul3A_20, %dma_start3A_62] : memref<10240x128xf32, #tpu.memory_space<vmem_shared>> -> memref<32x128xf32, #tpu.memory_space<vmem_shared>>
      tpu.enqueue_dma source(%dma_start3A_63 : memref<32x128xf32, #tpu.memory_space<vmem_shared>>) target(%dma_start3A_61 : memref<32x128xf32, #tpu.memory_space<vmem>>) target_semaphore(%run_scoped3A : memref<!tpu.dma_semaphore, #tpu.memory_space<semaphore_mem>>)
      %dma_wait3A = arith.constant 0 : i32
      %dma_wait3A_64 = arith.constant 0 : i32
      %dma_wait3A_65 = tpu.memref_slice %arg11[%dma_wait3A, %dma_wait3A_64] : memref<125x128xf32, #tpu.memory_space<vmem>> -> memref<32x128xf32, #tpu.memory_space<vmem>>
      %dma_wait3A_66 = arith.constant 0 : i32
      %dma_wait3A_67 = tpu.memref_slice %arg13[%mul3A_20, %dma_wait3A_66] : memref<10240x128xf32, #tpu.memory_space<vmem_shared>> -> memref<32x128xf32, #tpu.memory_space<vmem_shared>>
      %dma_wait3A_68 = arith.constant 0 : i32
      %dma_wait3A_69 = arith.constant 0 : i32
      %dma_wait3A_70 = tpu.memref_slice %arg11[%dma_wait3A_68, %dma_wait3A_69] : memref<125x128xf32, #tpu.memory_space<vmem>> -> memref<32x128xf32, #tpu.memory_space<vmem>>
      %dma_wait3A_71 = arith.constant 0 : i32
      %dma_wait3A_72 = tpu.memref_slice %arg13[%mul3A_20, %dma_wait3A_71] : memref<10240x128xf32, #tpu.memory_space<vmem_shared>> -> memref<32x128xf32, #tpu.memory_space<vmem_shared>>
      tpu.wait_dma2 semaphore(%run_scoped3A : memref<!tpu.dma_semaphore, #tpu.memory_space<semaphore_mem>>) src(%dma_wait3A_72 : memref<32x128xf32, #tpu.memory_space<vmem_shared>>) dst(%dma_wait3A_70 : memref<32x128xf32, #tpu.memory_space<vmem>>)
      tpu.yield
    }) : () -> ()
    %scan3A_21 = arith.constant 0 : i32
    %scan3A_22 = arith.constant 0 : i32
    %scan3A_23 = arith.constant 10 : i32
    %scan3A_24 = arith.addi %scan3A_22, %scan3A_23 : i32
    %scan3A_25 = arith.constant 1 : i32
    scf.for %scan3A_55 = %scan3A_22 to %scan3A_24 step %scan3A_25  : i32 {
      %mul3A_56 = arith.constant 2 : i32
      %mul3A_57 = arith.muli %mul3A_56, %scan3A_55 : i32
      %mul3A_58 = arith.constant 640 : i32
      %mul3A_59 = arith.muli %arg1, %mul3A_58 : i32
      %mul3A_60 = arith.constant 32 : i32
      %mul3A_61 = arith.muli %mul3A_57, %mul3A_60 : i32
      %add3A_62 = arith.addi %mul3A_59, %mul3A_61 : i32
      %add3A_63 = arith.constant 32 : i32
      %add3A_64 = arith.addi %add3A_62, %add3A_63 : i32
      %dma_start3A = arith.constant 0 : i32
      %dma_start3A_65 = arith.constant 0 : i32
      %dma_start3A_66 = tpu.memref_slice %arg11[%dma_start3A, %dma_start3A_65] : memref<125x128xf32, #tpu.memory_space<vmem>> -> memref<32x128xf32, #tpu.memory_space<vmem>>
      %dma_start3A_67 = arith.constant 0 : i32
      %dma_start3A_68 = tpu.memref_slice %arg7[%arg0, %add3A_62, %dma_start3A_67] : memref<2x10240x128xf32, #tpu.memory_space<hbm>> -> memref<1x32x128xf32, #tpu.memory_space<hbm>>
      %dma_start3A_69 = tpu.memref_squeeze %dma_start3A_68 : memref<1x32x128xf32, #tpu.memory_space<hbm>> -> memref<32x128xf32, #tpu.memory_space<hbm>>
      %dma_start3A_70 = arith.constant 0 : i32
      %dma_start3A_71 = tpu.memref_slice %arg7[%arg0, %add3A_62, %dma_start3A_70] : memref<2x10240x128xf32, #tpu.memory_space<hbm>> -> memref<1x32x128xf32, #tpu.memory_space<hbm>>
      %dma_start3A_72 = tpu.memref_squeeze %dma_start3A_71 : memref<1x32x128xf32, #tpu.memory_space<hbm>> -> memref<32x128xf32, #tpu.memory_space<hbm>>
      %dma_start3A_73 = arith.constant 0 : i32
      %dma_start3A_74 = arith.constant 0 : i32
      %dma_start3A_75 = tpu.memref_slice %arg11[%dma_start3A_73, %dma_start3A_74] : memref<125x128xf32, #tpu.memory_space<vmem>> -> memref<32x128xf32, #tpu.memory_space<vmem>>
      tpu.enqueue_dma source(%dma_start3A_75 : memref<32x128xf32, #tpu.memory_space<vmem>>) target(%dma_start3A_72 : memref<32x128xf32, #tpu.memory_space<hbm>>) target_semaphore(%arg16 : memref<!tpu.dma_semaphore, #tpu.memory_space<semaphore_mem>>)
      "tpu.region"() ({
        %run_scoped3A = tpu.sem_alloc : memref<!tpu.dma_semaphore, #tpu.memory_space<semaphore_mem>>
        %dma_start3A_115 = arith.constant 0 : i32
        %dma_start3A_116 = arith.constant 0 : i32
        %dma_start3A_117 = tpu.memref_slice %arg12[%dma_start3A_115, %dma_start3A_116] : memref<125x128xf32, #tpu.memory_space<vmem>> -> memref<32x128xf32, #tpu.memory_space<vmem>>
        %dma_start3A_118 = arith.constant 0 : i32
        %dma_start3A_119 = tpu.memref_slice %arg13[%add3A_64, %dma_start3A_118] : memref<10240x128xf32, #tpu.memory_space<vmem_shared>> -> memref<32x128xf32, #tpu.memory_space<vmem_shared>>
        %dma_start3A_120 = arith.constant 0 : i32
        %dma_start3A_121 = arith.constant 0 : i32
        %dma_start3A_122 = tpu.memref_slice %arg12[%dma_start3A_120, %dma_start3A_121] : memref<125x128xf32, #tpu.memory_space<vmem>> -> memref<32x128xf32, #tpu.memory_space<vmem>>
        %dma_start3A_123 = arith.constant 0 : i32
        %dma_start3A_124 = tpu.memref_slice %arg13[%add3A_64, %dma_start3A_123] : memref<10240x128xf32, #tpu.memory_space<vmem_shared>> -> memref<32x128xf32, #tpu.memory_space<vmem_shared>>
        tpu.enqueue_dma source(%dma_start3A_124 : memref<32x128xf32, #tpu.memory_space<vmem_shared>>) target(%dma_start3A_122 : memref<32x128xf32, #tpu.memory_space<vmem>>) target_semaphore(%run_scoped3A : memref<!tpu.dma_semaphore, #tpu.memory_space<semaphore_mem>>)
        %dma_wait3A_125 = arith.constant 0 : i32
        %dma_wait3A_126 = arith.constant 0 : i32
        %dma_wait3A_127 = tpu.memref_slice %arg12[%dma_wait3A_125, %dma_wait3A_126] : memref<125x128xf32, #tpu.memory_space<vmem>> -> memref<32x128xf32, #tpu.memory_space<vmem>>
        %dma_wait3A_128 = arith.constant 0 : i32
        %dma_wait3A_129 = tpu.memref_slice %arg13[%add3A_64, %dma_wait3A_128] : memref<10240x128xf32, #tpu.memory_space<vmem_shared>> -> memref<32x128xf32, #tpu.memory_space<vmem_shared>>
        %dma_wait3A_130 = arith.constant 0 : i32
        %dma_wait3A_131 = arith.constant 0 : i32
        %dma_wait3A_132 = tpu.memref_slice %arg12[%dma_wait3A_130, %dma_wait3A_131] : memref<125x128xf32, #tpu.memory_space<vmem>> -> memref<32x128xf32, #tpu.memory_space<vmem>>
        %dma_wait3A_133 = arith.constant 0 : i32
        %dma_wait3A_134 = tpu.memref_slice %arg13[%add3A_64, %dma_wait3A_133] : memref<10240x128xf32, #tpu.memory_space<vmem_shared>> -> memref<32x128xf32, #tpu.memory_space<vmem_shared>>
        tpu.wait_dma2 semaphore(%run_scoped3A : memref<!tpu.dma_semaphore, #tpu.memory_space<semaphore_mem>>) src(%dma_wait3A_134 : memref<32x128xf32, #tpu.memory_space<vmem_shared>>) dst(%dma_wait3A_132 : memref<32x128xf32, #tpu.memory_space<vmem>>)
        tpu.yield
      }) : () -> ()
      %dma_wait3A = arith.constant 0 : i32
      %dma_wait3A_76 = arith.constant 0 : i32
      %dma_wait3A_77 = tpu.memref_slice %arg11[%dma_wait3A, %dma_wait3A_76] : memref<125x128xf32, #tpu.memory_space<vmem>> -> memref<32x128xf32, #tpu.memory_space<vmem>>
      %dma_wait3A_78 = arith.constant 0 : i32
      %dma_wait3A_79 = tpu.memref_slice %arg7[%arg0, %add3A_62, %dma_wait3A_78] : memref<2x10240x128xf32, #tpu.memory_space<hbm>> -> memref<1x32x128xf32, #tpu.memory_space<hbm>>
      %dma_wait3A_80 = tpu.memref_squeeze %dma_wait3A_79 : memref<1x32x128xf32, #tpu.memory_space<hbm>> -> memref<32x128xf32, #tpu.memory_space<hbm>>
      %dma_wait3A_81 = arith.constant 0 : i32
      %dma_wait3A_82 = tpu.memref_slice %arg7[%arg0, %add3A_62, %dma_wait3A_81] : memref<2x10240x128xf32, #tpu.memory_space<hbm>> -> memref<1x32x128xf32, #tpu.memory_space<hbm>>
      %dma_wait3A_83 = tpu.memref_squeeze %dma_wait3A_82 : memref<1x32x128xf32, #tpu.memory_space<hbm>> -> memref<32x128xf32, #tpu.memory_space<hbm>>
      %dma_wait3A_84 = arith.constant 0 : i32
      %dma_wait3A_85 = arith.constant 0 : i32
      %dma_wait3A_86 = tpu.memref_slice %arg11[%dma_wait3A_84, %dma_wait3A_85] : memref<125x128xf32, #tpu.memory_space<vmem>> -> memref<32x128xf32, #tpu.memory_space<vmem>>
      tpu.wait_dma2 semaphore(%arg16 : memref<!tpu.dma_semaphore, #tpu.memory_space<semaphore_mem>>) src(%dma_wait3A_86 : memref<32x128xf32, #tpu.memory_space<vmem>>) dst(%dma_wait3A_83 : memref<32x128xf32, #tpu.memory_space<hbm>>)
      %dma_start3A_87 = arith.constant 0 : i32
      %dma_start3A_88 = arith.constant 0 : i32
      %dma_start3A_89 = tpu.memref_slice %arg12[%dma_start3A_87, %dma_start3A_88] : memref<125x128xf32, #tpu.memory_space<vmem>> -> memref<32x128xf32, #tpu.memory_space<vmem>>
      %dma_start3A_90 = arith.constant 0 : i32
      %dma_start3A_91 = tpu.memref_slice %arg7[%arg0, %add3A_64, %dma_start3A_90] : memref<2x10240x128xf32, #tpu.memory_space<hbm>> -> memref<1x32x128xf32, #tpu.memory_space<hbm>>
      %dma_start3A_92 = tpu.memref_squeeze %dma_start3A_91 : memref<1x32x128xf32, #tpu.memory_space<hbm>> -> memref<32x128xf32, #tpu.memory_space<hbm>>
      %dma_start3A_93 = arith.constant 0 : i32
      %dma_start3A_94 = tpu.memref_slice %arg7[%arg0, %add3A_64, %dma_start3A_93] : memref<2x10240x128xf32, #tpu.memory_space<hbm>> -> memref<1x32x128xf32, #tpu.memory_space<hbm>>
      %dma_start3A_95 = tpu.memref_squeeze %dma_start3A_94 : memref<1x32x128xf32, #tpu.memory_space<hbm>> -> memref<32x128xf32, #tpu.memory_space<hbm>>
      %dma_start3A_96 = arith.constant 0 : i32
      %dma_start3A_97 = arith.constant 0 : i32
      %dma_start3A_98 = tpu.memref_slice %arg12[%dma_start3A_96, %dma_start3A_97] : memref<125x128xf32, #tpu.memory_space<vmem>> -> memref<32x128xf32, #tpu.memory_space<vmem>>
      tpu.enqueue_dma source(%dma_start3A_98 : memref<32x128xf32, #tpu.memory_space<vmem>>) target(%dma_start3A_95 : memref<32x128xf32, #tpu.memory_space<hbm>>) target_semaphore(%arg17 : memref<!tpu.dma_semaphore, #tpu.memory_space<semaphore_mem>>)
      %add3A_99 = arith.constant 2 : i32
      %add3A_100 = arith.addi %mul3A_57, %add3A_99 : i32
      %lt3A = arith.constant 20 : i32
      %lt3A_101 = arith.cmpi slt, %add3A_100, %lt3A : i32
      %convert_element_type3A = arith.extui %lt3A_101 : i1 to i32
      %cond3A = arith.constant 0 : i32
      %cond3A_102 = arith.cmpi ne, %convert_element_type3A, %cond3A : i32
      scf.if %cond3A_102 {
        %add3A_115 = arith.constant 32 : i32
        %add3A_116 = arith.addi %add3A_64, %add3A_115 : i32
        "tpu.region"() ({
          %run_scoped3A = tpu.sem_alloc : memref<!tpu.dma_semaphore, #tpu.memory_space<semaphore_mem>>
          %dma_start3A_117 = arith.constant 0 : i32
          %dma_start3A_118 = arith.constant 0 : i32
          %dma_start3A_119 = tpu.memref_slice %arg11[%dma_start3A_117, %dma_start3A_118] : memref<125x128xf32, #tpu.memory_space<vmem>> -> memref<32x128xf32, #tpu.memory_space<vmem>>
          %dma_start3A_120 = arith.constant 0 : i32
          %dma_start3A_121 = tpu.memref_slice %arg13[%add3A_116, %dma_start3A_120] : memref<10240x128xf32, #tpu.memory_space<vmem_shared>> -> memref<32x128xf32, #tpu.memory_space<vmem_shared>>
          %dma_start3A_122 = arith.constant 0 : i32
          %dma_start3A_123 = arith.constant 0 : i32
          %dma_start3A_124 = tpu.memref_slice %arg11[%dma_start3A_122, %dma_start3A_123] : memref<125x128xf32, #tpu.memory_space<vmem>> -> memref<32x128xf32, #tpu.memory_space<vmem>>
          %dma_start3A_125 = arith.constant 0 : i32
          %dma_start3A_126 = tpu.memref_slice %arg13[%add3A_116, %dma_start3A_125] : memref<10240x128xf32, #tpu.memory_space<vmem_shared>> -> memref<32x128xf32, #tpu.memory_space<vmem_shared>>
          tpu.enqueue_dma source(%dma_start3A_126 : memref<32x128xf32, #tpu.memory_space<vmem_shared>>) target(%dma_start3A_124 : memref<32x128xf32, #tpu.memory_space<vmem>>) target_semaphore(%run_scoped3A : memref<!tpu.dma_semaphore, #tpu.memory_space<semaphore_mem>>)
          %dma_wait3A_127 = arith.constant 0 : i32
          %dma_wait3A_128 = arith.constant 0 : i32
          %dma_wait3A_129 = tpu.memref_slice %arg11[%dma_wait3A_127, %dma_wait3A_128] : memref<125x128xf32, #tpu.memory_space<vmem>> -> memref<32x128xf32, #tpu.memory_space<vmem>>
          %dma_wait3A_130 = arith.constant 0 : i32
          %dma_wait3A_131 = tpu.memref_slice %arg13[%add3A_116, %dma_wait3A_130] : memref<10240x128xf32, #tpu.memory_space<vmem_shared>> -> memref<32x128xf32, #tpu.memory_space<vmem_shared>>
          %dma_wait3A_132 = arith.constant 0 : i32
          %dma_wait3A_133 = arith.constant 0 : i32
          %dma_wait3A_134 = tpu.memref_slice %arg11[%dma_wait3A_132, %dma_wait3A_133] : memref<125x128xf32, #tpu.memory_space<vmem>> -> memref<32x128xf32, #tpu.memory_space<vmem>>
          %dma_wait3A_135 = arith.constant 0 : i32
          %dma_wait3A_136 = tpu.memref_slice %arg13[%add3A_116, %dma_wait3A_135] : memref<10240x128xf32, #tpu.memory_space<vmem_shared>> -> memref<32x128xf32, #tpu.memory_space<vmem_shared>>
          tpu.wait_dma2 semaphore(%run_scoped3A : memref<!tpu.dma_semaphore, #tpu.memory_space<semaphore_mem>>) src(%dma_wait3A_136 : memref<32x128xf32, #tpu.memory_space<vmem_shared>>) dst(%dma_wait3A_134 : memref<32x128xf32, #tpu.memory_space<vmem>>)
          tpu.yield
        }) : () -> ()
      } else {
      }
      %dma_wait3A_103 = arith.constant 0 : i32
      %dma_wait3A_104 = arith.constant 0 : i32
      %dma_wait3A_105 = tpu.memref_slice %arg12[%dma_wait3A_103, %dma_wait3A_104] : memref<125x128xf32, #tpu.memory_space<vmem>> -> memref<32x128xf32, #tpu.memory_space<vmem>>
      %dma_wait3A_106 = arith.constant 0 : i32
      %dma_wait3A_107 = tpu.memref_slice %arg7[%arg0, %add3A_64, %dma_wait3A_106] : memref<2x10240x128xf32, #tpu.memory_space<hbm>> -> memref<1x32x128xf32, #tpu.memory_space<hbm>>
      %dma_wait3A_108 = tpu.memref_squeeze %dma_wait3A_107 : memref<1x32x128xf32, #tpu.memory_space<hbm>> -> memref<32x128xf32, #tpu.memory_space<hbm>>
      %dma_wait3A_109 = arith.constant 0 : i32
      %dma_wait3A_110 = tpu.memref_slice %arg7[%arg0, %add3A_64, %dma_wait3A_109] : memref<2x10240x128xf32, #tpu.memory_space<hbm>> -> memref<1x32x128xf32, #tpu.memory_space<hbm>>
      %dma_wait3A_111 = tpu.memref_squeeze %dma_wait3A_110 : memref<1x32x128xf32, #tpu.memory_space<hbm>> -> memref<32x128xf32, #tpu.memory_space<hbm>>
      %dma_wait3A_112 = arith.constant 0 : i32
      %dma_wait3A_113 = arith.constant 0 : i32
      %dma_wait3A_114 = tpu.memref_slice %arg12[%dma_wait3A_112, %dma_wait3A_113] : memref<125x128xf32, #tpu.memory_space<vmem>> -> memref<32x128xf32, #tpu.memory_space<vmem>>
      tpu.wait_dma2 semaphore(%arg17 : memref<!tpu.dma_semaphore, #tpu.memory_space<semaphore_mem>>) src(%dma_wait3A_114 : memref<32x128xf32, #tpu.memory_space<vmem>>) dst(%dma_wait3A_111 : memref<32x128xf32, #tpu.memory_space<hbm>>)
    }
    %scan3A_26 = arith.constant 10 : i32
    "tpu.region"() ({
      %run_scoped3A = tpu.sem_alloc : memref<!tpu.dma_semaphore, #tpu.memory_space<semaphore_mem>>
      %dma_start3A = arith.constant 0 : i32
      %dma_start3A_55 = arith.constant 0 : i32
      %dma_start3A_56 = tpu.memref_slice %arg12[%dma_start3A, %dma_start3A_55] : memref<125x128xf32, #tpu.memory_space<vmem>> -> memref<32x128xf32, #tpu.memory_space<vmem>>
      %dma_start3A_57 = arith.constant 0 : i32
      %dma_start3A_58 = arith.constant 0 : i32
      %dma_start3A_59 = tpu.memref_slice %arg5[%dma_start3A_57, %dma_start3A_58] : memref<10240x128xf32, #tpu.memory_space<hbm>> -> memref<32x128xf32, #tpu.memory_space<hbm>>
      %dma_start3A_60 = arith.constant 0 : i32
      %dma_start3A_61 = arith.constant 0 : i32
      %dma_start3A_62 = tpu.memref_slice %arg12[%dma_start3A_60, %dma_start3A_61] : memref<125x128xf32, #tpu.memory_space<vmem>> -> memref<32x128xf32, #tpu.memory_space<vmem>>
      %dma_start3A_63 = arith.constant 0 : i32
      %dma_start3A_64 = arith.constant 0 : i32
      %dma_start3A_65 = tpu.memref_slice %arg5[%dma_start3A_63, %dma_start3A_64] : memref<10240x128xf32, #tpu.memory_space<hbm>> -> memref<32x128xf32, #tpu.memory_space<hbm>>
      tpu.enqueue_dma source(%dma_start3A_65 : memref<32x128xf32, #tpu.memory_space<hbm>>) target(%dma_start3A_62 : memref<32x128xf32, #tpu.memory_space<vmem>>) target_semaphore(%run_scoped3A : memref<!tpu.dma_semaphore, #tpu.memory_space<semaphore_mem>>)
      %dma_wait3A = arith.constant 0 : i32
      %dma_wait3A_66 = arith.constant 0 : i32
      %dma_wait3A_67 = tpu.memref_slice %arg12[%dma_wait3A, %dma_wait3A_66] : memref<125x128xf32, #tpu.memory_space<vmem>> -> memref<32x128xf32, #tpu.memory_space<vmem>>
      %dma_wait3A_68 = arith.constant 0 : i32
      %dma_wait3A_69 = arith.constant 0 : i32
      %dma_wait3A_70 = tpu.memref_slice %arg5[%dma_wait3A_68, %dma_wait3A_69] : memref<10240x128xf32, #tpu.memory_space<hbm>> -> memref<32x128xf32, #tpu.memory_space<hbm>>
      %dma_wait3A_71 = arith.constant 0 : i32
      %dma_wait3A_72 = arith.constant 0 : i32
      %dma_wait3A_73 = tpu.memref_slice %arg12[%dma_wait3A_71, %dma_wait3A_72] : memref<125x128xf32, #tpu.memory_space<vmem>> -> memref<32x128xf32, #tpu.memory_space<vmem>>
      %dma_wait3A_74 = arith.constant 0 : i32
      %dma_wait3A_75 = arith.constant 0 : i32
      %dma_wait3A_76 = tpu.memref_slice %arg5[%dma_wait3A_74, %dma_wait3A_75] : memref<10240x128xf32, #tpu.memory_space<hbm>> -> memref<32x128xf32, #tpu.memory_space<hbm>>
      tpu.wait_dma2 semaphore(%run_scoped3A : memref<!tpu.dma_semaphore, #tpu.memory_space<semaphore_mem>>) src(%dma_wait3A_76 : memref<32x128xf32, #tpu.memory_space<hbm>>) dst(%dma_wait3A_73 : memref<32x128xf32, #tpu.memory_space<vmem>>)
      tpu.yield
    }) : () -> ()
    %scan3A_27 = arith.constant 0 : i32
    %scan3A_28 = arith.constant 0 : i32
    %scan3A_29 = arith.constant 20 : i32
    %scan3A_30 = arith.addi %scan3A_28, %scan3A_29 : i32
    %scan3A_31 = arith.constant 1 : i32
    scf.for %scan3A_55 = %scan3A_28 to %scan3A_30 step %scan3A_31  : i32 {
      %mul3A_56 = arith.constant 640 : i32
      %mul3A_57 = arith.muli %arg1, %mul3A_56 : i32
      %mul3A_58 = arith.constant 32 : i32
      %mul3A_59 = arith.muli %scan3A_55, %mul3A_58 : i32
      %add3A_60 = arith.addi %mul3A_57, %mul3A_59 : i32
      %dma_start3A = arith.constant 0 : i32
      %dma_start3A_61 = arith.constant 0 : i32
      %dma_start3A_62 = tpu.memref_slice %arg12[%dma_start3A, %dma_start3A_61] : memref<125x128xf32, #tpu.memory_space<vmem>> -> memref<32x128xf32, #tpu.memory_space<vmem>>
      %dma_start3A_63 = arith.constant 0 : i32
      %dma_start3A_64 = tpu.memref_slice %arg13[%add3A_60, %dma_start3A_63] : memref<10240x128xf32, #tpu.memory_space<vmem_shared>> -> memref<32x128xf32, #tpu.memory_space<vmem_shared>>
      %dma_start3A_65 = arith.constant 0 : i32
      %dma_start3A_66 = tpu.memref_slice %arg13[%add3A_60, %dma_start3A_65] : memref<10240x128xf32, #tpu.memory_space<vmem_shared>> -> memref<32x128xf32, #tpu.memory_space<vmem_shared>>
      %dma_start3A_67 = arith.constant 0 : i32
      %dma_start3A_68 = arith.constant 0 : i32
      %dma_start3A_69 = tpu.memref_slice %arg12[%dma_start3A_67, %dma_start3A_68] : memref<125x128xf32, #tpu.memory_space<vmem>> -> memref<32x128xf32, #tpu.memory_space<vmem>>
      tpu.enqueue_dma source(%dma_start3A_69 : memref<32x128xf32, #tpu.memory_space<vmem>>) target(%dma_start3A_66 : memref<32x128xf32, #tpu.memory_space<vmem_shared>>) target_semaphore(%arg16 : memref<!tpu.dma_semaphore, #tpu.memory_space<semaphore_mem>>)
    }
    %scan3A_32 = arith.constant 20 : i32
    %scan3A_33 = arith.constant 0 : i32
    %scan3A_34 = arith.constant 0 : i32
    %scan3A_35 = arith.constant 20 : i32
    %scan3A_36 = arith.addi %scan3A_34, %scan3A_35 : i32
    %scan3A_37 = arith.constant 1 : i32
    scf.for %scan3A_55 = %scan3A_34 to %scan3A_36 step %scan3A_37  : i32 {
      %mul3A_56 = arith.constant 640 : i32
      %mul3A_57 = arith.muli %arg1, %mul3A_56 : i32
      %mul3A_58 = arith.constant 32 : i32
      %mul3A_59 = arith.muli %scan3A_55, %mul3A_58 : i32
      %add3A_60 = arith.addi %mul3A_57, %mul3A_59 : i32
      %dma_wait3A = arith.constant 0 : i32
      %dma_wait3A_61 = arith.constant 0 : i32
      %dma_wait3A_62 = tpu.memref_slice %arg12[%dma_wait3A, %dma_wait3A_61] : memref<125x128xf32, #tpu.memory_space<vmem>> -> memref<32x128xf32, #tpu.memory_space<vmem>>
      %dma_wait3A_63 = arith.constant 0 : i32
      %dma_wait3A_64 = tpu.memref_slice %arg13[%add3A_60, %dma_wait3A_63] : memref<10240x128xf32, #tpu.memory_space<vmem_shared>> -> memref<32x128xf32, #tpu.memory_space<vmem_shared>>
      %dma_wait3A_65 = arith.constant 0 : i32
      %dma_wait3A_66 = tpu.memref_slice %arg13[%add3A_60, %dma_wait3A_65] : memref<10240x128xf32, #tpu.memory_space<vmem_shared>> -> memref<32x128xf32, #tpu.memory_space<vmem_shared>>
      %dma_wait3A_67 = arith.constant 0 : i32
      %dma_wait3A_68 = arith.constant 0 : i32
      %dma_wait3A_69 = tpu.memref_slice %arg12[%dma_wait3A_67, %dma_wait3A_68] : memref<125x128xf32, #tpu.memory_space<vmem>> -> memref<32x128xf32, #tpu.memory_space<vmem>>
      tpu.wait_dma2 semaphore(%arg16 : memref<!tpu.dma_semaphore, #tpu.memory_space<semaphore_mem>>) src(%dma_wait3A_69 : memref<32x128xf32, #tpu.memory_space<vmem>>) dst(%dma_wait3A_66 : memref<32x128xf32, #tpu.memory_space<vmem_shared>>)
    }
    %scan3A_38 = arith.constant 20 : i32
    "tpu.region"() ({
      %run_scoped3A = tpu.sem_alloc : memref<!tpu.dma_semaphore, #tpu.memory_space<semaphore_mem>>
      tpu.enqueue_dma source(%arg6 : memref<125x128xf32, #tpu.memory_space<hbm>>) target(%arg11 : memref<125x128xf32, #tpu.memory_space<vmem>>) target_semaphore(%run_scoped3A : memref<!tpu.dma_semaphore, #tpu.memory_space<semaphore_mem>>)
      tpu.wait_dma2 semaphore(%run_scoped3A : memref<!tpu.dma_semaphore, #tpu.memory_space<semaphore_mem>>) src(%arg6 : memref<125x128xf32, #tpu.memory_space<hbm>>) dst(%arg11 : memref<125x128xf32, #tpu.memory_space<vmem>>)
      tpu.yield
    }) : () -> ()
    %barrier3A_39 = arith.constant 0 : index
    tpu.barrier barrier_id(%barrier3A_39)
    %scan3A_40 = arith.constant 0 : i32
    %scan3A_41 = arith.constant 0 : i32
    %scan3A_42 = arith.constant 4 : i32
    %scan3A_43 = arith.addi %scan3A_41, %scan3A_42 : i32
    %scan3A_44 = arith.constant 1 : i32
    scf.for %scan3A_55 = %scan3A_41 to %scan3A_43 step %scan3A_44  : i32 {
      "tpu.region"() ({
        %run_scoped3A = tpu.sem_alloc : memref<!tpu.dma_semaphore, #tpu.memory_space<semaphore_mem>>
        %dma_start3A = arith.constant 0 : i32
        %dma_start3A_62 = arith.constant 0 : i32
        %dma_start3A_63 = tpu.memref_slice %arg4[%add3A, %scan3A_55, %dma_start3A, %dma_start3A_62] : memref<32x4x20x125xi32, #tpu.memory_space<hbm>> -> memref<1x1x20x125xi32, #tpu.memory_space<hbm>>
        %dma_start3A_64 = tpu.memref_squeeze %dma_start3A_63 : memref<1x1x20x125xi32, #tpu.memory_space<hbm>> -> memref<20x125xi32, #tpu.memory_space<hbm>>
        %dma_start3A_65 = arith.constant 0 : i32
        %dma_start3A_66 = arith.constant 0 : i32
        %dma_start3A_67 = tpu.memref_slice %arg4[%add3A, %scan3A_55, %dma_start3A_65, %dma_start3A_66] : memref<32x4x20x125xi32, #tpu.memory_space<hbm>> -> memref<1x1x20x125xi32, #tpu.memory_space<hbm>>
        %dma_start3A_68 = tpu.memref_squeeze %dma_start3A_67 : memref<1x1x20x125xi32, #tpu.memory_space<hbm>> -> memref<20x125xi32, #tpu.memory_space<hbm>>
        tpu.enqueue_dma source(%dma_start3A_68 : memref<20x125xi32, #tpu.memory_space<hbm>>) target(%arg10 : memref<20x125xi32, #tpu.memory_space<vmem>>) target_semaphore(%run_scoped3A : memref<!tpu.dma_semaphore, #tpu.memory_space<semaphore_mem>>)
        %dma_wait3A = arith.constant 0 : i32
        %dma_wait3A_69 = arith.constant 0 : i32
        %dma_wait3A_70 = tpu.memref_slice %arg4[%add3A, %scan3A_55, %dma_wait3A, %dma_wait3A_69] : memref<32x4x20x125xi32, #tpu.memory_space<hbm>> -> memref<1x1x20x125xi32, #tpu.memory_space<hbm>>
        %dma_wait3A_71 = tpu.memref_squeeze %dma_wait3A_70 : memref<1x1x20x125xi32, #tpu.memory_space<hbm>> -> memref<20x125xi32, #tpu.memory_space<hbm>>
        %dma_wait3A_72 = arith.constant 0 : i32
        %dma_wait3A_73 = arith.constant 0 : i32
        %dma_wait3A_74 = tpu.memref_slice %arg4[%add3A, %scan3A_55, %dma_wait3A_72, %dma_wait3A_73] : memref<32x4x20x125xi32, #tpu.memory_space<hbm>> -> memref<1x1x20x125xi32, #tpu.memory_space<hbm>>
        %dma_wait3A_75 = tpu.memref_squeeze %dma_wait3A_74 : memref<1x1x20x125xi32, #tpu.memory_space<hbm>> -> memref<20x125xi32, #tpu.memory_space<hbm>>
        tpu.wait_dma2 semaphore(%run_scoped3A : memref<!tpu.dma_semaphore, #tpu.memory_space<semaphore_mem>>) src(%dma_wait3A_75 : memref<20x125xi32, #tpu.memory_space<hbm>>) dst(%arg10 : memref<20x125xi32, #tpu.memory_space<vmem>>)
        tpu.yield
      }) : () -> ()
      %scan3A_56 = arith.constant 0 : i32
      %scan3A_57 = arith.constant 0 : i32
      %scan3A_58 = arith.constant 20 : i32
      %scan3A_59 = arith.addi %scan3A_57, %scan3A_58 : i32
      %scan3A_60 = arith.constant 1 : i32
      scf.for %scan3A_62 = %scan3A_57 to %scan3A_59 step %scan3A_60  : i32 {
        "tpu.region"() ({
          %run_scoped3A = tpu.sem_alloc : memref<!tpu.dma_semaphore, #tpu.memory_space<semaphore_mem>>
          %dma_start3A = arith.constant 0 : i32
          %dma_start3A_63 = tpu.memref_slice %arg10[%scan3A_62, %dma_start3A] : memref<20x125xi32, #tpu.memory_space<vmem>> -> memref<1x125xi32, #tpu.memory_space<vmem>>
          %dma_start3A_64 = tpu.memref_squeeze %dma_start3A_63 : memref<1x125xi32, #tpu.memory_space<vmem>> -> memref<125xi32, #tpu.memory_space<vmem>>
          %dma_start3A_65 = arith.constant 0 : i32
          %dma_start3A_66 = arith.constant 0 : i32
          %dma_start3A_67 = tpu.memref_slice %arg13[%dma_start3A_65, %dma_start3A_66] : memref<10240x128xf32, #tpu.memory_space<vmem_shared>> -> memref<10240x128xf32, #tpu.memory_space<vmem_shared>>
          tpu.enqueue_indirect_dma source(%arg11 : memref<125x128xf32, #tpu.memory_space<vmem>>) target(%dma_start3A_67 : memref<10240x128xf32, #tpu.memory_space<vmem_shared>>) offsets(%dma_start3A_64 : memref<125xi32, #tpu.memory_space<vmem>>) semaphore(%run_scoped3A : memref<!tpu.dma_semaphore, #tpu.memory_space<semaphore_mem>>) {add = true}
          %dma_wait3A = arith.constant 0 : i32
          %dma_wait3A_68 = tpu.memref_slice %arg10[%scan3A_62, %dma_wait3A] : memref<20x125xi32, #tpu.memory_space<vmem>> -> memref<1x125xi32, #tpu.memory_space<vmem>>
          %dma_wait3A_69 = tpu.memref_squeeze %dma_wait3A_68 : memref<1x125xi32, #tpu.memory_space<vmem>> -> memref<125xi32, #tpu.memory_space<vmem>>
          %dma_wait3A_70 = arith.constant 0 : i32
          %dma_wait3A_71 = arith.constant 0 : i32
          %dma_wait3A_72 = tpu.memref_slice %arg13[%dma_wait3A_70, %dma_wait3A_71] : memref<10240x128xf32, #tpu.memory_space<vmem_shared>> -> memref<10240x128xf32, #tpu.memory_space<vmem_shared>>
          tpu.wait_indirect_dma semaphore(%run_scoped3A : memref<!tpu.dma_semaphore, #tpu.memory_space<semaphore_mem>>) src(%arg11 : memref<125x128xf32, #tpu.memory_space<vmem>>) dst(%dma_wait3A_72 : memref<10240x128xf32, #tpu.memory_space<vmem_shared>>)
          tpu.yield
        }) : () -> ()
      }
      %scan3A_61 = arith.constant 20 : i32
    }
    %scan3A_45 = arith.constant 4 : i32
    %barrier3A_46 = arith.constant 0 : index
    tpu.barrier barrier_id(%barrier3A_46)
    %mul3A_47 = arith.constant 640 : i32
    %mul3A_48 = arith.muli %arg1, %mul3A_47 : i32
    "tpu.region"() ({
      %run_scoped3A = tpu.sem_alloc : memref<!tpu.dma_semaphore, #tpu.memory_space<semaphore_mem>>
      %dma_start3A = arith.constant 0 : i32
      %dma_start3A_55 = arith.constant 0 : i32
      %dma_start3A_56 = tpu.memref_slice %arg11[%dma_start3A, %dma_start3A_55] : memref<125x128xf32, #tpu.memory_space<vmem>> -> memref<32x128xf32, #tpu.memory_space<vmem>>
      %dma_start3A_57 = arith.constant 0 : i32
      %dma_start3A_58 = tpu.memref_slice %arg13[%mul3A_48, %dma_start3A_57] : memref<10240x128xf32, #tpu.memory_space<vmem_shared>> -> memref<32x128xf32, #tpu.memory_space<vmem_shared>>
      %dma_start3A_59 = arith.constant 0 : i32
      %dma_start3A_60 = arith.constant 0 : i32
      %dma_start3A_61 = tpu.memref_slice %arg11[%dma_start3A_59, %dma_start3A_60] : memref<125x128xf32, #tpu.memory_space<vmem>> -> memref<32x128xf32, #tpu.memory_space<vmem>>
      %dma_start3A_62 = arith.constant 0 : i32
      %dma_start3A_63 = tpu.memref_slice %arg13[%mul3A_48, %dma_start3A_62] : memref<10240x128xf32, #tpu.memory_space<vmem_shared>> -> memref<32x128xf32, #tpu.memory_space<vmem_shared>>
      tpu.enqueue_dma source(%dma_start3A_63 : memref<32x128xf32, #tpu.memory_space<vmem_shared>>) target(%dma_start3A_61 : memref<32x128xf32, #tpu.memory_space<vmem>>) target_semaphore(%run_scoped3A : memref<!tpu.dma_semaphore, #tpu.memory_space<semaphore_mem>>)
      %dma_wait3A = arith.constant 0 : i32
      %dma_wait3A_64 = arith.constant 0 : i32
      %dma_wait3A_65 = tpu.memref_slice %arg11[%dma_wait3A, %dma_wait3A_64] : memref<125x128xf32, #tpu.memory_space<vmem>> -> memref<32x128xf32, #tpu.memory_space<vmem>>
      %dma_wait3A_66 = arith.constant 0 : i32
      %dma_wait3A_67 = tpu.memref_slice %arg13[%mul3A_48, %dma_wait3A_66] : memref<10240x128xf32, #tpu.memory_space<vmem_shared>> -> memref<32x128xf32, #tpu.memory_space<vmem_shared>>
      %dma_wait3A_68 = arith.constant 0 : i32
      %dma_wait3A_69 = arith.constant 0 : i32
      %dma_wait3A_70 = tpu.memref_slice %arg11[%dma_wait3A_68, %dma_wait3A_69] : memref<125x128xf32, #tpu.memory_space<vmem>> -> memref<32x128xf32, #tpu.memory_space<vmem>>
      %dma_wait3A_71 = arith.constant 0 : i32
      %dma_wait3A_72 = tpu.memref_slice %arg13[%mul3A_48, %dma_wait3A_71] : memref<10240x128xf32, #tpu.memory_space<vmem_shared>> -> memref<32x128xf32, #tpu.memory_space<vmem_shared>>
      tpu.wait_dma2 semaphore(%run_scoped3A : memref<!tpu.dma_semaphore, #tpu.memory_space<semaphore_mem>>) src(%dma_wait3A_72 : memref<32x128xf32, #tpu.memory_space<vmem_shared>>) dst(%dma_wait3A_70 : memref<32x128xf32, #tpu.memory_space<vmem>>)
      tpu.yield
    }) : () -> ()
    %scan3A_49 = arith.constant 0 : i32
    %scan3A_50 = arith.constant 0 : i32
    %scan3A_51 = arith.constant 10 : i32
    %scan3A_52 = arith.addi %scan3A_50, %scan3A_51 : i32
    %scan3A_53 = arith.constant 1 : i32
    scf.for %scan3A_55 = %scan3A_50 to %scan3A_52 step %scan3A_53  : i32 {
      %mul3A_56 = arith.constant 2 : i32
      %mul3A_57 = arith.muli %mul3A_56, %scan3A_55 : i32
      %mul3A_58 = arith.constant 640 : i32
      %mul3A_59 = arith.muli %arg1, %mul3A_58 : i32
      %mul3A_60 = arith.constant 32 : i32
      %mul3A_61 = arith.muli %mul3A_57, %mul3A_60 : i32
      %add3A_62 = arith.addi %mul3A_59, %mul3A_61 : i32
      %add3A_63 = arith.constant 32 : i32
      %add3A_64 = arith.addi %add3A_62, %add3A_63 : i32
      %dma_start3A = arith.constant 0 : i32
      %dma_start3A_65 = arith.constant 0 : i32
      %dma_start3A_66 = tpu.memref_slice %arg11[%dma_start3A, %dma_start3A_65] : memref<125x128xf32, #tpu.memory_space<vmem>> -> memref<32x128xf32, #tpu.memory_space<vmem>>
      %dma_start3A_67 = arith.constant 0 : i32
      %dma_start3A_68 = tpu.memref_slice %arg8[%arg0, %add3A_62, %dma_start3A_67] : memref<2x10240x128xf32, #tpu.memory_space<hbm>> -> memref<1x32x128xf32, #tpu.memory_space<hbm>>
      %dma_start3A_69 = tpu.memref_squeeze %dma_start3A_68 : memref<1x32x128xf32, #tpu.memory_space<hbm>> -> memref<32x128xf32, #tpu.memory_space<hbm>>
      %dma_start3A_70 = arith.constant 0 : i32
      %dma_start3A_71 = tpu.memref_slice %arg8[%arg0, %add3A_62, %dma_start3A_70] : memref<2x10240x128xf32, #tpu.memory_space<hbm>> -> memref<1x32x128xf32, #tpu.memory_space<hbm>>
      %dma_start3A_72 = tpu.memref_squeeze %dma_start3A_71 : memref<1x32x128xf32, #tpu.memory_space<hbm>> -> memref<32x128xf32, #tpu.memory_space<hbm>>
      %dma_start3A_73 = arith.constant 0 : i32
      %dma_start3A_74 = arith.constant 0 : i32
      %dma_start3A_75 = tpu.memref_slice %arg11[%dma_start3A_73, %dma_start3A_74] : memref<125x128xf32, #tpu.memory_space<vmem>> -> memref<32x128xf32, #tpu.memory_space<vmem>>
      tpu.enqueue_dma source(%dma_start3A_75 : memref<32x128xf32, #tpu.memory_space<vmem>>) target(%dma_start3A_72 : memref<32x128xf32, #tpu.memory_space<hbm>>) target_semaphore(%arg16 : memref<!tpu.dma_semaphore, #tpu.memory_space<semaphore_mem>>)
      "tpu.region"() ({
        %run_scoped3A = tpu.sem_alloc : memref<!tpu.dma_semaphore, #tpu.memory_space<semaphore_mem>>
        %dma_start3A_115 = arith.constant 0 : i32
        %dma_start3A_116 = arith.constant 0 : i32
        %dma_start3A_117 = tpu.memref_slice %arg12[%dma_start3A_115, %dma_start3A_116] : memref<125x128xf32, #tpu.memory_space<vmem>> -> memref<32x128xf32, #tpu.memory_space<vmem>>
        %dma_start3A_118 = arith.constant 0 : i32
        %dma_start3A_119 = tpu.memref_slice %arg13[%add3A_64, %dma_start3A_118] : memref<10240x128xf32, #tpu.memory_space<vmem_shared>> -> memref<32x128xf32, #tpu.memory_space<vmem_shared>>
        %dma_start3A_120 = arith.constant 0 : i32
        %dma_start3A_121 = arith.constant 0 : i32
        %dma_start3A_122 = tpu.memref_slice %arg12[%dma_start3A_120, %dma_start3A_121] : memref<125x128xf32, #tpu.memory_space<vmem>> -> memref<32x128xf32, #tpu.memory_space<vmem>>
        %dma_start3A_123 = arith.constant 0 : i32
        %dma_start3A_124 = tpu.memref_slice %arg13[%add3A_64, %dma_start3A_123] : memref<10240x128xf32, #tpu.memory_space<vmem_shared>> -> memref<32x128xf32, #tpu.memory_space<vmem_shared>>
        tpu.enqueue_dma source(%dma_start3A_124 : memref<32x128xf32, #tpu.memory_space<vmem_shared>>) target(%dma_start3A_122 : memref<32x128xf32, #tpu.memory_space<vmem>>) target_semaphore(%run_scoped3A : memref<!tpu.dma_semaphore, #tpu.memory_space<semaphore_mem>>)
        %dma_wait3A_125 = arith.constant 0 : i32
        %dma_wait3A_126 = arith.constant 0 : i32
        %dma_wait3A_127 = tpu.memref_slice %arg12[%dma_wait3A_125, %dma_wait3A_126] : memref<125x128xf32, #tpu.memory_space<vmem>> -> memref<32x128xf32, #tpu.memory_space<vmem>>
        %dma_wait3A_128 = arith.constant 0 : i32
        %dma_wait3A_129 = tpu.memref_slice %arg13[%add3A_64, %dma_wait3A_128] : memref<10240x128xf32, #tpu.memory_space<vmem_shared>> -> memref<32x128xf32, #tpu.memory_space<vmem_shared>>
        %dma_wait3A_130 = arith.constant 0 : i32
        %dma_wait3A_131 = arith.constant 0 : i32
        %dma_wait3A_132 = tpu.memref_slice %arg12[%dma_wait3A_130, %dma_wait3A_131] : memref<125x128xf32, #tpu.memory_space<vmem>> -> memref<32x128xf32, #tpu.memory_space<vmem>>
        %dma_wait3A_133 = arith.constant 0 : i32
        %dma_wait3A_134 = tpu.memref_slice %arg13[%add3A_64, %dma_wait3A_133] : memref<10240x128xf32, #tpu.memory_space<vmem_shared>> -> memref<32x128xf32, #tpu.memory_space<vmem_shared>>
        tpu.wait_dma2 semaphore(%run_scoped3A : memref<!tpu.dma_semaphore, #tpu.memory_space<semaphore_mem>>) src(%dma_wait3A_134 : memref<32x128xf32, #tpu.memory_space<vmem_shared>>) dst(%dma_wait3A_132 : memref<32x128xf32, #tpu.memory_space<vmem>>)
        tpu.yield
      }) : () -> ()
      %dma_wait3A = arith.constant 0 : i32
      %dma_wait3A_76 = arith.constant 0 : i32
      %dma_wait3A_77 = tpu.memref_slice %arg11[%dma_wait3A, %dma_wait3A_76] : memref<125x128xf32, #tpu.memory_space<vmem>> -> memref<32x128xf32, #tpu.memory_space<vmem>>
      %dma_wait3A_78 = arith.constant 0 : i32
      %dma_wait3A_79 = tpu.memref_slice %arg8[%arg0, %add3A_62, %dma_wait3A_78] : memref<2x10240x128xf32, #tpu.memory_space<hbm>> -> memref<1x32x128xf32, #tpu.memory_space<hbm>>
      %dma_wait3A_80 = tpu.memref_squeeze %dma_wait3A_79 : memref<1x32x128xf32, #tpu.memory_space<hbm>> -> memref<32x128xf32, #tpu.memory_space<hbm>>
      %dma_wait3A_81 = arith.constant 0 : i32
      %dma_wait3A_82 = tpu.memref_slice %arg8[%arg0, %add3A_62, %dma_wait3A_81] : memref<2x10240x128xf32, #tpu.memory_space<hbm>> -> memref<1x32x128xf32, #tpu.memory_space<hbm>>
      %dma_wait3A_83 = tpu.memref_squeeze %dma_wait3A_82 : memref<1x32x128xf32, #tpu.memory_space<hbm>> -> memref<32x128xf32, #tpu.memory_space<hbm>>
      %dma_wait3A_84 = arith.constant 0 : i32
      %dma_wait3A_85 = arith.constant 0 : i32
      %dma_wait3A_86 = tpu.memref_slice %arg11[%dma_wait3A_84, %dma_wait3A_85] : memref<125x128xf32, #tpu.memory_space<vmem>> -> memref<32x128xf32, #tpu.memory_space<vmem>>
      tpu.wait_dma2 semaphore(%arg16 : memref<!tpu.dma_semaphore, #tpu.memory_space<semaphore_mem>>) src(%dma_wait3A_86 : memref<32x128xf32, #tpu.memory_space<vmem>>) dst(%dma_wait3A_83 : memref<32x128xf32, #tpu.memory_space<hbm>>)
      %dma_start3A_87 = arith.constant 0 : i32
      %dma_start3A_88 = arith.constant 0 : i32
      %dma_start3A_89 = tpu.memref_slice %arg12[%dma_start3A_87, %dma_start3A_88] : memref<125x128xf32, #tpu.memory_space<vmem>> -> memref<32x128xf32, #tpu.memory_space<vmem>>
      %dma_start3A_90 = arith.constant 0 : i32
      %dma_start3A_91 = tpu.memref_slice %arg8[%arg0, %add3A_64, %dma_start3A_90] : memref<2x10240x128xf32, #tpu.memory_space<hbm>> -> memref<1x32x128xf32, #tpu.memory_space<hbm>>
      %dma_start3A_92 = tpu.memref_squeeze %dma_start3A_91 : memref<1x32x128xf32, #tpu.memory_space<hbm>> -> memref<32x128xf32, #tpu.memory_space<hbm>>
      %dma_start3A_93 = arith.constant 0 : i32
      %dma_start3A_94 = tpu.memref_slice %arg8[%arg0, %add3A_64, %dma_start3A_93] : memref<2x10240x128xf32, #tpu.memory_space<hbm>> -> memref<1x32x128xf32, #tpu.memory_space<hbm>>
      %dma_start3A_95 = tpu.memref_squeeze %dma_start3A_94 : memref<1x32x128xf32, #tpu.memory_space<hbm>> -> memref<32x128xf32, #tpu.memory_space<hbm>>
      %dma_start3A_96 = arith.constant 0 : i32
      %dma_start3A_97 = arith.constant 0 : i32
      %dma_start3A_98 = tpu.memref_slice %arg12[%dma_start3A_96, %dma_start3A_97] : memref<125x128xf32, #tpu.memory_space<vmem>> -> memref<32x128xf32, #tpu.memory_space<vmem>>
      tpu.enqueue_dma source(%dma_start3A_98 : memref<32x128xf32, #tpu.memory_space<vmem>>) target(%dma_start3A_95 : memref<32x128xf32, #tpu.memory_space<hbm>>) target_semaphore(%arg17 : memref<!tpu.dma_semaphore, #tpu.memory_space<semaphore_mem>>)
      %add3A_99 = arith.constant 2 : i32
      %add3A_100 = arith.addi %mul3A_57, %add3A_99 : i32
      %lt3A = arith.constant 20 : i32
      %lt3A_101 = arith.cmpi slt, %add3A_100, %lt3A : i32
      %convert_element_type3A = arith.extui %lt3A_101 : i1 to i32
      %cond3A = arith.constant 0 : i32
      %cond3A_102 = arith.cmpi ne, %convert_element_type3A, %cond3A : i32
      scf.if %cond3A_102 {
        %add3A_115 = arith.constant 32 : i32
        %add3A_116 = arith.addi %add3A_64, %add3A_115 : i32
        "tpu.region"() ({
          %run_scoped3A = tpu.sem_alloc : memref<!tpu.dma_semaphore, #tpu.memory_space<semaphore_mem>>
          %dma_start3A_117 = arith.constant 0 : i32
          %dma_start3A_118 = arith.constant 0 : i32
          %dma_start3A_119 = tpu.memref_slice %arg11[%dma_start3A_117, %dma_start3A_118] : memref<125x128xf32, #tpu.memory_space<vmem>> -> memref<32x128xf32, #tpu.memory_space<vmem>>
          %dma_start3A_120 = arith.constant 0 : i32
          %dma_start3A_121 = tpu.memref_slice %arg13[%add3A_116, %dma_start3A_120] : memref<10240x128xf32, #tpu.memory_space<vmem_shared>> -> memref<32x128xf32, #tpu.memory_space<vmem_shared>>
          %dma_start3A_122 = arith.constant 0 : i32
          %dma_start3A_123 = arith.constant 0 : i32
          %dma_start3A_124 = tpu.memref_slice %arg11[%dma_start3A_122, %dma_start3A_123] : memref<125x128xf32, #tpu.memory_space<vmem>> -> memref<32x128xf32, #tpu.memory_space<vmem>>
          %dma_start3A_125 = arith.constant 0 : i32
          %dma_start3A_126 = tpu.memref_slice %arg13[%add3A_116, %dma_start3A_125] : memref<10240x128xf32, #tpu.memory_space<vmem_shared>> -> memref<32x128xf32, #tpu.memory_space<vmem_shared>>
          tpu.enqueue_dma source(%dma_start3A_126 : memref<32x128xf32, #tpu.memory_space<vmem_shared>>) target(%dma_start3A_124 : memref<32x128xf32, #tpu.memory_space<vmem>>) target_semaphore(%run_scoped3A : memref<!tpu.dma_semaphore, #tpu.memory_space<semaphore_mem>>)
          %dma_wait3A_127 = arith.constant 0 : i32
          %dma_wait3A_128 = arith.constant 0 : i32
          %dma_wait3A_129 = tpu.memref_slice %arg11[%dma_wait3A_127, %dma_wait3A_128] : memref<125x128xf32, #tpu.memory_space<vmem>> -> memref<32x128xf32, #tpu.memory_space<vmem>>
          %dma_wait3A_130 = arith.constant 0 : i32
          %dma_wait3A_131 = tpu.memref_slice %arg13[%add3A_116, %dma_wait3A_130] : memref<10240x128xf32, #tpu.memory_space<vmem_shared>> -> memref<32x128xf32, #tpu.memory_space<vmem_shared>>
          %dma_wait3A_132 = arith.constant 0 : i32
          %dma_wait3A_133 = arith.constant 0 : i32
          %dma_wait3A_134 = tpu.memref_slice %arg11[%dma_wait3A_132, %dma_wait3A_133] : memref<125x128xf32, #tpu.memory_space<vmem>> -> memref<32x128xf32, #tpu.memory_space<vmem>>
          %dma_wait3A_135 = arith.constant 0 : i32
          %dma_wait3A_136 = tpu.memref_slice %arg13[%add3A_116, %dma_wait3A_135] : memref<10240x128xf32, #tpu.memory_space<vmem_shared>> -> memref<32x128xf32, #tpu.memory_space<vmem_shared>>
          tpu.wait_dma2 semaphore(%run_scoped3A : memref<!tpu.dma_semaphore, #tpu.memory_space<semaphore_mem>>) src(%dma_wait3A_136 : memref<32x128xf32, #tpu.memory_space<vmem_shared>>) dst(%dma_wait3A_134 : memref<32x128xf32, #tpu.memory_space<vmem>>)
          tpu.yield
        }) : () -> ()
      } else {
      }
      %dma_wait3A_103 = arith.constant 0 : i32
      %dma_wait3A_104 = arith.constant 0 : i32
      %dma_wait3A_105 = tpu.memref_slice %arg12[%dma_wait3A_103, %dma_wait3A_104] : memref<125x128xf32, #tpu.memory_space<vmem>> -> memref<32x128xf32, #tpu.memory_space<vmem>>
      %dma_wait3A_106 = arith.constant 0 : i32
      %dma_wait3A_107 = tpu.memref_slice %arg8[%arg0, %add3A_64, %dma_wait3A_106] : memref<2x10240x128xf32, #tpu.memory_space<hbm>> -> memref<1x32x128xf32, #tpu.memory_space<hbm>>
      %dma_wait3A_108 = tpu.memref_squeeze %dma_wait3A_107 : memref<1x32x128xf32, #tpu.memory_space<hbm>> -> memref<32x128xf32, #tpu.memory_space<hbm>>
      %dma_wait3A_109 = arith.constant 0 : i32
      %dma_wait3A_110 = tpu.memref_slice %arg8[%arg0, %add3A_64, %dma_wait3A_109] : memref<2x10240x128xf32, #tpu.memory_space<hbm>> -> memref<1x32x128xf32, #tpu.memory_space<hbm>>
      %dma_wait3A_111 = tpu.memref_squeeze %dma_wait3A_110 : memref<1x32x128xf32, #tpu.memory_space<hbm>> -> memref<32x128xf32, #tpu.memory_space<hbm>>
      %dma_wait3A_112 = arith.constant 0 : i32
      %dma_wait3A_113 = arith.constant 0 : i32
      %dma_wait3A_114 = tpu.memref_slice %arg12[%dma_wait3A_112, %dma_wait3A_113] : memref<125x128xf32, #tpu.memory_space<vmem>> -> memref<32x128xf32, #tpu.memory_space<vmem>>
      tpu.wait_dma2 semaphore(%arg17 : memref<!tpu.dma_semaphore, #tpu.memory_space<semaphore_mem>>) src(%dma_wait3A_114 : memref<32x128xf32, #tpu.memory_space<vmem>>) dst(%dma_wait3A_111 : memref<32x128xf32, #tpu.memory_space<hbm>>)
    }
    %scan3A_54 = arith.constant 10 : i32
    return
  }
}

#map = affine_map<(d0, d1) -> (0, 0)>
#map1 = affine_map<(d0, d1) -> (0, 0, 0, 0)>
#map2 = affine_map<(d0, d1) -> (0, 0, 0)>
module attributes {stable_mosaic.version = 14 : i64} {
  func.func @body(%arg0: i32, %arg1: i32, %arg2: memref<10000x128xf32, #tpu.memory_space<hbm>>, %arg3: memref<32x4x20x125xi32, #tpu.memory_space<hbm>>, %arg4: memref<32x4x20x125xi32, #tpu.memory_space<hbm>>, %arg5: memref<10240x128xf32, #tpu.memory_space<hbm>>, %arg6: memref<2x10240x128xf32, #tpu.memory_space<hbm>>, %arg7: memref<20x125xi32, #tpu.memory_space<vmem>>, %arg8: memref<20x125xi32, #tpu.memory_space<vmem>>, %arg9: memref<125x128xf32, #tpu.memory_space<vmem>>, %arg10: memref<125x128xf32, #tpu.memory_space<vmem>>, %arg11: memref<10240x128xf32, #tpu.memory_space<vmem_shared>>, %arg12: memref<!tpu.dma_semaphore, #tpu.memory_space<semaphore_mem>>, %arg13: memref<!tpu.dma_semaphore, #tpu.memory_space<semaphore_mem>>, %arg14: memref<!tpu.dma_semaphore, #tpu.memory_space<semaphore_mem>>, %arg15: memref<!tpu.dma_semaphore, #tpu.memory_space<semaphore_mem>>) attributes {dimension_semantics = [#tpu.dimension_semantics<core_parallel>, #tpu.dimension_semantics<subcore_parallel>], iteration_bounds = array<i64: 2, 16>, scalar_prefetch = 0 : i64, scratch_operands = 9 : i64, tpu.core_type = #tpu.core_type<sc_vector_subcore>, window_params = [{transform_indices = #map}, {transform_indices = #map1}, {transform_indices = #map1}, {transform_indices = #map}, {transform_indices = #map2}]} {
    %mul3A = arith.constant 2 : i32
    %mul3A_0 = arith.muli %arg1, %mul3A : i32
    %add3A = arith.addi %mul3A_0, %arg0 : i32
    "tpu.region"() ({
      %run_scoped3A = tpu.sem_alloc : memref<!tpu.dma_semaphore, #tpu.memory_space<semaphore_mem>>
      %dma_start3A = arith.constant 0 : i32
      %dma_start3A_27 = arith.constant 0 : i32
      %dma_start3A_28 = tpu.memref_slice %arg10[%dma_start3A, %dma_start3A_27] : memref<125x128xf32, #tpu.memory_space<vmem>> -> memref<32x128xf32, #tpu.memory_space<vmem>>
      %dma_start3A_29 = arith.constant 0 : i32
      %dma_start3A_30 = arith.constant 0 : i32
      %dma_start3A_31 = tpu.memref_slice %arg5[%dma_start3A_29, %dma_start3A_30] : memref<10240x128xf32, #tpu.memory_space<hbm>> -> memref<32x128xf32, #tpu.memory_space<hbm>>
      %dma_start3A_32 = arith.constant 0 : i32
      %dma_start3A_33 = arith.constant 0 : i32
      %dma_start3A_34 = tpu.memref_slice %arg10[%dma_start3A_32, %dma_start3A_33] : memref<125x128xf32, #tpu.memory_space<vmem>> -> memref<32x128xf32, #tpu.memory_space<vmem>>
      %dma_start3A_35 = arith.constant 0 : i32
      %dma_start3A_36 = arith.constant 0 : i32
      %dma_start3A_37 = tpu.memref_slice %arg5[%dma_start3A_35, %dma_start3A_36] : memref<10240x128xf32, #tpu.memory_space<hbm>> -> memref<32x128xf32, #tpu.memory_space<hbm>>
      tpu.enqueue_dma source(%dma_start3A_37 : memref<32x128xf32, #tpu.memory_space<hbm>>) target(%dma_start3A_34 : memref<32x128xf32, #tpu.memory_space<vmem>>) target_semaphore(%run_scoped3A : memref<!tpu.dma_semaphore, #tpu.memory_space<semaphore_mem>>)
      %dma_wait3A = arith.constant 0 : i32
      %dma_wait3A_38 = arith.constant 0 : i32
      %dma_wait3A_39 = tpu.memref_slice %arg10[%dma_wait3A, %dma_wait3A_38] : memref<125x128xf32, #tpu.memory_space<vmem>> -> memref<32x128xf32, #tpu.memory_space<vmem>>
      %dma_wait3A_40 = arith.constant 0 : i32
      %dma_wait3A_41 = arith.constant 0 : i32
      %dma_wait3A_42 = tpu.memref_slice %arg5[%dma_wait3A_40, %dma_wait3A_41] : memref<10240x128xf32, #tpu.memory_space<hbm>> -> memref<32x128xf32, #tpu.memory_space<hbm>>
      %dma_wait3A_43 = arith.constant 0 : i32
      %dma_wait3A_44 = arith.constant 0 : i32
      %dma_wait3A_45 = tpu.memref_slice %arg10[%dma_wait3A_43, %dma_wait3A_44] : memref<125x128xf32, #tpu.memory_space<vmem>> -> memref<32x128xf32, #tpu.memory_space<vmem>>
      %dma_wait3A_46 = arith.constant 0 : i32
      %dma_wait3A_47 = arith.constant 0 : i32
      %dma_wait3A_48 = tpu.memref_slice %arg5[%dma_wait3A_46, %dma_wait3A_47] : memref<10240x128xf32, #tpu.memory_space<hbm>> -> memref<32x128xf32, #tpu.memory_space<hbm>>
      tpu.wait_dma2 semaphore(%run_scoped3A : memref<!tpu.dma_semaphore, #tpu.memory_space<semaphore_mem>>) src(%dma_wait3A_48 : memref<32x128xf32, #tpu.memory_space<hbm>>) dst(%dma_wait3A_45 : memref<32x128xf32, #tpu.memory_space<vmem>>)
      tpu.yield
    }) : () -> ()
    %scan3A = arith.constant 0 : i32
    %scan3A_1 = arith.constant 0 : i32
    %scan3A_2 = arith.constant 20 : i32
    %scan3A_3 = arith.addi %scan3A_1, %scan3A_2 : i32
    %scan3A_4 = arith.constant 1 : i32
    scf.for %scan3A_27 = %scan3A_1 to %scan3A_3 step %scan3A_4  : i32 {
      %mul3A_28 = arith.constant 640 : i32
      %mul3A_29 = arith.muli %arg1, %mul3A_28 : i32
      %mul3A_30 = arith.constant 32 : i32
      %mul3A_31 = arith.muli %scan3A_27, %mul3A_30 : i32
      %add3A_32 = arith.addi %mul3A_29, %mul3A_31 : i32
      %dma_start3A = arith.constant 0 : i32
      %dma_start3A_33 = arith.constant 0 : i32
      %dma_start3A_34 = tpu.memref_slice %arg10[%dma_start3A, %dma_start3A_33] : memref<125x128xf32, #tpu.memory_space<vmem>> -> memref<32x128xf32, #tpu.memory_space<vmem>>
      %dma_start3A_35 = arith.constant 0 : i32
      %dma_start3A_36 = tpu.memref_slice %arg11[%add3A_32, %dma_start3A_35] : memref<10240x128xf32, #tpu.memory_space<vmem_shared>> -> memref<32x128xf32, #tpu.memory_space<vmem_shared>>
      %dma_start3A_37 = arith.constant 0 : i32
      %dma_start3A_38 = tpu.memref_slice %arg11[%add3A_32, %dma_start3A_37] : memref<10240x128xf32, #tpu.memory_space<vmem_shared>> -> memref<32x128xf32, #tpu.memory_space<vmem_shared>>
      %dma_start3A_39 = arith.constant 0 : i32
      %dma_start3A_40 = arith.constant 0 : i32
      %dma_start3A_41 = tpu.memref_slice %arg10[%dma_start3A_39, %dma_start3A_40] : memref<125x128xf32, #tpu.memory_space<vmem>> -> memref<32x128xf32, #tpu.memory_space<vmem>>
      tpu.enqueue_dma source(%dma_start3A_41 : memref<32x128xf32, #tpu.memory_space<vmem>>) target(%dma_start3A_38 : memref<32x128xf32, #tpu.memory_space<vmem_shared>>) target_semaphore(%arg14 : memref<!tpu.dma_semaphore, #tpu.memory_space<semaphore_mem>>)
    }
    %scan3A_5 = arith.constant 20 : i32
    %scan3A_6 = arith.constant 0 : i32
    %scan3A_7 = arith.constant 0 : i32
    %scan3A_8 = arith.constant 20 : i32
    %scan3A_9 = arith.addi %scan3A_7, %scan3A_8 : i32
    %scan3A_10 = arith.constant 1 : i32
    scf.for %scan3A_27 = %scan3A_7 to %scan3A_9 step %scan3A_10  : i32 {
      %mul3A_28 = arith.constant 640 : i32
      %mul3A_29 = arith.muli %arg1, %mul3A_28 : i32
      %mul3A_30 = arith.constant 32 : i32
      %mul3A_31 = arith.muli %scan3A_27, %mul3A_30 : i32
      %add3A_32 = arith.addi %mul3A_29, %mul3A_31 : i32
      %dma_wait3A = arith.constant 0 : i32
      %dma_wait3A_33 = arith.constant 0 : i32
      %dma_wait3A_34 = tpu.memref_slice %arg10[%dma_wait3A, %dma_wait3A_33] : memref<125x128xf32, #tpu.memory_space<vmem>> -> memref<32x128xf32, #tpu.memory_space<vmem>>
      %dma_wait3A_35 = arith.constant 0 : i32
      %dma_wait3A_36 = tpu.memref_slice %arg11[%add3A_32, %dma_wait3A_35] : memref<10240x128xf32, #tpu.memory_space<vmem_shared>> -> memref<32x128xf32, #tpu.memory_space<vmem_shared>>
      %dma_wait3A_37 = arith.constant 0 : i32
      %dma_wait3A_38 = tpu.memref_slice %arg11[%add3A_32, %dma_wait3A_37] : memref<10240x128xf32, #tpu.memory_space<vmem_shared>> -> memref<32x128xf32, #tpu.memory_space<vmem_shared>>
      %dma_wait3A_39 = arith.constant 0 : i32
      %dma_wait3A_40 = arith.constant 0 : i32
      %dma_wait3A_41 = tpu.memref_slice %arg10[%dma_wait3A_39, %dma_wait3A_40] : memref<125x128xf32, #tpu.memory_space<vmem>> -> memref<32x128xf32, #tpu.memory_space<vmem>>
      tpu.wait_dma2 semaphore(%arg14 : memref<!tpu.dma_semaphore, #tpu.memory_space<semaphore_mem>>) src(%dma_wait3A_41 : memref<32x128xf32, #tpu.memory_space<vmem>>) dst(%dma_wait3A_38 : memref<32x128xf32, #tpu.memory_space<vmem_shared>>)
    }
    %scan3A_11 = arith.constant 20 : i32
    %barrier3A = arith.constant 0 : index
    tpu.barrier barrier_id(%barrier3A)
    %scan3A_12 = arith.constant 0 : i32
    %scan3A_13 = arith.constant 0 : i32
    %scan3A_14 = arith.constant 4 : i32
    %scan3A_15 = arith.addi %scan3A_13, %scan3A_14 : i32
    %scan3A_16 = arith.constant 1 : i32
    scf.for %scan3A_27 = %scan3A_13 to %scan3A_15 step %scan3A_16  : i32 {
      "tpu.region"() ({
        %run_scoped3A = tpu.sem_alloc : memref<!tpu.dma_semaphore, #tpu.memory_space<semaphore_mem>>
        %dma_start3A_53 = arith.constant 0 : i32
        %dma_start3A_54 = arith.constant 0 : i32
        %dma_start3A_55 = tpu.memref_slice %arg3[%add3A, %scan3A_27, %dma_start3A_53, %dma_start3A_54] : memref<32x4x20x125xi32, #tpu.memory_space<hbm>> -> memref<1x1x20x125xi32, #tpu.memory_space<hbm>>
        %dma_start3A_56 = tpu.memref_squeeze %dma_start3A_55 : memref<1x1x20x125xi32, #tpu.memory_space<hbm>> -> memref<20x125xi32, #tpu.memory_space<hbm>>
        %dma_start3A_57 = arith.constant 0 : i32
        %dma_start3A_58 = arith.constant 0 : i32
        %dma_start3A_59 = tpu.memref_slice %arg3[%add3A, %scan3A_27, %dma_start3A_57, %dma_start3A_58] : memref<32x4x20x125xi32, #tpu.memory_space<hbm>> -> memref<1x1x20x125xi32, #tpu.memory_space<hbm>>
        %dma_start3A_60 = tpu.memref_squeeze %dma_start3A_59 : memref<1x1x20x125xi32, #tpu.memory_space<hbm>> -> memref<20x125xi32, #tpu.memory_space<hbm>>
        tpu.enqueue_dma source(%dma_start3A_60 : memref<20x125xi32, #tpu.memory_space<hbm>>) target(%arg7 : memref<20x125xi32, #tpu.memory_space<vmem>>) target_semaphore(%run_scoped3A : memref<!tpu.dma_semaphore, #tpu.memory_space<semaphore_mem>>)
        %dma_wait3A_61 = arith.constant 0 : i32
        %dma_wait3A_62 = arith.constant 0 : i32
        %dma_wait3A_63 = tpu.memref_slice %arg3[%add3A, %scan3A_27, %dma_wait3A_61, %dma_wait3A_62] : memref<32x4x20x125xi32, #tpu.memory_space<hbm>> -> memref<1x1x20x125xi32, #tpu.memory_space<hbm>>
        %dma_wait3A_64 = tpu.memref_squeeze %dma_wait3A_63 : memref<1x1x20x125xi32, #tpu.memory_space<hbm>> -> memref<20x125xi32, #tpu.memory_space<hbm>>
        %dma_wait3A_65 = arith.constant 0 : i32
        %dma_wait3A_66 = arith.constant 0 : i32
        %dma_wait3A_67 = tpu.memref_slice %arg3[%add3A, %scan3A_27, %dma_wait3A_65, %dma_wait3A_66] : memref<32x4x20x125xi32, #tpu.memory_space<hbm>> -> memref<1x1x20x125xi32, #tpu.memory_space<hbm>>
        %dma_wait3A_68 = tpu.memref_squeeze %dma_wait3A_67 : memref<1x1x20x125xi32, #tpu.memory_space<hbm>> -> memref<20x125xi32, #tpu.memory_space<hbm>>
        tpu.wait_dma2 semaphore(%run_scoped3A : memref<!tpu.dma_semaphore, #tpu.memory_space<semaphore_mem>>) src(%dma_wait3A_68 : memref<20x125xi32, #tpu.memory_space<hbm>>) dst(%arg7 : memref<20x125xi32, #tpu.memory_space<vmem>>)
        tpu.yield
      }) : () -> ()
      "tpu.region"() ({
        %run_scoped3A = tpu.sem_alloc : memref<!tpu.dma_semaphore, #tpu.memory_space<semaphore_mem>>
        %dma_start3A_53 = arith.constant 0 : i32
        %dma_start3A_54 = arith.constant 0 : i32
        %dma_start3A_55 = tpu.memref_slice %arg4[%add3A, %scan3A_27, %dma_start3A_53, %dma_start3A_54] : memref<32x4x20x125xi32, #tpu.memory_space<hbm>> -> memref<1x1x20x125xi32, #tpu.memory_space<hbm>>
        %dma_start3A_56 = tpu.memref_squeeze %dma_start3A_55 : memref<1x1x20x125xi32, #tpu.memory_space<hbm>> -> memref<20x125xi32, #tpu.memory_space<hbm>>
        %dma_start3A_57 = arith.constant 0 : i32
        %dma_start3A_58 = arith.constant 0 : i32
        %dma_start3A_59 = tpu.memref_slice %arg4[%add3A, %scan3A_27, %dma_start3A_57, %dma_start3A_58] : memref<32x4x20x125xi32, #tpu.memory_space<hbm>> -> memref<1x1x20x125xi32, #tpu.memory_space<hbm>>
        %dma_start3A_60 = tpu.memref_squeeze %dma_start3A_59 : memref<1x1x20x125xi32, #tpu.memory_space<hbm>> -> memref<20x125xi32, #tpu.memory_space<hbm>>
        tpu.enqueue_dma source(%dma_start3A_60 : memref<20x125xi32, #tpu.memory_space<hbm>>) target(%arg8 : memref<20x125xi32, #tpu.memory_space<vmem>>) target_semaphore(%run_scoped3A : memref<!tpu.dma_semaphore, #tpu.memory_space<semaphore_mem>>)
        %dma_wait3A_61 = arith.constant 0 : i32
        %dma_wait3A_62 = arith.constant 0 : i32
        %dma_wait3A_63 = tpu.memref_slice %arg4[%add3A, %scan3A_27, %dma_wait3A_61, %dma_wait3A_62] : memref<32x4x20x125xi32, #tpu.memory_space<hbm>> -> memref<1x1x20x125xi32, #tpu.memory_space<hbm>>
        %dma_wait3A_64 = tpu.memref_squeeze %dma_wait3A_63 : memref<1x1x20x125xi32, #tpu.memory_space<hbm>> -> memref<20x125xi32, #tpu.memory_space<hbm>>
        %dma_wait3A_65 = arith.constant 0 : i32
        %dma_wait3A_66 = arith.constant 0 : i32
        %dma_wait3A_67 = tpu.memref_slice %arg4[%add3A, %scan3A_27, %dma_wait3A_65, %dma_wait3A_66] : memref<32x4x20x125xi32, #tpu.memory_space<hbm>> -> memref<1x1x20x125xi32, #tpu.memory_space<hbm>>
        %dma_wait3A_68 = tpu.memref_squeeze %dma_wait3A_67 : memref<1x1x20x125xi32, #tpu.memory_space<hbm>> -> memref<20x125xi32, #tpu.memory_space<hbm>>
        tpu.wait_dma2 semaphore(%run_scoped3A : memref<!tpu.dma_semaphore, #tpu.memory_space<semaphore_mem>>) src(%dma_wait3A_68 : memref<20x125xi32, #tpu.memory_space<hbm>>) dst(%arg8 : memref<20x125xi32, #tpu.memory_space<vmem>>)
        tpu.yield
      }) : () -> ()
      %dma_start3A = arith.constant 0 : i32
      %dma_start3A_28 = arith.constant 0 : i32
      %dma_start3A_29 = tpu.memref_slice %arg7[%dma_start3A, %dma_start3A_28] : memref<20x125xi32, #tpu.memory_space<vmem>> -> memref<1x125xi32, #tpu.memory_space<vmem>>
      %dma_start3A_30 = tpu.memref_squeeze %dma_start3A_29 : memref<1x125xi32, #tpu.memory_space<vmem>> -> memref<125xi32, #tpu.memory_space<vmem>>
      %dma_start3A_31 = arith.constant 0 : i32
      %dma_start3A_32 = arith.constant 0 : i32
      %dma_start3A_33 = tpu.memref_slice %arg2[%dma_start3A_31, %dma_start3A_32] : memref<10000x128xf32, #tpu.memory_space<hbm>> -> memref<10000x128xf32, #tpu.memory_space<hbm>>
      tpu.enqueue_indirect_dma source(%dma_start3A_33 : memref<10000x128xf32, #tpu.memory_space<hbm>>) target(%arg9 : memref<125x128xf32, #tpu.memory_space<vmem>>) offsets(%dma_start3A_30 : memref<125xi32, #tpu.memory_space<vmem>>) semaphore(%arg12 : memref<!tpu.dma_semaphore, #tpu.memory_space<semaphore_mem>>)
      %scan3A_34 = arith.constant 0 : i32
      %scan3A_35 = arith.constant 0 : i32
      %scan3A_36 = arith.constant 10 : i32
      %scan3A_37 = arith.addi %scan3A_35, %scan3A_36 : i32
      %scan3A_38 = arith.constant 1 : i32
      scf.for %scan3A_53 = %scan3A_35 to %scan3A_37 step %scan3A_38  : i32 {
        %mul3A_54 = arith.constant 2 : i32
        %mul3A_55 = arith.muli %mul3A_54, %scan3A_53 : i32
        %gt3A = arith.constant 0 : i32
        %gt3A_56 = arith.cmpi sgt, %scan3A_53, %gt3A : i32
        %convert_element_type3A = arith.extui %gt3A_56 : i1 to i32
        %cond3A = arith.constant 0 : i32
        %cond3A_57 = arith.cmpi ne, %convert_element_type3A, %cond3A : i32
        scf.if %cond3A_57 {
          %sub3A = arith.constant 1 : i32
          %sub3A_100 = arith.subi %mul3A_55, %sub3A : i32
          %dma_wait3A_101 = arith.constant 0 : i32
          %dma_wait3A_102 = tpu.memref_slice %arg8[%sub3A_100, %dma_wait3A_101] : memref<20x125xi32, #tpu.memory_space<vmem>> -> memref<1x125xi32, #tpu.memory_space<vmem>>
          %dma_wait3A_103 = tpu.memref_squeeze %dma_wait3A_102 : memref<1x125xi32, #tpu.memory_space<vmem>> -> memref<125xi32, #tpu.memory_space<vmem>>
          %dma_wait3A_104 = arith.constant 0 : i32
          %dma_wait3A_105 = arith.constant 0 : i32
          %dma_wait3A_106 = tpu.memref_slice %arg11[%dma_wait3A_104, %dma_wait3A_105] : memref<10240x128xf32, #tpu.memory_space<vmem_shared>> -> memref<10240x128xf32, #tpu.memory_space<vmem_shared>>
          tpu.wait_indirect_dma semaphore(%arg15 : memref<!tpu.dma_semaphore, #tpu.memory_space<semaphore_mem>>) src(%arg10 : memref<125x128xf32, #tpu.memory_space<vmem>>) dst(%dma_wait3A_106 : memref<10240x128xf32, #tpu.memory_space<vmem_shared>>)
        } else {
        }
        %add3A_58 = arith.constant 1 : i32
        %add3A_59 = arith.addi %mul3A_55, %add3A_58 : i32
        %dma_start3A_60 = arith.constant 0 : i32
        %dma_start3A_61 = tpu.memref_slice %arg7[%add3A_59, %dma_start3A_60] : memref<20x125xi32, #tpu.memory_space<vmem>> -> memref<1x125xi32, #tpu.memory_space<vmem>>
        %dma_start3A_62 = tpu.memref_squeeze %dma_start3A_61 : memref<1x125xi32, #tpu.memory_space<vmem>> -> memref<125xi32, #tpu.memory_space<vmem>>
        %dma_start3A_63 = arith.constant 0 : i32
        %dma_start3A_64 = arith.constant 0 : i32
        %dma_start3A_65 = tpu.memref_slice %arg2[%dma_start3A_63, %dma_start3A_64] : memref<10000x128xf32, #tpu.memory_space<hbm>> -> memref<10000x128xf32, #tpu.memory_space<hbm>>
        tpu.enqueue_indirect_dma source(%dma_start3A_65 : memref<10000x128xf32, #tpu.memory_space<hbm>>) target(%arg10 : memref<125x128xf32, #tpu.memory_space<vmem>>) offsets(%dma_start3A_62 : memref<125xi32, #tpu.memory_space<vmem>>) semaphore(%arg13 : memref<!tpu.dma_semaphore, #tpu.memory_space<semaphore_mem>>)
        %dma_wait3A_66 = arith.constant 0 : i32
        %dma_wait3A_67 = tpu.memref_slice %arg7[%mul3A_55, %dma_wait3A_66] : memref<20x125xi32, #tpu.memory_space<vmem>> -> memref<1x125xi32, #tpu.memory_space<vmem>>
        %dma_wait3A_68 = tpu.memref_squeeze %dma_wait3A_67 : memref<1x125xi32, #tpu.memory_space<vmem>> -> memref<125xi32, #tpu.memory_space<vmem>>
        %dma_wait3A_69 = arith.constant 0 : i32
        %dma_wait3A_70 = arith.constant 0 : i32
        %dma_wait3A_71 = tpu.memref_slice %arg2[%dma_wait3A_69, %dma_wait3A_70] : memref<10000x128xf32, #tpu.memory_space<hbm>> -> memref<10000x128xf32, #tpu.memory_space<hbm>>
        tpu.wait_indirect_dma semaphore(%arg12 : memref<!tpu.dma_semaphore, #tpu.memory_space<semaphore_mem>>) src(%dma_wait3A_71 : memref<10000x128xf32, #tpu.memory_space<hbm>>) dst(%arg9 : memref<125x128xf32, #tpu.memory_space<vmem>>)
        %dma_start3A_72 = arith.constant 0 : i32
        %dma_start3A_73 = tpu.memref_slice %arg8[%mul3A_55, %dma_start3A_72] : memref<20x125xi32, #tpu.memory_space<vmem>> -> memref<1x125xi32, #tpu.memory_space<vmem>>
        %dma_start3A_74 = tpu.memref_squeeze %dma_start3A_73 : memref<1x125xi32, #tpu.memory_space<vmem>> -> memref<125xi32, #tpu.memory_space<vmem>>
        %dma_start3A_75 = arith.constant 0 : i32
        %dma_start3A_76 = arith.constant 0 : i32
        %dma_start3A_77 = tpu.memref_slice %arg11[%dma_start3A_75, %dma_start3A_76] : memref<10240x128xf32, #tpu.memory_space<vmem_shared>> -> memref<10240x128xf32, #tpu.memory_space<vmem_shared>>
        tpu.enqueue_indirect_dma source(%arg9 : memref<125x128xf32, #tpu.memory_space<vmem>>) target(%dma_start3A_77 : memref<10240x128xf32, #tpu.memory_space<vmem_shared>>) offsets(%dma_start3A_74 : memref<125xi32, #tpu.memory_space<vmem>>) semaphore(%arg14 : memref<!tpu.dma_semaphore, #tpu.memory_space<semaphore_mem>>) {add = true}
        %add3A_78 = arith.constant 2 : i32
        %add3A_79 = arith.addi %mul3A_55, %add3A_78 : i32
        %lt3A = arith.constant 20 : i32
        %lt3A_80 = arith.cmpi slt, %add3A_79, %lt3A : i32
        %convert_element_type3A_81 = arith.extui %lt3A_80 : i1 to i32
        %cond3A_82 = arith.constant 0 : i32
        %cond3A_83 = arith.cmpi ne, %convert_element_type3A_81, %cond3A_82 : i32
        scf.if %cond3A_83 {
          %dma_wait3A_100 = arith.constant 0 : i32
          %dma_wait3A_101 = tpu.memref_slice %arg8[%mul3A_55, %dma_wait3A_100] : memref<20x125xi32, #tpu.memory_space<vmem>> -> memref<1x125xi32, #tpu.memory_space<vmem>>
          %dma_wait3A_102 = tpu.memref_squeeze %dma_wait3A_101 : memref<1x125xi32, #tpu.memory_space<vmem>> -> memref<125xi32, #tpu.memory_space<vmem>>
          %dma_wait3A_103 = arith.constant 0 : i32
          %dma_wait3A_104 = arith.constant 0 : i32
          %dma_wait3A_105 = tpu.memref_slice %arg11[%dma_wait3A_103, %dma_wait3A_104] : memref<10240x128xf32, #tpu.memory_space<vmem_shared>> -> memref<10240x128xf32, #tpu.memory_space<vmem_shared>>
          tpu.wait_indirect_dma semaphore(%arg14 : memref<!tpu.dma_semaphore, #tpu.memory_space<semaphore_mem>>) src(%arg9 : memref<125x128xf32, #tpu.memory_space<vmem>>) dst(%dma_wait3A_105 : memref<10240x128xf32, #tpu.memory_space<vmem_shared>>)
          %add3A_106 = arith.constant 2 : i32
          %add3A_107 = arith.addi %mul3A_55, %add3A_106 : i32
          %dma_start3A_108 = arith.constant 0 : i32
          %dma_start3A_109 = tpu.memref_slice %arg7[%add3A_107, %dma_start3A_108] : memref<20x125xi32, #tpu.memory_space<vmem>> -> memref<1x125xi32, #tpu.memory_space<vmem>>
          %dma_start3A_110 = tpu.memref_squeeze %dma_start3A_109 : memref<1x125xi32, #tpu.memory_space<vmem>> -> memref<125xi32, #tpu.memory_space<vmem>>
          %dma_start3A_111 = arith.constant 0 : i32
          %dma_start3A_112 = arith.constant 0 : i32
          %dma_start3A_113 = tpu.memref_slice %arg2[%dma_start3A_111, %dma_start3A_112] : memref<10000x128xf32, #tpu.memory_space<hbm>> -> memref<10000x128xf32, #tpu.memory_space<hbm>>
          tpu.enqueue_indirect_dma source(%dma_start3A_113 : memref<10000x128xf32, #tpu.memory_space<hbm>>) target(%arg9 : memref<125x128xf32, #tpu.memory_space<vmem>>) offsets(%dma_start3A_110 : memref<125xi32, #tpu.memory_space<vmem>>) semaphore(%arg12 : memref<!tpu.dma_semaphore, #tpu.memory_space<semaphore_mem>>)
        } else {
        }
        %add3A_84 = arith.constant 1 : i32
        %add3A_85 = arith.addi %mul3A_55, %add3A_84 : i32
        %dma_wait3A_86 = arith.constant 0 : i32
        %dma_wait3A_87 = tpu.memref_slice %arg7[%add3A_85, %dma_wait3A_86] : memref<20x125xi32, #tpu.memory_space<vmem>> -> memref<1x125xi32, #tpu.memory_space<vmem>>
        %dma_wait3A_88 = tpu.memref_squeeze %dma_wait3A_87 : memref<1x125xi32, #tpu.memory_space<vmem>> -> memref<125xi32, #tpu.memory_space<vmem>>
        %dma_wait3A_89 = arith.constant 0 : i32
        %dma_wait3A_90 = arith.constant 0 : i32
        %dma_wait3A_91 = tpu.memref_slice %arg2[%dma_wait3A_89, %dma_wait3A_90] : memref<10000x128xf32, #tpu.memory_space<hbm>> -> memref<10000x128xf32, #tpu.memory_space<hbm>>
        tpu.wait_indirect_dma semaphore(%arg13 : memref<!tpu.dma_semaphore, #tpu.memory_space<semaphore_mem>>) src(%dma_wait3A_91 : memref<10000x128xf32, #tpu.memory_space<hbm>>) dst(%arg10 : memref<125x128xf32, #tpu.memory_space<vmem>>)
        %add3A_92 = arith.constant 1 : i32
        %add3A_93 = arith.addi %mul3A_55, %add3A_92 : i32
        %dma_start3A_94 = arith.constant 0 : i32
        %dma_start3A_95 = tpu.memref_slice %arg8[%add3A_93, %dma_start3A_94] : memref<20x125xi32, #tpu.memory_space<vmem>> -> memref<1x125xi32, #tpu.memory_space<vmem>>
        %dma_start3A_96 = tpu.memref_squeeze %dma_start3A_95 : memref<1x125xi32, #tpu.memory_space<vmem>> -> memref<125xi32, #tpu.memory_space<vmem>>
        %dma_start3A_97 = arith.constant 0 : i32
        %dma_start3A_98 = arith.constant 0 : i32
        %dma_start3A_99 = tpu.memref_slice %arg11[%dma_start3A_97, %dma_start3A_98] : memref<10240x128xf32, #tpu.memory_space<vmem_shared>> -> memref<10240x128xf32, #tpu.memory_space<vmem_shared>>
        tpu.enqueue_indirect_dma source(%arg10 : memref<125x128xf32, #tpu.memory_space<vmem>>) target(%dma_start3A_99 : memref<10240x128xf32, #tpu.memory_space<vmem_shared>>) offsets(%dma_start3A_96 : memref<125xi32, #tpu.memory_space<vmem>>) semaphore(%arg15 : memref<!tpu.dma_semaphore, #tpu.memory_space<semaphore_mem>>) {add = true}
      }
      %scan3A_39 = arith.constant 10 : i32
      %dma_wait3A = arith.constant 18 : i32
      %dma_wait3A_40 = arith.constant 0 : i32
      %dma_wait3A_41 = tpu.memref_slice %arg8[%dma_wait3A, %dma_wait3A_40] : memref<20x125xi32, #tpu.memory_space<vmem>> -> memref<1x125xi32, #tpu.memory_space<vmem>>
      %dma_wait3A_42 = tpu.memref_squeeze %dma_wait3A_41 : memref<1x125xi32, #tpu.memory_space<vmem>> -> memref<125xi32, #tpu.memory_space<vmem>>
      %dma_wait3A_43 = arith.constant 0 : i32
      %dma_wait3A_44 = arith.constant 0 : i32
      %dma_wait3A_45 = tpu.memref_slice %arg11[%dma_wait3A_43, %dma_wait3A_44] : memref<10240x128xf32, #tpu.memory_space<vmem_shared>> -> memref<10240x128xf32, #tpu.memory_space<vmem_shared>>
      tpu.wait_indirect_dma semaphore(%arg14 : memref<!tpu.dma_semaphore, #tpu.memory_space<semaphore_mem>>) src(%arg9 : memref<125x128xf32, #tpu.memory_space<vmem>>) dst(%dma_wait3A_45 : memref<10240x128xf32, #tpu.memory_space<vmem_shared>>)
      %dma_wait3A_46 = arith.constant 19 : i32
      %dma_wait3A_47 = arith.constant 0 : i32
      %dma_wait3A_48 = tpu.memref_slice %arg8[%dma_wait3A_46, %dma_wait3A_47] : memref<20x125xi32, #tpu.memory_space<vmem>> -> memref<1x125xi32, #tpu.memory_space<vmem>>
      %dma_wait3A_49 = tpu.memref_squeeze %dma_wait3A_48 : memref<1x125xi32, #tpu.memory_space<vmem>> -> memref<125xi32, #tpu.memory_space<vmem>>
      %dma_wait3A_50 = arith.constant 0 : i32
      %dma_wait3A_51 = arith.constant 0 : i32
      %dma_wait3A_52 = tpu.memref_slice %arg11[%dma_wait3A_50, %dma_wait3A_51] : memref<10240x128xf32, #tpu.memory_space<vmem_shared>> -> memref<10240x128xf32, #tpu.memory_space<vmem_shared>>
      tpu.wait_indirect_dma semaphore(%arg15 : memref<!tpu.dma_semaphore, #tpu.memory_space<semaphore_mem>>) src(%arg10 : memref<125x128xf32, #tpu.memory_space<vmem>>) dst(%dma_wait3A_52 : memref<10240x128xf32, #tpu.memory_space<vmem_shared>>)
    }
    %scan3A_17 = arith.constant 4 : i32
    %barrier3A_18 = arith.constant 0 : index
    tpu.barrier barrier_id(%barrier3A_18)
    %mul3A_19 = arith.constant 640 : i32
    %mul3A_20 = arith.muli %arg1, %mul3A_19 : i32
    "tpu.region"() ({
      %run_scoped3A = tpu.sem_alloc : memref<!tpu.dma_semaphore, #tpu.memory_space<semaphore_mem>>
      %dma_start3A = arith.constant 0 : i32
      %dma_start3A_27 = arith.constant 0 : i32
      %dma_start3A_28 = tpu.memref_slice %arg9[%dma_start3A, %dma_start3A_27] : memref<125x128xf32, #tpu.memory_space<vmem>> -> memref<32x128xf32, #tpu.memory_space<vmem>>
      %dma_start3A_29 = arith.constant 0 : i32
      %dma_start3A_30 = tpu.memref_slice %arg11[%mul3A_20, %dma_start3A_29] : memref<10240x128xf32, #tpu.memory_space<vmem_shared>> -> memref<32x128xf32, #tpu.memory_space<vmem_shared>>
      %dma_start3A_31 = arith.constant 0 : i32
      %dma_start3A_32 = arith.constant 0 : i32
      %dma_start3A_33 = tpu.memref_slice %arg9[%dma_start3A_31, %dma_start3A_32] : memref<125x128xf32, #tpu.memory_space<vmem>> -> memref<32x128xf32, #tpu.memory_space<vmem>>
      %dma_start3A_34 = arith.constant 0 : i32
      %dma_start3A_35 = tpu.memref_slice %arg11[%mul3A_20, %dma_start3A_34] : memref<10240x128xf32, #tpu.memory_space<vmem_shared>> -> memref<32x128xf32, #tpu.memory_space<vmem_shared>>
      tpu.enqueue_dma source(%dma_start3A_35 : memref<32x128xf32, #tpu.memory_space<vmem_shared>>) target(%dma_start3A_33 : memref<32x128xf32, #tpu.memory_space<vmem>>) target_semaphore(%run_scoped3A : memref<!tpu.dma_semaphore, #tpu.memory_space<semaphore_mem>>)
      %dma_wait3A = arith.constant 0 : i32
      %dma_wait3A_36 = arith.constant 0 : i32
      %dma_wait3A_37 = tpu.memref_slice %arg9[%dma_wait3A, %dma_wait3A_36] : memref<125x128xf32, #tpu.memory_space<vmem>> -> memref<32x128xf32, #tpu.memory_space<vmem>>
      %dma_wait3A_38 = arith.constant 0 : i32
      %dma_wait3A_39 = tpu.memref_slice %arg11[%mul3A_20, %dma_wait3A_38] : memref<10240x128xf32, #tpu.memory_space<vmem_shared>> -> memref<32x128xf32, #tpu.memory_space<vmem_shared>>
      %dma_wait3A_40 = arith.constant 0 : i32
      %dma_wait3A_41 = arith.constant 0 : i32
      %dma_wait3A_42 = tpu.memref_slice %arg9[%dma_wait3A_40, %dma_wait3A_41] : memref<125x128xf32, #tpu.memory_space<vmem>> -> memref<32x128xf32, #tpu.memory_space<vmem>>
      %dma_wait3A_43 = arith.constant 0 : i32
      %dma_wait3A_44 = tpu.memref_slice %arg11[%mul3A_20, %dma_wait3A_43] : memref<10240x128xf32, #tpu.memory_space<vmem_shared>> -> memref<32x128xf32, #tpu.memory_space<vmem_shared>>
      tpu.wait_dma2 semaphore(%run_scoped3A : memref<!tpu.dma_semaphore, #tpu.memory_space<semaphore_mem>>) src(%dma_wait3A_44 : memref<32x128xf32, #tpu.memory_space<vmem_shared>>) dst(%dma_wait3A_42 : memref<32x128xf32, #tpu.memory_space<vmem>>)
      tpu.yield
    }) : () -> ()
    %scan3A_21 = arith.constant 0 : i32
    %scan3A_22 = arith.constant 0 : i32
    %scan3A_23 = arith.constant 10 : i32
    %scan3A_24 = arith.addi %scan3A_22, %scan3A_23 : i32
    %scan3A_25 = arith.constant 1 : i32
    scf.for %scan3A_27 = %scan3A_22 to %scan3A_24 step %scan3A_25  : i32 {
      %mul3A_28 = arith.constant 2 : i32
      %mul3A_29 = arith.muli %mul3A_28, %scan3A_27 : i32
      %mul3A_30 = arith.constant 640 : i32
      %mul3A_31 = arith.muli %arg1, %mul3A_30 : i32
      %mul3A_32 = arith.constant 32 : i32
      %mul3A_33 = arith.muli %mul3A_29, %mul3A_32 : i32
      %add3A_34 = arith.addi %mul3A_31, %mul3A_33 : i32
      %add3A_35 = arith.constant 32 : i32
      %add3A_36 = arith.addi %add3A_34, %add3A_35 : i32
      %dma_start3A = arith.constant 0 : i32
      %dma_start3A_37 = arith.constant 0 : i32
      %dma_start3A_38 = tpu.memref_slice %arg9[%dma_start3A, %dma_start3A_37] : memref<125x128xf32, #tpu.memory_space<vmem>> -> memref<32x128xf32, #tpu.memory_space<vmem>>
      %dma_start3A_39 = arith.constant 0 : i32
      %dma_start3A_40 = tpu.memref_slice %arg6[%arg0, %add3A_34, %dma_start3A_39] : memref<2x10240x128xf32, #tpu.memory_space<hbm>> -> memref<1x32x128xf32, #tpu.memory_space<hbm>>
      %dma_start3A_41 = tpu.memref_squeeze %dma_start3A_40 : memref<1x32x128xf32, #tpu.memory_space<hbm>> -> memref<32x128xf32, #tpu.memory_space<hbm>>
      %dma_start3A_42 = arith.constant 0 : i32
      %dma_start3A_43 = tpu.memref_slice %arg6[%arg0, %add3A_34, %dma_start3A_42] : memref<2x10240x128xf32, #tpu.memory_space<hbm>> -> memref<1x32x128xf32, #tpu.memory_space<hbm>>
      %dma_start3A_44 = tpu.memref_squeeze %dma_start3A_43 : memref<1x32x128xf32, #tpu.memory_space<hbm>> -> memref<32x128xf32, #tpu.memory_space<hbm>>
      %dma_start3A_45 = arith.constant 0 : i32
      %dma_start3A_46 = arith.constant 0 : i32
      %dma_start3A_47 = tpu.memref_slice %arg9[%dma_start3A_45, %dma_start3A_46] : memref<125x128xf32, #tpu.memory_space<vmem>> -> memref<32x128xf32, #tpu.memory_space<vmem>>
      tpu.enqueue_dma source(%dma_start3A_47 : memref<32x128xf32, #tpu.memory_space<vmem>>) target(%dma_start3A_44 : memref<32x128xf32, #tpu.memory_space<hbm>>) target_semaphore(%arg14 : memref<!tpu.dma_semaphore, #tpu.memory_space<semaphore_mem>>)
      "tpu.region"() ({
        %run_scoped3A = tpu.sem_alloc : memref<!tpu.dma_semaphore, #tpu.memory_space<semaphore_mem>>
        %dma_start3A_87 = arith.constant 0 : i32
        %dma_start3A_88 = arith.constant 0 : i32
        %dma_start3A_89 = tpu.memref_slice %arg10[%dma_start3A_87, %dma_start3A_88] : memref<125x128xf32, #tpu.memory_space<vmem>> -> memref<32x128xf32, #tpu.memory_space<vmem>>
        %dma_start3A_90 = arith.constant 0 : i32
        %dma_start3A_91 = tpu.memref_slice %arg11[%add3A_36, %dma_start3A_90] : memref<10240x128xf32, #tpu.memory_space<vmem_shared>> -> memref<32x128xf32, #tpu.memory_space<vmem_shared>>
        %dma_start3A_92 = arith.constant 0 : i32
        %dma_start3A_93 = arith.constant 0 : i32
        %dma_start3A_94 = tpu.memref_slice %arg10[%dma_start3A_92, %dma_start3A_93] : memref<125x128xf32, #tpu.memory_space<vmem>> -> memref<32x128xf32, #tpu.memory_space<vmem>>
        %dma_start3A_95 = arith.constant 0 : i32
        %dma_start3A_96 = tpu.memref_slice %arg11[%add3A_36, %dma_start3A_95] : memref<10240x128xf32, #tpu.memory_space<vmem_shared>> -> memref<32x128xf32, #tpu.memory_space<vmem_shared>>
        tpu.enqueue_dma source(%dma_start3A_96 : memref<32x128xf32, #tpu.memory_space<vmem_shared>>) target(%dma_start3A_94 : memref<32x128xf32, #tpu.memory_space<vmem>>) target_semaphore(%run_scoped3A : memref<!tpu.dma_semaphore, #tpu.memory_space<semaphore_mem>>)
        %dma_wait3A_97 = arith.constant 0 : i32
        %dma_wait3A_98 = arith.constant 0 : i32
        %dma_wait3A_99 = tpu.memref_slice %arg10[%dma_wait3A_97, %dma_wait3A_98] : memref<125x128xf32, #tpu.memory_space<vmem>> -> memref<32x128xf32, #tpu.memory_space<vmem>>
        %dma_wait3A_100 = arith.constant 0 : i32
        %dma_wait3A_101 = tpu.memref_slice %arg11[%add3A_36, %dma_wait3A_100] : memref<10240x128xf32, #tpu.memory_space<vmem_shared>> -> memref<32x128xf32, #tpu.memory_space<vmem_shared>>
        %dma_wait3A_102 = arith.constant 0 : i32
        %dma_wait3A_103 = arith.constant 0 : i32
        %dma_wait3A_104 = tpu.memref_slice %arg10[%dma_wait3A_102, %dma_wait3A_103] : memref<125x128xf32, #tpu.memory_space<vmem>> -> memref<32x128xf32, #tpu.memory_space<vmem>>
        %dma_wait3A_105 = arith.constant 0 : i32
        %dma_wait3A_106 = tpu.memref_slice %arg11[%add3A_36, %dma_wait3A_105] : memref<10240x128xf32, #tpu.memory_space<vmem_shared>> -> memref<32x128xf32, #tpu.memory_space<vmem_shared>>
        tpu.wait_dma2 semaphore(%run_scoped3A : memref<!tpu.dma_semaphore, #tpu.memory_space<semaphore_mem>>) src(%dma_wait3A_106 : memref<32x128xf32, #tpu.memory_space<vmem_shared>>) dst(%dma_wait3A_104 : memref<32x128xf32, #tpu.memory_space<vmem>>)
        tpu.yield
      }) : () -> ()
      %dma_wait3A = arith.constant 0 : i32
      %dma_wait3A_48 = arith.constant 0 : i32
      %dma_wait3A_49 = tpu.memref_slice %arg9[%dma_wait3A, %dma_wait3A_48] : memref<125x128xf32, #tpu.memory_space<vmem>> -> memref<32x128xf32, #tpu.memory_space<vmem>>
      %dma_wait3A_50 = arith.constant 0 : i32
      %dma_wait3A_51 = tpu.memref_slice %arg6[%arg0, %add3A_34, %dma_wait3A_50] : memref<2x10240x128xf32, #tpu.memory_space<hbm>> -> memref<1x32x128xf32, #tpu.memory_space<hbm>>
      %dma_wait3A_52 = tpu.memref_squeeze %dma_wait3A_51 : memref<1x32x128xf32, #tpu.memory_space<hbm>> -> memref<32x128xf32, #tpu.memory_space<hbm>>
      %dma_wait3A_53 = arith.constant 0 : i32
      %dma_wait3A_54 = tpu.memref_slice %arg6[%arg0, %add3A_34, %dma_wait3A_53] : memref<2x10240x128xf32, #tpu.memory_space<hbm>> -> memref<1x32x128xf32, #tpu.memory_space<hbm>>
      %dma_wait3A_55 = tpu.memref_squeeze %dma_wait3A_54 : memref<1x32x128xf32, #tpu.memory_space<hbm>> -> memref<32x128xf32, #tpu.memory_space<hbm>>
      %dma_wait3A_56 = arith.constant 0 : i32
      %dma_wait3A_57 = arith.constant 0 : i32
      %dma_wait3A_58 = tpu.memref_slice %arg9[%dma_wait3A_56, %dma_wait3A_57] : memref<125x128xf32, #tpu.memory_space<vmem>> -> memref<32x128xf32, #tpu.memory_space<vmem>>
      tpu.wait_dma2 semaphore(%arg14 : memref<!tpu.dma_semaphore, #tpu.memory_space<semaphore_mem>>) src(%dma_wait3A_58 : memref<32x128xf32, #tpu.memory_space<vmem>>) dst(%dma_wait3A_55 : memref<32x128xf32, #tpu.memory_space<hbm>>)
      %dma_start3A_59 = arith.constant 0 : i32
      %dma_start3A_60 = arith.constant 0 : i32
      %dma_start3A_61 = tpu.memref_slice %arg10[%dma_start3A_59, %dma_start3A_60] : memref<125x128xf32, #tpu.memory_space<vmem>> -> memref<32x128xf32, #tpu.memory_space<vmem>>
      %dma_start3A_62 = arith.constant 0 : i32
      %dma_start3A_63 = tpu.memref_slice %arg6[%arg0, %add3A_36, %dma_start3A_62] : memref<2x10240x128xf32, #tpu.memory_space<hbm>> -> memref<1x32x128xf32, #tpu.memory_space<hbm>>
      %dma_start3A_64 = tpu.memref_squeeze %dma_start3A_63 : memref<1x32x128xf32, #tpu.memory_space<hbm>> -> memref<32x128xf32, #tpu.memory_space<hbm>>
      %dma_start3A_65 = arith.constant 0 : i32
      %dma_start3A_66 = tpu.memref_slice %arg6[%arg0, %add3A_36, %dma_start3A_65] : memref<2x10240x128xf32, #tpu.memory_space<hbm>> -> memref<1x32x128xf32, #tpu.memory_space<hbm>>
      %dma_start3A_67 = tpu.memref_squeeze %dma_start3A_66 : memref<1x32x128xf32, #tpu.memory_space<hbm>> -> memref<32x128xf32, #tpu.memory_space<hbm>>
      %dma_start3A_68 = arith.constant 0 : i32
      %dma_start3A_69 = arith.constant 0 : i32
      %dma_start3A_70 = tpu.memref_slice %arg10[%dma_start3A_68, %dma_start3A_69] : memref<125x128xf32, #tpu.memory_space<vmem>> -> memref<32x128xf32, #tpu.memory_space<vmem>>
      tpu.enqueue_dma source(%dma_start3A_70 : memref<32x128xf32, #tpu.memory_space<vmem>>) target(%dma_start3A_67 : memref<32x128xf32, #tpu.memory_space<hbm>>) target_semaphore(%arg15 : memref<!tpu.dma_semaphore, #tpu.memory_space<semaphore_mem>>)
      %add3A_71 = arith.constant 2 : i32
      %add3A_72 = arith.addi %mul3A_29, %add3A_71 : i32
      %lt3A = arith.constant 20 : i32
      %lt3A_73 = arith.cmpi slt, %add3A_72, %lt3A : i32
      %convert_element_type3A = arith.extui %lt3A_73 : i1 to i32
      %cond3A = arith.constant 0 : i32
      %cond3A_74 = arith.cmpi ne, %convert_element_type3A, %cond3A : i32
      scf.if %cond3A_74 {
        %add3A_87 = arith.constant 32 : i32
        %add3A_88 = arith.addi %add3A_36, %add3A_87 : i32
        "tpu.region"() ({
          %run_scoped3A = tpu.sem_alloc : memref<!tpu.dma_semaphore, #tpu.memory_space<semaphore_mem>>
          %dma_start3A_89 = arith.constant 0 : i32
          %dma_start3A_90 = arith.constant 0 : i32
          %dma_start3A_91 = tpu.memref_slice %arg9[%dma_start3A_89, %dma_start3A_90] : memref<125x128xf32, #tpu.memory_space<vmem>> -> memref<32x128xf32, #tpu.memory_space<vmem>>
          %dma_start3A_92 = arith.constant 0 : i32
          %dma_start3A_93 = tpu.memref_slice %arg11[%add3A_88, %dma_start3A_92] : memref<10240x128xf32, #tpu.memory_space<vmem_shared>> -> memref<32x128xf32, #tpu.memory_space<vmem_shared>>
          %dma_start3A_94 = arith.constant 0 : i32
          %dma_start3A_95 = arith.constant 0 : i32
          %dma_start3A_96 = tpu.memref_slice %arg9[%dma_start3A_94, %dma_start3A_95] : memref<125x128xf32, #tpu.memory_space<vmem>> -> memref<32x128xf32, #tpu.memory_space<vmem>>
          %dma_start3A_97 = arith.constant 0 : i32
          %dma_start3A_98 = tpu.memref_slice %arg11[%add3A_88, %dma_start3A_97] : memref<10240x128xf32, #tpu.memory_space<vmem_shared>> -> memref<32x128xf32, #tpu.memory_space<vmem_shared>>
          tpu.enqueue_dma source(%dma_start3A_98 : memref<32x128xf32, #tpu.memory_space<vmem_shared>>) target(%dma_start3A_96 : memref<32x128xf32, #tpu.memory_space<vmem>>) target_semaphore(%run_scoped3A : memref<!tpu.dma_semaphore, #tpu.memory_space<semaphore_mem>>)
          %dma_wait3A_99 = arith.constant 0 : i32
          %dma_wait3A_100 = arith.constant 0 : i32
          %dma_wait3A_101 = tpu.memref_slice %arg9[%dma_wait3A_99, %dma_wait3A_100] : memref<125x128xf32, #tpu.memory_space<vmem>> -> memref<32x128xf32, #tpu.memory_space<vmem>>
          %dma_wait3A_102 = arith.constant 0 : i32
          %dma_wait3A_103 = tpu.memref_slice %arg11[%add3A_88, %dma_wait3A_102] : memref<10240x128xf32, #tpu.memory_space<vmem_shared>> -> memref<32x128xf32, #tpu.memory_space<vmem_shared>>
          %dma_wait3A_104 = arith.constant 0 : i32
          %dma_wait3A_105 = arith.constant 0 : i32
          %dma_wait3A_106 = tpu.memref_slice %arg9[%dma_wait3A_104, %dma_wait3A_105] : memref<125x128xf32, #tpu.memory_space<vmem>> -> memref<32x128xf32, #tpu.memory_space<vmem>>
          %dma_wait3A_107 = arith.constant 0 : i32
          %dma_wait3A_108 = tpu.memref_slice %arg11[%add3A_88, %dma_wait3A_107] : memref<10240x128xf32, #tpu.memory_space<vmem_shared>> -> memref<32x128xf32, #tpu.memory_space<vmem_shared>>
          tpu.wait_dma2 semaphore(%run_scoped3A : memref<!tpu.dma_semaphore, #tpu.memory_space<semaphore_mem>>) src(%dma_wait3A_108 : memref<32x128xf32, #tpu.memory_space<vmem_shared>>) dst(%dma_wait3A_106 : memref<32x128xf32, #tpu.memory_space<vmem>>)
          tpu.yield
        }) : () -> ()
      } else {
      }
      %dma_wait3A_75 = arith.constant 0 : i32
      %dma_wait3A_76 = arith.constant 0 : i32
      %dma_wait3A_77 = tpu.memref_slice %arg10[%dma_wait3A_75, %dma_wait3A_76] : memref<125x128xf32, #tpu.memory_space<vmem>> -> memref<32x128xf32, #tpu.memory_space<vmem>>
      %dma_wait3A_78 = arith.constant 0 : i32
      %dma_wait3A_79 = tpu.memref_slice %arg6[%arg0, %add3A_36, %dma_wait3A_78] : memref<2x10240x128xf32, #tpu.memory_space<hbm>> -> memref<1x32x128xf32, #tpu.memory_space<hbm>>
      %dma_wait3A_80 = tpu.memref_squeeze %dma_wait3A_79 : memref<1x32x128xf32, #tpu.memory_space<hbm>> -> memref<32x128xf32, #tpu.memory_space<hbm>>
      %dma_wait3A_81 = arith.constant 0 : i32
      %dma_wait3A_82 = tpu.memref_slice %arg6[%arg0, %add3A_36, %dma_wait3A_81] : memref<2x10240x128xf32, #tpu.memory_space<hbm>> -> memref<1x32x128xf32, #tpu.memory_space<hbm>>
      %dma_wait3A_83 = tpu.memref_squeeze %dma_wait3A_82 : memref<1x32x128xf32, #tpu.memory_space<hbm>> -> memref<32x128xf32, #tpu.memory_space<hbm>>
      %dma_wait3A_84 = arith.constant 0 : i32
      %dma_wait3A_85 = arith.constant 0 : i32
      %dma_wait3A_86 = tpu.memref_slice %arg10[%dma_wait3A_84, %dma_wait3A_85] : memref<125x128xf32, #tpu.memory_space<vmem>> -> memref<32x128xf32, #tpu.memory_space<vmem>>
      tpu.wait_dma2 semaphore(%arg15 : memref<!tpu.dma_semaphore, #tpu.memory_space<semaphore_mem>>) src(%dma_wait3A_86 : memref<32x128xf32, #tpu.memory_space<vmem>>) dst(%dma_wait3A_83 : memref<32x128xf32, #tpu.memory_space<hbm>>)
    }
    %scan3A_26 = arith.constant 10 : i32
    return
  }
}

module attributes {stable_mosaic.version = 14 : i64} {
  func.func @_pre_body(%arg0: memref<10000x128xf32, #tpu.memory_space<vmem>>, %arg1: memref<128x128xf32, #tpu.memory_space<vmem>>, %arg2: memref<1x128xf32, #tpu.memory_space<vmem>>, %arg3: memref<10000x128xf32, #tpu.memory_space<vmem>>) attributes {dimension_semantics = [], scalar_prefetch = 0 : i64, scratch_operands = 0 : i64, tpu.core_type = #tpu.core_type<tc>} {
    %get3A = arith.constant 0 : index
    %get3A_0 = arith.constant 0 : index
    %get3A_1 = vector.load %arg0[%get3A, %get3A_0] : memref<10000x128xf32, #tpu.memory_space<vmem>>, vector<10000x128xf32>
    %mul3A = arith.mulf %get3A_1, %get3A_1 : vector<10000x128xf32>
    %reduce_sum3A = arith.constant dense<0.000000e+00> : vector<10000xf32>
    %reduce_sum3A_2 = vector.multi_reduction <add>, %mul3A, %reduce_sum3A [1] : vector<10000x128xf32> to vector<10000xf32>
    %broadcast_in_dim3A = vector.shape_cast %reduce_sum3A_2 : vector<10000xf32> to vector<10000x1xf32>
    %sqrt3A = math.sqrt %broadcast_in_dim3A : vector<10000x1xf32>
    %jit3A = arith.constant 1.000000e-07 : f32
    %max3A = vector.broadcast %jit3A : f32 to vector<10000x1xf32>
    %max3A_3 = arith.maximumf %max3A, %sqrt3A : vector<10000x1xf32>
    %exp3A = math.exp %max3A_3 : vector<10000x1xf32>
    %div3A = arith.constant 1.000000e+00 : f32
    %div3A_4 = vector.broadcast %div3A : f32 to vector<10000x1xf32>
    %div3A_5 = arith.divf %div3A_4, %exp3A : vector<10000x1xf32>
    %add3A = arith.addf %exp3A, %div3A_5 : vector<10000x1xf32>
    %mul3A_6 = arith.constant 5.000000e-01 : f32
    %mul3A_7 = vector.broadcast %mul3A_6 : f32 to vector<10000x1xf32>
    %mul3A_8 = arith.mulf %mul3A_7, %add3A : vector<10000x1xf32>
    %sub3A = arith.subf %exp3A, %div3A_5 : vector<10000x1xf32>
    %mul3A_9 = arith.constant 5.000000e-01 : f32
    %mul3A_10 = vector.broadcast %mul3A_9 : f32 to vector<10000x1xf32>
    %mul3A_11 = arith.mulf %mul3A_10, %sub3A : vector<10000x1xf32>
    %mul3A_12 = vector.broadcast %mul3A_11 : vector<10000x1xf32> to vector<10000x128xf32>
    %mul3A_13 = arith.mulf %mul3A_12, %get3A_1 : vector<10000x128xf32>
    %div3A_14 = vector.broadcast %max3A_3 : vector<10000x1xf32> to vector<10000x128xf32>
    %div3A_15 = arith.divf %mul3A_13, %div3A_14 : vector<10000x128xf32>
    %mul3A_16 = arith.mulf %div3A_15, %div3A_15 : vector<10000x128xf32>
    %reduce_sum3A_17 = arith.constant dense<0.000000e+00> : vector<10000xf32>
    %reduce_sum3A_18 = vector.multi_reduction <add>, %mul3A_16, %reduce_sum3A_17 [1] : vector<10000x128xf32> to vector<10000xf32>
    %broadcast_in_dim3A_19 = vector.shape_cast %reduce_sum3A_18 : vector<10000xf32> to vector<10000x1xf32>
    %sqrt3A_20 = math.sqrt %broadcast_in_dim3A_19 : vector<10000x1xf32>
    %jit3A_21 = arith.constant 1.000000e-07 : f32
    %max3A_22 = vector.broadcast %jit3A_21 : f32 to vector<10000x1xf32>
    %max3A_23 = arith.maximumf %max3A_22, %sqrt3A_20 : vector<10000x1xf32>
    %max3A_24 = arith.constant 1.00000012 : f32
    %max3A_25 = vector.broadcast %max3A_24 : f32 to vector<10000x1xf32>
    %max3A_26 = arith.maximumf %mul3A_8, %max3A_25 : vector<10000x1xf32>
    %mul3A_27 = arith.mulf %max3A_26, %max3A_26 : vector<10000x1xf32>
    %sub3A_28 = arith.constant 1.000000e+00 : f32
    %sub3A_29 = vector.broadcast %sub3A_28 : f32 to vector<10000x1xf32>
    %sub3A_30 = arith.subf %mul3A_27, %sub3A_29 : vector<10000x1xf32>
    %sqrt3A_31 = math.sqrt %sub3A_30 : vector<10000x1xf32>
    %add3A_32 = arith.addf %max3A_26, %sqrt3A_31 : vector<10000x1xf32>
    %log3A = math.log %add3A_32 : vector<10000x1xf32>
    %mul3A_33 = vector.broadcast %log3A : vector<10000x1xf32> to vector<10000x128xf32>
    %mul3A_34 = arith.mulf %mul3A_33, %div3A_15 : vector<10000x128xf32>
    %div3A_35 = vector.broadcast %max3A_23 : vector<10000x1xf32> to vector<10000x128xf32>
    %div3A_36 = arith.divf %mul3A_34, %div3A_35 : vector<10000x128xf32>
    %get3A_37 = arith.constant 0 : index
    %get3A_38 = arith.constant 0 : index
    %get3A_39 = vector.load %arg1[%get3A_37, %get3A_38] : memref<128x128xf32, #tpu.memory_space<vmem>>, vector<128x128xf32>
    %dot_general3A = arith.constant dense<0.000000e+00> : vector<10000x128xf32>
    %dot_general3A_40 = tpu.matmul %div3A_36, %get3A_39, %dot_general3A {dimension_numbers = #tpu.dot_dimension_numbers<[1], [0], [0], [1], [0, 0, 1, 1], [], []>, transpose_lhs_hint = false} : vector<10000x128xf32>, vector<128x128xf32>, vector<10000x128xf32> -> vector<10000x128xf32>
    %get3A_41 = arith.constant 0 : index
    %get3A_42 = arith.constant 0 : index
    %get3A_43 = vector.load %arg2[%get3A_41, %get3A_42] : memref<1x128xf32, #tpu.memory_space<vmem>>, vector<1x128xf32>
    %add3A_44 = vector.broadcast %get3A_43 : vector<1x128xf32> to vector<10000x128xf32>
    %add3A_45 = arith.addf %dot_general3A_40, %add3A_44 : vector<10000x128xf32>
    %swap3A = arith.constant 0 : index
    %swap3A_46 = arith.constant 0 : index
    %swap3A_47 = vector.load %arg3[%swap3A, %swap3A_46] : memref<10000x128xf32, #tpu.memory_space<vmem>>, vector<10000x128xf32>
    tpu.vector_store %arg3[%swap3A, %swap3A_46], %add3A_45 {strides = array<i32>} : memref<10000x128xf32, #tpu.memory_space<vmem>>, vector<10000x128xf32>,
    return
  }
}

module attributes {stable_mosaic.version = 14 : i64} {
  func.func @_mid_body(%arg0: memref<2x10240x128xf32, #tpu.memory_space<vmem>>, %arg1: memref<2x10240x128xf32, #tpu.memory_space<vmem>>, %arg2: memref<128x128xf32, #tpu.memory_space<vmem>>, %arg3: memref<1x128xf32, #tpu.memory_space<vmem>>, %arg4: memref<10000x128xf32, #tpu.memory_space<vmem>>) attributes {dimension_semantics = [], scalar_prefetch = 0 : i64, scratch_operands = 0 : i64, tpu.core_type = #tpu.core_type<tc>} {
    %get3A = arith.constant 0 : index
    %get3A_0 = arith.constant 0 : index
    %get3A_1 = arith.constant 0 : index
    %get3A_2 = vector.load %arg0[%get3A, %get3A_0, %get3A_1] : memref<2x10240x128xf32, #tpu.memory_space<vmem>>, vector<1x10000x128xf32>
    %get3A_3 = vector.shape_cast %get3A_2 : vector<1x10000x128xf32> to vector<10000x128xf32>
    %get3A_4 = arith.constant 1 : index
    %get3A_5 = arith.constant 0 : index
    %get3A_6 = arith.constant 0 : index
    %get3A_7 = vector.load %arg0[%get3A_4, %get3A_5, %get3A_6] : memref<2x10240x128xf32, #tpu.memory_space<vmem>>, vector<1x10000x128xf32>
    %get3A_8 = vector.shape_cast %get3A_7 : vector<1x10000x128xf32> to vector<10000x128xf32>
    %add3A = arith.addf %get3A_3, %get3A_8 : vector<10000x128xf32>
    %get3A_9 = arith.constant 0 : index
    %get3A_10 = arith.constant 0 : index
    %get3A_11 = arith.constant 0 : index
    %get3A_12 = vector.load %arg1[%get3A_9, %get3A_10, %get3A_11] : memref<2x10240x128xf32, #tpu.memory_space<vmem>>, vector<1x10000x1xf32>
    %get3A_13 = vector.shape_cast %get3A_12 : vector<1x10000x1xf32> to vector<10000x1xf32>
    %get3A_14 = arith.constant 1 : index
    %get3A_15 = arith.constant 0 : index
    %get3A_16 = arith.constant 0 : index
    %get3A_17 = vector.load %arg1[%get3A_14, %get3A_15, %get3A_16] : memref<2x10240x128xf32, #tpu.memory_space<vmem>>, vector<1x10000x1xf32>
    %get3A_18 = vector.shape_cast %get3A_17 : vector<1x10000x1xf32> to vector<10000x1xf32>
    %add3A_19 = arith.addf %get3A_13, %get3A_18 : vector<10000x1xf32>
    %jit3A = arith.constant 1.000000e+00 : f32
    %max3A = vector.broadcast %jit3A : f32 to vector<10000x1xf32>
    %max3A_20 = arith.maximumf %max3A, %add3A_19 : vector<10000x1xf32>
    %div3A = vector.broadcast %max3A_20 : vector<10000x1xf32> to vector<10000x128xf32>
    %div3A_21 = arith.divf %add3A, %div3A : vector<10000x128xf32>
    %mul3A = arith.mulf %div3A_21, %div3A_21 : vector<10000x128xf32>
    %reduce_sum3A = arith.constant dense<0.000000e+00> : vector<10000xf32>
    %reduce_sum3A_22 = vector.multi_reduction <add>, %mul3A, %reduce_sum3A [1] : vector<10000x128xf32> to vector<10000xf32>
    %broadcast_in_dim3A = vector.shape_cast %reduce_sum3A_22 : vector<10000xf32> to vector<10000x1xf32>
    %sqrt3A = math.sqrt %broadcast_in_dim3A : vector<10000x1xf32>
    %jit3A_23 = arith.constant 1.000000e-07 : f32
    %max3A_24 = vector.broadcast %jit3A_23 : f32 to vector<10000x1xf32>
    %max3A_25 = arith.maximumf %max3A_24, %sqrt3A : vector<10000x1xf32>
    %exp3A = math.exp %max3A_25 : vector<10000x1xf32>
    %div3A_26 = arith.constant 1.000000e+00 : f32
    %div3A_27 = vector.broadcast %div3A_26 : f32 to vector<10000x1xf32>
    %div3A_28 = arith.divf %div3A_27, %exp3A : vector<10000x1xf32>
    %add3A_29 = arith.addf %exp3A, %div3A_28 : vector<10000x1xf32>
    %mul3A_30 = arith.constant 5.000000e-01 : f32
    %mul3A_31 = vector.broadcast %mul3A_30 : f32 to vector<10000x1xf32>
    %mul3A_32 = arith.mulf %mul3A_31, %add3A_29 : vector<10000x1xf32>
    %sub3A = arith.subf %exp3A, %div3A_28 : vector<10000x1xf32>
    %mul3A_33 = arith.constant 5.000000e-01 : f32
    %mul3A_34 = vector.broadcast %mul3A_33 : f32 to vector<10000x1xf32>
    %mul3A_35 = arith.mulf %mul3A_34, %sub3A : vector<10000x1xf32>
    %mul3A_36 = vector.broadcast %mul3A_35 : vector<10000x1xf32> to vector<10000x128xf32>
    %mul3A_37 = arith.mulf %mul3A_36, %div3A_21 : vector<10000x128xf32>
    %div3A_38 = vector.broadcast %max3A_25 : vector<10000x1xf32> to vector<10000x128xf32>
    %div3A_39 = arith.divf %mul3A_37, %div3A_38 : vector<10000x128xf32>
    %mul3A_40 = arith.mulf %div3A_39, %div3A_39 : vector<10000x128xf32>
    %reduce_sum3A_41 = arith.constant dense<0.000000e+00> : vector<10000xf32>
    %reduce_sum3A_42 = vector.multi_reduction <add>, %mul3A_40, %reduce_sum3A_41 [1] : vector<10000x128xf32> to vector<10000xf32>
    %broadcast_in_dim3A_43 = vector.shape_cast %reduce_sum3A_42 : vector<10000xf32> to vector<10000x1xf32>
    %sqrt3A_44 = math.sqrt %broadcast_in_dim3A_43 : vector<10000x1xf32>
    %jit3A_45 = arith.constant 1.000000e-07 : f32
    %max3A_46 = vector.broadcast %jit3A_45 : f32 to vector<10000x1xf32>
    %max3A_47 = arith.maximumf %max3A_46, %sqrt3A_44 : vector<10000x1xf32>
    %max3A_48 = arith.constant 1.00000012 : f32
    %max3A_49 = vector.broadcast %max3A_48 : f32 to vector<10000x1xf32>
    %max3A_50 = arith.maximumf %mul3A_32, %max3A_49 : vector<10000x1xf32>
    %mul3A_51 = arith.mulf %max3A_50, %max3A_50 : vector<10000x1xf32>
    %sub3A_52 = arith.constant 1.000000e+00 : f32
    %sub3A_53 = vector.broadcast %sub3A_52 : f32 to vector<10000x1xf32>
    %sub3A_54 = arith.subf %mul3A_51, %sub3A_53 : vector<10000x1xf32>
    %sqrt3A_55 = math.sqrt %sub3A_54 : vector<10000x1xf32>
    %add3A_56 = arith.addf %max3A_50, %sqrt3A_55 : vector<10000x1xf32>
    %log3A = math.log %add3A_56 : vector<10000x1xf32>
    %mul3A_57 = vector.broadcast %log3A : vector<10000x1xf32> to vector<10000x128xf32>
    %mul3A_58 = arith.mulf %mul3A_57, %div3A_39 : vector<10000x128xf32>
    %div3A_59 = vector.broadcast %max3A_47 : vector<10000x1xf32> to vector<10000x128xf32>
    %div3A_60 = arith.divf %mul3A_58, %div3A_59 : vector<10000x128xf32>
    %neg3A = arith.constant 0.000000e+00 : f32
    %neg3A_61 = vector.broadcast %neg3A : f32 to vector<10000x128xf32>
    %neg3A_62 = arith.subf %neg3A_61, %div3A_60 : vector<10000x128xf32>
    %exp3A_63 = math.exp %neg3A_62 : vector<10000x128xf32>
    %add3A_64 = arith.constant 1.000000e+00 : f32
    %add3A_65 = vector.broadcast %add3A_64 : f32 to vector<10000x128xf32>
    %add3A_66 = arith.addf %add3A_65, %exp3A_63 : vector<10000x128xf32>
    %div3A_67 = arith.constant 1.000000e+00 : f32
    %div3A_68 = vector.broadcast %div3A_67 : f32 to vector<10000x128xf32>
    %div3A_69 = arith.divf %div3A_68, %add3A_66 : vector<10000x128xf32>
    %mul3A_70 = arith.mulf %div3A_69, %div3A_69 : vector<10000x128xf32>
    %reduce_sum3A_71 = arith.constant dense<0.000000e+00> : vector<10000xf32>
    %reduce_sum3A_72 = vector.multi_reduction <add>, %mul3A_70, %reduce_sum3A_71 [1] : vector<10000x128xf32> to vector<10000xf32>
    %broadcast_in_dim3A_73 = vector.shape_cast %reduce_sum3A_72 : vector<10000xf32> to vector<10000x1xf32>
    %sqrt3A_74 = math.sqrt %broadcast_in_dim3A_73 : vector<10000x1xf32>
    %jit3A_75 = arith.constant 1.000000e-07 : f32
    %max3A_76 = vector.broadcast %jit3A_75 : f32 to vector<10000x1xf32>
    %max3A_77 = arith.maximumf %max3A_76, %sqrt3A_74 : vector<10000x1xf32>
    %exp3A_78 = math.exp %max3A_77 : vector<10000x1xf32>
    %div3A_79 = arith.constant 1.000000e+00 : f32
    %div3A_80 = vector.broadcast %div3A_79 : f32 to vector<10000x1xf32>
    %div3A_81 = arith.divf %div3A_80, %exp3A_78 : vector<10000x1xf32>
    %add3A_82 = arith.addf %exp3A_78, %div3A_81 : vector<10000x1xf32>
    %mul3A_83 = arith.constant 5.000000e-01 : f32
    %mul3A_84 = vector.broadcast %mul3A_83 : f32 to vector<10000x1xf32>
    %mul3A_85 = arith.mulf %mul3A_84, %add3A_82 : vector<10000x1xf32>
    %sub3A_86 = arith.subf %exp3A_78, %div3A_81 : vector<10000x1xf32>
    %mul3A_87 = arith.constant 5.000000e-01 : f32
    %mul3A_88 = vector.broadcast %mul3A_87 : f32 to vector<10000x1xf32>
    %mul3A_89 = arith.mulf %mul3A_88, %sub3A_86 : vector<10000x1xf32>
    %mul3A_90 = vector.broadcast %mul3A_89 : vector<10000x1xf32> to vector<10000x128xf32>
    %mul3A_91 = arith.mulf %mul3A_90, %div3A_69 : vector<10000x128xf32>
    %div3A_92 = vector.broadcast %max3A_77 : vector<10000x1xf32> to vector<10000x128xf32>
    %div3A_93 = arith.divf %mul3A_91, %div3A_92 : vector<10000x128xf32>
    %mul3A_94 = arith.mulf %div3A_93, %div3A_93 : vector<10000x128xf32>
    %reduce_sum3A_95 = arith.constant dense<0.000000e+00> : vector<10000xf32>
    %reduce_sum3A_96 = vector.multi_reduction <add>, %mul3A_94, %reduce_sum3A_95 [1] : vector<10000x128xf32> to vector<10000xf32>
    %broadcast_in_dim3A_97 = vector.shape_cast %reduce_sum3A_96 : vector<10000xf32> to vector<10000x1xf32>
    %sqrt3A_98 = math.sqrt %broadcast_in_dim3A_97 : vector<10000x1xf32>
    %jit3A_99 = arith.constant 1.000000e-07 : f32
    %max3A_100 = vector.broadcast %jit3A_99 : f32 to vector<10000x1xf32>
    %max3A_101 = arith.maximumf %max3A_100, %sqrt3A_98 : vector<10000x1xf32>
    %max3A_102 = arith.constant 1.00000012 : f32
    %max3A_103 = vector.broadcast %max3A_102 : f32 to vector<10000x1xf32>
    %max3A_104 = arith.maximumf %mul3A_85, %max3A_103 : vector<10000x1xf32>
    %mul3A_105 = arith.mulf %max3A_104, %max3A_104 : vector<10000x1xf32>
    %sub3A_106 = arith.constant 1.000000e+00 : f32
    %sub3A_107 = vector.broadcast %sub3A_106 : f32 to vector<10000x1xf32>
    %sub3A_108 = arith.subf %mul3A_105, %sub3A_107 : vector<10000x1xf32>
    %sqrt3A_109 = math.sqrt %sub3A_108 : vector<10000x1xf32>
    %add3A_110 = arith.addf %max3A_104, %sqrt3A_109 : vector<10000x1xf32>
    %log3A_111 = math.log %add3A_110 : vector<10000x1xf32>
    %mul3A_112 = vector.broadcast %log3A_111 : vector<10000x1xf32> to vector<10000x128xf32>
    %mul3A_113 = arith.mulf %mul3A_112, %div3A_93 : vector<10000x128xf32>
    %div3A_114 = vector.broadcast %max3A_101 : vector<10000x1xf32> to vector<10000x128xf32>
    %div3A_115 = arith.divf %mul3A_113, %div3A_114 : vector<10000x128xf32>
    %get3A_116 = arith.constant 0 : index
    %get3A_117 = arith.constant 0 : index
    %get3A_118 = vector.load %arg2[%get3A_116, %get3A_117] : memref<128x128xf32, #tpu.memory_space<vmem>>, vector<128x128xf32>
    %dot_general3A = arith.constant dense<0.000000e+00> : vector<10000x128xf32>
    %dot_general3A_119 = tpu.matmul %div3A_115, %get3A_118, %dot_general3A {dimension_numbers = #tpu.dot_dimension_numbers<[1], [0], [0], [1], [0, 0, 1, 1], [], []>, transpose_lhs_hint = false} : vector<10000x128xf32>, vector<128x128xf32>, vector<10000x128xf32> -> vector<10000x128xf32>
    %get3A_120 = arith.constant 0 : index
    %get3A_121 = arith.constant 0 : index
    %get3A_122 = vector.load %arg3[%get3A_120, %get3A_121] : memref<1x128xf32, #tpu.memory_space<vmem>>, vector<1x128xf32>
    %add3A_123 = vector.broadcast %get3A_122 : vector<1x128xf32> to vector<10000x128xf32>
    %add3A_124 = arith.addf %dot_general3A_119, %add3A_123 : vector<10000x128xf32>
    %swap3A = arith.constant 0 : index
    %swap3A_125 = arith.constant 0 : index
    %swap3A_126 = vector.load %arg4[%swap3A, %swap3A_125] : memref<10000x128xf32, #tpu.memory_space<vmem>>, vector<10000x128xf32>
    tpu.vector_store %arg4[%swap3A, %swap3A_125], %add3A_124 {strides = array<i32>} : memref<10000x128xf32, #tpu.memory_space<vmem>>, vector<10000x128xf32>,
    return
  }
}

module attributes {stable_mosaic.version = 14 : i64} {
  func.func @_post_body(%arg0: memref<2x10240x128xf32, #tpu.memory_space<vmem>>, %arg1: memref<2x10240x128xf32, #tpu.memory_space<vmem>>, %arg2: memref<64x128xf32, #tpu.memory_space<vmem>>, %arg3: memref<1x128xf32, #tpu.memory_space<vmem>>, %arg4: memref<128x40xf32, #tpu.memory_space<vmem>>, %arg5: memref<1x40xf32, #tpu.memory_space<vmem>>, %arg6: memref<10000x40xf32, #tpu.memory_space<vmem>>) attributes {dimension_semantics = [], scalar_prefetch = 0 : i64, scratch_operands = 0 : i64, tpu.core_type = #tpu.core_type<tc>} {
    %get3A = arith.constant 0 : index
    %get3A_0 = arith.constant 0 : index
    %get3A_1 = arith.constant 0 : index
    %get3A_2 = vector.load %arg0[%get3A, %get3A_0, %get3A_1] : memref<2x10240x128xf32, #tpu.memory_space<vmem>>, vector<1x10000x64xf32>
    %get3A_3 = vector.shape_cast %get3A_2 : vector<1x10000x64xf32> to vector<10000x64xf32>
    %get3A_4 = arith.constant 1 : index
    %get3A_5 = arith.constant 0 : index
    %get3A_6 = arith.constant 0 : index
    %get3A_7 = vector.load %arg0[%get3A_4, %get3A_5, %get3A_6] : memref<2x10240x128xf32, #tpu.memory_space<vmem>>, vector<1x10000x64xf32>
    %get3A_8 = vector.shape_cast %get3A_7 : vector<1x10000x64xf32> to vector<10000x64xf32>
    %add3A = arith.addf %get3A_3, %get3A_8 : vector<10000x64xf32>
    %get3A_9 = arith.constant 0 : index
    %get3A_10 = arith.constant 0 : index
    %get3A_11 = arith.constant 0 : index
    %get3A_12 = vector.load %arg1[%get3A_9, %get3A_10, %get3A_11] : memref<2x10240x128xf32, #tpu.memory_space<vmem>>, vector<1x10000x1xf32>
    %get3A_13 = vector.shape_cast %get3A_12 : vector<1x10000x1xf32> to vector<10000x1xf32>
    %get3A_14 = arith.constant 1 : index
    %get3A_15 = arith.constant 0 : index
    %get3A_16 = arith.constant 0 : index
    %get3A_17 = vector.load %arg1[%get3A_14, %get3A_15, %get3A_16] : memref<2x10240x128xf32, #tpu.memory_space<vmem>>, vector<1x10000x1xf32>
    %get3A_18 = vector.shape_cast %get3A_17 : vector<1x10000x1xf32> to vector<10000x1xf32>
    %add3A_19 = arith.addf %get3A_13, %get3A_18 : vector<10000x1xf32>
    %jit3A = arith.constant 1.000000e+00 : f32
    %max3A = vector.broadcast %jit3A : f32 to vector<10000x1xf32>
    %max3A_20 = arith.maximumf %max3A, %add3A_19 : vector<10000x1xf32>
    %div3A = vector.broadcast %max3A_20 : vector<10000x1xf32> to vector<10000x64xf32>
    %div3A_21 = arith.divf %add3A, %div3A : vector<10000x64xf32>
    %mul3A = arith.mulf %div3A_21, %div3A_21 : vector<10000x64xf32>
    %reduce_sum3A = arith.constant dense<0.000000e+00> : vector<10000xf32>
    %reduce_sum3A_22 = vector.multi_reduction <add>, %mul3A, %reduce_sum3A [1] : vector<10000x64xf32> to vector<10000xf32>
    %broadcast_in_dim3A = vector.shape_cast %reduce_sum3A_22 : vector<10000xf32> to vector<10000x1xf32>
    %sqrt3A = math.sqrt %broadcast_in_dim3A : vector<10000x1xf32>
    %jit3A_23 = arith.constant 1.000000e-07 : f32
    %max3A_24 = vector.broadcast %jit3A_23 : f32 to vector<10000x1xf32>
    %max3A_25 = arith.maximumf %max3A_24, %sqrt3A : vector<10000x1xf32>
    %exp3A = math.exp %max3A_25 : vector<10000x1xf32>
    %div3A_26 = arith.constant 1.000000e+00 : f32
    %div3A_27 = vector.broadcast %div3A_26 : f32 to vector<10000x1xf32>
    %div3A_28 = arith.divf %div3A_27, %exp3A : vector<10000x1xf32>
    %add3A_29 = arith.addf %exp3A, %div3A_28 : vector<10000x1xf32>
    %mul3A_30 = arith.constant 5.000000e-01 : f32
    %mul3A_31 = vector.broadcast %mul3A_30 : f32 to vector<10000x1xf32>
    %mul3A_32 = arith.mulf %mul3A_31, %add3A_29 : vector<10000x1xf32>
    %sub3A = arith.subf %exp3A, %div3A_28 : vector<10000x1xf32>
    %mul3A_33 = arith.constant 5.000000e-01 : f32
    %mul3A_34 = vector.broadcast %mul3A_33 : f32 to vector<10000x1xf32>
    %mul3A_35 = arith.mulf %mul3A_34, %sub3A : vector<10000x1xf32>
    %mul3A_36 = vector.broadcast %mul3A_35 : vector<10000x1xf32> to vector<10000x64xf32>
    %mul3A_37 = arith.mulf %mul3A_36, %div3A_21 : vector<10000x64xf32>
    %div3A_38 = vector.broadcast %max3A_25 : vector<10000x1xf32> to vector<10000x64xf32>
    %div3A_39 = arith.divf %mul3A_37, %div3A_38 : vector<10000x64xf32>
    %mul3A_40 = arith.mulf %div3A_39, %div3A_39 : vector<10000x64xf32>
    %reduce_sum3A_41 = arith.constant dense<0.000000e+00> : vector<10000xf32>
    %reduce_sum3A_42 = vector.multi_reduction <add>, %mul3A_40, %reduce_sum3A_41 [1] : vector<10000x64xf32> to vector<10000xf32>
    %broadcast_in_dim3A_43 = vector.shape_cast %reduce_sum3A_42 : vector<10000xf32> to vector<10000x1xf32>
    %sqrt3A_44 = math.sqrt %broadcast_in_dim3A_43 : vector<10000x1xf32>
    %jit3A_45 = arith.constant 1.000000e-07 : f32
    %max3A_46 = vector.broadcast %jit3A_45 : f32 to vector<10000x1xf32>
    %max3A_47 = arith.maximumf %max3A_46, %sqrt3A_44 : vector<10000x1xf32>
    %max3A_48 = arith.constant 1.00000012 : f32
    %max3A_49 = vector.broadcast %max3A_48 : f32 to vector<10000x1xf32>
    %max3A_50 = arith.maximumf %mul3A_32, %max3A_49 : vector<10000x1xf32>
    %mul3A_51 = arith.mulf %max3A_50, %max3A_50 : vector<10000x1xf32>
    %sub3A_52 = arith.constant 1.000000e+00 : f32
    %sub3A_53 = vector.broadcast %sub3A_52 : f32 to vector<10000x1xf32>
    %sub3A_54 = arith.subf %mul3A_51, %sub3A_53 : vector<10000x1xf32>
    %sqrt3A_55 = math.sqrt %sub3A_54 : vector<10000x1xf32>
    %add3A_56 = arith.addf %max3A_50, %sqrt3A_55 : vector<10000x1xf32>
    %log3A = math.log %add3A_56 : vector<10000x1xf32>
    %mul3A_57 = vector.broadcast %log3A : vector<10000x1xf32> to vector<10000x64xf32>
    %mul3A_58 = arith.mulf %mul3A_57, %div3A_39 : vector<10000x64xf32>
    %div3A_59 = vector.broadcast %max3A_47 : vector<10000x1xf32> to vector<10000x64xf32>
    %div3A_60 = arith.divf %mul3A_58, %div3A_59 : vector<10000x64xf32>
    %neg3A = arith.constant 0.000000e+00 : f32
    %neg3A_61 = vector.broadcast %neg3A : f32 to vector<10000x64xf32>
    %neg3A_62 = arith.subf %neg3A_61, %div3A_60 : vector<10000x64xf32>
    %exp3A_63 = math.exp %neg3A_62 : vector<10000x64xf32>
    %add3A_64 = arith.constant 1.000000e+00 : f32
    %add3A_65 = vector.broadcast %add3A_64 : f32 to vector<10000x64xf32>
    %add3A_66 = arith.addf %add3A_65, %exp3A_63 : vector<10000x64xf32>
    %div3A_67 = arith.constant 1.000000e+00 : f32
    %div3A_68 = vector.broadcast %div3A_67 : f32 to vector<10000x64xf32>
    %div3A_69 = arith.divf %div3A_68, %add3A_66 : vector<10000x64xf32>
    %mul3A_70 = arith.mulf %div3A_69, %div3A_69 : vector<10000x64xf32>
    %reduce_sum3A_71 = arith.constant dense<0.000000e+00> : vector<10000xf32>
    %reduce_sum3A_72 = vector.multi_reduction <add>, %mul3A_70, %reduce_sum3A_71 [1] : vector<10000x64xf32> to vector<10000xf32>
    %broadcast_in_dim3A_73 = vector.shape_cast %reduce_sum3A_72 : vector<10000xf32> to vector<10000x1xf32>
    %sqrt3A_74 = math.sqrt %broadcast_in_dim3A_73 : vector<10000x1xf32>
    %jit3A_75 = arith.constant 1.000000e-07 : f32
    %max3A_76 = vector.broadcast %jit3A_75 : f32 to vector<10000x1xf32>
    %max3A_77 = arith.maximumf %max3A_76, %sqrt3A_74 : vector<10000x1xf32>
    %exp3A_78 = math.exp %max3A_77 : vector<10000x1xf32>
    %div3A_79 = arith.constant 1.000000e+00 : f32
    %div3A_80 = vector.broadcast %div3A_79 : f32 to vector<10000x1xf32>
    %div3A_81 = arith.divf %div3A_80, %exp3A_78 : vector<10000x1xf32>
    %add3A_82 = arith.addf %exp3A_78, %div3A_81 : vector<10000x1xf32>
    %mul3A_83 = arith.constant 5.000000e-01 : f32
    %mul3A_84 = vector.broadcast %mul3A_83 : f32 to vector<10000x1xf32>
    %mul3A_85 = arith.mulf %mul3A_84, %add3A_82 : vector<10000x1xf32>
    %sub3A_86 = arith.subf %exp3A_78, %div3A_81 : vector<10000x1xf32>
    %mul3A_87 = arith.constant 5.000000e-01 : f32
    %mul3A_88 = vector.broadcast %mul3A_87 : f32 to vector<10000x1xf32>
    %mul3A_89 = arith.mulf %mul3A_88, %sub3A_86 : vector<10000x1xf32>
    %mul3A_90 = vector.broadcast %mul3A_89 : vector<10000x1xf32> to vector<10000x64xf32>
    %mul3A_91 = arith.mulf %mul3A_90, %div3A_69 : vector<10000x64xf32>
    %div3A_92 = vector.broadcast %max3A_77 : vector<10000x1xf32> to vector<10000x64xf32>
    %div3A_93 = arith.divf %mul3A_91, %div3A_92 : vector<10000x64xf32>
    %mul3A_94 = arith.mulf %div3A_93, %div3A_93 : vector<10000x64xf32>
    %reduce_sum3A_95 = arith.constant dense<0.000000e+00> : vector<10000xf32>
    %reduce_sum3A_96 = vector.multi_reduction <add>, %mul3A_94, %reduce_sum3A_95 [1] : vector<10000x64xf32> to vector<10000xf32>
    %broadcast_in_dim3A_97 = vector.shape_cast %reduce_sum3A_96 : vector<10000xf32> to vector<10000x1xf32>
    %sqrt3A_98 = math.sqrt %broadcast_in_dim3A_97 : vector<10000x1xf32>
    %jit3A_99 = arith.constant 1.000000e-07 : f32
    %max3A_100 = vector.broadcast %jit3A_99 : f32 to vector<10000x1xf32>
    %max3A_101 = arith.maximumf %max3A_100, %sqrt3A_98 : vector<10000x1xf32>
    %max3A_102 = arith.constant 1.00000012 : f32
    %max3A_103 = vector.broadcast %max3A_102 : f32 to vector<10000x1xf32>
    %max3A_104 = arith.maximumf %mul3A_85, %max3A_103 : vector<10000x1xf32>
    %mul3A_105 = arith.mulf %max3A_104, %max3A_104 : vector<10000x1xf32>
    %sub3A_106 = arith.constant 1.000000e+00 : f32
    %sub3A_107 = vector.broadcast %sub3A_106 : f32 to vector<10000x1xf32>
    %sub3A_108 = arith.subf %mul3A_105, %sub3A_107 : vector<10000x1xf32>
    %sqrt3A_109 = math.sqrt %sub3A_108 : vector<10000x1xf32>
    %add3A_110 = arith.addf %max3A_104, %sqrt3A_109 : vector<10000x1xf32>
    %log3A_111 = math.log %add3A_110 : vector<10000x1xf32>
    %mul3A_112 = vector.broadcast %log3A_111 : vector<10000x1xf32> to vector<10000x64xf32>
    %mul3A_113 = arith.mulf %mul3A_112, %div3A_93 : vector<10000x64xf32>
    %div3A_114 = vector.broadcast %max3A_101 : vector<10000x1xf32> to vector<10000x64xf32>
    %div3A_115 = arith.divf %mul3A_113, %div3A_114 : vector<10000x64xf32>
    %get3A_116 = arith.constant 0 : index
    %get3A_117 = arith.constant 0 : index
    %get3A_118 = vector.load %arg2[%get3A_116, %get3A_117] : memref<64x128xf32, #tpu.memory_space<vmem>>, vector<64x128xf32>
    %dot_general3A = arith.constant dense<0.000000e+00> : vector<10000x128xf32>
    %dot_general3A_119 = tpu.matmul %div3A_115, %get3A_118, %dot_general3A {dimension_numbers = #tpu.dot_dimension_numbers<[1], [0], [0], [1], [0, 0, 1, 1], [], []>, transpose_lhs_hint = false} : vector<10000x64xf32>, vector<64x128xf32>, vector<10000x128xf32> -> vector<10000x128xf32>
    %get3A_120 = arith.constant 0 : index
    %get3A_121 = arith.constant 0 : index
    %get3A_122 = vector.load %arg3[%get3A_120, %get3A_121] : memref<1x128xf32, #tpu.memory_space<vmem>>, vector<1x128xf32>
    %add3A_123 = vector.broadcast %get3A_122 : vector<1x128xf32> to vector<10000x128xf32>
    %add3A_124 = arith.addf %dot_general3A_119, %add3A_123 : vector<10000x128xf32>
    %max3A_125 = arith.constant 0.000000e+00 : f32
    %max3A_126 = vector.broadcast %max3A_125 : f32 to vector<10000x128xf32>
    %max3A_127 = arith.maximumf %add3A_124, %max3A_126 : vector<10000x128xf32>
    %get3A_128 = arith.constant 0 : index
    %get3A_129 = arith.constant 0 : index
    %get3A_130 = vector.load %arg4[%get3A_128, %get3A_129] : memref<128x40xf32, #tpu.memory_space<vmem>>, vector<128x40xf32>
    %dot_general3A_131 = arith.constant dense<0.000000e+00> : vector<10000x40xf32>
    %dot_general3A_132 = tpu.matmul %max3A_127, %get3A_130, %dot_general3A_131 {dimension_numbers = #tpu.dot_dimension_numbers<[1], [0], [0], [1], [0, 0, 1, 1], [], []>, transpose_lhs_hint = false} : vector<10000x128xf32>, vector<128x40xf32>, vector<10000x40xf32> -> vector<10000x40xf32>
    %get3A_133 = arith.constant 0 : index
    %get3A_134 = arith.constant 0 : index
    %get3A_135 = vector.load %arg5[%get3A_133, %get3A_134] : memref<1x40xf32, #tpu.memory_space<vmem>>, vector<1x40xf32>
    %add3A_136 = vector.broadcast %get3A_135 : vector<1x40xf32> to vector<10000x40xf32>
    %add3A_137 = arith.addf %dot_general3A_132, %add3A_136 : vector<10000x40xf32>
    %swap3A = arith.constant 0 : index
    %swap3A_138 = arith.constant 0 : index
    %swap3A_139 = vector.load %arg6[%swap3A, %swap3A_138] : memref<10000x40xf32, #tpu.memory_space<vmem>>, vector<10000x40xf32>
    tpu.vector_store %arg6[%swap3A, %swap3A_138], %add3A_137 {strides = array<i32>} : memref<10000x40xf32, #tpu.memory_space<vmem>>, vector<10000x40xf32>,
    return
  }
}

</mosaic_0001>

<sc_bundles>
// kernel: kernel.10.cloned.1.call-start
scs
__scs_entry_jumppad:
0x0: {  	(pc) =	sbr.rel $0x88, $3  }
0x1: {  	(tag) =	ssettag $0x0;
	lr =	simm.s32 $0x1  }
0x2: {  	[smem:$0x3F97] =	sst lr;
	_ =	strace $0xD0000000  }
0x3: {  	_ = 	snop  }
0x4: {  	_ = 	snop  }
0x5: {  	_ = 	snop  }
0x6: {  	_ = 	snop  }
0x7: {  	_ = 	snop  }
__scs_overlays_trampoline_lowered:
0x8: {  	[smem:$0x3FA6] =	sst s0  }
0x9: {  	[smem:$0x3FA7] =	sst s1  }
0xa: {  	[smem:$0x3FA8] =	sst s2  }
0xb: {  	[smem:$0x3FA9] =	sst s3  }
0xc: {  	[smem:$0x3FAA] =	sst s4  }
0xd: {  	[smem:$0x3FAB] =	sst s5  }
0xe: {  	[smem:$0x3FAC] =	sst s6  }
0xf: {  	[smem:$0x3FAD] =	sst s7  }
0x10: {  	[smem:$0x3FAE] =	sst s8  }
0x11: {  	[smem:$0x3FAF] =	sst s9;
	s0 =	simm.s32 @!p0 $0x0  }
0x12: {  	s1 =	sld [smem:$0x3F95];
	s0 =	simm.s32 @p0 $0x1  }
0x13: {  	[smem:$0x3FB0] =	sst s0;
	s0 =	simm.s32 @!p1 $0x0  }
0x14: {  	s2 =	sld [smem:$0x3F94];
	s0 =	simm.s32 @p1 $0x1  }
0x15: {  	[smem:$0x3FB1] =	sst s0;
	s0 =	simm.s32 @!p2 $0x0  }
0x16: {  	s3 =	sld [smem:$0x3FDB];
	s0 =	simm.s32 @p2 $0x1  }
0x17: {  	s4 =	simm.s32 $0x1BF5;
	[smem:$0x3FB3] =	sst s0  }
0x18: {  	s0 =	sld [smem:$0x3F96];
	_ =	swait.ge [sflag:s4], $0x0  }
0x19: {  	s7 =	sld [smem:$0x3F97]  }
0x1a: {  	s8 =	sadd.s32 $0xFFFFE003, lr  }
0x1b: {  	s9 =	sadd.s32 $0xFFFFFEF7, lr;
	s5 =	simm.s32 $0xFFFFFFFF;
	p2 =	slt.u32 s8, $0xFFFFF086  }
0x1c: {  	p1 =	slt.u32 s9, $0xF7A;
	s5 =	simm.s32 @!p2 $0x0  }
0x1d: {  	s5 =	simm.s32 @p1 $0x1;
	p0 =	seq.s32 s7, s2  }
0x1e: {  	s7 =	smul.u32 @!p0 $0xF7A, s2;
	p2 =	seq.s32 @!p0 s5, $0x0  }
0x1f: {  	s9 =	smul.u32 $0xF7A, s1;
	s8 =	simm.s32 @!p0 $0x1BF5;
	p2 =	por !p2, p0  }
0x20: {  	[sflag:s8] =	ssyncset.s32 @!p0 $0xFFFFF086;
	s6 =	sadd.s32 @!p0 s3, s7;
	s7 =	simm.s32 @!p0 $0x108  }
0x21: {  	s3 =	sadd.s32 s3, s9;
	s6 =	sadd.s32 @!p0 $0x88, s6;
	s7 =	simm.s32 @p2 $0x1082  }
0x22: {  	[simem:s7], [sflag:s8] =	dma.local @!p0 [hbm:s6], $0xF7A  }
0x23: {  	s9 =	sor.u32 $0xD0000000, s2;
	s6 =	simm.s32 $0x108;
	_ =	swait.ge @!p0 [sflag:s8], $0x0  }
0x24: {  	s3 =	sadd.s32 $0x88, s3;
	s6 =	simm.s32 @!p1 $0x1082;
	[sflag:s4] =	ssyncset.s32 $0xFFFFF086  }
0x25: {  	[simem:s6], [sflag:s4] =	dma.local [hbm:s3], $0xF7A  }
0x26: {  	[smem:$0x3F97] =	sst s1;
	(tag) =	ssettag s2;
	_ =	strace s9  }
0x27: {  	s1 =	sld [smem:$0x3FA7]  }
0x28: {  	s2 =	sld [smem:$0x3FA8]  }
0x29: {  	s4 =	sld [smem:$0x3FAA]  }
0x2a: {  	p0 =	seq.s32 s5, $0x0;
	s5 =	sld [smem:$0x3FAB]  }
0x2b: {  	s6 =	sld [smem:$0x3FAC]  }
0x2c: {  	s7 =	sld [smem:$0x3FAD]  }
0x2d: {  	s3 =	simm.s32 $0x108;
	s8 =	sld [smem:$0x3FAE]  }
0x2e: {  	s3 =	simm.s32 @!p0 $0x1082;
	s9 =	sld [smem:$0x3FAF]  }
0x2f: {  	lr =	sadd.s32 s0, s3;
	s0 =	sld [smem:$0x3FA6]  }
0x30: {  	s3 =	sld [smem:$0x3FA9]  }
0x31: {  	[smem:$0x3FB2] =	sst s10  }
0x32: {  	s10 =	sld [smem:$0x3FB0];
	_ =	sdelay $0x3  }
0x33: {  	p0 =	seq.s32 s10, $0x1;
	s10 =	sld [smem:$0x3FB2];
	_ =	sdelay $0x3  }
0x34: {  	[smem:$0x3FB2] =	sst s10  }
0x35: {  	s10 =	sld [smem:$0x3FB1];
	_ =	sdelay $0x3  }
0x36: {  	p1 =	seq.s32 s10, $0x1;
	s10 =	sld [smem:$0x3FB2];
	_ =	sdelay $0x3  }
0x37: {  	[smem:$0x3FB2] =	sst s10  }
0x38: {  	s10 =	sld [smem:$0x3FB3]  }
0x39: {  	_ = 	snop;
	(pc) =	sbr.ind lr, $3  }
0x3a: {  	_ = 	snop  }
0x3b: {  	_ = 	snop  }
0x3c: {  	p2 =	seq.s32 s10, $0x1;
	s10 =	sld [smem:$0x3FB2]  }
0x3d: {  	_ =	shalt  }
0x3e: {  	_ =	shalt  }
0x3f: {  	_ =	shalt  }
0x40: {  	_ =	shalt  }
0x41: {  	_ =	shalt  }
0x42: {  	_ =	shalt  }
0x43: {  	_ =	shalt  }
0x44: {  	_ =	shalt  }
0x45: {  	_ =	shalt  }
0x46: {  	_ =	shalt  }
0x47: {  	_ =	shalt  }
0x48: {  	_ =	shalt  }
0x49: {  	_ =	shalt  }
0x4a: {  	_ =	shalt  }
0x4b: {  	_ =	shalt  }
0x4c: {  	_ =	shalt  }
0x4d: {  	_ =	shalt  }
0x4e: {  	_ =	shalt  }
0x4f: {  	_ =	shalt  }
0x50: {  	_ =	shalt  }
0x51: {  	_ =	shalt  }
0x52: {  	_ =	shalt  }
0x53: {  	_ =	shalt  }
0x54: {  	_ =	shalt  }
0x55: {  	_ =	shalt  }
0x56: {  	_ =	shalt  }
0x57: {  	_ =	shalt  }
0x58: {  	_ =	shalt  }
0x59: {  	_ =	shalt  }
0x5a: {  	_ =	shalt  }
0x5b: {  	_ =	shalt  }
0x5c: {  	_ =	shalt  }
0x5d: {  	_ =	shalt  }
0x5e: {  	_ =	shalt  }
0x5f: {  	_ =	shalt  }
0x60: {  	_ =	shalt  }
0x61: {  	_ =	shalt  }
0x62: {  	_ =	shalt  }
0x63: {  	_ =	shalt  }
0x64: {  	_ =	shalt  }
0x65: {  	_ =	shalt  }
0x66: {  	_ =	shalt  }
0x67: {  	_ =	shalt  }
0x68: {  	_ =	shalt  }
0x69: {  	_ =	shalt  }
0x6a: {  	_ =	shalt  }
0x6b: {  	_ =	shalt  }
0x6c: {  	_ =	shalt  }
0x6d: {  	_ =	shalt  }
0x6e: {  	_ =	shalt  }
0x6f: {  	_ =	shalt  }
0x70: {  	_ =	shalt  }
0x71: {  	_ =	shalt  }
0x72: {  	_ =	shalt  }
0x73: {  	_ =	shalt  }
0x74: {  	_ =	shalt  }
0x75: {  	_ =	shalt  }
0x76: {  	_ =	shalt  }
0x77: {  	_ =	shalt  }
0x78: {  	_ =	shalt  }
0x79: {  	_ =	shalt  }
0x7a: {  	_ =	shalt  }
0x7b: {  	_ =	shalt  }
0x7c: {  	_ =	shalt  }
0x7d: {  	_ =	shalt  }
0x7e: {  	_ =	shalt  }
0x7f: {  	_ =	shalt  }
0x80: {  	_ =	shalt  }
0x81: {  	_ =	shalt  }
0x82: {  	_ =	shalt  }
0x83: {  	_ =	shalt  }
0x84: {  	_ =	shalt  }
0x85: {  	_ =	shalt  }
0x86: {  	_ =	shalt  }
0x87: {  	_ =	shalt  }
.Lfunc_end0:
.L_simem_size_0:
called_computation.1_lowered:
.L_overlay_start_0:
0x88: {  	s2 =	sld [smem:$0x3FD9]  }
0x89: {  	s3 =	sld [smem:$0x3FFE];
	_ =	sdelay $0x1  }
0x8a: {  	s1 =	srdreg.scid  }
0x8b: {  	s0 =	sand.u32 $0x1, s1  }
0x8c: {  	s17 =	sshll.u32 s0, $0xA;
	s2 =	sadd.s32 s3, s2  }
0x8d: {  	s2 =	sadd.s32 s2, s17  }
0x8e: {  	[smem:$0x3FBE] =	sst s2  }
0x8f: {  	_ = 	snop  }
0x90: {  	s2 =	sld [smem:$0x3FD0];
	(tm) =	ssettm $0x1  }
0x91: {  	s18 =	sld [smem:$0x3FFB];
	_ =	sdelay $0x3  }
0x92: {  	_ =	strace s18  }
0x93: {  	s3 =	sld [smem:$0x3FFC];
	_ =	sdelay $0x3  }
0x94: {  	_ =	strace s3  }
0x95: {  	s3 =	sld [smem:$0x3FFD];
	_ =	sdelay $0x3  }
0x96: {  	_ =	strace s3  }
0x97: {  	_ =	strace $0x8FFFFFFF  }
0x98: {  	s19 =	sld [smem:$0x3FDB];
	_ =	sdelay $0x1  }
0x99: {  	s4 =	simm.s32 $_scs_section_size  }
0x9a: {  	s5 =	simm.s32 $_size__tile_overlayer_lowered;
	s6 =	simm.s32 $_tile_overlayer_lowered  }
0x9b: {  	s22 =	simm.s32 $0x1BFF;
	s21 =	sshll.u32 s6, $0x1;
	s3 =	sadd.s32 s4, s19  }
0x9c: {  	s7 =	simm.s32 $0x0;
	s20 =	sshll.u32 s5, $0x1;
	s5 =	sadd.s32 s21, s3  }
0x9d: {  	[timem:s7], [sflag:s22] =	dma.local [hbm:s5], s20  }
0x9e: {  	_ =	swait.ge [sflag:s22], s20  }
0x9f: {  	s4 =	ssub.s32 $0x0, s20;
	[sflag:s22] =	ssyncset.done $0x0  }
0xa0: {  	[sflag:s22] =	ssyncadd.s32 s4;
	_ =	sdelay $0x1  }
0xa1: {  	s23 =	simm.s32 $0x1B8B  }
0xa2: {  	_ =	swait.ge [sflag:s23], $0x1  }
0xa3: {  	[sflag:s23] =	ssyncset.done $0x0  }
0xa4: {  	s25 =	simm.s32 $0x1B8E;
	s24 =	sld [smem:$0x3FFE];
	[sflag:s23] =	ssyncadd.s32 $0xFFFFFFFF  }
0xa5: {  	s26 =	simm.s32 $execute0_lowered;
	[smem:$0x3FD2] =	sst s25  }
0xa6: {  	s5 =	sshll.u32 s26, $0x1;
	_ =	strace $0x80000049;
	[dreg:$0x1] =	wrdreg $0xFFFFFFFF  }
0xa7: {  	s28 =	simm.s32 $_size_execute0_lowered;
	s3 =	sadd.s32 s3, s5;
	[dreg:$0x0] =	wrdreg $0x0  }
0xa8: {  	s5 =	sshll.u32 s28, $0x1;
	[dreg:$0x2] =	wrdreg s3  }
0xa9: {  	[dreg:$0x3] =	wrdreg s5  }
0xaa: {  	[dreg:$0x4] =	wrdreg $0xC0  }
0xab: {  	_ =	task [dreg:s7], $0x5FFFF  }
0xac: {  	[dreg:$0x1] =	wrdreg $0xFFFFFFFF  }
0xad: {  	[dreg:$0x0] =	wrdreg $0x60  }
0xae: {  	[dreg:$0x2] =	wrdreg s24  }
0xaf: {  	[dreg:$0x3] =	wrdreg s2  }
0xb0: {  	[dreg:$0x4] =	wrdreg $0x98000  }
0xb1: {  	[dreg:$0x5] =	wrdreg $0x9  }
0xb2: {  	_ =	task.clear_ibuf [dreg:s7], $0x6FFFF;
	_ =	strace $0x90000049  }
0xb3: {  	s29 =	simm.s32 $0x9;
	_ =	strace $0x8000004B  }
0xb4: {  	_ =	swait.ge [sflag:s29], $0x1  }
0xb5: {  	[sflag:s29] =	ssyncadd.s32 $0xFFFFFFFF  }
0xb6: {  	_ =	strace $0x9000004B  }
0xb7: {  	_ =	sfence  }
0xb8: {  	s30 =	sld [smem:$0x0];
	_ =	sdelay $0x2  }
0xb9: {  	s31 =	sshll.u32 s1, $0xD;
	s1 =	sshrl.u32 s1, $0x2  }
0xba: {  	s3 =	sand.u32 $0x4000, s31;
	s1 =	sadd.s32 s1, s30  }
0xbb: {  	s0 =	sor.u32 s3, s0;
	s1 =	sshll.u32 s1, $0x11  }
0xbc: {  	s0 =	sor.u32 s1, s0  }
0xbd: {  	s0 =	sadd.s32 $0x8F2B, s0  }
0xbe: {  	[sflag:s0] =	ssyncadd.remote.s32 $0x1  }
0xbf: {  	_ =	sfence.sel $0xFFFF  }
0xc0: {  	[dreg:$0x0] =	wrdreg $0xFFFFFFFF;
	(pc) =	sbr.abs _section_cstart, $3  }
0xc1: {  	[dreg:$0x1] =	wrdreg $0xFFFFFFFF  }
0xc2: {  	_ =	task.clear_ibuf [dreg:s7], $0x2FFFF;
	_ =	strace $0x9FFFFFFF  }
0xc3: {  	(tm) =	ssettm $0x7FFFFFFF  }
tec
execute0_lowered:
.L_overlay_start_1:
0x0: {  	(tag) =	ssettag $0x1  }
0x1: {  	s0 =	rddreg [dreg:$0x0]  }
0x2: {  	s5 =	rddreg [dreg:$0x1]  }
0x3: {  	s2 =	rddreg [dreg:$0x2];
	s3 =	simm.s32 $0x0  }
0x4: {  	[smem:$0x7FF] =	sst s3;
	s10 =	sadd.s32 $0x35000, s0  }
0x5: {  	s14 =	simm.s32 $0x80;
	_ =	strace $0x8000004A;
	[dreg:$0x1d] =	wrdreg s10  }
0x6: {  	s16 =	simm.s32 $0x100;
	[dreg:$0x6] =	wrdreg s14  }
0x7: {  	s17 =	simm.s32 $0xC80;
	[dreg:$0x7] =	wrdreg s16  }
0x8: {  	s18 =	simm.s32 $0x180;
	[dreg:$0x8] =	wrdreg s17  }
0x9: {  	s1 =	srdreg.scid;
	s20 =	simm.s32 $0xD00;
	[dreg:$0x9] =	wrdreg s18  }
0xa: {  	s11 =	stileid.u32;
	s21 =	simm.s32 $0x200;
	[dreg:$0xa] =	wrdreg s20  }
0xb: {  	s23 =	simm.s32 $0xD80;
	s25 =	simm.s32 $0x280;
	[dreg:$0xb] =	wrdreg s21  }
0xc: {  	s1 =	sand.u32 $0x1, s1;
	s4 =	smul.u32 $0x6000, s11;
	[dreg:$0xc] =	wrdreg s23  }
0xd: {  	s9 =	smul.u32 $0x50000, s11;
	[dreg:$0xd] =	wrdreg s25;
	s17 =	simm.s32 $0xF00  }
0xe: {  	s8 =	ssub.s32 $0x2, s1;
	s20 =	simm.s32 $0x400;
	[dreg:$0x12] =	wrdreg s17  }
0xf: {  	s26 =	sshrl.u32 s8, $0x1;
	s9 =	sshrl.u32 s9, $0x2;
	[dreg:$0x13] =	wrdreg s20  }
0x10: {  	s30 =	sadd.s32 s9, s2;
	s9 =	smul.u32 $0x14000, s11;
	s11 =	simm.s32 $0x300  }
0x11: {  	s8 =	ssub.s32 s8, s26;
	[dreg:$0xf] =	wrdreg s11  }
0x12: {  	s13 =	smax.u32 s8, $0x1;
	[dreg:$0x1e] =	wrdreg s30  }
0x13: {  	s28 =	simm.s32 $0x900;
	s19 =	sadd.s32 $0x1000, s30;
	[dreg:$0x1f] =	wrdreg s13  }
0x14: {  	s29 =	simm.s32 $0x1480;
	s22 =	sadd.s32 $0x3000, s30;
	[smem:$0x7E9] =	sst s19  }
0x15: {  	s31 =	simm.s32 $0x980;
	s24 =	sadd.s32 $0x4000, s30;
	[smem:$0x7EA] =	sst s22  }
0x16: {  	s6 =	smul.u32 $0x3000, s1;
	s26 =	sadd.s32 $0x5000, s30;
	[smem:$0x7EB] =	sst s24  }
0x17: {  	s10 =	smul.u32 $0x140000, s1;
	s8 =	sadd.s32 $0x6000, s30;
	[smem:$0x7EC] =	sst s26  }
0x18: {  	s6 =	sadd.s32 s6, s4;
	s14 =	sadd.s32 $0x8000, s30;
	[smem:$0x7ED] =	sst s8  }
0x19: {  	s4 =	sadd.s32 $0xDE00, s0;
	s16 =	sadd.s32 $0x9000, s30;
	[smem:$0x7EF] =	sst s14  }
0x1a: {  	s6 =	sshrl.u32 s6, $0x3;
	s21 =	sadd.s32 $0xB000, s30;
	[smem:$0x7F0] =	sst s16  }
0x1b: {  	s18 =	sadd.s32 $0x2000, s30;
	s11 =	simm.s32 $0x580;
	[smem:$0x7F2] =	sst s21  }
0x1c: {  	s20 =	sadd.s32 $0xF000, s30;
	s7 =	sadd.s32 s6, s0;
	[dreg:$0x19] =	wrdreg s11  }
0x1d: {  	s0 =	sadd.s32 $0x5D000, s0;
	s5 =	sadd.s32 s6, s5;
	[smem:$0x7F8] =	sst s20  }
0x1e: {  	s1 =	sadd.s32 s10, s9;
	s13 =	simm.s32 $0xE80;
	[smem:$0x7FD] =	sst s18  }
0x1f: {  	s19 =	sadd.s32 $0xA000, s30;
	s22 =	simm.s32 $0xF80;
	[dreg:$0x5] =	wrdreg s5  }
0x20: {  	s23 =	sadd.s32 $0x13000, s9;
	s24 =	simm.s32 $0x480;
	[dreg:$0x10] =	wrdreg s13  }
0x21: {  	s26 =	simm.s32 $0x1000;
	s8 =	simm.s32 $0x500;
	[smem:$0x7F1] =	sst s19  }
0x22: {  	s9 =	simm.s32 $0x1080;
	s14 =	simm.s32 $0x1180;
	[dreg:$0x14] =	wrdreg s22  }
0x23: {  	s16 =	sadd.s32 $0xD000, s30;
	s11 =	simm.s32 $0x1800;
	[dreg:$0x15] =	wrdreg s24  }
0x24: {  	s20 =	simm.s32 $0x1300;
	s12 =	sadd.s32 $0x1E00, s7;
	[dreg:$0x16] =	wrdreg s26  }
0x25: {  	s15 =	sadd.s32 $0x12000, s1;
	s7 =	simm.s32 $0xE00;
	[dreg:$0x17] =	wrdreg s8  }
0x26: {  	s25 =	sadd.s32 s10, s23;
	s10 =	sshrl.u32 s1, $0x3;
	[dreg:$0x18] =	wrdreg s9  }
0x27: {  	s1 =	sor.u32 $0x1000, s1;
	s13 =	simm.s32 $0x600;
	[dreg:$0x1c] =	wrdreg s14  }
0x28: {  	[smem:$0x7F5] =	sst s16;
	s17 =	sadd.s32 s23, s2;
	s19 =	sadd.s32 $0xE000, s30  }
0x29: {  	s23 =	sadd.s32 $0x10000, s30;
	s24 =	sadd.s32 $0x11000, s30;
	[dreg:$0x4] =	wrdreg s12  }
0x2a: {  	s26 =	sadd.s32 $0x13000, s30;
	s5 =	simm.s32 $0x5;
	[dreg:$0xe] =	wrdreg s7  }
0x2b: {  	s8 =	simm.s32 $0xC00;
	s9 =	simm.s32 $0x7D;
	[dreg:$0x1b] =	wrdreg s13  }
0x2c: {  	s14 =	simm.s32 $0x4;
	s16 =	simm.s32 $0x700;
	[smem:$0x7F6] =	sst s17  }
0x2d: {  	s6 =	sshrl.u32 s15, $0x3;
	s12 =	sadd.s32 $0x7000, s30;
	[smem:$0x7F7] =	sst s19  }
0x2e: {  	s15 =	simm.s32 $0x380;
	s7 =	sshrl.u32 s25, $0x3;
	[smem:$0x7F9] =	sst s23  }
0x2f: {  	s21 =	sadd.s32 s10, s0;
	s1 =	sshrl.u32 s1, $0x3;
	[smem:$0x7FA] =	sst s24  }
0x30: {  	s25 =	sadd.s32 $0x12000, s30;
	[smem:$0x7FC] =	sst s26;
	s13 =	simm.s32 $0x2  }
0x31: {  	s10 =	simm.s32 $0x680;
	s17 =	simm.s32 $0x1280;
	[smem:$0x7EE] =	sst s12  }
0x32: {  	s19 =	simm.s32 $0x780;
	s23 =	simm.s32 $0x800;
	[dreg:$0x11] =	wrdreg s15  }
0x33: {  	s24 =	simm.s32 $0x1380;
	s6 =	sadd.s32 s0, s6;
	[smem:$0x7FB] =	sst s25  }
0x34: {  	s26 =	simm.s32 $0x1400;
	s7 =	sadd.s32 s0, s7;
	[smem:$0x7E8] =	sst s6  }
0x35: {  	s12 =	simm.s32 $0x1100;
	s22 =	sadd.s32 s1, s0;
	[smem:$0x7F3] =	sst s7  }
0x36: {  	s15 =	sadd.s32 $0xC000, s30;
	s0 =	simm.s32 $0x5800;
	[dreg:$0x1a] =	wrdreg s12  }
0x37: {  	s25 =	simm.s32 $0x880;
	s1 =	simm.s32 $0x0;
	[smem:$0x7F4] =	sst s15  }
0x38: {  	s7 =	simm.s32 $0x3;
	s12 =	simm.s32 $0x1;
	s15 =	simm.s32 $0x1200  }
.LBB2_1:
0x39: {  	[smem:$0x7E7] =	sst s1  }
0x3a: {  	s6 =	rddreg [dreg:$0x1d]  }
0x3b: {  	[tilespmem:s0], [sflag:$0x5] =	stream.linear.gather [hbm4b:s6+s3], $0x1000, $0x38;
	[tilespmem:$0x1D800] =	vst v63  }
0x3c: {  	_ =	swait.ge [sflag:s5], $0x1000  }
0x3d: {  	[sflag:s5] =	ssyncset.done $0x0  }
0x3e: {  	s1 =	sld [smem:$0x7E9];
	[sflag:s5] =	ssyncadd.s32 $0xFFFFF000  }
0x3f: {  	[spmem:s30] =	stream.linear.scatter [tilespmem:s0], [sflag:$0x3], $0x1000, $0x38;
	[tilespmem:$0x1D800] =	vst v63  }
0x40: {  	_ = 	snop  }
0x41: {  	[spmem:s1] =	stream.linear.scatter [tilespmem:s0], [sflag:$0x3], $0x1000, $0x38;
	[tilespmem:$0x1D800] =	vst v63  }
0x42: {  	s1 =	sld [smem:$0x7EA]  }
0x43: {  	[spmem:s18] =	stream.linear.scatter [tilespmem:s0], [sflag:$0x3], $0x1000, $0x38;
	[tilespmem:$0x1D800] =	vst v63  }
0x44: {  	s18 =	sld [smem:$0x7EB]  }
0x45: {  	[spmem:s1] =	stream.linear.scatter [tilespmem:s0], [sflag:$0x3], $0x1000, $0x38;
	[tilespmem:$0x1D800] =	vst v63  }
0x46: {  	s1 =	sld [smem:$0x7EC]  }
0x47: {  	[spmem:s18] =	stream.linear.scatter [tilespmem:s0], [sflag:$0x3], $0x1000, $0x38;
	[tilespmem:$0x1D800] =	vst v63  }
0x48: {  	s18 =	sld [smem:$0x7ED]  }
0x49: {  	[spmem:s1] =	stream.linear.scatter [tilespmem:s0], [sflag:$0x3], $0x1000, $0x38;
	[tilespmem:$0x1D800] =	vst v63  }
0x4a: {  	s1 =	sld [smem:$0x7EE]  }
0x4b: {  	[spmem:s18] =	stream.linear.scatter [tilespmem:s0], [sflag:$0x3], $0x1000, $0x38;
	[tilespmem:$0x1D800] =	vst v63  }
0x4c: {  	s18 =	sld [smem:$0x7EF]  }
0x4d: {  	[spmem:s1] =	stream.linear.scatter [tilespmem:s0], [sflag:$0x3], $0x1000, $0x38;
	[tilespmem:$0x1D800] =	vst v63  }
0x4e: {  	s1 =	sld [smem:$0x7F0]  }
0x4f: {  	[spmem:s18] =	stream.linear.scatter [tilespmem:s0], [sflag:$0x3], $0x1000, $0x38;
	[tilespmem:$0x1D800] =	vst v63  }
0x50: {  	s18 =	sld [smem:$0x7F1]  }
0x51: {  	[spmem:s1] =	stream.linear.scatter [tilespmem:s0], [sflag:$0x3], $0x1000, $0x38;
	[tilespmem:$0x1D800] =	vst v63  }
0x52: {  	s1 =	sld [smem:$0x7F2]  }
0x53: {  	[spmem:s18] =	stream.linear.scatter [tilespmem:s0], [sflag:$0x3], $0x1000, $0x38;
	[tilespmem:$0x1D800] =	vst v63  }
0x54: {  	s18 =	sld [smem:$0x7F4]  }
0x55: {  	[spmem:s1] =	stream.linear.scatter [tilespmem:s0], [sflag:$0x3], $0x1000, $0x38;
	[tilespmem:$0x1D800] =	vst v63  }
0x56: {  	s1 =	sld [smem:$0x7F5]  }
0x57: {  	[spmem:s18] =	stream.linear.scatter [tilespmem:s0], [sflag:$0x3], $0x1000, $0x38;
	[tilespmem:$0x1D800] =	vst v63  }
0x58: {  	s18 =	sld [smem:$0x7F7]  }
0x59: {  	[spmem:s1] =	stream.linear.scatter [tilespmem:s0], [sflag:$0x3], $0x1000, $0x38;
	[tilespmem:$0x1D800] =	vst v63  }
0x5a: {  	s1 =	sld [smem:$0x7F8]  }
0x5b: {  	[spmem:s18] =	stream.linear.scatter [tilespmem:s0], [sflag:$0x3], $0x1000, $0x38;
	[tilespmem:$0x1D800] =	vst v63  }
0x5c: {  	s18 =	sld [smem:$0x7F9]  }
0x5d: {  	[spmem:s1] =	stream.linear.scatter [tilespmem:s0], [sflag:$0x3], $0x1000, $0x38;
	[tilespmem:$0x1D800] =	vst v63  }
0x5e: {  	s1 =	sld [smem:$0x7FA]  }
0x5f: {  	[spmem:s18] =	stream.linear.scatter [tilespmem:s0], [sflag:$0x3], $0x1000, $0x38;
	[tilespmem:$0x1D800] =	vst v63  }
0x60: {  	s18 =	sld [smem:$0x7FB]  }
0x61: {  	[spmem:s1] =	stream.linear.scatter [tilespmem:s0], [sflag:$0x3], $0x1000, $0x38;
	[tilespmem:$0x1D800] =	vst v63  }
0x62: {  	s1 =	sld [smem:$0x7FC]  }
0x63: {  	[spmem:s18] =	stream.linear.scatter [tilespmem:s0], [sflag:$0x3], $0x1000, $0x38;
	[tilespmem:$0x1D800] =	vst v63  }
0x64: {  	_ = 	snop  }
0x65: {  	[spmem:s1] =	stream.linear.scatter [tilespmem:s0], [sflag:$0x3], $0x1000, $0x38;
	[tilespmem:$0x1D800] =	vst v63  }
0x66: {  	_ =	swait.ge [sflag:s7], $0x1000  }
0x67: {  	[sflag:s7] =	ssyncset.done $0x0  }
0x68: {  	[sflag:s7] =	ssyncadd.s32 $0xFFFFF000  }
0x69: {  	_ =	swait.ge [sflag:s7], $0x1000  }
0x6a: {  	[sflag:s7] =	ssyncset.done $0x0  }
0x6b: {  	[sflag:s7] =	ssyncadd.s32 $0xFFFFF000  }
0x6c: {  	_ =	swait.ge [sflag:s7], $0x1000  }
0x6d: {  	[sflag:s7] =	ssyncset.done $0x0  }
0x6e: {  	[sflag:s7] =	ssyncadd.s32 $0xFFFFF000  }
0x6f: {  	_ =	swait.ge [sflag:s7], $0x1000  }
0x70: {  	[sflag:s7] =	ssyncset.done $0x0  }
0x71: {  	[sflag:s7] =	ssyncadd.s32 $0xFFFFF000  }
0x72: {  	_ =	swait.ge [sflag:s7], $0x1000  }
0x73: {  	[sflag:s7] =	ssyncset.done $0x0  }
0x74: {  	[sflag:s7] =	ssyncadd.s32 $0xFFFFF000  }
0x75: {  	_ =	swait.ge [sflag:s7], $0x1000  }
0x76: {  	[sflag:s7] =	ssyncset.done $0x0  }
0x77: {  	[sflag:s7] =	ssyncadd.s32 $0xFFFFF000  }
0x78: {  	_ =	swait.ge [sflag:s7], $0x1000  }
0x79: {  	[sflag:s7] =	ssyncset.done $0x0  }
0x7a: {  	[sflag:s7] =	ssyncadd.s32 $0xFFFFF000  }
0x7b: {  	_ =	swait.ge [sflag:s7], $0x1000  }
0x7c: {  	[sflag:s7] =	ssyncset.done $0x0  }
0x7d: {  	[sflag:s7] =	ssyncadd.s32 $0xFFFFF000  }
0x7e: {  	_ =	swait.ge [sflag:s7], $0x1000  }
0x7f: {  	[sflag:s7] =	ssyncset.done $0x0  }
0x80: {  	[sflag:s7] =	ssyncadd.s32 $0xFFFFF000  }
0x81: {  	_ =	swait.ge [sflag:s7], $0x1000  }
0x82: {  	[sflag:s7] =	ssyncset.done $0x0  }
0x83: {  	[sflag:s7] =	ssyncadd.s32 $0xFFFFF000  }
0x84: {  	_ =	swait.ge [sflag:s7], $0x1000  }
0x85: {  	[sflag:s7] =	ssyncset.done $0x0  }
0x86: {  	[sflag:s7] =	ssyncadd.s32 $0xFFFFF000  }
0x87: {  	_ =	swait.ge [sflag:s7], $0x1000  }
0x88: {  	[sflag:s7] =	ssyncset.done $0x0  }
0x89: {  	[sflag:s7] =	ssyncadd.s32 $0xFFFFF000  }
0x8a: {  	_ =	swait.ge [sflag:s7], $0x1000  }
0x8b: {  	[sflag:s7] =	ssyncset.done $0x0  }
0x8c: {  	[sflag:s7] =	ssyncadd.s32 $0xFFFFF000  }
0x8d: {  	_ =	swait.ge [sflag:s7], $0x1000  }
0x8e: {  	[sflag:s7] =	ssyncset.done $0x0  }
0x8f: {  	[sflag:s7] =	ssyncadd.s32 $0xFFFFF000  }
0x90: {  	_ =	swait.ge [sflag:s7], $0x1000  }
0x91: {  	[sflag:s7] =	ssyncset.done $0x0  }
0x92: {  	[sflag:s7] =	ssyncadd.s32 $0xFFFFF000  }
0x93: {  	_ =	swait.ge [sflag:s7], $0x1000  }
0x94: {  	[sflag:s7] =	ssyncset.done $0x0  }
0x95: {  	[sflag:s7] =	ssyncadd.s32 $0xFFFFF000  }
0x96: {  	_ =	swait.ge [sflag:s7], $0x1000  }
0x97: {  	[sflag:s7] =	ssyncset.done $0x0  }
0x98: {  	[sflag:s7] =	ssyncadd.s32 $0xFFFFF000  }
0x99: {  	_ =	swait.ge [sflag:s7], $0x1000  }
0x9a: {  	[sflag:s7] =	ssyncset.done $0x0  }
0x9b: {  	[sflag:s7] =	ssyncadd.s32 $0xFFFFF000  }
0x9c: {  	_ =	swait.ge [sflag:s7], $0x1000  }
0x9d: {  	[sflag:s7] =	ssyncset.done $0x0  }
0x9e: {  	[sflag:s7] =	ssyncadd.s32 $0xFFFFF000  }
0x9f: {  	_ =	swait.ge [sflag:s7], $0x1000  }
0xa0: {  	[sflag:s7] =	ssyncset.done $0x0  }
0xa1: {  	[sflag:s7] =	ssyncadd.s32 $0xFFFFF000  }
0xa2: {  	[bflag:$0x0] =	sbarrier.arrive $0xFFFF  }
0xa3: {  	s18 =	rddreg [dreg:$0x5]  }
0xa4: {  	s6 =	sadd.s32 $0x0, s18  }
0xa5: {  	[tilespmem:s3], [sflag:$0x5] =	stream.linear.gather [hbm4b:s6+s3], $0xA00, $0x38;
	[tilespmem:$0x1D800] =	vst v63  }
0xa6: {  	_ =	swait.ge [sflag:s5], $0xA00  }
0xa7: {  	s1 =	rddreg [dreg:$0x4];
	[sflag:s5] =	ssyncset.done $0x0  }
0xa8: {  	[sflag:s5] =	ssyncadd.s32 $0xFFFFF600;
	s6 =	sadd.s32 $0x0, s1  }
0xa9: {  	[tilespmem:s8], [sflag:$0x5] =	stream.linear.gather [hbm4b:s6+s3], $0xA00, $0x38;
	[tilespmem:$0x1D800] =	vst v63  }
0xaa: {  	_ =	swait.ge [sflag:s5], $0xA00  }
0xab: {  	[sflag:s5] =	ssyncset.done $0x0  }
0xac: {  	[sflag:s5] =	ssyncadd.s32 $0xFFFFF600  }
0xad: {  	[tilespmem:s11], [sflag:$0x1] =	stream.indirect.gather [hbm4b:s4+s9], $0x80, s3, s9, $0xb8;
	[tilespmem:$0x1D800] =	vst v63  }
0xae: {  	s18 =	rddreg [dreg:$0x6]  }
0xaf: {  	[tilespmem:s0], [sflag:$0x2] =	stream.indirect.gather [hbm4b:s4+s9], $0x80, s18, s9, $0xb8;
	[tilespmem:$0x1D800] =	vst v63  }
0xb0: {  	_ =	swait.ge [sflag:s12], $0x3E80  }
0xb1: {  	[sflag:s12] =	ssyncset.done $0x0  }
0xb2: {  	[sflag:s12] =	ssyncadd.s32 $0xFFFFC180  }
0xb3: {  	[spmem:s2] =	stream.indirect.scatter.add.f32 [tilespmem:s11], [sflag:$0x3], $0x80, s8, s9, $0xb8;
	[tilespmem:$0x1D800] =	vst v63  }
0xb4: {  	_ =	swait.ge [sflag:s7], $0x3E80  }
0xb5: {  	[sflag:s7] =	ssyncset.done $0x0  }
0xb6: {  	s1 =	rddreg [dreg:$0x7];
	[sflag:s7] =	ssyncadd.s32 $0xFFFFC180  }
0xb7: {  	[tilespmem:s11], [sflag:$0x1] =	stream.indirect.gather [hbm4b:s4+s9], $0x80, s1, s9, $0xb8;
	[tilespmem:$0x1D800] =	vst v63  }
0xb8: {  	_ =	swait.ge [sflag:s13], $0x3E80  }
0xb9: {  	[sflag:s13] =	ssyncset.done $0x0  }
0xba: {  	s18 =	rddreg [dreg:$0x8];
	[sflag:s13] =	ssyncadd.s32 $0xFFFFC180  }
0xbb: {  	[spmem:s2] =	stream.indirect.scatter.add.f32 [tilespmem:s0], [sflag:$0x4], $0x80, s18, s9, $0xb8;
	[tilespmem:$0x1D800] =	vst v63  }
0xbc: {  	_ =	swait.ge [sflag:s14], $0x3E80  }
0xbd: {  	[sflag:s14] =	ssyncset.done $0x0  }
0xbe: {  	s1 =	rddreg [dreg:$0x9];
	[sflag:s14] =	ssyncadd.s32 $0xFFFFC180  }
0xbf: {  	[tilespmem:s0], [sflag:$0x2] =	stream.indirect.gather [hbm4b:s4+s9], $0x80, s1, s9, $0xb8;
	[tilespmem:$0x1D800] =	vst v63  }
0xc0: {  	_ =	swait.ge [sflag:s12], $0x3E80  }
0xc1: {  	[sflag:s12] =	ssyncset.done $0x0  }
0xc2: {  	s18 =	rddreg [dreg:$0xa];
	[sflag:s12] =	ssyncadd.s32 $0xFFFFC180  }
0xc3: {  	[spmem:s2] =	stream.indirect.scatter.add.f32 [tilespmem:s11], [sflag:$0x3], $0x80, s18, s9, $0xb8;
	[tilespmem:$0x1D800] =	vst v63  }
0xc4: {  	_ =	swait.ge [sflag:s7], $0x3E80  }
0xc5: {  	[sflag:s7] =	ssyncset.done $0x0  }
0xc6: {  	s1 =	rddreg [dreg:$0xb];
	[sflag:s7] =	ssyncadd.s32 $0xFFFFC180  }
0xc7: {  	[tilespmem:s11], [sflag:$0x1] =	stream.indirect.gather [hbm4b:s4+s9], $0x80, s1, s9, $0xb8;
	[tilespmem:$0x1D800] =	vst v63  }
0xc8: {  	_ =	swait.ge [sflag:s13], $0x3E80  }
0xc9: {  	[sflag:s13] =	ssyncset.done $0x0  }
0xca: {  	s18 =	rddreg [dreg:$0xc];
	[sflag:s13] =	ssyncadd.s32 $0xFFFFC180  }
0xcb: {  	[spmem:s2] =	stream.indirect.scatter.add.f32 [tilespmem:s0], [sflag:$0x4], $0x80, s18, s9, $0xb8;
	[tilespmem:$0x1D800] =	vst v63  }
0xcc: {  	_ =	swait.ge [sflag:s14], $0x3E80  }
0xcd: {  	[sflag:s14] =	ssyncset.done $0x0  }
0xce: {  	s1 =	rddreg [dreg:$0xd];
	[sflag:s14] =	ssyncadd.s32 $0xFFFFC180  }
0xcf: {  	[tilespmem:s0], [sflag:$0x2] =	stream.indirect.gather [hbm4b:s4+s9], $0x80, s1, s9, $0xb8;
	[tilespmem:$0x1D800] =	vst v63  }
0xd0: {  	_ =	swait.ge [sflag:s12], $0x3E80  }
0xd1: {  	[sflag:s12] =	ssyncset.done $0x0  }
0xd2: {  	s18 =	rddreg [dreg:$0xe];
	[sflag:s12] =	ssyncadd.s32 $0xFFFFC180  }
0xd3: {  	[spmem:s2] =	stream.indirect.scatter.add.f32 [tilespmem:s11], [sflag:$0x3], $0x80, s18, s9, $0xb8;
	[tilespmem:$0x1D800] =	vst v63  }
0xd4: {  	_ =	swait.ge [sflag:s7], $0x3E80  }
0xd5: {  	[sflag:s7] =	ssyncset.done $0x0  }
0xd6: {  	s1 =	rddreg [dreg:$0xf];
	[sflag:s7] =	ssyncadd.s32 $0xFFFFC180  }
0xd7: {  	[tilespmem:s11], [sflag:$0x1] =	stream.indirect.gather [hbm4b:s4+s9], $0x80, s1, s9, $0xb8;
	[tilespmem:$0x1D800] =	vst v63  }
0xd8: {  	_ =	swait.ge [sflag:s13], $0x3E80  }
0xd9: {  	[sflag:s13] =	ssyncset.done $0x0  }
0xda: {  	s18 =	rddreg [dreg:$0x10];
	[sflag:s13] =	ssyncadd.s32 $0xFFFFC180  }
0xdb: {  	[spmem:s2] =	stream.indirect.scatter.add.f32 [tilespmem:s0], [sflag:$0x4], $0x80, s18, s9, $0xb8;
	[tilespmem:$0x1D800] =	vst v63  }
0xdc: {  	_ =	swait.ge [sflag:s14], $0x3E80  }
0xdd: {  	[sflag:s14] =	ssyncset.done $0x0  }
0xde: {  	s1 =	rddreg [dreg:$0x11];
	[sflag:s14] =	ssyncadd.s32 $0xFFFFC180  }
0xdf: {  	[tilespmem:s0], [sflag:$0x2] =	stream.indirect.gather [hbm4b:s4+s9], $0x80, s1, s9, $0xb8;
	[tilespmem:$0x1D800] =	vst v63  }
0xe0: {  	_ =	swait.ge [sflag:s12], $0x3E80  }
0xe1: {  	[sflag:s12] =	ssyncset.done $0x0  }
0xe2: {  	s18 =	rddreg [dreg:$0x12];
	[sflag:s12] =	ssyncadd.s32 $0xFFFFC180  }
0xe3: {  	[spmem:s2] =	stream.indirect.scatter.add.f32 [tilespmem:s11], [sflag:$0x3], $0x80, s18, s9, $0xb8;
	[tilespmem:$0x1D800] =	vst v63  }
0xe4: {  	_ =	swait.ge [sflag:s7], $0x3E80  }
0xe5: {  	[sflag:s7] =	ssyncset.done $0x0  }
0xe6: {  	s1 =	rddreg [dreg:$0x13];
	[sflag:s7] =	ssyncadd.s32 $0xFFFFC180  }
0xe7: {  	[tilespmem:s11], [sflag:$0x1] =	stream.indirect.gather [hbm4b:s4+s9], $0x80, s1, s9, $0xb8;
	[tilespmem:$0x1D800] =	vst v63  }
0xe8: {  	_ =	swait.ge [sflag:s13], $0x3E80  }
0xe9: {  	[sflag:s13] =	ssyncset.done $0x0  }
0xea: {  	s18 =	rddreg [dreg:$0x14];
	[sflag:s13] =	ssyncadd.s32 $0xFFFFC180  }
0xeb: {  	[spmem:s2] =	stream.indirect.scatter.add.f32 [tilespmem:s0], [sflag:$0x4], $0x80, s18, s9, $0xb8;
	[tilespmem:$0x1D800] =	vst v63  }
0xec: {  	_ =	swait.ge [sflag:s14], $0x3E80  }
0xed: {  	[sflag:s14] =	ssyncset.done $0x0  }
0xee: {  	s1 =	rddreg [dreg:$0x15];
	[sflag:s14] =	ssyncadd.s32 $0xFFFFC180  }
0xef: {  	[tilespmem:s0], [sflag:$0x2] =	stream.indirect.gather [hbm4b:s4+s9], $0x80, s1, s9, $0xb8;
	[tilespmem:$0x1D800] =	vst v63  }
0xf0: {  	_ =	swait.ge [sflag:s12], $0x3E80  }
0xf1: {  	[sflag:s12] =	ssyncset.done $0x0  }
0xf2: {  	s18 =	rddreg [dreg:$0x16];
	[sflag:s12] =	ssyncadd.s32 $0xFFFFC180  }
0xf3: {  	[spmem:s2] =	stream.indirect.scatter.add.f32 [tilespmem:s11], [sflag:$0x3], $0x80, s18, s9, $0xb8;
	[tilespmem:$0x1D800] =	vst v63  }
0xf4: {  	_ =	swait.ge [sflag:s7], $0x3E80  }
0xf5: {  	[sflag:s7] =	ssyncset.done $0x0  }
0xf6: {  	s1 =	rddreg [dreg:$0x17];
	[sflag:s7] =	ssyncadd.s32 $0xFFFFC180  }
0xf7: {  	[tilespmem:s11], [sflag:$0x1] =	stream.indirect.gather [hbm4b:s4+s9], $0x80, s1, s9, $0xb8;
	[tilespmem:$0x1D800] =	vst v63  }
0xf8: {  	_ =	swait.ge [sflag:s13], $0x3E80  }
0xf9: {  	[sflag:s13] =	ssyncset.done $0x0  }
0xfa: {  	s18 =	rddreg [dreg:$0x18];
	[sflag:s13] =	ssyncadd.s32 $0xFFFFC180  }
0xfb: {  	[spmem:s2] =	stream.indirect.scatter.add.f32 [tilespmem:s0], [sflag:$0x4], $0x80, s18, s9, $0xb8;
	[tilespmem:$0x1D800] =	vst v63  }
0xfc: {  	_ =	swait.ge [sflag:s14], $0x3E80  }
0xfd: {  	[sflag:s14] =	ssyncset.done $0x0  }
0xfe: {  	s1 =	rddreg [dreg:$0x19];
	[sflag:s14] =	ssyncadd.s32 $0xFFFFC180  }
0xff: {  	[tilespmem:s0], [sflag:$0x2] =	stream.indirect.gather [hbm4b:s4+s9], $0x80, s1, s9, $0xb8;
	[tilespmem:$0x1D800] =	vst v63  }
0x100: {  	_ =	swait.ge [sflag:s12], $0x3E80  }
0x101: {  	[sflag:s12] =	ssyncset.done $0x0  }
0x102: {  	s18 =	rddreg [dreg:$0x1a];
	[sflag:s12] =	ssyncadd.s32 $0xFFFFC180  }
0x103: {  	[spmem:s2] =	stream.indirect.scatter.add.f32 [tilespmem:s11], [sflag:$0x3], $0x80, s18, s9, $0xb8;
	[tilespmem:$0x1D800] =	vst v63  }
0x104: {  	_ =	swait.ge [sflag:s7], $0x3E80  }
0x105: {  	[sflag:s7] =	ssyncset.done $0x0  }
0x106: {  	s1 =	rddreg [dreg:$0x1b];
	[sflag:s7] =	ssyncadd.s32 $0xFFFFC180  }
0x107: {  	[tilespmem:s11], [sflag:$0x1] =	stream.indirect.gather [hbm4b:s4+s9], $0x80, s1, s9, $0xb8;
	[tilespmem:$0x1D800] =	vst v63  }
0x108: {  	_ =	swait.ge [sflag:s13], $0x3E80  }
0x109: {  	[sflag:s13] =	ssyncset.done $0x0  }
0x10a: {  	s18 =	rddreg [dreg:$0x1c];
	[sflag:s13] =	ssyncadd.s32 $0xFFFFC180  }
0x10b: {  	[spmem:s2] =	stream.indirect.scatter.add.f32 [tilespmem:s0], [sflag:$0x4], $0x80, s18, s9, $0xb8;
	[tilespmem:$0x1D800] =	vst v63  }
0x10c: {  	_ =	swait.ge [sflag:s14], $0x3E80  }
0x10d: {  	[sflag:s14] =	ssyncset.done $0x0  }
0x10e: {  	[sflag:s14] =	ssyncadd.s32 $0xFFFFC180  }
0x10f: {  	[tilespmem:s0], [sflag:$0x2] =	stream.indirect.gather [hbm4b:s4+s9], $0x80, s10, s9, $0xb8;
	[tilespmem:$0x1D800] =	vst v63  }
0x110: {  	_ =	swait.ge [sflag:s12], $0x3E80  }
0x111: {  	[sflag:s12] =	ssyncset.done $0x0  }
0x112: {  	[sflag:s12] =	ssyncadd.s32 $0xFFFFC180  }
0x113: {  	[spmem:s2] =	stream.indirect.scatter.add.f32 [tilespmem:s11], [sflag:$0x3], $0x80, s15, s9, $0xb8;
	[tilespmem:$0x1D800] =	vst v63  }
0x114: {  	_ =	swait.ge [sflag:s7], $0x3E80  }
0x115: {  	[sflag:s7] =	ssyncset.done $0x0  }
0x116: {  	[sflag:s7] =	ssyncadd.s32 $0xFFFFC180  }
0x117: {  	[tilespmem:s11], [sflag:$0x1] =	stream.indirect.gather [hbm4b:s4+s9], $0x80, s16, s9, $0xb8;
	[tilespmem:$0x1D800] =	vst v63  }
0x118: {  	_ =	swait.ge [sflag:s13], $0x3E80  }
0x119: {  	[sflag:s13] =	ssyncset.done $0x0  }
0x11a: {  	[sflag:s13] =	ssyncadd.s32 $0xFFFFC180  }
0x11b: {  	[spmem:s2] =	stream.indirect.scatter.add.f32 [tilespmem:s0], [sflag:$0x4], $0x80, s17, s9, $0xb8;
	[tilespmem:$0x1D800] =	vst v63  }
0x11c: {  	_ =	swait.ge [sflag:s14], $0x3E80  }
0x11d: {  	[sflag:s14] =	ssyncset.done $0x0  }
0x11e: {  	[sflag:s14] =	ssyncadd.s32 $0xFFFFC180  }
0x11f: {  	[tilespmem:s0], [sflag:$0x2] =	stream.indirect.gather [hbm4b:s4+s9], $0x80, s19, s9, $0xb8;
	[tilespmem:$0x1D800] =	vst v63  }
0x120: {  	_ =	swait.ge [sflag:s12], $0x3E80  }
0x121: {  	[sflag:s12] =	ssyncset.done $0x0  }
0x122: {  	[sflag:s12] =	ssyncadd.s32 $0xFFFFC180  }
0x123: {  	[spmem:s2] =	stream.indirect.scatter.add.f32 [tilespmem:s11], [sflag:$0x3], $0x80, s20, s9, $0xb8;
	[tilespmem:$0x1D800] =	vst v63  }
0x124: {  	_ =	swait.ge [sflag:s7], $0x3E80  }
0x125: {  	[sflag:s7] =	ssyncset.done $0x0  }
0x126: {  	[sflag:s7] =	ssyncadd.s32 $0xFFFFC180  }
0x127: {  	[tilespmem:s11], [sflag:$0x1] =	stream.indirect.gather [hbm4b:s4+s9], $0x80, s23, s9, $0xb8;
	[tilespmem:$0x1D800] =	vst v63  }
0x128: {  	_ =	swait.ge [sflag:s13], $0x3E80  }
0x129: {  	[sflag:s13] =	ssyncset.done $0x0  }
0x12a: {  	[sflag:s13] =	ssyncadd.s32 $0xFFFFC180  }
0x12b: {  	[spmem:s2] =	stream.indirect.scatter.add.f32 [tilespmem:s0], [sflag:$0x4], $0x80, s24, s9, $0xb8;
	[tilespmem:$0x1D800] =	vst v63  }
0x12c: {  	_ =	swait.ge [sflag:s14], $0x3E80  }
0x12d: {  	[sflag:s14] =	ssyncset.done $0x0  }
0x12e: {  	[sflag:s14] =	ssyncadd.s32 $0xFFFFC180  }
0x12f: {  	[tilespmem:s0], [sflag:$0x2] =	stream.indirect.gather [hbm4b:s4+s9], $0x80, s25, s9, $0xb8;
	[tilespmem:$0x1D800] =	vst v63  }
0x130: {  	_ =	swait.ge [sflag:s12], $0x3E80  }
0x131: {  	[sflag:s12] =	ssyncset.done $0x0  }
0x132: {  	[sflag:s12] =	ssyncadd.s32 $0xFFFFC180  }
0x133: {  	[spmem:s2] =	stream.indirect.scatter.add.f32 [tilespmem:s11], [sflag:$0x3], $0x80, s26, s9, $0xb8;
	[tilespmem:$0x1D800] =	vst v63  }
0x134: {  	_ =	swait.ge [sflag:s7], $0x3E80  }
0x135: {  	[sflag:s7] =	ssyncset.done $0x0  }
0x136: {  	[sflag:s7] =	ssyncadd.s32 $0xFFFFC180  }
0x137: {  	[tilespmem:s11], [sflag:$0x1] =	stream.indirect.gather [hbm4b:s4+s9], $0x80, s28, s9, $0xb8;
	[tilespmem:$0x1D800] =	vst v63  }
0x138: {  	_ =	swait.ge [sflag:s13], $0x3E80  }
0x139: {  	[sflag:s13] =	ssyncset.done $0x0  }
0x13a: {  	[sflag:s13] =	ssyncadd.s32 $0xFFFFC180  }
0x13b: {  	[spmem:s2] =	stream.indirect.scatter.add.f32 [tilespmem:s0], [sflag:$0x4], $0x80, s29, s9, $0xb8;
	[tilespmem:$0x1D800] =	vst v63  }
0x13c: {  	_ =	swait.ge [sflag:s14], $0x3E80  }
0x13d: {  	[sflag:s14] =	ssyncset.done $0x0  }
0x13e: {  	[sflag:s14] =	ssyncadd.s32 $0xFFFFC180  }
0x13f: {  	[tilespmem:s0], [sflag:$0x2] =	stream.indirect.gather [hbm4b:s4+s9], $0x80, s31, s9, $0xb8;
	[tilespmem:$0x1D800] =	vst v63  }
0x140: {  	_ =	swait.ge [sflag:s12], $0x3E80  }
0x141: {  	[sflag:s12] =	ssyncset.done $0x0  }
0x142: {  	s1 =	simm.s32 $0x1500;
	[sflag:s12] =	ssyncadd.s32 $0xFFFFC180  }
0x143: {  	[spmem:s2] =	stream.indirect.scatter.add.f32 [tilespmem:s11], [sflag:$0x3], $0x80, s1, s9, $0xb8;
	[tilespmem:$0x1D800] =	vst v63  }
0x144: {  	s30 =	simm.s32 $0x1480;
	_ =	swait.ge [sflag:s13], $0x3E80  }
0x145: {  	s6 =	simm.s32 $0x300;
	s18 =	simm.s32 $0x700;
	[sflag:s13] =	ssyncset.done $0x0  }
0x146: {  	s10 =	simm.s32 $0x180;
	s26 =	simm.s32 $0x1580;
	[sflag:s13] =	ssyncadd.s32 $0xFFFFC180  }
0x147: {  	[spmem:s2] =	stream.indirect.scatter.add.f32 [tilespmem:s0], [sflag:$0x4], $0x80, s26, s9, $0xb8;
	[tilespmem:$0x1D800] =	vst v63  }
0x148: {  	s17 =	simm.s32 $0x1200;
	s19 =	simm.s32 $0x1280;
	_ =	swait.ge [sflag:s7], $0x3E80  }
0x149: {  	s20 =	simm.s32 $0x780;
	s23 =	simm.s32 $0x1300;
	[sflag:s7] =	ssyncset.done $0x0  }
0x14a: {  	s24 =	simm.s32 $0x800;
	s25 =	simm.s32 $0x1380;
	[sflag:s7] =	ssyncadd.s32 $0xFFFFC180  }
0x14b: {  	s28 =	simm.s32 $0x1400;
	s29 =	simm.s32 $0x900;
	_ =	swait.ge [sflag:s14], $0x3E80  }
0x14c: {  	s26 =	simm.s32 $0x880;
	s15 =	rddreg [dreg:$0x5];
	[sflag:s14] =	ssyncset.done $0x0  }
.LBB2_2:
0x14d: {  	[sflag:s14] =	ssyncadd.s32 $0xFFFFC180;
	s15 =	sadd.s32 s10, s15  }
0x14e: {  	[tilespmem:s3], [sflag:$0x5] =	stream.linear.gather [hbm4b:s15+s3], $0xA00, $0x38;
	[tilespmem:$0x1D800] =	vst v63  }
0x14f: {  	_ =	swait.ge [sflag:s5], $0xA00  }
0x150: {  	s15 =	rddreg [dreg:$0x4];
	[sflag:s5] =	ssyncset.done $0x0  }
0x151: {  	[sflag:s5] =	ssyncadd.s32 $0xFFFFF600;
	s15 =	sadd.s32 s10, s15  }
0x152: {  	[tilespmem:s8], [sflag:$0x5] =	stream.linear.gather [hbm4b:s15+s3], $0xA00, $0x38;
	[tilespmem:$0x1D800] =	vst v63  }
0x153: {  	_ =	swait.ge [sflag:s5], $0xA00  }
0x154: {  	[sflag:s5] =	ssyncset.done $0x0  }
0x155: {  	[sflag:s5] =	ssyncadd.s32 $0xFFFFF600  }
0x156: {  	[tilespmem:s11], [sflag:$0x1] =	stream.indirect.gather [hbm4b:s4+s9], $0x80, s3, s9, $0xb8;
	[tilespmem:$0x1D800] =	vst v63  }
0x157: {  	s15 =	rddreg [dreg:$0x6]  }
0x158: {  	[tilespmem:s0], [sflag:$0x2] =	stream.indirect.gather [hbm4b:s4+s9], $0x80, s15, s9, $0xb8;
	[tilespmem:$0x1D800] =	vst v63  }
0x159: {  	_ =	swait.ge [sflag:s12], $0x3E80  }
0x15a: {  	[sflag:s12] =	ssyncset.done $0x0  }
0x15b: {  	[sflag:s12] =	ssyncadd.s32 $0xFFFFC180  }
0x15c: {  	[spmem:s2] =	stream.indirect.scatter.add.f32 [tilespmem:s11], [sflag:$0x3], $0x80, s8, s9, $0xb8;
	[tilespmem:$0x1D800] =	vst v63  }
0x15d: {  	_ =	swait.ge [sflag:s7], $0x3E80  }
0x15e: {  	[sflag:s7] =	ssyncset.done $0x0  }
0x15f: {  	s15 =	rddreg [dreg:$0x7];
	[sflag:s7] =	ssyncadd.s32 $0xFFFFC180  }
0x160: {  	[tilespmem:s11], [sflag:$0x1] =	stream.indirect.gather [hbm4b:s4+s9], $0x80, s15, s9, $0xb8;
	[tilespmem:$0x1D800] =	vst v63  }
0x161: {  	_ =	swait.ge [sflag:s13], $0x3E80  }
0x162: {  	[sflag:s13] =	ssyncset.done $0x0  }
0x163: {  	s15 =	rddreg [dreg:$0x8];
	[sflag:s13] =	ssyncadd.s32 $0xFFFFC180  }
0x164: {  	[spmem:s2] =	stream.indirect.scatter.add.f32 [tilespmem:s0], [sflag:$0x4], $0x80, s15, s9, $0xb8;
	[tilespmem:$0x1D800] =	vst v63  }
0x165: {  	_ =	swait.ge [sflag:s14], $0x3E80  }
0x166: {  	[sflag:s14] =	ssyncset.done $0x0  }
0x167: {  	s15 =	rddreg [dreg:$0x9];
	[sflag:s14] =	ssyncadd.s32 $0xFFFFC180  }
0x168: {  	[tilespmem:s0], [sflag:$0x2] =	stream.indirect.gather [hbm4b:s4+s9], $0x80, s15, s9, $0xb8;
	[tilespmem:$0x1D800] =	vst v63  }
0x169: {  	_ =	swait.ge [sflag:s12], $0x3E80  }
0x16a: {  	[sflag:s12] =	ssyncset.done $0x0  }
0x16b: {  	s15 =	rddreg [dreg:$0xa];
	[sflag:s12] =	ssyncadd.s32 $0xFFFFC180  }
0x16c: {  	[spmem:s2] =	stream.indirect.scatter.add.f32 [tilespmem:s11], [sflag:$0x3], $0x80, s15, s9, $0xb8;
	[tilespmem:$0x1D800] =	vst v63  }
0x16d: {  	_ =	swait.ge [sflag:s7], $0x3E80  }
0x16e: {  	[sflag:s7] =	ssyncset.done $0x0  }
0x16f: {  	s15 =	rddreg [dreg:$0xb];
	[sflag:s7] =	ssyncadd.s32 $0xFFFFC180  }
0x170: {  	[tilespmem:s11], [sflag:$0x1] =	stream.indirect.gather [hbm4b:s4+s9], $0x80, s15, s9, $0xb8;
	[tilespmem:$0x1D800] =	vst v63  }
0x171: {  	_ =	swait.ge [sflag:s13], $0x3E80  }
0x172: {  	[sflag:s13] =	ssyncset.done $0x0  }
0x173: {  	s15 =	rddreg [dreg:$0xc];
	[sflag:s13] =	ssyncadd.s32 $0xFFFFC180  }
0x174: {  	[spmem:s2] =	stream.indirect.scatter.add.f32 [tilespmem:s0], [sflag:$0x4], $0x80, s15, s9, $0xb8;
	[tilespmem:$0x1D800] =	vst v63  }
0x175: {  	_ =	swait.ge [sflag:s14], $0x3E80  }
0x176: {  	[sflag:s14] =	ssyncset.done $0x0  }
0x177: {  	s15 =	rddreg [dreg:$0xd];
	[sflag:s14] =	ssyncadd.s32 $0xFFFFC180  }
0x178: {  	[tilespmem:s0], [sflag:$0x2] =	stream.indirect.gather [hbm4b:s4+s9], $0x80, s15, s9, $0xb8;
	[tilespmem:$0x1D800] =	vst v63  }
0x179: {  	_ =	swait.ge [sflag:s12], $0x3E80  }
0x17a: {  	[sflag:s12] =	ssyncset.done $0x0  }
0x17b: {  	s15 =	rddreg [dreg:$0xe];
	[sflag:s12] =	ssyncadd.s32 $0xFFFFC180  }
0x17c: {  	[spmem:s2] =	stream.indirect.scatter.add.f32 [tilespmem:s11], [sflag:$0x3], $0x80, s15, s9, $0xb8;
	[tilespmem:$0x1D800] =	vst v63  }
0x17d: {  	_ =	swait.ge [sflag:s7], $0x3E80  }
0x17e: {  	[sflag:s7] =	ssyncset.done $0x0  }
0x17f: {  	s15 =	rddreg [dreg:$0xf];
	[sflag:s7] =	ssyncadd.s32 $0xFFFFC180  }
0x180: {  	[tilespmem:s11], [sflag:$0x1] =	stream.indirect.gather [hbm4b:s4+s9], $0x80, s15, s9, $0xb8;
	[tilespmem:$0x1D800] =	vst v63  }
0x181: {  	_ =	swait.ge [sflag:s13], $0x3E80  }
0x182: {  	[sflag:s13] =	ssyncset.done $0x0  }
0x183: {  	s15 =	rddreg [dreg:$0x10];
	[sflag:s13] =	ssyncadd.s32 $0xFFFFC180  }
0x184: {  	[spmem:s2] =	stream.indirect.scatter.add.f32 [tilespmem:s0], [sflag:$0x4], $0x80, s15, s9, $0xb8;
	[tilespmem:$0x1D800] =	vst v63  }
0x185: {  	_ =	swait.ge [sflag:s14], $0x3E80  }
0x186: {  	[sflag:s14] =	ssyncset.done $0x0  }
0x187: {  	s15 =	rddreg [dreg:$0x11];
	[sflag:s14] =	ssyncadd.s32 $0xFFFFC180  }
0x188: {  	[tilespmem:s0], [sflag:$0x2] =	stream.indirect.gather [hbm4b:s4+s9], $0x80, s15, s9, $0xb8;
	[tilespmem:$0x1D800] =	vst v63  }
0x189: {  	_ =	swait.ge [sflag:s12], $0x3E80  }
0x18a: {  	[sflag:s12] =	ssyncset.done $0x0  }
0x18b: {  	s15 =	rddreg [dreg:$0x12];
	[sflag:s12] =	ssyncadd.s32 $0xFFFFC180  }
0x18c: {  	[spmem:s2] =	stream.indirect.scatter.add.f32 [tilespmem:s11], [sflag:$0x3], $0x80, s15, s9, $0xb8;
	[tilespmem:$0x1D800] =	vst v63  }
0x18d: {  	_ =	swait.ge [sflag:s7], $0x3E80  }
0x18e: {  	[sflag:s7] =	ssyncset.done $0x0  }
0x18f: {  	s15 =	rddreg [dreg:$0x13];
	[sflag:s7] =	ssyncadd.s32 $0xFFFFC180  }
0x190: {  	[tilespmem:s11], [sflag:$0x1] =	stream.indirect.gather [hbm4b:s4+s9], $0x80, s15, s9, $0xb8;
	[tilespmem:$0x1D800] =	vst v63  }
0x191: {  	_ =	swait.ge [sflag:s13], $0x3E80  }
0x192: {  	[sflag:s13] =	ssyncset.done $0x0  }
0x193: {  	s15 =	rddreg [dreg:$0x14];
	[sflag:s13] =	ssyncadd.s32 $0xFFFFC180  }
0x194: {  	[spmem:s2] =	stream.indirect.scatter.add.f32 [tilespmem:s0], [sflag:$0x4], $0x80, s15, s9, $0xb8;
	[tilespmem:$0x1D800] =	vst v63  }
0x195: {  	_ =	swait.ge [sflag:s14], $0x3E80  }
0x196: {  	[sflag:s14] =	ssyncset.done $0x0  }
0x197: {  	s15 =	rddreg [dreg:$0x15];
	[sflag:s14] =	ssyncadd.s32 $0xFFFFC180  }
0x198: {  	[tilespmem:s0], [sflag:$0x2] =	stream.indirect.gather [hbm4b:s4+s9], $0x80, s15, s9, $0xb8;
	[tilespmem:$0x1D800] =	vst v63  }
0x199: {  	_ =	swait.ge [sflag:s12], $0x3E80  }
0x19a: {  	[sflag:s12] =	ssyncset.done $0x0  }
0x19b: {  	s15 =	rddreg [dreg:$0x16];
	[sflag:s12] =	ssyncadd.s32 $0xFFFFC180  }
0x19c: {  	[spmem:s2] =	stream.indirect.scatter.add.f32 [tilespmem:s11], [sflag:$0x3], $0x80, s15, s9, $0xb8;
	[tilespmem:$0x1D800] =	vst v63  }
0x19d: {  	_ =	swait.ge [sflag:s7], $0x3E80  }
0x19e: {  	[sflag:s7] =	ssyncset.done $0x0  }
0x19f: {  	s15 =	rddreg [dreg:$0x17];
	[sflag:s7] =	ssyncadd.s32 $0xFFFFC180  }
0x1a0: {  	[tilespmem:s11], [sflag:$0x1] =	stream.indirect.gather [hbm4b:s4+s9], $0x80, s15, s9, $0xb8;
	[tilespmem:$0x1D800] =	vst v63  }
0x1a1: {  	_ =	swait.ge [sflag:s13], $0x3E80  }
0x1a2: {  	[sflag:s13] =	ssyncset.done $0x0  }
0x1a3: {  	s15 =	rddreg [dreg:$0x18];
	[sflag:s13] =	ssyncadd.s32 $0xFFFFC180  }
0x1a4: {  	[spmem:s2] =	stream.indirect.scatter.add.f32 [tilespmem:s0], [sflag:$0x4], $0x80, s15, s9, $0xb8;
	[tilespmem:$0x1D800] =	vst v63  }
0x1a5: {  	_ =	swait.ge [sflag:s14], $0x3E80  }
0x1a6: {  	[sflag:s14] =	ssyncset.done $0x0  }
0x1a7: {  	s15 =	rddreg [dreg:$0x19];
	[sflag:s14] =	ssyncadd.s32 $0xFFFFC180  }
0x1a8: {  	[tilespmem:s0], [sflag:$0x2] =	stream.indirect.gather [hbm4b:s4+s9], $0x80, s15, s9, $0xb8;
	[tilespmem:$0x1D800] =	vst v63  }
0x1a9: {  	_ =	swait.ge [sflag:s12], $0x3E80  }
0x1aa: {  	[sflag:s12] =	ssyncset.done $0x0  }
0x1ab: {  	s15 =	rddreg [dreg:$0x1a];
	[sflag:s12] =	ssyncadd.s32 $0xFFFFC180  }
0x1ac: {  	[spmem:s2] =	stream.indirect.scatter.add.f32 [tilespmem:s11], [sflag:$0x3], $0x80, s15, s9, $0xb8;
	[tilespmem:$0x1D800] =	vst v63  }
0x1ad: {  	_ =	swait.ge [sflag:s7], $0x3E80  }
0x1ae: {  	[sflag:s7] =	ssyncset.done $0x0  }
0x1af: {  	s15 =	rddreg [dreg:$0x1b];
	[sflag:s7] =	ssyncadd.s32 $0xFFFFC180  }
0x1b0: {  	[tilespmem:s11], [sflag:$0x1] =	stream.indirect.gather [hbm4b:s4+s9], $0x80, s15, s9, $0xb8;
	[tilespmem:$0x1D800] =	vst v63  }
0x1b1: {  	_ =	swait.ge [sflag:s13], $0x3E80  }
0x1b2: {  	[sflag:s13] =	ssyncset.done $0x0  }
0x1b3: {  	s15 =	rddreg [dreg:$0x1c];
	[sflag:s13] =	ssyncadd.s32 $0xFFFFC180  }
0x1b4: {  	[spmem:s2] =	stream.indirect.scatter.add.f32 [tilespmem:s0], [sflag:$0x4], $0x80, s15, s9, $0xb8;
	[tilespmem:$0x1D800] =	vst v63  }
0x1b5: {  	_ =	swait.ge [sflag:s14], $0x3E80  }
0x1b6: {  	s16 =	smov.u32 s6;
	[sflag:s14] =	ssyncset.done $0x0  }
0x1b7: {  	s10 =	smov.u32 s16;
	s16 =	simm.s32 $0x680;
	[sflag:s14] =	ssyncadd.s32 $0xFFFFC180  }
0x1b8: {  	[tilespmem:s0], [sflag:$0x2] =	stream.indirect.gather [hbm4b:s4+s9], $0x80, s16, s9, $0xb8;
	[tilespmem:$0x1D800] =	vst v63  }
0x1b9: {  	_ =	swait.ge [sflag:s12], $0x3E80  }
0x1ba: {  	[sflag:s12] =	ssyncset.done $0x0  }
0x1bb: {  	[sflag:s12] =	ssyncadd.s32 $0xFFFFC180  }
0x1bc: {  	[spmem:s2] =	stream.indirect.scatter.add.f32 [tilespmem:s11], [sflag:$0x3], $0x80, s17, s9, $0xb8;
	[tilespmem:$0x1D800] =	vst v63  }
0x1bd: {  	_ =	swait.ge [sflag:s7], $0x3E80  }
0x1be: {  	[sflag:s7] =	ssyncset.done $0x0  }
0x1bf: {  	[sflag:s7] =	ssyncadd.s32 $0xFFFFC180  }
0x1c0: {  	[tilespmem:s11], [sflag:$0x1] =	stream.indirect.gather [hbm4b:s4+s9], $0x80, s18, s9, $0xb8;
	[tilespmem:$0x1D800] =	vst v63  }
0x1c1: {  	_ =	swait.ge [sflag:s13], $0x3E80  }
0x1c2: {  	[sflag:s13] =	ssyncset.done $0x0  }
0x1c3: {  	[sflag:s13] =	ssyncadd.s32 $0xFFFFC180  }
0x1c4: {  	[spmem:s2] =	stream.indirect.scatter.add.f32 [tilespmem:s0], [sflag:$0x4], $0x80, s19, s9, $0xb8;
	[tilespmem:$0x1D800] =	vst v63  }
0x1c5: {  	_ =	swait.ge [sflag:s14], $0x3E80  }
0x1c6: {  	[sflag:s14] =	ssyncset.done $0x0  }
0x1c7: {  	[sflag:s14] =	ssyncadd.s32 $0xFFFFC180  }
0x1c8: {  	[tilespmem:s0], [sflag:$0x2] =	stream.indirect.gather [hbm4b:s4+s9], $0x80, s20, s9, $0xb8;
	[tilespmem:$0x1D800] =	vst v63  }
0x1c9: {  	_ =	swait.ge [sflag:s12], $0x3E80  }
0x1ca: {  	[sflag:s12] =	ssyncset.done $0x0  }
0x1cb: {  	[sflag:s12] =	ssyncadd.s32 $0xFFFFC180  }
0x1cc: {  	[spmem:s2] =	stream.indirect.scatter.add.f32 [tilespmem:s11], [sflag:$0x3], $0x80, s23, s9, $0xb8;
	[tilespmem:$0x1D800] =	vst v63  }
0x1cd: {  	_ =	swait.ge [sflag:s7], $0x3E80  }
0x1ce: {  	[sflag:s7] =	ssyncset.done $0x0  }
0x1cf: {  	[sflag:s7] =	ssyncadd.s32 $0xFFFFC180  }
0x1d0: {  	[tilespmem:s11], [sflag:$0x1] =	stream.indirect.gather [hbm4b:s4+s9], $0x80, s24, s9, $0xb8;
	[tilespmem:$0x1D800] =	vst v63  }
0x1d1: {  	_ =	swait.ge [sflag:s13], $0x3E80  }
0x1d2: {  	[sflag:s13] =	ssyncset.done $0x0  }
0x1d3: {  	[sflag:s13] =	ssyncadd.s32 $0xFFFFC180  }
0x1d4: {  	[spmem:s2] =	stream.indirect.scatter.add.f32 [tilespmem:s0], [sflag:$0x4], $0x80, s25, s9, $0xb8;
	[tilespmem:$0x1D800] =	vst v63  }
0x1d5: {  	_ =	swait.ge [sflag:s14], $0x3E80  }
0x1d6: {  	[sflag:s14] =	ssyncset.done $0x0  }
0x1d7: {  	[sflag:s14] =	ssyncadd.s32 $0xFFFFC180  }
0x1d8: {  	[tilespmem:s0], [sflag:$0x2] =	stream.indirect.gather [hbm4b:s4+s9], $0x80, s26, s9, $0xb8;
	[tilespmem:$0x1D800] =	vst v63  }
0x1d9: {  	_ =	swait.ge [sflag:s12], $0x3E80  }
0x1da: {  	[sflag:s12] =	ssyncset.done $0x0  }
0x1db: {  	[sflag:s12] =	ssyncadd.s32 $0xFFFFC180  }
0x1dc: {  	[spmem:s2] =	stream.indirect.scatter.add.f32 [tilespmem:s11], [sflag:$0x3], $0x80, s28, s9, $0xb8;
	[tilespmem:$0x1D800] =	vst v63  }
0x1dd: {  	_ =	swait.ge [sflag:s7], $0x3E80  }
0x1de: {  	[sflag:s7] =	ssyncset.done $0x0  }
0x1df: {  	[sflag:s7] =	ssyncadd.s32 $0xFFFFC180  }
0x1e0: {  	[tilespmem:s11], [sflag:$0x1] =	stream.indirect.gather [hbm4b:s4+s9], $0x80, s29, s9, $0xb8;
	[tilespmem:$0x1D800] =	vst v63  }
0x1e1: {  	_ =	swait.ge [sflag:s13], $0x3E80  }
0x1e2: {  	[sflag:s13] =	ssyncset.done $0x0  }
0x1e3: {  	[sflag:s13] =	ssyncadd.s32 $0xFFFFC180  }
0x1e4: {  	[spmem:s2] =	stream.indirect.scatter.add.f32 [tilespmem:s0], [sflag:$0x4], $0x80, s30, s9, $0xb8;
	[tilespmem:$0x1D800] =	vst v63  }
0x1e5: {  	_ =	swait.ge [sflag:s14], $0x3E80  }
0x1e6: {  	[sflag:s14] =	ssyncset.done $0x0  }
0x1e7: {  	[sflag:s14] =	ssyncadd.s32 $0xFFFFC180  }
0x1e8: {  	[tilespmem:s0], [sflag:$0x2] =	stream.indirect.gather [hbm4b:s4+s9], $0x80, s31, s9, $0xb8;
	[tilespmem:$0x1D800] =	vst v63  }
0x1e9: {  	_ =	swait.ge [sflag:s12], $0x3E80  }
0x1ea: {  	[sflag:s12] =	ssyncset.done $0x0  }
0x1eb: {  	[sflag:s12] =	ssyncadd.s32 $0xFFFFC180  }
0x1ec: {  	[spmem:s2] =	stream.indirect.scatter.add.f32 [tilespmem:s11], [sflag:$0x3], $0x80, s1, s9, $0xb8;
	[tilespmem:$0x1D800] =	vst v63  }
0x1ed: {  	_ =	swait.ge [sflag:s13], $0x3E80  }
0x1ee: {  	[sflag:s13] =	ssyncset.done $0x0  }
0x1ef: {  	p0 =	sne.s32 s6, $0x480;
	s15 =	simm.s32 $0x1580;
	[sflag:s13] =	ssyncadd.s32 $0xFFFFC180  }
0x1f0: {  	[spmem:s2] =	stream.indirect.scatter.add.f32 [tilespmem:s0], [sflag:$0x4], $0x80, s15, s9, $0xb8;
	[tilespmem:$0x1D800] =	vst v63  }
.Ltmp0:
0x1f1: {  	_ =	swait.ge [sflag:s7], $0x3E80;
	(pc) =	sbr.rel @p0 .LBB2_2-.Ltmp0, $4  }
0x1f2: {  	[sflag:s7] =	ssyncset.done $0x0  }
0x1f3: {  	[sflag:s7] =	ssyncadd.s32 $0xFFFFC180  }
0x1f4: {  	_ =	swait.ge [sflag:s14], $0x3E80  }
0x1f5: {  	s6 =	sadd.s32 $0x180, s6;
	s15 =	rddreg [dreg:$0x5];
	[sflag:s14] =	ssyncset.done $0x0  }
0x1f6: {  	[sflag:s14] =	ssyncadd.s32 $0xFFFFC180;
	s6 =	sadd.s32 s10, s15  }
0x1f7: {  	[tilespmem:s3], [sflag:$0x5] =	stream.linear.gather [hbm4b:s6+s3], $0xA00, $0x38;
	[tilespmem:$0x1D800] =	vst v63  }
0x1f8: {  	_ =	swait.ge [sflag:s5], $0xA00  }
0x1f9: {  	s15 =	rddreg [dreg:$0x4];
	[sflag:s5] =	ssyncset.done $0x0  }
0x1fa: {  	[sflag:s5] =	ssyncadd.s32 $0xFFFFF600;
	s6 =	sadd.s32 s10, s15  }
0x1fb: {  	[tilespmem:s8], [sflag:$0x5] =	stream.linear.gather [hbm4b:s6+s3], $0xA00, $0x38;
	[tilespmem:$0x1D800] =	vst v63  }
0x1fc: {  	_ =	swait.ge [sflag:s5], $0xA00  }
0x1fd: {  	[sflag:s5] =	ssyncset.done $0x0  }
0x1fe: {  	[sflag:s5] =	ssyncadd.s32 $0xFFFFF600  }
0x1ff: {  	[tilespmem:s11], [sflag:$0x1] =	stream.indirect.gather [hbm4b:s4+s9], $0x80, s3, s9, $0xb8;
	[tilespmem:$0x1D800] =	vst v63  }
0x200: {  	s15 =	rddreg [dreg:$0x6]  }
0x201: {  	[tilespmem:s0], [sflag:$0x2] =	stream.indirect.gather [hbm4b:s4+s9], $0x80, s15, s9, $0xb8;
	[tilespmem:$0x1D800] =	vst v63  }
0x202: {  	_ =	swait.ge [sflag:s12], $0x3E80  }
0x203: {  	[sflag:s12] =	ssyncset.done $0x0  }
0x204: {  	[sflag:s12] =	ssyncadd.s32 $0xFFFFC180  }
0x205: {  	[spmem:s2] =	stream.indirect.scatter.add.f32 [tilespmem:s11], [sflag:$0x3], $0x80, s8, s9, $0xb8;
	[tilespmem:$0x1D800] =	vst v63  }
0x206: {  	_ =	swait.ge [sflag:s7], $0x3E80  }
0x207: {  	[sflag:s7] =	ssyncset.done $0x0  }
0x208: {  	s10 =	rddreg [dreg:$0x7];
	[sflag:s7] =	ssyncadd.s32 $0xFFFFC180  }
0x209: {  	[tilespmem:s11], [sflag:$0x1] =	stream.indirect.gather [hbm4b:s4+s9], $0x80, s10, s9, $0xb8;
	[tilespmem:$0x1D800] =	vst v63  }
0x20a: {  	_ =	swait.ge [sflag:s13], $0x3E80  }
0x20b: {  	[sflag:s13] =	ssyncset.done $0x0  }
0x20c: {  	s15 =	rddreg [dreg:$0x8];
	[sflag:s13] =	ssyncadd.s32 $0xFFFFC180  }
0x20d: {  	[spmem:s2] =	stream.indirect.scatter.add.f32 [tilespmem:s0], [sflag:$0x4], $0x80, s15, s9, $0xb8;
	[tilespmem:$0x1D800] =	vst v63  }
0x20e: {  	_ =	swait.ge [sflag:s14], $0x3E80  }
0x20f: {  	[sflag:s14] =	ssyncset.done $0x0  }
0x210: {  	s10 =	rddreg [dreg:$0x9];
	[sflag:s14] =	ssyncadd.s32 $0xFFFFC180  }
0x211: {  	[tilespmem:s0], [sflag:$0x2] =	stream.indirect.gather [hbm4b:s4+s9], $0x80, s10, s9, $0xb8;
	[tilespmem:$0x1D800] =	vst v63  }
0x212: {  	_ =	swait.ge [sflag:s12], $0x3E80  }
0x213: {  	[sflag:s12] =	ssyncset.done $0x0  }
0x214: {  	s15 =	rddreg [dreg:$0xa];
	[sflag:s12] =	ssyncadd.s32 $0xFFFFC180  }
0x215: {  	[spmem:s2] =	stream.indirect.scatter.add.f32 [tilespmem:s11], [sflag:$0x3], $0x80, s15, s9, $0xb8;
	[tilespmem:$0x1D800] =	vst v63  }
0x216: {  	_ =	swait.ge [sflag:s7], $0x3E80  }
0x217: {  	[sflag:s7] =	ssyncset.done $0x0  }
0x218: {  	s10 =	rddreg [dreg:$0xb];
	[sflag:s7] =	ssyncadd.s32 $0xFFFFC180  }
0x219: {  	[tilespmem:s11], [sflag:$0x1] =	stream.indirect.gather [hbm4b:s4+s9], $0x80, s10, s9, $0xb8;
	[tilespmem:$0x1D800] =	vst v63  }
0x21a: {  	_ =	swait.ge [sflag:s13], $0x3E80  }
0x21b: {  	[sflag:s13] =	ssyncset.done $0x0  }
0x21c: {  	s15 =	rddreg [dreg:$0xc];
	[sflag:s13] =	ssyncadd.s32 $0xFFFFC180  }
0x21d: {  	[spmem:s2] =	stream.indirect.scatter.add.f32 [tilespmem:s0], [sflag:$0x4], $0x80, s15, s9, $0xb8;
	[tilespmem:$0x1D800] =	vst v63  }
0x21e: {  	_ =	swait.ge [sflag:s14], $0x3E80  }
0x21f: {  	[sflag:s14] =	ssyncset.done $0x0  }
0x220: {  	s10 =	rddreg [dreg:$0xd];
	[sflag:s14] =	ssyncadd.s32 $0xFFFFC180  }
0x221: {  	[tilespmem:s0], [sflag:$0x2] =	stream.indirect.gather [hbm4b:s4+s9], $0x80, s10, s9, $0xb8;
	[tilespmem:$0x1D800] =	vst v63  }
0x222: {  	_ =	swait.ge [sflag:s12], $0x3E80  }
0x223: {  	[sflag:s12] =	ssyncset.done $0x0  }
0x224: {  	s15 =	rddreg [dreg:$0xe];
	[sflag:s12] =	ssyncadd.s32 $0xFFFFC180  }
0x225: {  	[spmem:s2] =	stream.indirect.scatter.add.f32 [tilespmem:s11], [sflag:$0x3], $0x80, s15, s9, $0xb8;
	[tilespmem:$0x1D800] =	vst v63  }
0x226: {  	_ =	swait.ge [sflag:s7], $0x3E80  }
0x227: {  	[sflag:s7] =	ssyncset.done $0x0  }
0x228: {  	s10 =	rddreg [dreg:$0xf];
	[sflag:s7] =	ssyncadd.s32 $0xFFFFC180  }
0x229: {  	[tilespmem:s11], [sflag:$0x1] =	stream.indirect.gather [hbm4b:s4+s9], $0x80, s10, s9, $0xb8;
	[tilespmem:$0x1D800] =	vst v63  }
0x22a: {  	_ =	swait.ge [sflag:s13], $0x3E80  }
0x22b: {  	[sflag:s13] =	ssyncset.done $0x0  }
0x22c: {  	s15 =	rddreg [dreg:$0x10];
	[sflag:s13] =	ssyncadd.s32 $0xFFFFC180  }
0x22d: {  	[spmem:s2] =	stream.indirect.scatter.add.f32 [tilespmem:s0], [sflag:$0x4], $0x80, s15, s9, $0xb8;
	[tilespmem:$0x1D800] =	vst v63  }
0x22e: {  	_ =	swait.ge [sflag:s14], $0x3E80  }
0x22f: {  	[sflag:s14] =	ssyncset.done $0x0  }
0x230: {  	s10 =	rddreg [dreg:$0x11];
	[sflag:s14] =	ssyncadd.s32 $0xFFFFC180  }
0x231: {  	[tilespmem:s0], [sflag:$0x2] =	stream.indirect.gather [hbm4b:s4+s9], $0x80, s10, s9, $0xb8;
	[tilespmem:$0x1D800] =	vst v63  }
0x232: {  	_ =	swait.ge [sflag:s12], $0x3E80  }
0x233: {  	[sflag:s12] =	ssyncset.done $0x0  }
0x234: {  	s15 =	rddreg [dreg:$0x12];
	[sflag:s12] =	ssyncadd.s32 $0xFFFFC180  }
0x235: {  	[spmem:s2] =	stream.indirect.scatter.add.f32 [tilespmem:s11], [sflag:$0x3], $0x80, s15, s9, $0xb8;
	[tilespmem:$0x1D800] =	vst v63  }
0x236: {  	_ =	swait.ge [sflag:s7], $0x3E80  }
0x237: {  	[sflag:s7] =	ssyncset.done $0x0  }
0x238: {  	s10 =	rddreg [dreg:$0x13];
	[sflag:s7] =	ssyncadd.s32 $0xFFFFC180  }
0x239: {  	[tilespmem:s11], [sflag:$0x1] =	stream.indirect.gather [hbm4b:s4+s9], $0x80, s10, s9, $0xb8;
	[tilespmem:$0x1D800] =	vst v63  }
0x23a: {  	_ =	swait.ge [sflag:s13], $0x3E80  }
0x23b: {  	[sflag:s13] =	ssyncset.done $0x0  }
0x23c: {  	s15 =	rddreg [dreg:$0x14];
	[sflag:s13] =	ssyncadd.s32 $0xFFFFC180  }
0x23d: {  	[spmem:s2] =	stream.indirect.scatter.add.f32 [tilespmem:s0], [sflag:$0x4], $0x80, s15, s9, $0xb8;
	[tilespmem:$0x1D800] =	vst v63  }
0x23e: {  	_ =	swait.ge [sflag:s14], $0x3E80  }
0x23f: {  	[sflag:s14] =	ssyncset.done $0x0  }
0x240: {  	s10 =	rddreg [dreg:$0x15];
	[sflag:s14] =	ssyncadd.s32 $0xFFFFC180  }
0x241: {  	[tilespmem:s0], [sflag:$0x2] =	stream.indirect.gather [hbm4b:s4+s9], $0x80, s10, s9, $0xb8;
	[tilespmem:$0x1D800] =	vst v63  }
0x242: {  	_ =	swait.ge [sflag:s12], $0x3E80  }
0x243: {  	[sflag:s12] =	ssyncset.done $0x0  }
0x244: {  	s15 =	rddreg [dreg:$0x16];
	[sflag:s12] =	ssyncadd.s32 $0xFFFFC180  }
0x245: {  	[spmem:s2] =	stream.indirect.scatter.add.f32 [tilespmem:s11], [sflag:$0x3], $0x80, s15, s9, $0xb8;
	[tilespmem:$0x1D800] =	vst v63  }
0x246: {  	_ =	swait.ge [sflag:s7], $0x3E80  }
0x247: {  	[sflag:s7] =	ssyncset.done $0x0  }
0x248: {  	s10 =	rddreg [dreg:$0x17];
	[sflag:s7] =	ssyncadd.s32 $0xFFFFC180  }
0x249: {  	[tilespmem:s11], [sflag:$0x1] =	stream.indirect.gather [hbm4b:s4+s9], $0x80, s10, s9, $0xb8;
	[tilespmem:$0x1D800] =	vst v63  }
0x24a: {  	_ =	swait.ge [sflag:s13], $0x3E80  }
0x24b: {  	[sflag:s13] =	ssyncset.done $0x0  }
0x24c: {  	s15 =	rddreg [dreg:$0x18];
	[sflag:s13] =	ssyncadd.s32 $0xFFFFC180  }
0x24d: {  	[spmem:s2] =	stream.indirect.scatter.add.f32 [tilespmem:s0], [sflag:$0x4], $0x80, s15, s9, $0xb8;
	[tilespmem:$0x1D800] =	vst v63  }
0x24e: {  	_ =	swait.ge [sflag:s14], $0x3E80  }
0x24f: {  	[sflag:s14] =	ssyncset.done $0x0  }
0x250: {  	s10 =	rddreg [dreg:$0x19];
	[sflag:s14] =	ssyncadd.s32 $0xFFFFC180  }
0x251: {  	[tilespmem:s0], [sflag:$0x2] =	stream.indirect.gather [hbm4b:s4+s9], $0x80, s10, s9, $0xb8;
	[tilespmem:$0x1D800] =	vst v63  }
0x252: {  	_ =	swait.ge [sflag:s12], $0x3E80  }
0x253: {  	[sflag:s12] =	ssyncset.done $0x0  }
0x254: {  	s15 =	rddreg [dreg:$0x1a];
	[sflag:s12] =	ssyncadd.s32 $0xFFFFC180  }
0x255: {  	[spmem:s2] =	stream.indirect.scatter.add.f32 [tilespmem:s11], [sflag:$0x3], $0x80, s15, s9, $0xb8;
	[tilespmem:$0x1D800] =	vst v63  }
0x256: {  	_ =	swait.ge [sflag:s7], $0x3E80  }
0x257: {  	[sflag:s7] =	ssyncset.done $0x0  }
0x258: {  	s10 =	rddreg [dreg:$0x1b];
	[sflag:s7] =	ssyncadd.s32 $0xFFFFC180  }
0x259: {  	[tilespmem:s11], [sflag:$0x1] =	stream.indirect.gather [hbm4b:s4+s9], $0x80, s10, s9, $0xb8;
	[tilespmem:$0x1D800] =	vst v63  }
0x25a: {  	_ =	swait.ge [sflag:s13], $0x3E80  }
0x25b: {  	[sflag:s13] =	ssyncset.done $0x0  }
0x25c: {  	s15 =	rddreg [dreg:$0x1c];
	[sflag:s13] =	ssyncadd.s32 $0xFFFFC180  }
0x25d: {  	[spmem:s2] =	stream.indirect.scatter.add.f32 [tilespmem:s0], [sflag:$0x4], $0x80, s15, s9, $0xb8;
	[tilespmem:$0x1D800] =	vst v63  }
0x25e: {  	_ =	swait.ge [sflag:s14], $0x3E80  }
0x25f: {  	[sflag:s14] =	ssyncset.done $0x0  }
0x260: {  	[sflag:s14] =	ssyncadd.s32 $0xFFFFC180  }
0x261: {  	[tilespmem:s0], [sflag:$0x2] =	stream.indirect.gather [hbm4b:s4+s9], $0x80, s16, s9, $0xb8;
	[tilespmem:$0x1D800] =	vst v63  }
0x262: {  	_ =	swait.ge [sflag:s12], $0x3E80  }
0x263: {  	[sflag:s12] =	ssyncset.done $0x0  }
0x264: {  	[sflag:s12] =	ssyncadd.s32 $0xFFFFC180  }
0x265: {  	[spmem:s2] =	stream.indirect.scatter.add.f32 [tilespmem:s11], [sflag:$0x3], $0x80, s17, s9, $0xb8;
	[tilespmem:$0x1D800] =	vst v63  }
0x266: {  	_ =	swait.ge [sflag:s7], $0x3E80  }
0x267: {  	[sflag:s7] =	ssyncset.done $0x0  }
0x268: {  	[sflag:s7] =	ssyncadd.s32 $0xFFFFC180  }
0x269: {  	[tilespmem:s11], [sflag:$0x1] =	stream.indirect.gather [hbm4b:s4+s9], $0x80, s18, s9, $0xb8;
	[tilespmem:$0x1D800] =	vst v63  }
0x26a: {  	_ =	swait.ge [sflag:s13], $0x3E80  }
0x26b: {  	[sflag:s13] =	ssyncset.done $0x0  }
0x26c: {  	[sflag:s13] =	ssyncadd.s32 $0xFFFFC180  }
0x26d: {  	[spmem:s2] =	stream.indirect.scatter.add.f32 [tilespmem:s0], [sflag:$0x4], $0x80, s19, s9, $0xb8;
	[tilespmem:$0x1D800] =	vst v63  }
0x26e: {  	_ =	swait.ge [sflag:s14], $0x3E80  }
0x26f: {  	[sflag:s14] =	ssyncset.done $0x0  }
0x270: {  	[sflag:s14] =	ssyncadd.s32 $0xFFFFC180  }
0x271: {  	[tilespmem:s0], [sflag:$0x2] =	stream.indirect.gather [hbm4b:s4+s9], $0x80, s20, s9, $0xb8;
	[tilespmem:$0x1D800] =	vst v63  }
0x272: {  	_ =	swait.ge [sflag:s12], $0x3E80  }
0x273: {  	[sflag:s12] =	ssyncset.done $0x0  }
0x274: {  	[sflag:s12] =	ssyncadd.s32 $0xFFFFC180  }
0x275: {  	[spmem:s2] =	stream.indirect.scatter.add.f32 [tilespmem:s11], [sflag:$0x3], $0x80, s23, s9, $0xb8;
	[tilespmem:$0x1D800] =	vst v63  }
0x276: {  	_ =	swait.ge [sflag:s7], $0x3E80  }
0x277: {  	[sflag:s7] =	ssyncset.done $0x0  }
0x278: {  	[sflag:s7] =	ssyncadd.s32 $0xFFFFC180  }
0x279: {  	[tilespmem:s11], [sflag:$0x1] =	stream.indirect.gather [hbm4b:s4+s9], $0x80, s24, s9, $0xb8;
	[tilespmem:$0x1D800] =	vst v63  }
0x27a: {  	_ =	swait.ge [sflag:s13], $0x3E80  }
0x27b: {  	[sflag:s13] =	ssyncset.done $0x0  }
0x27c: {  	[sflag:s13] =	ssyncadd.s32 $0xFFFFC180  }
0x27d: {  	[spmem:s2] =	stream.indirect.scatter.add.f32 [tilespmem:s0], [sflag:$0x4], $0x80, s25, s9, $0xb8;
	[tilespmem:$0x1D800] =	vst v63  }
0x27e: {  	_ =	swait.ge [sflag:s14], $0x3E80  }
0x27f: {  	[sflag:s14] =	ssyncset.done $0x0  }
0x280: {  	[sflag:s14] =	ssyncadd.s32 $0xFFFFC180  }
0x281: {  	[tilespmem:s0], [sflag:$0x2] =	stream.indirect.gather [hbm4b:s4+s9], $0x80, s26, s9, $0xb8;
	[tilespmem:$0x1D800] =	vst v63  }
0x282: {  	_ =	swait.ge [sflag:s12], $0x3E80  }
0x283: {  	[sflag:s12] =	ssyncset.done $0x0  }
0x284: {  	[sflag:s12] =	ssyncadd.s32 $0xFFFFC180  }
0x285: {  	[spmem:s2] =	stream.indirect.scatter.add.f32 [tilespmem:s11], [sflag:$0x3], $0x80, s28, s9, $0xb8;
	[tilespmem:$0x1D800] =	vst v63  }
0x286: {  	_ =	swait.ge [sflag:s7], $0x3E80  }
0x287: {  	[sflag:s7] =	ssyncset.done $0x0  }
0x288: {  	[sflag:s7] =	ssyncadd.s32 $0xFFFFC180  }
0x289: {  	[tilespmem:s11], [sflag:$0x1] =	stream.indirect.gather [hbm4b:s4+s9], $0x80, s29, s9, $0xb8;
	[tilespmem:$0x1D800] =	vst v63  }
0x28a: {  	_ =	swait.ge [sflag:s13], $0x3E80  }
0x28b: {  	[sflag:s13] =	ssyncset.done $0x0  }
0x28c: {  	[sflag:s13] =	ssyncadd.s32 $0xFFFFC180  }
0x28d: {  	[spmem:s2] =	stream.indirect.scatter.add.f32 [tilespmem:s0], [sflag:$0x4], $0x80, s30, s9, $0xb8;
	[tilespmem:$0x1D800] =	vst v63  }
0x28e: {  	_ =	swait.ge [sflag:s14], $0x3E80  }
0x28f: {  	[sflag:s14] =	ssyncset.done $0x0  }
0x290: {  	[sflag:s14] =	ssyncadd.s32 $0xFFFFC180  }
0x291: {  	[tilespmem:s0], [sflag:$0x2] =	stream.indirect.gather [hbm4b:s4+s9], $0x80, s31, s9, $0xb8;
	[tilespmem:$0x1D800] =	vst v63  }
0x292: {  	_ =	swait.ge [sflag:s12], $0x3E80  }
0x293: {  	[sflag:s12] =	ssyncset.done $0x0  }
0x294: {  	[sflag:s12] =	ssyncadd.s32 $0xFFFFC180  }
0x295: {  	[spmem:s2] =	stream.indirect.scatter.add.f32 [tilespmem:s11], [sflag:$0x3], $0x80, s1, s9, $0xb8;
	[tilespmem:$0x1D800] =	vst v63  }
0x296: {  	_ =	swait.ge [sflag:s13], $0x3E80  }
0x297: {  	[sflag:s13] =	ssyncset.done $0x0  }
0x298: {  	s20 =	simm.s32 $0x1580;
	[sflag:s13] =	ssyncadd.s32 $0xFFFFC180  }
0x299: {  	[spmem:s2] =	stream.indirect.scatter.add.f32 [tilespmem:s0], [sflag:$0x4], $0x80, s20, s9, $0xb8;
	[tilespmem:$0x1D800] =	vst v63  }
0x29a: {  	_ =	swait.ge [sflag:s7], $0x3E80  }
0x29b: {  	[sflag:s7] =	ssyncset.done $0x0  }
0x29c: {  	[sflag:s7] =	ssyncadd.s32 $0xFFFFC180  }
0x29d: {  	_ =	swait.ge [sflag:s14], $0x3E80  }
0x29e: {  	[sflag:s14] =	ssyncset.done $0x0  }
0x29f: {  	[sflag:s14] =	ssyncadd.s32 $0xFFFFC180  }
0x2a0: {  	[bflag:$0x0] =	sbarrier.arrive $0xFFFF  }
0x2a1: {  	s23 =	rddreg [dreg:$0x1e]  }
0x2a2: {  	[tilespmem:s11], [sflag:$0x5] =	stream.linear.gather [spmem:s23], $0x1000, $0x38;
	[tilespmem:$0x1D800] =	vst v63  }
0x2a3: {  	_ =	swait.ge [sflag:s5], $0x1000  }
0x2a4: {  	[sflag:s5] =	ssyncset.done $0x0;
	s25 =	sld [smem:$0x7FD]  }
0x2a5: {  	s24 =	sadd.s32 $0x0, s21;
	[sflag:s5] =	ssyncadd.s32 $0xFFFFF000  }
0x2a6: {  	[hbm4b:s24+s3] =	stream.linear.scatter [tilespmem:s11], [sflag:$0x3], $0x1000, $0x38;
	[tilespmem:$0x1D800] =	vst v63  }
0x2a7: {  	s26 =	sadd.s32 $0xFFFFF000, s25  }
0x2a8: {  	[tilespmem:s0], [sflag:$0x5] =	stream.linear.gather [spmem:s26], $0x1000, $0x38;
	[tilespmem:$0x1D800] =	vst v63  }
0x2a9: {  	_ =	swait.ge [sflag:s5], $0x1000  }
0x2aa: {  	[sflag:s5] =	ssyncset.done $0x0  }
0x2ab: {  	[sflag:s5] =	ssyncadd.s32 $0xFFFFF000  }
0x2ac: {  	_ =	swait.ge [sflag:s7], $0x1000  }
0x2ad: {  	[sflag:s7] =	ssyncset.done $0x0  }
0x2ae: {  	s30 =	sadd.s32 $0x0, s22;
	[sflag:s7] =	ssyncadd.s32 $0xFFFFF000  }
0x2af: {  	[hbm4b:s30+s3] =	stream.linear.scatter [tilespmem:s0], [sflag:$0x4], $0x1000, $0x38;
	[tilespmem:$0x1D800] =	vst v63  }
0x2b0: {  	s6 =	simm.s32 $0x400  }
0x2b1: {  	[tilespmem:s11], [sflag:$0x5] =	stream.linear.gather [spmem:s25], $0x1000, $0x38;
	[tilespmem:$0x1D800] =	vst v63  }
0x2b2: {  	s15 =	simm.s32 $0x800;
	s19 =	simm.s32 $0x780;
	_ =	swait.ge [sflag:s5], $0x1000  }
0x2b3: {  	s28 =	simm.s32 $0x900;
	s29 =	simm.s32 $0x1480;
	[sflag:s5] =	ssyncset.done $0x0  }
0x2b4: {  	s20 =	simm.s32 $0x1300;
	s23 =	simm.s32 $0x800;
	[sflag:s5] =	ssyncadd.s32 $0xFFFFF000  }
0x2b5: {  	s24 =	simm.s32 $0x1380;
	s10 =	sadd.s32 $0x2000, s25;
	_ =	swait.ge [sflag:s14], $0x1000  }
0x2b6: {  	s26 =	simm.s32 $0x1400;
	s25 =	simm.s32 $0x880;
	[sflag:s14] =	ssyncset.done $0x0  }
.LBB2_4:
0x2b7: {  	s16 =	sadd.s32 s6, s21  }
0x2b8: {  	[sflag:s14] =	ssyncadd.s32 $0xFFFFF000;
	s17 =	smov.u32 s15;
	s18 =	sadd.s32 $0x400, s15  }
0x2b9: {  	[hbm4b:s16+s3] =	stream.linear.scatter [tilespmem:s11], [sflag:$0x3], $0x1000, $0x38;
	[tilespmem:$0x1D800] =	vst v63  }
0x2ba: {  	p0 =	sne.s32 s15, $0x2000;
	s15 =	sadd.s32 $0xFFFFF000, s10  }
0x2bb: {  	[tilespmem:s0], [sflag:$0x5] =	stream.linear.gather [spmem:s15], $0x1000, $0x38;
	[tilespmem:$0x1D800] =	vst v63  }
0x2bc: {  	_ =	swait.ge [sflag:s5], $0x1000  }
0x2bd: {  	[sflag:s5] =	ssyncset.done $0x0  }
0x2be: {  	[sflag:s5] =	ssyncadd.s32 $0xFFFFF000  }
0x2bf: {  	_ =	swait.ge [sflag:s7], $0x1000  }
0x2c0: {  	[sflag:s7] =	ssyncset.done $0x0  }
0x2c1: {  	s15 =	sadd.s32 s6, s22;
	s6 =	smov.u32 s17;
	[sflag:s7] =	ssyncadd.s32 $0xFFFFF000  }
0x2c2: {  	[hbm4b:s15+s3] =	stream.linear.scatter [tilespmem:s0], [sflag:$0x4], $0x1000, $0x38;
	[tilespmem:$0x1D800] =	vst v63  }
0x2c3: {  	_ = 	snop  }
0x2c4: {  	[tilespmem:s11], [sflag:$0x5] =	stream.linear.gather [spmem:s10], $0x1000, $0x38;
	[tilespmem:$0x1D800] =	vst v63  }
.Ltmp1:
0x2c5: {  	_ =	swait.ge [sflag:s5], $0x1000;
	(pc) =	sbr.rel @p0 .LBB2_4-.Ltmp1, $4  }
0x2c6: {  	[sflag:s5] =	ssyncset.done $0x0  }
0x2c7: {  	[sflag:s5] =	ssyncadd.s32 $0xFFFFF000  }
0x2c8: {  	_ =	swait.ge [sflag:s14], $0x1000  }
0x2c9: {  	s15 =	smov.u32 s18;
	s10 =	sadd.s32 $0x2000, s10;
	[sflag:s14] =	ssyncset.done $0x0  }
0x2ca: {  	s15 =	sadd.s32 s6, s21;
	[sflag:s14] =	ssyncadd.s32 $0xFFFFF000  }
0x2cb: {  	[hbm4b:s15+s3] =	stream.linear.scatter [tilespmem:s11], [sflag:$0x3], $0x1000, $0x38;
	[tilespmem:$0x1D800] =	vst v63  }
0x2cc: {  	s18 =	sadd.s32 $0xFFFFF000, s10  }
0x2cd: {  	[tilespmem:s0], [sflag:$0x5] =	stream.linear.gather [spmem:s18], $0x1000, $0x38;
	[tilespmem:$0x1D800] =	vst v63  }
0x2ce: {  	_ =	swait.ge [sflag:s5], $0x1000  }
0x2cf: {  	[sflag:s5] =	ssyncset.done $0x0  }
0x2d0: {  	[sflag:s5] =	ssyncadd.s32 $0xFFFFF000  }
0x2d1: {  	_ =	swait.ge [sflag:s7], $0x1000  }
0x2d2: {  	[sflag:s7] =	ssyncset.done $0x0  }
0x2d3: {  	s1 =	sadd.s32 s6, s22;
	[sflag:s7] =	ssyncadd.s32 $0xFFFFF000  }
0x2d4: {  	[hbm4b:s1+s3] =	stream.linear.scatter [tilespmem:s0], [sflag:$0x4], $0x1000, $0x38;
	[tilespmem:$0x1D800] =	vst v63  }
0x2d5: {  	_ = 	snop  }
0x2d6: {  	[tilespmem:s11], [sflag:$0x5] =	stream.linear.gather [spmem:s10], $0x1000, $0x38;
	[tilespmem:$0x1D800] =	vst v63  }
0x2d7: {  	_ =	swait.ge [sflag:s5], $0x1000  }
0x2d8: {  	[sflag:s5] =	ssyncset.done $0x0  }
0x2d9: {  	[sflag:s5] =	ssyncadd.s32 $0xFFFFF000  }
0x2da: {  	_ =	swait.ge [sflag:s14], $0x1000  }
0x2db: {  	s15 =	sld [smem:$0x7E8]  }
0x2dc: {  	[sflag:s14] =	ssyncset.done $0x0  }
0x2dd: {  	s16 =	sld [smem:$0x7F6];
	[sflag:s14] =	ssyncadd.s32 $0xFFFFF000  }
0x2de: {  	[hbm4b:s15+s3] =	stream.linear.scatter [tilespmem:s11], [sflag:$0x3], $0x1000, $0x38;
	[tilespmem:$0x1D800] =	vst v63  }
0x2df: {  	_ = 	snop  }
0x2e0: {  	[tilespmem:s0], [sflag:$0x5] =	stream.linear.gather [spmem:s16], $0x1000, $0x38;
	[tilespmem:$0x1D800] =	vst v63  }
0x2e1: {  	_ =	swait.ge [sflag:s5], $0x1000  }
0x2e2: {  	[sflag:s5] =	ssyncset.done $0x0  }
0x2e3: {  	[sflag:s5] =	ssyncadd.s32 $0xFFFFF000  }
0x2e4: {  	_ =	swait.ge [sflag:s7], $0x1000  }
0x2e5: {  	s17 =	sld [smem:$0x7F3]  }
0x2e6: {  	[sflag:s7] =	ssyncset.done $0x0  }
0x2e7: {  	[sflag:s7] =	ssyncadd.s32 $0xFFFFF000  }
0x2e8: {  	[hbm4b:s17+s3] =	stream.linear.scatter [tilespmem:s0], [sflag:$0x4], $0x1000, $0x38;
	[tilespmem:$0x1D800] =	vst v63  }
0x2e9: {  	_ =	swait.ge [sflag:s14], $0x1000  }
0x2ea: {  	s1 =	sld [smem:$0x7E7];
	_ =	sdelay $0x2  }
0x2eb: {  	s18 =	rddreg [dreg:$0x1f];
	s1 =	sadd.s32 $0x1, s1  }
0x2ec: {  	p0 =	sne.s32 s1, s18  }
.Ltmp2:
0x2ed: {  	_ = 	snop;
	(pc) =	sbr.rel @p0 .LBB2_1-.Ltmp2, $4  }
0x2ee: {  	_ = 	snop  }
0x2ef: {  	s10 =	simm.s32 $0x680;
	s15 =	simm.s32 $0x1200  }
0x2f0: {  	s16 =	simm.s32 $0x700;
	[sflag:s14] =	ssyncset.done $0x0;
	s30 =	rddreg [dreg:$0x1e]  }
0x2f1: {  	s17 =	simm.s32 $0x1280;
	[sflag:s14] =	ssyncadd.s32 $0xFFFFF000;
	s18 =	sld [smem:$0x7FD]  }
0x2f2: {  	_ =	sfence.sel $0x180000  }
0x2f3: {  	[bflag:$0x0] =	sbarrier.arrive $0xFFFF  }
0x2f4: {  	_ =	strace $0x9000004A  }
0x2f5: {  	s0 =	stileid.u32;
	[bflag:$0x2] =	sbarrier.arrive $0xFFFF  }
0x2f6: {  	p0 =	sne.s32 s0, $0x0;
	s0 =	rddreg [dreg:$0x3]  }
0x2f7: {  	s0 =	sadd.s32 @!p0 $0x100000, s0  }
0x2f8: {  	[sflag:s0] =	ssyncadd.tile.s32 @!p0 $0x1;
	_ =	shalt  }
.Lfunc_end2:
_tile_overlayer_lowered:
.L_overlay_start_2:
0x2f9: {  	(tag) =	ssettag $0x2  }
0x2fa: {  	s0 =	rddreg [dreg:$0x0];
	s2 =	stileid.u32  }
0x2fb: {  	s1 =	rddreg [dreg:$0x1];
	p0 =	sne.s32 s2, $0x0  }
0x2fc: {  	s3 =	rddreg [dreg:$0x2];
	[bflag:$0x3] =	sbarrier.arrive $0xFFFF;
	s2 =	simm.s32 @!p0 $0x1C05  }
0x2fd: {  	[timem:s3], [sflag:s2] =	dma.local @!p0 [hbm:s0], s1  }
0x2fe: {  	s0 =	simm.s32 @!p0 $0x5  }
0x2ff: {  	_ =	swait.ge @!p0 [sflag:s0], s1  }
0x300: {  	s1 =	ssub.s32 @!p0 $0x0, s1;
	[sflag:s0] =	ssyncset.done @!p0 $0x0  }
0x301: {  	[sflag:s0] =	ssyncadd.s32 @!p0 s1  }
0x302: {  	[bflag:$0x3] =	sbarrier.arrive $0xFFFF  }
0x303: {  	_ =	shalt  }

// kernel: kernel.7.cloned.1.call-start
scs
__scs_entry_jumppad:
0x0: {  	(pc) =	sbr.rel $0x88, $3  }
0x1: {  	(tag) =	ssettag $0x0;
	lr =	simm.s32 $0x1  }
0x2: {  	[smem:$0x3F97] =	sst lr;
	_ =	strace $0xD0000000  }
0x3: {  	_ = 	snop  }
0x4: {  	_ = 	snop  }
0x5: {  	_ = 	snop  }
0x6: {  	_ = 	snop  }
0x7: {  	_ = 	snop  }
__scs_overlays_trampoline_lowered:
0x8: {  	[smem:$0x3FA6] =	sst s0  }
0x9: {  	[smem:$0x3FA7] =	sst s1  }
0xa: {  	[smem:$0x3FA8] =	sst s2  }
0xb: {  	[smem:$0x3FA9] =	sst s3  }
0xc: {  	[smem:$0x3FAA] =	sst s4  }
0xd: {  	[smem:$0x3FAB] =	sst s5  }
0xe: {  	[smem:$0x3FAC] =	sst s6  }
0xf: {  	[smem:$0x3FAD] =	sst s7  }
0x10: {  	[smem:$0x3FAE] =	sst s8  }
0x11: {  	[smem:$0x3FAF] =	sst s9;
	s0 =	simm.s32 @!p0 $0x0  }
0x12: {  	s1 =	sld [smem:$0x3F95];
	s0 =	simm.s32 @p0 $0x1  }
0x13: {  	[smem:$0x3FB0] =	sst s0;
	s0 =	simm.s32 @!p1 $0x0  }
0x14: {  	s2 =	sld [smem:$0x3F94];
	s0 =	simm.s32 @p1 $0x1  }
0x15: {  	[smem:$0x3FB1] =	sst s0;
	s0 =	simm.s32 @!p2 $0x0  }
0x16: {  	s3 =	sld [smem:$0x3FDB];
	s0 =	simm.s32 @p2 $0x1  }
0x17: {  	s4 =	simm.s32 $0x1BF5;
	[smem:$0x3FB3] =	sst s0  }
0x18: {  	s0 =	sld [smem:$0x3F96];
	_ =	swait.ge [sflag:s4], $0x0  }
0x19: {  	s7 =	sld [smem:$0x3F97]  }
0x1a: {  	s8 =	sadd.s32 $0xFFFFE003, lr  }
0x1b: {  	s9 =	sadd.s32 $0xFFFFFEF7, lr;
	s5 =	simm.s32 $0xFFFFFFFF;
	p2 =	slt.u32 s8, $0xFFFFF086  }
0x1c: {  	p1 =	slt.u32 s9, $0xF7A;
	s5 =	simm.s32 @!p2 $0x0  }
0x1d: {  	s5 =	simm.s32 @p1 $0x1;
	p0 =	seq.s32 s7, s2  }
0x1e: {  	s7 =	smul.u32 @!p0 $0xF7A, s2;
	p2 =	seq.s32 @!p0 s5, $0x0  }
0x1f: {  	s9 =	smul.u32 $0xF7A, s1;
	s8 =	simm.s32 @!p0 $0x1BF5;
	p2 =	por !p2, p0  }
0x20: {  	[sflag:s8] =	ssyncset.s32 @!p0 $0xFFFFF086;
	s6 =	sadd.s32 @!p0 s3, s7;
	s7 =	simm.s32 @!p0 $0x108  }
0x21: {  	s3 =	sadd.s32 s3, s9;
	s6 =	sadd.s32 @!p0 $0x88, s6;
	s7 =	simm.s32 @p2 $0x1082  }
0x22: {  	[simem:s7], [sflag:s8] =	dma.local @!p0 [hbm:s6], $0xF7A  }
0x23: {  	s9 =	sor.u32 $0xD0000000, s2;
	s6 =	simm.s32 $0x108;
	_ =	swait.ge @!p0 [sflag:s8], $0x0  }
0x24: {  	s3 =	sadd.s32 $0x88, s3;
	s6 =	simm.s32 @!p1 $0x1082;
	[sflag:s4] =	ssyncset.s32 $0xFFFFF086  }
0x25: {  	[simem:s6], [sflag:s4] =	dma.local [hbm:s3], $0xF7A  }
0x26: {  	[smem:$0x3F97] =	sst s1;
	(tag) =	ssettag s2;
	_ =	strace s9  }
0x27: {  	s1 =	sld [smem:$0x3FA7]  }
0x28: {  	s2 =	sld [smem:$0x3FA8]  }
0x29: {  	s4 =	sld [smem:$0x3FAA]  }
0x2a: {  	p0 =	seq.s32 s5, $0x0;
	s5 =	sld [smem:$0x3FAB]  }
0x2b: {  	s6 =	sld [smem:$0x3FAC]  }
0x2c: {  	s7 =	sld [smem:$0x3FAD]  }
0x2d: {  	s3 =	simm.s32 $0x108;
	s8 =	sld [smem:$0x3FAE]  }
0x2e: {  	s3 =	simm.s32 @!p0 $0x1082;
	s9 =	sld [smem:$0x3FAF]  }
0x2f: {  	lr =	sadd.s32 s0, s3;
	s0 =	sld [smem:$0x3FA6]  }
0x30: {  	s3 =	sld [smem:$0x3FA9]  }
0x31: {  	[smem:$0x3FB2] =	sst s10  }
0x32: {  	s10 =	sld [smem:$0x3FB0];
	_ =	sdelay $0x3  }
0x33: {  	p0 =	seq.s32 s10, $0x1;
	s10 =	sld [smem:$0x3FB2];
	_ =	sdelay $0x3  }
0x34: {  	[smem:$0x3FB2] =	sst s10  }
0x35: {  	s10 =	sld [smem:$0x3FB1];
	_ =	sdelay $0x3  }
0x36: {  	p1 =	seq.s32 s10, $0x1;
	s10 =	sld [smem:$0x3FB2];
	_ =	sdelay $0x3  }
0x37: {  	[smem:$0x3FB2] =	sst s10  }
0x38: {  	s10 =	sld [smem:$0x3FB3]  }
0x39: {  	_ = 	snop;
	(pc) =	sbr.ind lr, $3  }
0x3a: {  	_ = 	snop  }
0x3b: {  	_ = 	snop  }
0x3c: {  	p2 =	seq.s32 s10, $0x1;
	s10 =	sld [smem:$0x3FB2]  }
0x3d: {  	_ =	shalt  }
0x3e: {  	_ =	shalt  }
0x3f: {  	_ =	shalt  }
0x40: {  	_ =	shalt  }
0x41: {  	_ =	shalt  }
0x42: {  	_ =	shalt  }
0x43: {  	_ =	shalt  }
0x44: {  	_ =	shalt  }
0x45: {  	_ =	shalt  }
0x46: {  	_ =	shalt  }
0x47: {  	_ =	shalt  }
0x48: {  	_ =	shalt  }
0x49: {  	_ =	shalt  }
0x4a: {  	_ =	shalt  }
0x4b: {  	_ =	shalt  }
0x4c: {  	_ =	shalt  }
0x4d: {  	_ =	shalt  }
0x4e: {  	_ =	shalt  }
0x4f: {  	_ =	shalt  }
0x50: {  	_ =	shalt  }
0x51: {  	_ =	shalt  }
0x52: {  	_ =	shalt  }
0x53: {  	_ =	shalt  }
0x54: {  	_ =	shalt  }
0x55: {  	_ =	shalt  }
0x56: {  	_ =	shalt  }
0x57: {  	_ =	shalt  }
0x58: {  	_ =	shalt  }
0x59: {  	_ =	shalt  }
0x5a: {  	_ =	shalt  }
0x5b: {  	_ =	shalt  }
0x5c: {  	_ =	shalt  }
0x5d: {  	_ =	shalt  }
0x5e: {  	_ =	shalt  }
0x5f: {  	_ =	shalt  }
0x60: {  	_ =	shalt  }
0x61: {  	_ =	shalt  }
0x62: {  	_ =	shalt  }
0x63: {  	_ =	shalt  }
0x64: {  	_ =	shalt  }
0x65: {  	_ =	shalt  }
0x66: {  	_ =	shalt  }
0x67: {  	_ =	shalt  }
0x68: {  	_ =	shalt  }
0x69: {  	_ =	shalt  }
0x6a: {  	_ =	shalt  }
0x6b: {  	_ =	shalt  }
0x6c: {  	_ =	shalt  }
0x6d: {  	_ =	shalt  }
0x6e: {  	_ =	shalt  }
0x6f: {  	_ =	shalt  }
0x70: {  	_ =	shalt  }
0x71: {  	_ =	shalt  }
0x72: {  	_ =	shalt  }
0x73: {  	_ =	shalt  }
0x74: {  	_ =	shalt  }
0x75: {  	_ =	shalt  }
0x76: {  	_ =	shalt  }
0x77: {  	_ =	shalt  }
0x78: {  	_ =	shalt  }
0x79: {  	_ =	shalt  }
0x7a: {  	_ =	shalt  }
0x7b: {  	_ =	shalt  }
0x7c: {  	_ =	shalt  }
0x7d: {  	_ =	shalt  }
0x7e: {  	_ =	shalt  }
0x7f: {  	_ =	shalt  }
0x80: {  	_ =	shalt  }
0x81: {  	_ =	shalt  }
0x82: {  	_ =	shalt  }
0x83: {  	_ =	shalt  }
0x84: {  	_ =	shalt  }
0x85: {  	_ =	shalt  }
0x86: {  	_ =	shalt  }
0x87: {  	_ =	shalt  }
.Lfunc_end0:
.L_simem_size_0:
called_computation_lowered:
.L_overlay_start_0:
0x88: {  	s2 =	sld [smem:$0x3FD9]  }
0x89: {  	s3 =	sld [smem:$0x3FFE];
	_ =	sdelay $0x1  }
0x8a: {  	s1 =	srdreg.scid  }
0x8b: {  	s0 =	sand.u32 $0x1, s1  }
0x8c: {  	s17 =	sshll.u32 s0, $0xA;
	s2 =	sadd.s32 s3, s2  }
0x8d: {  	s2 =	sadd.s32 s2, s17  }
0x8e: {  	[smem:$0x3FBE] =	sst s2  }
0x8f: {  	_ = 	snop  }
0x90: {  	s2 =	sld [smem:$0x3FD0];
	(tm) =	ssettm $0x1  }
0x91: {  	s18 =	sld [smem:$0x3FFB];
	_ =	sdelay $0x3  }
0x92: {  	_ =	strace s18  }
0x93: {  	s3 =	sld [smem:$0x3FFC];
	_ =	sdelay $0x3  }
0x94: {  	_ =	strace s3  }
0x95: {  	s3 =	sld [smem:$0x3FFD];
	_ =	sdelay $0x3  }
0x96: {  	_ =	strace s3  }
0x97: {  	_ =	strace $0x8FFFFFFF  }
0x98: {  	s19 =	sld [smem:$0x3FDB];
	_ =	sdelay $0x1  }
0x99: {  	s4 =	simm.s32 $_scs_section_size  }
0x9a: {  	s5 =	simm.s32 $_size__tile_overlayer_lowered;
	s6 =	simm.s32 $_tile_overlayer_lowered  }
0x9b: {  	s22 =	simm.s32 $0x1BFF;
	s21 =	sshll.u32 s6, $0x1;
	s3 =	sadd.s32 s4, s19  }
0x9c: {  	s7 =	simm.s32 $0x0;
	s20 =	sshll.u32 s5, $0x1;
	s5 =	sadd.s32 s21, s3  }
0x9d: {  	[timem:s7], [sflag:s22] =	dma.local [hbm:s5], s20  }
0x9e: {  	_ =	swait.ge [sflag:s22], s20  }
0x9f: {  	s4 =	ssub.s32 $0x0, s20;
	[sflag:s22] =	ssyncset.done $0x0  }
0xa0: {  	[sflag:s22] =	ssyncadd.s32 s4;
	_ =	sdelay $0x1  }
0xa1: {  	s23 =	simm.s32 $0x1B8B  }
0xa2: {  	_ =	swait.ge [sflag:s23], $0x1  }
0xa3: {  	[sflag:s23] =	ssyncset.done $0x0  }
0xa4: {  	s25 =	simm.s32 $0x1B8E;
	s24 =	sld [smem:$0x3FFE];
	[sflag:s23] =	ssyncadd.s32 $0xFFFFFFFF  }
0xa5: {  	s26 =	simm.s32 $execute0_lowered;
	[smem:$0x3FD2] =	sst s25  }
0xa6: {  	s5 =	sshll.u32 s26, $0x1;
	_ =	strace $0x80000046;
	[dreg:$0x1] =	wrdreg $0xFFFFFFFF  }
0xa7: {  	s28 =	simm.s32 $_size_execute0_lowered;
	s3 =	sadd.s32 s3, s5;
	[dreg:$0x0] =	wrdreg $0x0  }
0xa8: {  	s5 =	sshll.u32 s28, $0x1;
	[dreg:$0x2] =	wrdreg s3  }
0xa9: {  	[dreg:$0x3] =	wrdreg s5  }
0xaa: {  	[dreg:$0x4] =	wrdreg $0xC0  }
0xab: {  	_ =	task [dreg:s7], $0x5FFFF  }
0xac: {  	[dreg:$0x1] =	wrdreg $0xFFFFFFFF  }
0xad: {  	[dreg:$0x0] =	wrdreg $0x60  }
0xae: {  	[dreg:$0x2] =	wrdreg s24  }
0xaf: {  	[dreg:$0x3] =	wrdreg s2  }
0xb0: {  	[dreg:$0x4] =	wrdreg $0x98000  }
0xb1: {  	[dreg:$0x5] =	wrdreg $0x9  }
0xb2: {  	_ =	task.clear_ibuf [dreg:s7], $0x6FFFF;
	_ =	strace $0x90000046  }
0xb3: {  	s29 =	simm.s32 $0x9;
	_ =	strace $0x80000048  }
0xb4: {  	_ =	swait.ge [sflag:s29], $0x1  }
0xb5: {  	[sflag:s29] =	ssyncadd.s32 $0xFFFFFFFF  }
0xb6: {  	_ =	strace $0x90000048  }
0xb7: {  	_ =	sfence  }
0xb8: {  	s30 =	sld [smem:$0x0];
	_ =	sdelay $0x2  }
0xb9: {  	s31 =	sshll.u32 s1, $0xD;
	s1 =	sshrl.u32 s1, $0x2  }
0xba: {  	s3 =	sand.u32 $0x4000, s31;
	s1 =	sadd.s32 s1, s30  }
0xbb: {  	s0 =	sor.u32 s3, s0;
	s1 =	sshll.u32 s1, $0x11  }
0xbc: {  	s0 =	sor.u32 s1, s0  }
0xbd: {  	s0 =	sadd.s32 $0x8F2B, s0  }
0xbe: {  	[sflag:s0] =	ssyncadd.remote.s32 $0x1  }
0xbf: {  	_ =	sfence.sel $0xFFFF  }
0xc0: {  	[dreg:$0x0] =	wrdreg $0xFFFFFFFF;
	(pc) =	sbr.abs _section_cstart, $3  }
0xc1: {  	[dreg:$0x1] =	wrdreg $0xFFFFFFFF  }
0xc2: {  	_ =	task.clear_ibuf [dreg:s7], $0x2FFFF;
	_ =	strace $0x9FFFFFFF  }
0xc3: {  	(tm) =	ssettm $0x7FFFFFFF  }
tec
execute0_lowered:
.L_overlay_start_1:
0x0: {  	(tag) =	ssettag $0x1  }
0x1: {  	s1 =	rddreg [dreg:$0x0]  }
0x2: {  	s5 =	rddreg [dreg:$0x1]  }
0x3: {  	s2 =	rddreg [dreg:$0x2];
	s3 =	simm.s32 $0x0  }
0x4: {  	[smem:$0x7FF] =	sst s3;
	s9 =	sadd.s32 $0x35000, s1  }
0x5: {  	s10 =	sadd.s32 $0x5D000, s1;
	_ =	strace $0x80000047;
	[dreg:$0x1b] =	wrdreg s9  }
0x6: {  	s17 =	simm.s32 $0x80;
	[dreg:$0x1c] =	wrdreg s10  }
0x7: {  	s0 =	srdreg.scid;
	s19 =	simm.s32 $0x100;
	[dreg:$0x5] =	wrdreg s17  }
0x8: {  	s11 =	stileid.u32;
	s21 =	simm.s32 $0x180;
	[dreg:$0x6] =	wrdreg s19  }
0x9: {  	s23 =	simm.s32 $0x200;
	s25 =	simm.s32 $0x280;
	[dreg:$0x7] =	wrdreg s21  }
0xa: {  	s6 =	sand.u32 $0x1, s0;
	s13 =	smul.u32 $0x6000, s11;
	[dreg:$0x8] =	wrdreg s23  }
0xb: {  	s31 =	simm.s32 $0x300;
	s4 =	smul.u32 $0x3000, s6;
	[dreg:$0x9] =	wrdreg s25  }
0xc: {  	s9 =	smul.u32 $0x14000, s11;
	[dreg:$0xa] =	wrdreg s31;
	s23 =	simm.s32 $0x780  }
0xd: {  	s11 =	smul.u32 $0x50000, s11;
	s25 =	simm.s32 $0x800;
	[dreg:$0x13] =	wrdreg s23  }
0xe: {  	s8 =	smul.u32 $0x140000, s6;
	s6 =	ssub.s32 $0x2, s6;
	[dreg:$0x14] =	wrdreg s25  }
0xf: {  	s0 =	sadd.s32 s4, s13;
	s13 =	sshrl.u32 s6, $0x1;
	s11 =	sshrl.u32 s11, $0x2  }
0x10: {  	s6 =	ssub.s32 s6, s13;
	s13 =	sadd.s32 s11, s2;
	s11 =	simm.s32 $0x480  }
0x11: {  	[dreg:$0xd] =	wrdreg s11  }
0x12: {  	s6 =	smax.u32 s6, $0x1;
	[dreg:$0x1d] =	wrdreg s13  }
0x13: {  	s7 =	sshrl.u32 s0, $0x3;
	s16 =	sadd.s32 $0x1000, s13;
	[dreg:$0x1e] =	wrdreg s6  }
0x14: {  	s5 =	sadd.s32 s7, s5;
	[smem:$0x7E5] =	sst s16  }
0x15: {  	s10 =	sadd.s32 $0x5D800, s1;
	s18 =	sadd.s32 $0x2000, s13;
	[dreg:$0x4] =	wrdreg s5  }
0x16: {  	s4 =	sadd.s32 $0xDE00, s1;
	s20 =	sadd.s32 $0x3000, s13;
	[smem:$0x7E6] =	sst s18  }
0x17: {  	s12 =	sadd.s32 s8, s9;
	s22 =	sadd.s32 $0x4000, s13;
	[smem:$0x7E7] =	sst s20  }
0x18: {  	s17 =	sshrl.u32 s12, $0x3;
	s24 =	sadd.s32 $0x5000, s13;
	[smem:$0x7E8] =	sst s22  }
0x19: {  	s0 =	sadd.s32 s7, s1;
	s7 =	simm.s32 $0x380;
	[smem:$0x7E9] =	sst s24  }
0x1a: {  	s14 =	sadd.s32 $0x12000, s12;
	s19 =	sadd.s32 s17, s10;
	[dreg:$0xb] =	wrdreg s7  }
0x1b: {  	s1 =	sadd.s32 $0xAD800, s1;
	s11 =	sadd.s32 $0x7000, s13;
	[dreg:$0x18] =	wrdreg s19  }
0x1c: {  	s14 =	sshrl.u32 s14, $0x3;
	s23 =	sadd.s32 $0x11000, s13;
	[smem:$0x7EE] =	sst s11  }
0x1d: {  	s15 =	sadd.s32 s1, s14;
	[smem:$0x7F9] =	sst s23  }
0x1e: {  	s26 =	sadd.s32 s10, s14;
	[dreg:$0x1f] =	wrdreg s15  }
0x1f: {  	s6 =	sadd.s32 $0x13000, s9;
	s9 =	simm.s32 $0x400;
	[smem:$0x7EA] =	sst s26  }
0x20: {  	s16 =	simm.s32 $0x580;
	[dreg:$0xc] =	wrdreg s9  }
0x21: {  	s18 =	simm.s32 $0x600;
	[dreg:$0xf] =	wrdreg s16  }
0x22: {  	s20 =	simm.s32 $0x680;
	[dreg:$0x10] =	wrdreg s18  }
0x23: {  	s22 =	simm.s32 $0x700;
	[dreg:$0x11] =	wrdreg s20  }
0x24: {  	s31 =	sadd.s32 s17, s1;
	s17 =	sadd.s32 $0xB000, s13;
	[dreg:$0x12] =	wrdreg s22  }
0x25: {  	s29 =	simm.s32 $0x1480;
	s19 =	sadd.s32 $0xD000, s13;
	[smem:$0x7F3] =	sst s17  }
0x26: {  	s30 =	simm.s32 $0x1500;
	s28 =	simm.s32 $0x0;
	[smem:$0x7F5] =	sst s19  }
0x27: {  	s21 =	sor.u32 $0x1000, s12;
	s25 =	sadd.s32 $0x1E00, s0;
	[dreg:$0x1a] =	wrdreg s31  }
0x28: {  	s5 =	simm.s32 $0x5;
	s15 =	simm.s32 $0x500;
	[smem:$0x7FD] =	sst s25  }
0x29: {  	s23 =	simm.s32 $0x2;
	s26 =	simm.s32 $0x880;
	[dreg:$0xe] =	wrdreg s15  }
0x2a: {  	s11 =	simm.s32 $0x1080;
	s9 =	sadd.s32 $0x6000, s13;
	[dreg:$0x15] =	wrdreg s26  }
0x2b: {  	s8 =	sadd.s32 s8, s6;
	s12 =	sadd.s32 s6, s2;
	[smem:$0x7ED] =	sst s9  }
0x2c: {  	s16 =	sadd.s32 $0xA000, s13;
	s18 =	sadd.s32 $0xC000, s13;
	[smem:$0x7EF] =	sst s12  }
0x2d: {  	s20 =	sadd.s32 $0xE000, s13;
	s22 =	sadd.s32 $0x10000, s13;
	[smem:$0x7F2] =	sst s16  }
0x2e: {  	s17 =	simm.s32 $0x5800;
	s19 =	simm.s32 $0x1180;
	[smem:$0x7F4] =	sst s18  }
0x2f: {  	s6 =	simm.s32 $0x1380;
	s7 =	sshrl.u32 s8, $0x3;
	[smem:$0x7F6] =	sst s20  }
0x30: {  	s8 =	sshrl.u32 s21, $0x3;
	s15 =	sadd.s32 $0x9000, s13;
	[smem:$0x7F8] =	sst s22  }
0x31: {  	s21 =	sadd.s32 $0xF000, s13;
	s26 =	sadd.s32 $0x13000, s13;
	[smem:$0x7F1] =	sst s15  }
0x32: {  	s12 =	simm.s32 $0xC00;
	s22 =	simm.s32 $0x1;
	[smem:$0x7F7] =	sst s21  }
0x33: {  	s9 =	simm.s32 $0xE80;
	s14 =	sadd.s32 s10, s7;
	[smem:$0x7FB] =	sst s26  }
0x34: {  	s16 =	simm.s32 $0xF80;
	s7 =	sadd.s32 s1, s7;
	[smem:$0x7EB] =	sst s14  }
0x35: {  	s18 =	simm.s32 $0x1100;
	s24 =	sadd.s32 s8, s10;
	[smem:$0x7EC] =	sst s7  }
0x36: {  	s20 =	simm.s32 $0x1200;
	s10 =	simm.s32 $0x980;
	[dreg:$0x19] =	wrdreg s24  }
0x37: {  	s8 =	sadd.s32 s8, s1;
	s26 =	simm.s32 $0x4;
	[dreg:$0x17] =	wrdreg s10  }
0x38: {  	s1 =	simm.s32 $0xD00;
	s7 =	simm.s32 $0x900;
	[smem:$0x7FC] =	sst s8  }
0x39: {  	s15 =	simm.s32 $0xF00;
	s14 =	sadd.s32 $0x8000, s13;
	[dreg:$0x16] =	wrdreg s7  }
0x3a: {  	s21 =	simm.s32 $0x1280;
	s24 =	sadd.s32 $0x12000, s13;
	[smem:$0x7F0] =	sst s14  }
0x3b: {  	s10 =	simm.s32 $0x3;
	s13 =	simm.s32 $0x7D;
	[smem:$0x7FA] =	sst s24  }
0x3c: {  	s14 =	simm.s32 $0x1800;
	s7 =	simm.s32 $0x1000;
	s24 =	simm.s32 $0x1300  }
.LBB2_1:
0x3d: {  	[smem:$0x7E4] =	sst s28  }
0x3e: {  	s0 =	rddreg [dreg:$0x1b]  }
0x3f: {  	[tilespmem:s17], [sflag:$0x5] =	stream.linear.gather [hbm4b:s0+s3], $0x1000, $0x38;
	[tilespmem:$0x1D800] =	vst v63  }
0x40: {  	_ =	swait.ge [sflag:s5], $0x1000  }
0x41: {  	[sflag:s5] =	ssyncset.done $0x0;
	s31 =	rddreg [dreg:$0x1d]  }
0x42: {  	s8 =	sld [smem:$0x7E5];
	[sflag:s5] =	ssyncadd.s32 $0xFFFFF000  }
0x43: {  	[spmem:s31] =	stream.linear.scatter [tilespmem:s17], [sflag:$0x3], $0x1000, $0x38;
	[tilespmem:$0x1D800] =	vst v63  }
0x44: {  	s31 =	sld [smem:$0x7E6]  }
0x45: {  	[spmem:s8] =	stream.linear.scatter [tilespmem:s17], [sflag:$0x3], $0x1000, $0x38;
	[tilespmem:$0x1D800] =	vst v63  }
0x46: {  	s8 =	sld [smem:$0x7E7]  }
0x47: {  	[spmem:s31] =	stream.linear.scatter [tilespmem:s17], [sflag:$0x3], $0x1000, $0x38;
	[tilespmem:$0x1D800] =	vst v63  }
0x48: {  	s31 =	sld [smem:$0x7E8]  }
0x49: {  	[spmem:s8] =	stream.linear.scatter [tilespmem:s17], [sflag:$0x3], $0x1000, $0x38;
	[tilespmem:$0x1D800] =	vst v63  }
0x4a: {  	s8 =	sld [smem:$0x7E9]  }
0x4b: {  	[spmem:s31] =	stream.linear.scatter [tilespmem:s17], [sflag:$0x3], $0x1000, $0x38;
	[tilespmem:$0x1D800] =	vst v63  }
0x4c: {  	s31 =	sld [smem:$0x7ED]  }
0x4d: {  	[spmem:s8] =	stream.linear.scatter [tilespmem:s17], [sflag:$0x3], $0x1000, $0x38;
	[tilespmem:$0x1D800] =	vst v63  }
0x4e: {  	s8 =	sld [smem:$0x7EE]  }
0x4f: {  	[spmem:s31] =	stream.linear.scatter [tilespmem:s17], [sflag:$0x3], $0x1000, $0x38;
	[tilespmem:$0x1D800] =	vst v63  }
0x50: {  	s31 =	sld [smem:$0x7F0]  }
0x51: {  	[spmem:s8] =	stream.linear.scatter [tilespmem:s17], [sflag:$0x3], $0x1000, $0x38;
	[tilespmem:$0x1D800] =	vst v63  }
0x52: {  	s8 =	sld [smem:$0x7F1]  }
0x53: {  	[spmem:s31] =	stream.linear.scatter [tilespmem:s17], [sflag:$0x3], $0x1000, $0x38;
	[tilespmem:$0x1D800] =	vst v63  }
0x54: {  	s31 =	sld [smem:$0x7F2]  }
0x55: {  	[spmem:s8] =	stream.linear.scatter [tilespmem:s17], [sflag:$0x3], $0x1000, $0x38;
	[tilespmem:$0x1D800] =	vst v63  }
0x56: {  	s8 =	sld [smem:$0x7F3]  }
0x57: {  	[spmem:s31] =	stream.linear.scatter [tilespmem:s17], [sflag:$0x3], $0x1000, $0x38;
	[tilespmem:$0x1D800] =	vst v63  }
0x58: {  	s31 =	sld [smem:$0x7F4]  }
0x59: {  	[spmem:s8] =	stream.linear.scatter [tilespmem:s17], [sflag:$0x3], $0x1000, $0x38;
	[tilespmem:$0x1D800] =	vst v63  }
0x5a: {  	s8 =	sld [smem:$0x7F5]  }
0x5b: {  	[spmem:s31] =	stream.linear.scatter [tilespmem:s17], [sflag:$0x3], $0x1000, $0x38;
	[tilespmem:$0x1D800] =	vst v63  }
0x5c: {  	s31 =	sld [smem:$0x7F6]  }
0x5d: {  	[spmem:s8] =	stream.linear.scatter [tilespmem:s17], [sflag:$0x3], $0x1000, $0x38;
	[tilespmem:$0x1D800] =	vst v63  }
0x5e: {  	s8 =	sld [smem:$0x7F7]  }
0x5f: {  	[spmem:s31] =	stream.linear.scatter [tilespmem:s17], [sflag:$0x3], $0x1000, $0x38;
	[tilespmem:$0x1D800] =	vst v63  }
0x60: {  	s31 =	sld [smem:$0x7F8]  }
0x61: {  	[spmem:s8] =	stream.linear.scatter [tilespmem:s17], [sflag:$0x3], $0x1000, $0x38;
	[tilespmem:$0x1D800] =	vst v63  }
0x62: {  	s8 =	sld [smem:$0x7F9]  }
0x63: {  	[spmem:s31] =	stream.linear.scatter [tilespmem:s17], [sflag:$0x3], $0x1000, $0x38;
	[tilespmem:$0x1D800] =	vst v63  }
0x64: {  	s31 =	sld [smem:$0x7FA]  }
0x65: {  	[spmem:s8] =	stream.linear.scatter [tilespmem:s17], [sflag:$0x3], $0x1000, $0x38;
	[tilespmem:$0x1D800] =	vst v63  }
0x66: {  	s8 =	sld [smem:$0x7FB]  }
0x67: {  	[spmem:s31] =	stream.linear.scatter [tilespmem:s17], [sflag:$0x3], $0x1000, $0x38;
	[tilespmem:$0x1D800] =	vst v63  }
0x68: {  	_ = 	snop  }
0x69: {  	[spmem:s8] =	stream.linear.scatter [tilespmem:s17], [sflag:$0x3], $0x1000, $0x38;
	[tilespmem:$0x1D800] =	vst v63  }
0x6a: {  	_ =	swait.ge [sflag:s10], $0x1000  }
0x6b: {  	[sflag:s10] =	ssyncset.done $0x0  }
0x6c: {  	[sflag:s10] =	ssyncadd.s32 $0xFFFFF000  }
0x6d: {  	_ =	swait.ge [sflag:s10], $0x1000  }
0x6e: {  	[sflag:s10] =	ssyncset.done $0x0  }
0x6f: {  	[sflag:s10] =	ssyncadd.s32 $0xFFFFF000  }
0x70: {  	_ =	swait.ge [sflag:s10], $0x1000  }
0x71: {  	[sflag:s10] =	ssyncset.done $0x0  }
0x72: {  	[sflag:s10] =	ssyncadd.s32 $0xFFFFF000  }
0x73: {  	_ =	swait.ge [sflag:s10], $0x1000  }
0x74: {  	[sflag:s10] =	ssyncset.done $0x0  }
0x75: {  	[sflag:s10] =	ssyncadd.s32 $0xFFFFF000  }
0x76: {  	_ =	swait.ge [sflag:s10], $0x1000  }
0x77: {  	[sflag:s10] =	ssyncset.done $0x0  }
0x78: {  	[sflag:s10] =	ssyncadd.s32 $0xFFFFF000  }
0x79: {  	_ =	swait.ge [sflag:s10], $0x1000  }
0x7a: {  	[sflag:s10] =	ssyncset.done $0x0  }
0x7b: {  	[sflag:s10] =	ssyncadd.s32 $0xFFFFF000  }
0x7c: {  	_ =	swait.ge [sflag:s10], $0x1000  }
0x7d: {  	[sflag:s10] =	ssyncset.done $0x0  }
0x7e: {  	[sflag:s10] =	ssyncadd.s32 $0xFFFFF000  }
0x7f: {  	_ =	swait.ge [sflag:s10], $0x1000  }
0x80: {  	[sflag:s10] =	ssyncset.done $0x0  }
0x81: {  	[sflag:s10] =	ssyncadd.s32 $0xFFFFF000  }
0x82: {  	_ =	swait.ge [sflag:s10], $0x1000  }
0x83: {  	[sflag:s10] =	ssyncset.done $0x0  }
0x84: {  	[sflag:s10] =	ssyncadd.s32 $0xFFFFF000  }
0x85: {  	_ =	swait.ge [sflag:s10], $0x1000  }
0x86: {  	[sflag:s10] =	ssyncset.done $0x0  }
0x87: {  	[sflag:s10] =	ssyncadd.s32 $0xFFFFF000  }
0x88: {  	_ =	swait.ge [sflag:s10], $0x1000  }
0x89: {  	[sflag:s10] =	ssyncset.done $0x0  }
0x8a: {  	[sflag:s10] =	ssyncadd.s32 $0xFFFFF000  }
0x8b: {  	_ =	swait.ge [sflag:s10], $0x1000  }
0x8c: {  	[sflag:s10] =	ssyncset.done $0x0  }
0x8d: {  	[sflag:s10] =	ssyncadd.s32 $0xFFFFF000  }
0x8e: {  	_ =	swait.ge [sflag:s10], $0x1000  }
0x8f: {  	[sflag:s10] =	ssyncset.done $0x0  }
0x90: {  	[sflag:s10] =	ssyncadd.s32 $0xFFFFF000  }
0x91: {  	_ =	swait.ge [sflag:s10], $0x1000  }
0x92: {  	[sflag:s10] =	ssyncset.done $0x0  }
0x93: {  	[sflag:s10] =	ssyncadd.s32 $0xFFFFF000  }
0x94: {  	_ =	swait.ge [sflag:s10], $0x1000  }
0x95: {  	[sflag:s10] =	ssyncset.done $0x0  }
0x96: {  	[sflag:s10] =	ssyncadd.s32 $0xFFFFF000  }
0x97: {  	_ =	swait.ge [sflag:s10], $0x1000  }
0x98: {  	[sflag:s10] =	ssyncset.done $0x0  }
0x99: {  	[sflag:s10] =	ssyncadd.s32 $0xFFFFF000  }
0x9a: {  	_ =	swait.ge [sflag:s10], $0x1000  }
0x9b: {  	[sflag:s10] =	ssyncset.done $0x0  }
0x9c: {  	[sflag:s10] =	ssyncadd.s32 $0xFFFFF000  }
0x9d: {  	_ =	swait.ge [sflag:s10], $0x1000  }
0x9e: {  	[sflag:s10] =	ssyncset.done $0x0  }
0x9f: {  	[sflag:s10] =	ssyncadd.s32 $0xFFFFF000  }
0xa0: {  	_ =	swait.ge [sflag:s10], $0x1000  }
0xa1: {  	[sflag:s10] =	ssyncset.done $0x0  }
0xa2: {  	[sflag:s10] =	ssyncadd.s32 $0xFFFFF000  }
0xa3: {  	_ =	swait.ge [sflag:s10], $0x1000  }
0xa4: {  	[sflag:s10] =	ssyncset.done $0x0  }
0xa5: {  	[sflag:s10] =	ssyncadd.s32 $0xFFFFF000  }
0xa6: {  	[bflag:$0x0] =	sbarrier.arrive $0xFFFF  }
0xa7: {  	s28 =	rddreg [dreg:$0x4]  }
0xa8: {  	s28 =	sadd.s32 $0x0, s28  }
0xa9: {  	[tilespmem:s3], [sflag:$0x5] =	stream.linear.gather [hbm4b:s28+s3], $0xA00, $0x38;
	[tilespmem:$0x1D800] =	vst v63  }
0xaa: {  	_ =	swait.ge [sflag:s5], $0xA00  }
0xab: {  	[sflag:s5] =	ssyncset.done $0x0  }
0xac: {  	s28 =	sadd.s32 $0x0, s25;
	[sflag:s5] =	ssyncadd.s32 $0xFFFFF600  }
0xad: {  	[tilespmem:s12], [sflag:$0x5] =	stream.linear.gather [hbm4b:s28+s3], $0xA00, $0x38;
	[tilespmem:$0x1D800] =	vst v63  }
0xae: {  	_ =	swait.ge [sflag:s5], $0xA00  }
0xaf: {  	[sflag:s5] =	ssyncset.done $0x0  }
0xb0: {  	[sflag:s5] =	ssyncadd.s32 $0xFFFFF600  }
0xb1: {  	[tilespmem:s14], [sflag:$0x1] =	stream.indirect.gather [hbm4b:s4+s13], $0x80, s3, s13, $0xb8;
	[tilespmem:$0x1D800] =	vst v63  }
0xb2: {  	s28 =	rddreg [dreg:$0x5]  }
0xb3: {  	[tilespmem:s17], [sflag:$0x2] =	stream.indirect.gather [hbm4b:s4+s13], $0x80, s28, s13, $0xb8;
	[tilespmem:$0x1D800] =	vst v63  }
0xb4: {  	_ =	swait.ge [sflag:s22], $0x3E80  }
0xb5: {  	[sflag:s22] =	ssyncset.done $0x0  }
0xb6: {  	[sflag:s22] =	ssyncadd.s32 $0xFFFFC180  }
0xb7: {  	[spmem:s2] =	stream.indirect.scatter.add.f32 [tilespmem:s14], [sflag:$0x3], $0x80, s12, s13, $0xb8;
	[tilespmem:$0x1D800] =	vst v63  }
0xb8: {  	_ =	swait.ge [sflag:s10], $0x3E80  }
0xb9: {  	[sflag:s10] =	ssyncset.done $0x0  }
0xba: {  	s28 =	rddreg [dreg:$0x6];
	[sflag:s10] =	ssyncadd.s32 $0xFFFFC180  }
0xbb: {  	[tilespmem:s14], [sflag:$0x1] =	stream.indirect.gather [hbm4b:s4+s13], $0x80, s28, s13, $0xb8;
	[tilespmem:$0x1D800] =	vst v63  }
0xbc: {  	_ =	swait.ge [sflag:s23], $0x3E80  }
0xbd: {  	[sflag:s23] =	ssyncset.done $0x0  }
0xbe: {  	s31 =	simm.s32 $0xC80;
	[sflag:s23] =	ssyncadd.s32 $0xFFFFC180  }
0xbf: {  	[spmem:s2] =	stream.indirect.scatter.add.f32 [tilespmem:s17], [sflag:$0x4], $0x80, s31, s13, $0xb8;
	[tilespmem:$0x1D800] =	vst v63  }
0xc0: {  	_ =	swait.ge [sflag:s26], $0x3E80  }
0xc1: {  	[sflag:s26] =	ssyncset.done $0x0  }
0xc2: {  	s28 =	rddreg [dreg:$0x7];
	[sflag:s26] =	ssyncadd.s32 $0xFFFFC180  }
0xc3: {  	[tilespmem:s17], [sflag:$0x2] =	stream.indirect.gather [hbm4b:s4+s13], $0x80, s28, s13, $0xb8;
	[tilespmem:$0x1D800] =	vst v63  }
0xc4: {  	_ =	swait.ge [sflag:s22], $0x3E80  }
0xc5: {  	[sflag:s22] =	ssyncset.done $0x0  }
0xc6: {  	[sflag:s22] =	ssyncadd.s32 $0xFFFFC180  }
0xc7: {  	[spmem:s2] =	stream.indirect.scatter.add.f32 [tilespmem:s14], [sflag:$0x3], $0x80, s1, s13, $0xb8;
	[tilespmem:$0x1D800] =	vst v63  }
0xc8: {  	_ =	swait.ge [sflag:s10], $0x3E80  }
0xc9: {  	[sflag:s10] =	ssyncset.done $0x0  }
0xca: {  	s28 =	rddreg [dreg:$0x8];
	[sflag:s10] =	ssyncadd.s32 $0xFFFFC180  }
0xcb: {  	[tilespmem:s14], [sflag:$0x1] =	stream.indirect.gather [hbm4b:s4+s13], $0x80, s28, s13, $0xb8;
	[tilespmem:$0x1D800] =	vst v63  }
0xcc: {  	_ =	swait.ge [sflag:s23], $0x3E80  }
0xcd: {  	[sflag:s23] =	ssyncset.done $0x0  }
0xce: {  	s8 =	simm.s32 $0xD80;
	[sflag:s23] =	ssyncadd.s32 $0xFFFFC180  }
0xcf: {  	[spmem:s2] =	stream.indirect.scatter.add.f32 [tilespmem:s17], [sflag:$0x4], $0x80, s8, s13, $0xb8;
	[tilespmem:$0x1D800] =	vst v63  }
0xd0: {  	_ =	swait.ge [sflag:s26], $0x3E80  }
0xd1: {  	[sflag:s26] =	ssyncset.done $0x0  }
0xd2: {  	s28 =	rddreg [dreg:$0x9];
	[sflag:s26] =	ssyncadd.s32 $0xFFFFC180  }
0xd3: {  	[tilespmem:s17], [sflag:$0x2] =	stream.indirect.gather [hbm4b:s4+s13], $0x80, s28, s13, $0xb8;
	[tilespmem:$0x1D800] =	vst v63  }
0xd4: {  	_ =	swait.ge [sflag:s22], $0x3E80  }
0xd5: {  	[sflag:s22] =	ssyncset.done $0x0  }
0xd6: {  	s31 =	simm.s32 $0xE00;
	[sflag:s22] =	ssyncadd.s32 $0xFFFFC180  }
0xd7: {  	[spmem:s2] =	stream.indirect.scatter.add.f32 [tilespmem:s14], [sflag:$0x3], $0x80, s31, s13, $0xb8;
	[tilespmem:$0x1D800] =	vst v63  }
0xd8: {  	_ =	swait.ge [sflag:s10], $0x3E80  }
0xd9: {  	[sflag:s10] =	ssyncset.done $0x0  }
0xda: {  	s28 =	rddreg [dreg:$0xa];
	[sflag:s10] =	ssyncadd.s32 $0xFFFFC180  }
0xdb: {  	[tilespmem:s14], [sflag:$0x1] =	stream.indirect.gather [hbm4b:s4+s13], $0x80, s28, s13, $0xb8;
	[tilespmem:$0x1D800] =	vst v63  }
0xdc: {  	_ =	swait.ge [sflag:s23], $0x3E80  }
0xdd: {  	[sflag:s23] =	ssyncset.done $0x0  }
0xde: {  	[sflag:s23] =	ssyncadd.s32 $0xFFFFC180  }
0xdf: {  	[spmem:s2] =	stream.indirect.scatter.add.f32 [tilespmem:s17], [sflag:$0x4], $0x80, s9, s13, $0xb8;
	[tilespmem:$0x1D800] =	vst v63  }
0xe0: {  	_ =	swait.ge [sflag:s26], $0x3E80  }
0xe1: {  	[sflag:s26] =	ssyncset.done $0x0  }
0xe2: {  	s28 =	rddreg [dreg:$0xb];
	[sflag:s26] =	ssyncadd.s32 $0xFFFFC180  }
0xe3: {  	[tilespmem:s17], [sflag:$0x2] =	stream.indirect.gather [hbm4b:s4+s13], $0x80, s28, s13, $0xb8;
	[tilespmem:$0x1D800] =	vst v63  }
0xe4: {  	_ =	swait.ge [sflag:s22], $0x3E80  }
0xe5: {  	[sflag:s22] =	ssyncset.done $0x0  }
0xe6: {  	[sflag:s22] =	ssyncadd.s32 $0xFFFFC180  }
0xe7: {  	[spmem:s2] =	stream.indirect.scatter.add.f32 [tilespmem:s14], [sflag:$0x3], $0x80, s15, s13, $0xb8;
	[tilespmem:$0x1D800] =	vst v63  }
0xe8: {  	_ =	swait.ge [sflag:s10], $0x3E80  }
0xe9: {  	[sflag:s10] =	ssyncset.done $0x0  }
0xea: {  	s28 =	rddreg [dreg:$0xc];
	[sflag:s10] =	ssyncadd.s32 $0xFFFFC180  }
0xeb: {  	[tilespmem:s14], [sflag:$0x1] =	stream.indirect.gather [hbm4b:s4+s13], $0x80, s28, s13, $0xb8;
	[tilespmem:$0x1D800] =	vst v63  }
0xec: {  	_ =	swait.ge [sflag:s23], $0x3E80  }
0xed: {  	[sflag:s23] =	ssyncset.done $0x0  }
0xee: {  	[sflag:s23] =	ssyncadd.s32 $0xFFFFC180  }
0xef: {  	[spmem:s2] =	stream.indirect.scatter.add.f32 [tilespmem:s17], [sflag:$0x4], $0x80, s16, s13, $0xb8;
	[tilespmem:$0x1D800] =	vst v63  }
0xf0: {  	_ =	swait.ge [sflag:s26], $0x3E80  }
0xf1: {  	[sflag:s26] =	ssyncset.done $0x0  }
0xf2: {  	s28 =	rddreg [dreg:$0xd];
	[sflag:s26] =	ssyncadd.s32 $0xFFFFC180  }
0xf3: {  	[tilespmem:s17], [sflag:$0x2] =	stream.indirect.gather [hbm4b:s4+s13], $0x80, s28, s13, $0xb8;
	[tilespmem:$0x1D800] =	vst v63  }
0xf4: {  	_ =	swait.ge [sflag:s22], $0x3E80  }
0xf5: {  	[sflag:s22] =	ssyncset.done $0x0  }
0xf6: {  	[sflag:s22] =	ssyncadd.s32 $0xFFFFC180  }
0xf7: {  	[spmem:s2] =	stream.indirect.scatter.add.f32 [tilespmem:s14], [sflag:$0x3], $0x80, s7, s13, $0xb8;
	[tilespmem:$0x1D800] =	vst v63  }
0xf8: {  	_ =	swait.ge [sflag:s10], $0x3E80  }
0xf9: {  	[sflag:s10] =	ssyncset.done $0x0  }
0xfa: {  	s28 =	rddreg [dreg:$0xe];
	[sflag:s10] =	ssyncadd.s32 $0xFFFFC180  }
0xfb: {  	[tilespmem:s14], [sflag:$0x1] =	stream.indirect.gather [hbm4b:s4+s13], $0x80, s28, s13, $0xb8;
	[tilespmem:$0x1D800] =	vst v63  }
0xfc: {  	_ =	swait.ge [sflag:s23], $0x3E80  }
0xfd: {  	[sflag:s23] =	ssyncset.done $0x0  }
0xfe: {  	[sflag:s23] =	ssyncadd.s32 $0xFFFFC180  }
0xff: {  	[spmem:s2] =	stream.indirect.scatter.add.f32 [tilespmem:s17], [sflag:$0x4], $0x80, s11, s13, $0xb8;
	[tilespmem:$0x1D800] =	vst v63  }
0x100: {  	_ =	swait.ge [sflag:s26], $0x3E80  }
0x101: {  	[sflag:s26] =	ssyncset.done $0x0  }
0x102: {  	s28 =	rddreg [dreg:$0xf];
	[sflag:s26] =	ssyncadd.s32 $0xFFFFC180  }
0x103: {  	[tilespmem:s17], [sflag:$0x2] =	stream.indirect.gather [hbm4b:s4+s13], $0x80, s28, s13, $0xb8;
	[tilespmem:$0x1D800] =	vst v63  }
0x104: {  	_ =	swait.ge [sflag:s22], $0x3E80  }
0x105: {  	[sflag:s22] =	ssyncset.done $0x0  }
0x106: {  	[sflag:s22] =	ssyncadd.s32 $0xFFFFC180  }
0x107: {  	[spmem:s2] =	stream.indirect.scatter.add.f32 [tilespmem:s14], [sflag:$0x3], $0x80, s18, s13, $0xb8;
	[tilespmem:$0x1D800] =	vst v63  }
0x108: {  	_ =	swait.ge [sflag:s10], $0x3E80  }
0x109: {  	[sflag:s10] =	ssyncset.done $0x0  }
0x10a: {  	s28 =	rddreg [dreg:$0x10];
	[sflag:s10] =	ssyncadd.s32 $0xFFFFC180  }
0x10b: {  	[tilespmem:s14], [sflag:$0x1] =	stream.indirect.gather [hbm4b:s4+s13], $0x80, s28, s13, $0xb8;
	[tilespmem:$0x1D800] =	vst v63  }
0x10c: {  	_ =	swait.ge [sflag:s23], $0x3E80  }
0x10d: {  	[sflag:s23] =	ssyncset.done $0x0  }
0x10e: {  	[sflag:s23] =	ssyncadd.s32 $0xFFFFC180  }
0x10f: {  	[spmem:s2] =	stream.indirect.scatter.add.f32 [tilespmem:s17], [sflag:$0x4], $0x80, s19, s13, $0xb8;
	[tilespmem:$0x1D800] =	vst v63  }
0x110: {  	_ =	swait.ge [sflag:s26], $0x3E80  }
0x111: {  	[sflag:s26] =	ssyncset.done $0x0  }
0x112: {  	s28 =	rddreg [dreg:$0x11];
	[sflag:s26] =	ssyncadd.s32 $0xFFFFC180  }
0x113: {  	[tilespmem:s17], [sflag:$0x2] =	stream.indirect.gather [hbm4b:s4+s13], $0x80, s28, s13, $0xb8;
	[tilespmem:$0x1D800] =	vst v63  }
0x114: {  	_ =	swait.ge [sflag:s22], $0x3E80  }
0x115: {  	[sflag:s22] =	ssyncset.done $0x0  }
0x116: {  	[sflag:s22] =	ssyncadd.s32 $0xFFFFC180  }
0x117: {  	[spmem:s2] =	stream.indirect.scatter.add.f32 [tilespmem:s14], [sflag:$0x3], $0x80, s20, s13, $0xb8;
	[tilespmem:$0x1D800] =	vst v63  }
0x118: {  	_ =	swait.ge [sflag:s10], $0x3E80  }
0x119: {  	[sflag:s10] =	ssyncset.done $0x0  }
0x11a: {  	s28 =	rddreg [dreg:$0x12];
	[sflag:s10] =	ssyncadd.s32 $0xFFFFC180  }
0x11b: {  	[tilespmem:s14], [sflag:$0x1] =	stream.indirect.gather [hbm4b:s4+s13], $0x80, s28, s13, $0xb8;
	[tilespmem:$0x1D800] =	vst v63  }
0x11c: {  	_ =	swait.ge [sflag:s23], $0x3E80  }
0x11d: {  	[sflag:s23] =	ssyncset.done $0x0  }
0x11e: {  	[sflag:s23] =	ssyncadd.s32 $0xFFFFC180  }
0x11f: {  	[spmem:s2] =	stream.indirect.scatter.add.f32 [tilespmem:s17], [sflag:$0x4], $0x80, s21, s13, $0xb8;
	[tilespmem:$0x1D800] =	vst v63  }
0x120: {  	_ =	swait.ge [sflag:s26], $0x3E80  }
0x121: {  	[sflag:s26] =	ssyncset.done $0x0  }
0x122: {  	s28 =	rddreg [dreg:$0x13];
	[sflag:s26] =	ssyncadd.s32 $0xFFFFC180  }
0x123: {  	[tilespmem:s17], [sflag:$0x2] =	stream.indirect.gather [hbm4b:s4+s13], $0x80, s28, s13, $0xb8;
	[tilespmem:$0x1D800] =	vst v63  }
0x124: {  	_ =	swait.ge [sflag:s22], $0x3E80  }
0x125: {  	[sflag:s22] =	ssyncset.done $0x0  }
0x126: {  	[sflag:s22] =	ssyncadd.s32 $0xFFFFC180  }
0x127: {  	[spmem:s2] =	stream.indirect.scatter.add.f32 [tilespmem:s14], [sflag:$0x3], $0x80, s24, s13, $0xb8;
	[tilespmem:$0x1D800] =	vst v63  }
0x128: {  	_ =	swait.ge [sflag:s10], $0x3E80  }
0x129: {  	[sflag:s10] =	ssyncset.done $0x0  }
0x12a: {  	s28 =	rddreg [dreg:$0x14];
	[sflag:s10] =	ssyncadd.s32 $0xFFFFC180  }
0x12b: {  	[tilespmem:s14], [sflag:$0x1] =	stream.indirect.gather [hbm4b:s4+s13], $0x80, s28, s13, $0xb8;
	[tilespmem:$0x1D800] =	vst v63  }
0x12c: {  	_ =	swait.ge [sflag:s23], $0x3E80  }
0x12d: {  	[sflag:s23] =	ssyncset.done $0x0  }
0x12e: {  	[sflag:s23] =	ssyncadd.s32 $0xFFFFC180  }
0x12f: {  	[spmem:s2] =	stream.indirect.scatter.add.f32 [tilespmem:s17], [sflag:$0x4], $0x80, s6, s13, $0xb8;
	[tilespmem:$0x1D800] =	vst v63  }
0x130: {  	_ =	swait.ge [sflag:s26], $0x3E80  }
0x131: {  	[sflag:s26] =	ssyncset.done $0x0  }
0x132: {  	s28 =	rddreg [dreg:$0x15];
	[sflag:s26] =	ssyncadd.s32 $0xFFFFC180  }
0x133: {  	[tilespmem:s17], [sflag:$0x2] =	stream.indirect.gather [hbm4b:s4+s13], $0x80, s28, s13, $0xb8;
	[tilespmem:$0x1D800] =	vst v63  }
0x134: {  	_ =	swait.ge [sflag:s22], $0x3E80  }
0x135: {  	[sflag:s22] =	ssyncset.done $0x0  }
0x136: {  	s8 =	simm.s32 $0x1400;
	[sflag:s22] =	ssyncadd.s32 $0xFFFFC180  }
0x137: {  	[spmem:s2] =	stream.indirect.scatter.add.f32 [tilespmem:s14], [sflag:$0x3], $0x80, s8, s13, $0xb8;
	[tilespmem:$0x1D800] =	vst v63  }
0x138: {  	_ =	swait.ge [sflag:s10], $0x3E80  }
0x139: {  	[sflag:s10] =	ssyncset.done $0x0  }
0x13a: {  	s28 =	rddreg [dreg:$0x16];
	[sflag:s10] =	ssyncadd.s32 $0xFFFFC180  }
0x13b: {  	[tilespmem:s14], [sflag:$0x1] =	stream.indirect.gather [hbm4b:s4+s13], $0x80, s28, s13, $0xb8;
	[tilespmem:$0x1D800] =	vst v63  }
0x13c: {  	_ =	swait.ge [sflag:s23], $0x3E80  }
0x13d: {  	[sflag:s23] =	ssyncset.done $0x0  }
0x13e: {  	[sflag:s23] =	ssyncadd.s32 $0xFFFFC180  }
0x13f: {  	[spmem:s2] =	stream.indirect.scatter.add.f32 [tilespmem:s17], [sflag:$0x4], $0x80, s29, s13, $0xb8;
	[tilespmem:$0x1D800] =	vst v63  }
0x140: {  	_ =	swait.ge [sflag:s26], $0x3E80  }
0x141: {  	[sflag:s26] =	ssyncset.done $0x0  }
0x142: {  	s28 =	rddreg [dreg:$0x17];
	[sflag:s26] =	ssyncadd.s32 $0xFFFFC180  }
0x143: {  	[tilespmem:s17], [sflag:$0x2] =	stream.indirect.gather [hbm4b:s4+s13], $0x80, s28, s13, $0xb8;
	[tilespmem:$0x1D800] =	vst v63  }
0x144: {  	_ =	swait.ge [sflag:s22], $0x3E80  }
0x145: {  	[sflag:s22] =	ssyncset.done $0x0  }
0x146: {  	[sflag:s22] =	ssyncadd.s32 $0xFFFFC180  }
0x147: {  	[spmem:s2] =	stream.indirect.scatter.add.f32 [tilespmem:s14], [sflag:$0x3], $0x80, s30, s13, $0xb8;
	[tilespmem:$0x1D800] =	vst v63  }
0x148: {  	_ =	swait.ge [sflag:s23], $0x3E80  }
0x149: {  	[sflag:s23] =	ssyncset.done $0x0  }
0x14a: {  	s31 =	simm.s32 $0x1580;
	[sflag:s23] =	ssyncadd.s32 $0xFFFFC180  }
0x14b: {  	[spmem:s2] =	stream.indirect.scatter.add.f32 [tilespmem:s17], [sflag:$0x4], $0x80, s31, s13, $0xb8;
	[tilespmem:$0x1D800] =	vst v63  }
0x14c: {  	_ =	swait.ge [sflag:s10], $0x3E80  }
0x14d: {  	[sflag:s10] =	ssyncset.done $0x0  }
0x14e: {  	[sflag:s10] =	ssyncadd.s32 $0xFFFFC180  }
0x14f: {  	s8 =	simm.s32 $0x1480;
	s29 =	simm.s32 $0x300;
	_ =	swait.ge [sflag:s26], $0x3E80  }
0x150: {  	s28 =	simm.s32 $0x180;
	s30 =	rddreg [dreg:$0x4];
	[sflag:s26] =	ssyncset.done $0x0  }
.LBB2_2:
0x151: {  	[sflag:s26] =	ssyncadd.s32 $0xFFFFC180;
	s30 =	sadd.s32 s28, s30  }
0x152: {  	[tilespmem:s3], [sflag:$0x5] =	stream.linear.gather [hbm4b:s30+s3], $0xA00, $0x38;
	[tilespmem:$0x1D800] =	vst v63  }
0x153: {  	_ =	swait.ge [sflag:s5], $0xA00  }
0x154: {  	[sflag:s5] =	ssyncset.done $0x0  }
0x155: {  	s30 =	sadd.s32 s28, s25;
	[sflag:s5] =	ssyncadd.s32 $0xFFFFF600  }
0x156: {  	[tilespmem:s12], [sflag:$0x5] =	stream.linear.gather [hbm4b:s30+s3], $0xA00, $0x38;
	[tilespmem:$0x1D800] =	vst v63  }
0x157: {  	_ =	swait.ge [sflag:s5], $0xA00  }
0x158: {  	[sflag:s5] =	ssyncset.done $0x0  }
0x159: {  	[sflag:s5] =	ssyncadd.s32 $0xFFFFF600  }
0x15a: {  	[tilespmem:s14], [sflag:$0x1] =	stream.indirect.gather [hbm4b:s4+s13], $0x80, s3, s13, $0xb8;
	[tilespmem:$0x1D800] =	vst v63  }
0x15b: {  	s30 =	rddreg [dreg:$0x5]  }
0x15c: {  	[tilespmem:s17], [sflag:$0x2] =	stream.indirect.gather [hbm4b:s4+s13], $0x80, s30, s13, $0xb8;
	[tilespmem:$0x1D800] =	vst v63  }
0x15d: {  	_ =	swait.ge [sflag:s22], $0x3E80  }
0x15e: {  	[sflag:s22] =	ssyncset.done $0x0  }
0x15f: {  	[sflag:s22] =	ssyncadd.s32 $0xFFFFC180  }
0x160: {  	[spmem:s2] =	stream.indirect.scatter.add.f32 [tilespmem:s14], [sflag:$0x3], $0x80, s12, s13, $0xb8;
	[tilespmem:$0x1D800] =	vst v63  }
0x161: {  	_ =	swait.ge [sflag:s10], $0x3E80  }
0x162: {  	[sflag:s10] =	ssyncset.done $0x0  }
0x163: {  	s30 =	rddreg [dreg:$0x6];
	[sflag:s10] =	ssyncadd.s32 $0xFFFFC180  }
0x164: {  	[tilespmem:s14], [sflag:$0x1] =	stream.indirect.gather [hbm4b:s4+s13], $0x80, s30, s13, $0xb8;
	[tilespmem:$0x1D800] =	vst v63  }
0x165: {  	_ =	swait.ge [sflag:s23], $0x3E80  }
0x166: {  	[sflag:s23] =	ssyncset.done $0x0  }
0x167: {  	s30 =	simm.s32 $0xC80;
	[sflag:s23] =	ssyncadd.s32 $0xFFFFC180  }
0x168: {  	[spmem:s2] =	stream.indirect.scatter.add.f32 [tilespmem:s17], [sflag:$0x4], $0x80, s30, s13, $0xb8;
	[tilespmem:$0x1D800] =	vst v63  }
0x169: {  	_ =	swait.ge [sflag:s26], $0x3E80  }
0x16a: {  	[sflag:s26] =	ssyncset.done $0x0  }
0x16b: {  	s30 =	rddreg [dreg:$0x7];
	[sflag:s26] =	ssyncadd.s32 $0xFFFFC180  }
0x16c: {  	[tilespmem:s17], [sflag:$0x2] =	stream.indirect.gather [hbm4b:s4+s13], $0x80, s30, s13, $0xb8;
	[tilespmem:$0x1D800] =	vst v63  }
0x16d: {  	_ =	swait.ge [sflag:s22], $0x3E80  }
0x16e: {  	[sflag:s22] =	ssyncset.done $0x0  }
0x16f: {  	[sflag:s22] =	ssyncadd.s32 $0xFFFFC180  }
0x170: {  	[spmem:s2] =	stream.indirect.scatter.add.f32 [tilespmem:s14], [sflag:$0x3], $0x80, s1, s13, $0xb8;
	[tilespmem:$0x1D800] =	vst v63  }
0x171: {  	_ =	swait.ge [sflag:s10], $0x3E80  }
0x172: {  	[sflag:s10] =	ssyncset.done $0x0  }
0x173: {  	s30 =	rddreg [dreg:$0x8];
	[sflag:s10] =	ssyncadd.s32 $0xFFFFC180  }
0x174: {  	[tilespmem:s14], [sflag:$0x1] =	stream.indirect.gather [hbm4b:s4+s13], $0x80, s30, s13, $0xb8;
	[tilespmem:$0x1D800] =	vst v63  }
0x175: {  	_ =	swait.ge [sflag:s23], $0x3E80  }
0x176: {  	[sflag:s23] =	ssyncset.done $0x0  }
0x177: {  	s0 =	simm.s32 $0xD80;
	[sflag:s23] =	ssyncadd.s32 $0xFFFFC180  }
0x178: {  	[spmem:s2] =	stream.indirect.scatter.add.f32 [tilespmem:s17], [sflag:$0x4], $0x80, s0, s13, $0xb8;
	[tilespmem:$0x1D800] =	vst v63  }
0x179: {  	_ =	swait.ge [sflag:s26], $0x3E80  }
0x17a: {  	[sflag:s26] =	ssyncset.done $0x0  }
0x17b: {  	s30 =	rddreg [dreg:$0x9];
	[sflag:s26] =	ssyncadd.s32 $0xFFFFC180  }
0x17c: {  	[tilespmem:s17], [sflag:$0x2] =	stream.indirect.gather [hbm4b:s4+s13], $0x80, s30, s13, $0xb8;
	[tilespmem:$0x1D800] =	vst v63  }
0x17d: {  	_ =	swait.ge [sflag:s22], $0x3E80  }
0x17e: {  	s31 =	smov.u32 s29;
	[sflag:s22] =	ssyncset.done $0x0  }
0x17f: {  	s28 =	smov.u32 s31;
	s31 =	simm.s32 $0xE00;
	[sflag:s22] =	ssyncadd.s32 $0xFFFFC180  }
0x180: {  	[spmem:s2] =	stream.indirect.scatter.add.f32 [tilespmem:s14], [sflag:$0x3], $0x80, s31, s13, $0xb8;
	[tilespmem:$0x1D800] =	vst v63  }
0x181: {  	_ =	swait.ge [sflag:s10], $0x3E80  }
0x182: {  	[sflag:s10] =	ssyncset.done $0x0  }
0x183: {  	s30 =	rddreg [dreg:$0xa];
	[sflag:s10] =	ssyncadd.s32 $0xFFFFC180  }
0x184: {  	[tilespmem:s14], [sflag:$0x1] =	stream.indirect.gather [hbm4b:s4+s13], $0x80, s30, s13, $0xb8;
	[tilespmem:$0x1D800] =	vst v63  }
0x185: {  	_ =	swait.ge [sflag:s23], $0x3E80  }
0x186: {  	[sflag:s23] =	ssyncset.done $0x0  }
0x187: {  	[sflag:s23] =	ssyncadd.s32 $0xFFFFC180  }
0x188: {  	[spmem:s2] =	stream.indirect.scatter.add.f32 [tilespmem:s17], [sflag:$0x4], $0x80, s9, s13, $0xb8;
	[tilespmem:$0x1D800] =	vst v63  }
0x189: {  	_ =	swait.ge [sflag:s26], $0x3E80  }
0x18a: {  	[sflag:s26] =	ssyncset.done $0x0  }
0x18b: {  	s30 =	rddreg [dreg:$0xb];
	[sflag:s26] =	ssyncadd.s32 $0xFFFFC180  }
0x18c: {  	[tilespmem:s17], [sflag:$0x2] =	stream.indirect.gather [hbm4b:s4+s13], $0x80, s30, s13, $0xb8;
	[tilespmem:$0x1D800] =	vst v63  }
0x18d: {  	_ =	swait.ge [sflag:s22], $0x3E80  }
0x18e: {  	[sflag:s22] =	ssyncset.done $0x0  }
0x18f: {  	[sflag:s22] =	ssyncadd.s32 $0xFFFFC180  }
0x190: {  	[spmem:s2] =	stream.indirect.scatter.add.f32 [tilespmem:s14], [sflag:$0x3], $0x80, s15, s13, $0xb8;
	[tilespmem:$0x1D800] =	vst v63  }
0x191: {  	_ =	swait.ge [sflag:s10], $0x3E80  }
0x192: {  	[sflag:s10] =	ssyncset.done $0x0  }
0x193: {  	s30 =	rddreg [dreg:$0xc];
	[sflag:s10] =	ssyncadd.s32 $0xFFFFC180  }
0x194: {  	[tilespmem:s14], [sflag:$0x1] =	stream.indirect.gather [hbm4b:s4+s13], $0x80, s30, s13, $0xb8;
	[tilespmem:$0x1D800] =	vst v63  }
0x195: {  	_ =	swait.ge [sflag:s23], $0x3E80  }
0x196: {  	[sflag:s23] =	ssyncset.done $0x0  }
0x197: {  	[sflag:s23] =	ssyncadd.s32 $0xFFFFC180  }
0x198: {  	[spmem:s2] =	stream.indirect.scatter.add.f32 [tilespmem:s17], [sflag:$0x4], $0x80, s16, s13, $0xb8;
	[tilespmem:$0x1D800] =	vst v63  }
0x199: {  	_ =	swait.ge [sflag:s26], $0x3E80  }
0x19a: {  	[sflag:s26] =	ssyncset.done $0x0  }
0x19b: {  	s30 =	rddreg [dreg:$0xd];
	[sflag:s26] =	ssyncadd.s32 $0xFFFFC180  }
0x19c: {  	[tilespmem:s17], [sflag:$0x2] =	stream.indirect.gather [hbm4b:s4+s13], $0x80, s30, s13, $0xb8;
	[tilespmem:$0x1D800] =	vst v63  }
0x19d: {  	_ =	swait.ge [sflag:s22], $0x3E80  }
0x19e: {  	[sflag:s22] =	ssyncset.done $0x0  }
0x19f: {  	[sflag:s22] =	ssyncadd.s32 $0xFFFFC180  }
0x1a0: {  	[spmem:s2] =	stream.indirect.scatter.add.f32 [tilespmem:s14], [sflag:$0x3], $0x80, s7, s13, $0xb8;
	[tilespmem:$0x1D800] =	vst v63  }
0x1a1: {  	_ =	swait.ge [sflag:s10], $0x3E80  }
0x1a2: {  	[sflag:s10] =	ssyncset.done $0x0  }
0x1a3: {  	s30 =	rddreg [dreg:$0xe];
	[sflag:s10] =	ssyncadd.s32 $0xFFFFC180  }
0x1a4: {  	[tilespmem:s14], [sflag:$0x1] =	stream.indirect.gather [hbm4b:s4+s13], $0x80, s30, s13, $0xb8;
	[tilespmem:$0x1D800] =	vst v63  }
0x1a5: {  	_ =	swait.ge [sflag:s23], $0x3E80  }
0x1a6: {  	[sflag:s23] =	ssyncset.done $0x0  }
0x1a7: {  	[sflag:s23] =	ssyncadd.s32 $0xFFFFC180  }
0x1a8: {  	[spmem:s2] =	stream.indirect.scatter.add.f32 [tilespmem:s17], [sflag:$0x4], $0x80, s11, s13, $0xb8;
	[tilespmem:$0x1D800] =	vst v63  }
0x1a9: {  	_ =	swait.ge [sflag:s26], $0x3E80  }
0x1aa: {  	[sflag:s26] =	ssyncset.done $0x0  }
0x1ab: {  	s30 =	rddreg [dreg:$0xf];
	[sflag:s26] =	ssyncadd.s32 $0xFFFFC180  }
0x1ac: {  	[tilespmem:s17], [sflag:$0x2] =	stream.indirect.gather [hbm4b:s4+s13], $0x80, s30, s13, $0xb8;
	[tilespmem:$0x1D800] =	vst v63  }
0x1ad: {  	_ =	swait.ge [sflag:s22], $0x3E80  }
0x1ae: {  	[sflag:s22] =	ssyncset.done $0x0  }
0x1af: {  	[sflag:s22] =	ssyncadd.s32 $0xFFFFC180  }
0x1b0: {  	[spmem:s2] =	stream.indirect.scatter.add.f32 [tilespmem:s14], [sflag:$0x3], $0x80, s18, s13, $0xb8;
	[tilespmem:$0x1D800] =	vst v63  }
0x1b1: {  	_ =	swait.ge [sflag:s10], $0x3E80  }
0x1b2: {  	[sflag:s10] =	ssyncset.done $0x0  }
0x1b3: {  	s30 =	rddreg [dreg:$0x10];
	[sflag:s10] =	ssyncadd.s32 $0xFFFFC180  }
0x1b4: {  	[tilespmem:s14], [sflag:$0x1] =	stream.indirect.gather [hbm4b:s4+s13], $0x80, s30, s13, $0xb8;
	[tilespmem:$0x1D800] =	vst v63  }
0x1b5: {  	_ =	swait.ge [sflag:s23], $0x3E80  }
0x1b6: {  	[sflag:s23] =	ssyncset.done $0x0  }
0x1b7: {  	[sflag:s23] =	ssyncadd.s32 $0xFFFFC180  }
0x1b8: {  	[spmem:s2] =	stream.indirect.scatter.add.f32 [tilespmem:s17], [sflag:$0x4], $0x80, s19, s13, $0xb8;
	[tilespmem:$0x1D800] =	vst v63  }
0x1b9: {  	_ =	swait.ge [sflag:s26], $0x3E80  }
0x1ba: {  	[sflag:s26] =	ssyncset.done $0x0  }
0x1bb: {  	s30 =	rddreg [dreg:$0x11];
	[sflag:s26] =	ssyncadd.s32 $0xFFFFC180  }
0x1bc: {  	[tilespmem:s17], [sflag:$0x2] =	stream.indirect.gather [hbm4b:s4+s13], $0x80, s30, s13, $0xb8;
	[tilespmem:$0x1D800] =	vst v63  }
0x1bd: {  	_ =	swait.ge [sflag:s22], $0x3E80  }
0x1be: {  	[sflag:s22] =	ssyncset.done $0x0  }
0x1bf: {  	[sflag:s22] =	ssyncadd.s32 $0xFFFFC180  }
0x1c0: {  	[spmem:s2] =	stream.indirect.scatter.add.f32 [tilespmem:s14], [sflag:$0x3], $0x80, s20, s13, $0xb8;
	[tilespmem:$0x1D800] =	vst v63  }
0x1c1: {  	_ =	swait.ge [sflag:s10], $0x3E80  }
0x1c2: {  	[sflag:s10] =	ssyncset.done $0x0  }
0x1c3: {  	s30 =	rddreg [dreg:$0x12];
	[sflag:s10] =	ssyncadd.s32 $0xFFFFC180  }
0x1c4: {  	[tilespmem:s14], [sflag:$0x1] =	stream.indirect.gather [hbm4b:s4+s13], $0x80, s30, s13, $0xb8;
	[tilespmem:$0x1D800] =	vst v63  }
0x1c5: {  	_ =	swait.ge [sflag:s23], $0x3E80  }
0x1c6: {  	[sflag:s23] =	ssyncset.done $0x0  }
0x1c7: {  	[sflag:s23] =	ssyncadd.s32 $0xFFFFC180  }
0x1c8: {  	[spmem:s2] =	stream.indirect.scatter.add.f32 [tilespmem:s17], [sflag:$0x4], $0x80, s21, s13, $0xb8;
	[tilespmem:$0x1D800] =	vst v63  }
0x1c9: {  	_ =	swait.ge [sflag:s26], $0x3E80  }
0x1ca: {  	[sflag:s26] =	ssyncset.done $0x0  }
0x1cb: {  	s30 =	rddreg [dreg:$0x13];
	[sflag:s26] =	ssyncadd.s32 $0xFFFFC180  }
0x1cc: {  	[tilespmem:s17], [sflag:$0x2] =	stream.indirect.gather [hbm4b:s4+s13], $0x80, s30, s13, $0xb8;
	[tilespmem:$0x1D800] =	vst v63  }
0x1cd: {  	_ =	swait.ge [sflag:s22], $0x3E80  }
0x1ce: {  	[sflag:s22] =	ssyncset.done $0x0  }
0x1cf: {  	[sflag:s22] =	ssyncadd.s32 $0xFFFFC180  }
0x1d0: {  	[spmem:s2] =	stream.indirect.scatter.add.f32 [tilespmem:s14], [sflag:$0x3], $0x80, s24, s13, $0xb8;
	[tilespmem:$0x1D800] =	vst v63  }
0x1d1: {  	_ =	swait.ge [sflag:s10], $0x3E80  }
0x1d2: {  	[sflag:s10] =	ssyncset.done $0x0  }
0x1d3: {  	s30 =	rddreg [dreg:$0x14];
	[sflag:s10] =	ssyncadd.s32 $0xFFFFC180  }
0x1d4: {  	[tilespmem:s14], [sflag:$0x1] =	stream.indirect.gather [hbm4b:s4+s13], $0x80, s30, s13, $0xb8;
	[tilespmem:$0x1D800] =	vst v63  }
0x1d5: {  	_ =	swait.ge [sflag:s23], $0x3E80  }
0x1d6: {  	[sflag:s23] =	ssyncset.done $0x0  }
0x1d7: {  	[sflag:s23] =	ssyncadd.s32 $0xFFFFC180  }
0x1d8: {  	[spmem:s2] =	stream.indirect.scatter.add.f32 [tilespmem:s17], [sflag:$0x4], $0x80, s6, s13, $0xb8;
	[tilespmem:$0x1D800] =	vst v63  }
0x1d9: {  	_ =	swait.ge [sflag:s26], $0x3E80  }
0x1da: {  	[sflag:s26] =	ssyncset.done $0x0  }
0x1db: {  	s30 =	rddreg [dreg:$0x15];
	[sflag:s26] =	ssyncadd.s32 $0xFFFFC180  }
0x1dc: {  	[tilespmem:s17], [sflag:$0x2] =	stream.indirect.gather [hbm4b:s4+s13], $0x80, s30, s13, $0xb8;
	[tilespmem:$0x1D800] =	vst v63  }
0x1dd: {  	_ =	swait.ge [sflag:s22], $0x3E80  }
0x1de: {  	[sflag:s22] =	ssyncset.done $0x0  }
0x1df: {  	s30 =	simm.s32 $0x1400;
	[sflag:s22] =	ssyncadd.s32 $0xFFFFC180  }
0x1e0: {  	[spmem:s2] =	stream.indirect.scatter.add.f32 [tilespmem:s14], [sflag:$0x3], $0x80, s30, s13, $0xb8;
	[tilespmem:$0x1D800] =	vst v63  }
0x1e1: {  	_ =	swait.ge [sflag:s10], $0x3E80  }
0x1e2: {  	[sflag:s10] =	ssyncset.done $0x0  }
0x1e3: {  	s30 =	rddreg [dreg:$0x16];
	[sflag:s10] =	ssyncadd.s32 $0xFFFFC180  }
0x1e4: {  	[tilespmem:s14], [sflag:$0x1] =	stream.indirect.gather [hbm4b:s4+s13], $0x80, s30, s13, $0xb8;
	[tilespmem:$0x1D800] =	vst v63  }
0x1e5: {  	_ =	swait.ge [sflag:s23], $0x3E80  }
0x1e6: {  	[sflag:s23] =	ssyncset.done $0x0  }
0x1e7: {  	[sflag:s23] =	ssyncadd.s32 $0xFFFFC180  }
0x1e8: {  	[spmem:s2] =	stream.indirect.scatter.add.f32 [tilespmem:s17], [sflag:$0x4], $0x80, s8, s13, $0xb8;
	[tilespmem:$0x1D800] =	vst v63  }
0x1e9: {  	_ =	swait.ge [sflag:s26], $0x3E80  }
0x1ea: {  	[sflag:s26] =	ssyncset.done $0x0  }
0x1eb: {  	s30 =	rddreg [dreg:$0x17];
	[sflag:s26] =	ssyncadd.s32 $0xFFFFC180  }
0x1ec: {  	[tilespmem:s17], [sflag:$0x2] =	stream.indirect.gather [hbm4b:s4+s13], $0x80, s30, s13, $0xb8;
	[tilespmem:$0x1D800] =	vst v63  }
0x1ed: {  	_ =	swait.ge [sflag:s22], $0x3E80  }
0x1ee: {  	[sflag:s22] =	ssyncset.done $0x0  }
0x1ef: {  	s30 =	simm.s32 $0x1500;
	[sflag:s22] =	ssyncadd.s32 $0xFFFFC180  }
0x1f0: {  	[spmem:s2] =	stream.indirect.scatter.add.f32 [tilespmem:s14], [sflag:$0x3], $0x80, s30, s13, $0xb8;
	[tilespmem:$0x1D800] =	vst v63  }
0x1f1: {  	_ =	swait.ge [sflag:s23], $0x3E80  }
0x1f2: {  	[sflag:s23] =	ssyncset.done $0x0  }
0x1f3: {  	p0 =	sne.s32 s29, $0x480;
	s30 =	simm.s32 $0x1580;
	[sflag:s23] =	ssyncadd.s32 $0xFFFFC180  }
0x1f4: {  	[spmem:s2] =	stream.indirect.scatter.add.f32 [tilespmem:s17], [sflag:$0x4], $0x80, s30, s13, $0xb8;
	[tilespmem:$0x1D800] =	vst v63  }
.Ltmp0:
0x1f5: {  	_ =	swait.ge [sflag:s10], $0x3E80;
	(pc) =	sbr.rel @p0 .LBB2_2-.Ltmp0, $4  }
0x1f6: {  	[sflag:s10] =	ssyncset.done $0x0  }
0x1f7: {  	[sflag:s10] =	ssyncadd.s32 $0xFFFFC180  }
0x1f8: {  	_ =	swait.ge [sflag:s26], $0x3E80  }
0x1f9: {  	s29 =	sadd.s32 $0x180, s29;
	s30 =	rddreg [dreg:$0x4];
	[sflag:s26] =	ssyncset.done $0x0  }
0x1fa: {  	[sflag:s26] =	ssyncadd.s32 $0xFFFFC180;
	s29 =	sadd.s32 s28, s30  }
0x1fb: {  	[tilespmem:s3], [sflag:$0x5] =	stream.linear.gather [hbm4b:s29+s3], $0xA00, $0x38;
	[tilespmem:$0x1D800] =	vst v63  }
0x1fc: {  	_ =	swait.ge [sflag:s5], $0xA00  }
0x1fd: {  	[sflag:s5] =	ssyncset.done $0x0  }
0x1fe: {  	s28 =	sadd.s32 s28, s25;
	[sflag:s5] =	ssyncadd.s32 $0xFFFFF600  }
0x1ff: {  	[tilespmem:s12], [sflag:$0x5] =	stream.linear.gather [hbm4b:s28+s3], $0xA00, $0x38;
	[tilespmem:$0x1D800] =	vst v63  }
0x200: {  	_ =	swait.ge [sflag:s5], $0xA00  }
0x201: {  	[sflag:s5] =	ssyncset.done $0x0  }
0x202: {  	[sflag:s5] =	ssyncadd.s32 $0xFFFFF600  }
0x203: {  	[tilespmem:s14], [sflag:$0x1] =	stream.indirect.gather [hbm4b:s4+s13], $0x80, s3, s13, $0xb8;
	[tilespmem:$0x1D800] =	vst v63  }
0x204: {  	s28 =	rddreg [dreg:$0x5]  }
0x205: {  	[tilespmem:s17], [sflag:$0x2] =	stream.indirect.gather [hbm4b:s4+s13], $0x80, s28, s13, $0xb8;
	[tilespmem:$0x1D800] =	vst v63  }
0x206: {  	_ =	swait.ge [sflag:s22], $0x3E80  }
0x207: {  	[sflag:s22] =	ssyncset.done $0x0  }
0x208: {  	[sflag:s22] =	ssyncadd.s32 $0xFFFFC180  }
0x209: {  	[spmem:s2] =	stream.indirect.scatter.add.f32 [tilespmem:s14], [sflag:$0x3], $0x80, s12, s13, $0xb8;
	[tilespmem:$0x1D800] =	vst v63  }
0x20a: {  	_ =	swait.ge [sflag:s10], $0x3E80  }
0x20b: {  	[sflag:s10] =	ssyncset.done $0x0  }
0x20c: {  	s28 =	rddreg [dreg:$0x6];
	[sflag:s10] =	ssyncadd.s32 $0xFFFFC180  }
0x20d: {  	[tilespmem:s14], [sflag:$0x1] =	stream.indirect.gather [hbm4b:s4+s13], $0x80, s28, s13, $0xb8;
	[tilespmem:$0x1D800] =	vst v63  }
0x20e: {  	_ =	swait.ge [sflag:s23], $0x3E80  }
0x20f: {  	[sflag:s23] =	ssyncset.done $0x0  }
0x210: {  	s28 =	simm.s32 $0xC80;
	[sflag:s23] =	ssyncadd.s32 $0xFFFFC180  }
0x211: {  	[spmem:s2] =	stream.indirect.scatter.add.f32 [tilespmem:s17], [sflag:$0x4], $0x80, s28, s13, $0xb8;
	[tilespmem:$0x1D800] =	vst v63  }
0x212: {  	_ =	swait.ge [sflag:s26], $0x3E80  }
0x213: {  	[sflag:s26] =	ssyncset.done $0x0  }
0x214: {  	s28 =	rddreg [dreg:$0x7];
	[sflag:s26] =	ssyncadd.s32 $0xFFFFC180  }
0x215: {  	[tilespmem:s17], [sflag:$0x2] =	stream.indirect.gather [hbm4b:s4+s13], $0x80, s28, s13, $0xb8;
	[tilespmem:$0x1D800] =	vst v63  }
0x216: {  	_ =	swait.ge [sflag:s22], $0x3E80  }
0x217: {  	[sflag:s22] =	ssyncset.done $0x0  }
0x218: {  	[sflag:s22] =	ssyncadd.s32 $0xFFFFC180  }
0x219: {  	[spmem:s2] =	stream.indirect.scatter.add.f32 [tilespmem:s14], [sflag:$0x3], $0x80, s1, s13, $0xb8;
	[tilespmem:$0x1D800] =	vst v63  }
0x21a: {  	_ =	swait.ge [sflag:s10], $0x3E80  }
0x21b: {  	[sflag:s10] =	ssyncset.done $0x0  }
0x21c: {  	s28 =	rddreg [dreg:$0x8];
	[sflag:s10] =	ssyncadd.s32 $0xFFFFC180  }
0x21d: {  	[tilespmem:s14], [sflag:$0x1] =	stream.indirect.gather [hbm4b:s4+s13], $0x80, s28, s13, $0xb8;
	[tilespmem:$0x1D800] =	vst v63  }
0x21e: {  	_ =	swait.ge [sflag:s23], $0x3E80  }
0x21f: {  	[sflag:s23] =	ssyncset.done $0x0  }
0x220: {  	[sflag:s23] =	ssyncadd.s32 $0xFFFFC180  }
0x221: {  	[spmem:s2] =	stream.indirect.scatter.add.f32 [tilespmem:s17], [sflag:$0x4], $0x80, s0, s13, $0xb8;
	[tilespmem:$0x1D800] =	vst v63  }
0x222: {  	_ =	swait.ge [sflag:s26], $0x3E80  }
0x223: {  	[sflag:s26] =	ssyncset.done $0x0  }
0x224: {  	s28 =	rddreg [dreg:$0x9];
	[sflag:s26] =	ssyncadd.s32 $0xFFFFC180  }
0x225: {  	[tilespmem:s17], [sflag:$0x2] =	stream.indirect.gather [hbm4b:s4+s13], $0x80, s28, s13, $0xb8;
	[tilespmem:$0x1D800] =	vst v63  }
0x226: {  	_ =	swait.ge [sflag:s22], $0x3E80  }
0x227: {  	[sflag:s22] =	ssyncset.done $0x0  }
0x228: {  	[sflag:s22] =	ssyncadd.s32 $0xFFFFC180  }
0x229: {  	[spmem:s2] =	stream.indirect.scatter.add.f32 [tilespmem:s14], [sflag:$0x3], $0x80, s31, s13, $0xb8;
	[tilespmem:$0x1D800] =	vst v63  }
0x22a: {  	_ =	swait.ge [sflag:s10], $0x3E80  }
0x22b: {  	[sflag:s10] =	ssyncset.done $0x0  }
0x22c: {  	s28 =	rddreg [dreg:$0xa];
	[sflag:s10] =	ssyncadd.s32 $0xFFFFC180  }
0x22d: {  	[tilespmem:s14], [sflag:$0x1] =	stream.indirect.gather [hbm4b:s4+s13], $0x80, s28, s13, $0xb8;
	[tilespmem:$0x1D800] =	vst v63  }
0x22e: {  	_ =	swait.ge [sflag:s23], $0x3E80  }
0x22f: {  	[sflag:s23] =	ssyncset.done $0x0  }
0x230: {  	[sflag:s23] =	ssyncadd.s32 $0xFFFFC180  }
0x231: {  	[spmem:s2] =	stream.indirect.scatter.add.f32 [tilespmem:s17], [sflag:$0x4], $0x80, s9, s13, $0xb8;
	[tilespmem:$0x1D800] =	vst v63  }
0x232: {  	_ =	swait.ge [sflag:s26], $0x3E80  }
0x233: {  	[sflag:s26] =	ssyncset.done $0x0  }
0x234: {  	s28 =	rddreg [dreg:$0xb];
	[sflag:s26] =	ssyncadd.s32 $0xFFFFC180  }
0x235: {  	[tilespmem:s17], [sflag:$0x2] =	stream.indirect.gather [hbm4b:s4+s13], $0x80, s28, s13, $0xb8;
	[tilespmem:$0x1D800] =	vst v63  }
0x236: {  	_ =	swait.ge [sflag:s22], $0x3E80  }
0x237: {  	[sflag:s22] =	ssyncset.done $0x0  }
0x238: {  	[sflag:s22] =	ssyncadd.s32 $0xFFFFC180  }
0x239: {  	[spmem:s2] =	stream.indirect.scatter.add.f32 [tilespmem:s14], [sflag:$0x3], $0x80, s15, s13, $0xb8;
	[tilespmem:$0x1D800] =	vst v63  }
0x23a: {  	_ =	swait.ge [sflag:s10], $0x3E80  }
0x23b: {  	[sflag:s10] =	ssyncset.done $0x0  }
0x23c: {  	s28 =	rddreg [dreg:$0xc];
	[sflag:s10] =	ssyncadd.s32 $0xFFFFC180  }
0x23d: {  	[tilespmem:s14], [sflag:$0x1] =	stream.indirect.gather [hbm4b:s4+s13], $0x80, s28, s13, $0xb8;
	[tilespmem:$0x1D800] =	vst v63  }
0x23e: {  	_ =	swait.ge [sflag:s23], $0x3E80  }
0x23f: {  	[sflag:s23] =	ssyncset.done $0x0  }
0x240: {  	[sflag:s23] =	ssyncadd.s32 $0xFFFFC180  }
0x241: {  	[spmem:s2] =	stream.indirect.scatter.add.f32 [tilespmem:s17], [sflag:$0x4], $0x80, s16, s13, $0xb8;
	[tilespmem:$0x1D800] =	vst v63  }
0x242: {  	_ =	swait.ge [sflag:s26], $0x3E80  }
0x243: {  	[sflag:s26] =	ssyncset.done $0x0  }
0x244: {  	s28 =	rddreg [dreg:$0xd];
	[sflag:s26] =	ssyncadd.s32 $0xFFFFC180  }
0x245: {  	[tilespmem:s17], [sflag:$0x2] =	stream.indirect.gather [hbm4b:s4+s13], $0x80, s28, s13, $0xb8;
	[tilespmem:$0x1D800] =	vst v63  }
0x246: {  	_ =	swait.ge [sflag:s22], $0x3E80  }
0x247: {  	[sflag:s22] =	ssyncset.done $0x0  }
0x248: {  	[sflag:s22] =	ssyncadd.s32 $0xFFFFC180  }
0x249: {  	[spmem:s2] =	stream.indirect.scatter.add.f32 [tilespmem:s14], [sflag:$0x3], $0x80, s7, s13, $0xb8;
	[tilespmem:$0x1D800] =	vst v63  }
0x24a: {  	_ =	swait.ge [sflag:s10], $0x3E80  }
0x24b: {  	[sflag:s10] =	ssyncset.done $0x0  }
0x24c: {  	s28 =	rddreg [dreg:$0xe];
	[sflag:s10] =	ssyncadd.s32 $0xFFFFC180  }
0x24d: {  	[tilespmem:s14], [sflag:$0x1] =	stream.indirect.gather [hbm4b:s4+s13], $0x80, s28, s13, $0xb8;
	[tilespmem:$0x1D800] =	vst v63  }
0x24e: {  	_ =	swait.ge [sflag:s23], $0x3E80  }
0x24f: {  	[sflag:s23] =	ssyncset.done $0x0  }
0x250: {  	[sflag:s23] =	ssyncadd.s32 $0xFFFFC180  }
0x251: {  	[spmem:s2] =	stream.indirect.scatter.add.f32 [tilespmem:s17], [sflag:$0x4], $0x80, s11, s13, $0xb8;
	[tilespmem:$0x1D800] =	vst v63  }
0x252: {  	_ =	swait.ge [sflag:s26], $0x3E80  }
0x253: {  	[sflag:s26] =	ssyncset.done $0x0  }
0x254: {  	s28 =	rddreg [dreg:$0xf];
	[sflag:s26] =	ssyncadd.s32 $0xFFFFC180  }
0x255: {  	[tilespmem:s17], [sflag:$0x2] =	stream.indirect.gather [hbm4b:s4+s13], $0x80, s28, s13, $0xb8;
	[tilespmem:$0x1D800] =	vst v63  }
0x256: {  	_ =	swait.ge [sflag:s22], $0x3E80  }
0x257: {  	[sflag:s22] =	ssyncset.done $0x0  }
0x258: {  	[sflag:s22] =	ssyncadd.s32 $0xFFFFC180  }
0x259: {  	[spmem:s2] =	stream.indirect.scatter.add.f32 [tilespmem:s14], [sflag:$0x3], $0x80, s18, s13, $0xb8;
	[tilespmem:$0x1D800] =	vst v63  }
0x25a: {  	_ =	swait.ge [sflag:s10], $0x3E80  }
0x25b: {  	[sflag:s10] =	ssyncset.done $0x0  }
0x25c: {  	s28 =	rddreg [dreg:$0x10];
	[sflag:s10] =	ssyncadd.s32 $0xFFFFC180  }
0x25d: {  	[tilespmem:s14], [sflag:$0x1] =	stream.indirect.gather [hbm4b:s4+s13], $0x80, s28, s13, $0xb8;
	[tilespmem:$0x1D800] =	vst v63  }
0x25e: {  	_ =	swait.ge [sflag:s23], $0x3E80  }
0x25f: {  	[sflag:s23] =	ssyncset.done $0x0  }
0x260: {  	[sflag:s23] =	ssyncadd.s32 $0xFFFFC180  }
0x261: {  	[spmem:s2] =	stream.indirect.scatter.add.f32 [tilespmem:s17], [sflag:$0x4], $0x80, s19, s13, $0xb8;
	[tilespmem:$0x1D800] =	vst v63  }
0x262: {  	_ =	swait.ge [sflag:s26], $0x3E80  }
0x263: {  	[sflag:s26] =	ssyncset.done $0x0  }
0x264: {  	s28 =	rddreg [dreg:$0x11];
	[sflag:s26] =	ssyncadd.s32 $0xFFFFC180  }
0x265: {  	[tilespmem:s17], [sflag:$0x2] =	stream.indirect.gather [hbm4b:s4+s13], $0x80, s28, s13, $0xb8;
	[tilespmem:$0x1D800] =	vst v63  }
0x266: {  	_ =	swait.ge [sflag:s22], $0x3E80  }
0x267: {  	[sflag:s22] =	ssyncset.done $0x0  }
0x268: {  	[sflag:s22] =	ssyncadd.s32 $0xFFFFC180  }
0x269: {  	[spmem:s2] =	stream.indirect.scatter.add.f32 [tilespmem:s14], [sflag:$0x3], $0x80, s20, s13, $0xb8;
	[tilespmem:$0x1D800] =	vst v63  }
0x26a: {  	_ =	swait.ge [sflag:s10], $0x3E80  }
0x26b: {  	[sflag:s10] =	ssyncset.done $0x0  }
0x26c: {  	s28 =	rddreg [dreg:$0x12];
	[sflag:s10] =	ssyncadd.s32 $0xFFFFC180  }
0x26d: {  	[tilespmem:s14], [sflag:$0x1] =	stream.indirect.gather [hbm4b:s4+s13], $0x80, s28, s13, $0xb8;
	[tilespmem:$0x1D800] =	vst v63  }
0x26e: {  	_ =	swait.ge [sflag:s23], $0x3E80  }
0x26f: {  	[sflag:s23] =	ssyncset.done $0x0  }
0x270: {  	[sflag:s23] =	ssyncadd.s32 $0xFFFFC180  }
0x271: {  	[spmem:s2] =	stream.indirect.scatter.add.f32 [tilespmem:s17], [sflag:$0x4], $0x80, s21, s13, $0xb8;
	[tilespmem:$0x1D800] =	vst v63  }
0x272: {  	_ =	swait.ge [sflag:s26], $0x3E80  }
0x273: {  	[sflag:s26] =	ssyncset.done $0x0  }
0x274: {  	s28 =	rddreg [dreg:$0x13];
	[sflag:s26] =	ssyncadd.s32 $0xFFFFC180  }
0x275: {  	[tilespmem:s17], [sflag:$0x2] =	stream.indirect.gather [hbm4b:s4+s13], $0x80, s28, s13, $0xb8;
	[tilespmem:$0x1D800] =	vst v63  }
0x276: {  	_ =	swait.ge [sflag:s22], $0x3E80  }
0x277: {  	[sflag:s22] =	ssyncset.done $0x0  }
0x278: {  	[sflag:s22] =	ssyncadd.s32 $0xFFFFC180  }
0x279: {  	[spmem:s2] =	stream.indirect.scatter.add.f32 [tilespmem:s14], [sflag:$0x3], $0x80, s24, s13, $0xb8;
	[tilespmem:$0x1D800] =	vst v63  }
0x27a: {  	_ =	swait.ge [sflag:s10], $0x3E80  }
0x27b: {  	[sflag:s10] =	ssyncset.done $0x0  }
0x27c: {  	s28 =	rddreg [dreg:$0x14];
	[sflag:s10] =	ssyncadd.s32 $0xFFFFC180  }
0x27d: {  	[tilespmem:s14], [sflag:$0x1] =	stream.indirect.gather [hbm4b:s4+s13], $0x80, s28, s13, $0xb8;
	[tilespmem:$0x1D800] =	vst v63  }
0x27e: {  	_ =	swait.ge [sflag:s23], $0x3E80  }
0x27f: {  	[sflag:s23] =	ssyncset.done $0x0  }
0x280: {  	[sflag:s23] =	ssyncadd.s32 $0xFFFFC180  }
0x281: {  	[spmem:s2] =	stream.indirect.scatter.add.f32 [tilespmem:s17], [sflag:$0x4], $0x80, s6, s13, $0xb8;
	[tilespmem:$0x1D800] =	vst v63  }
0x282: {  	_ =	swait.ge [sflag:s26], $0x3E80  }
0x283: {  	[sflag:s26] =	ssyncset.done $0x0  }
0x284: {  	s28 =	rddreg [dreg:$0x15];
	[sflag:s26] =	ssyncadd.s32 $0xFFFFC180  }
0x285: {  	[tilespmem:s17], [sflag:$0x2] =	stream.indirect.gather [hbm4b:s4+s13], $0x80, s28, s13, $0xb8;
	[tilespmem:$0x1D800] =	vst v63  }
0x286: {  	_ =	swait.ge [sflag:s22], $0x3E80  }
0x287: {  	[sflag:s22] =	ssyncset.done $0x0  }
0x288: {  	s18 =	simm.s32 $0x1400;
	[sflag:s22] =	ssyncadd.s32 $0xFFFFC180  }
0x289: {  	[spmem:s2] =	stream.indirect.scatter.add.f32 [tilespmem:s14], [sflag:$0x3], $0x80, s18, s13, $0xb8;
	[tilespmem:$0x1D800] =	vst v63  }
0x28a: {  	_ =	swait.ge [sflag:s10], $0x3E80  }
0x28b: {  	[sflag:s10] =	ssyncset.done $0x0  }
0x28c: {  	s28 =	rddreg [dreg:$0x16];
	[sflag:s10] =	ssyncadd.s32 $0xFFFFC180  }
0x28d: {  	[tilespmem:s14], [sflag:$0x1] =	stream.indirect.gather [hbm4b:s4+s13], $0x80, s28, s13, $0xb8;
	[tilespmem:$0x1D800] =	vst v63  }
0x28e: {  	_ =	swait.ge [sflag:s23], $0x3E80  }
0x28f: {  	[sflag:s23] =	ssyncset.done $0x0  }
0x290: {  	[sflag:s23] =	ssyncadd.s32 $0xFFFFC180  }
0x291: {  	[spmem:s2] =	stream.indirect.scatter.add.f32 [tilespmem:s17], [sflag:$0x4], $0x80, s8, s13, $0xb8;
	[tilespmem:$0x1D800] =	vst v63  }
0x292: {  	_ =	swait.ge [sflag:s26], $0x3E80  }
0x293: {  	[sflag:s26] =	ssyncset.done $0x0  }
0x294: {  	s28 =	rddreg [dreg:$0x17];
	[sflag:s26] =	ssyncadd.s32 $0xFFFFC180  }
0x295: {  	[tilespmem:s17], [sflag:$0x2] =	stream.indirect.gather [hbm4b:s4+s13], $0x80, s28, s13, $0xb8;
	[tilespmem:$0x1D800] =	vst v63  }
0x296: {  	_ =	swait.ge [sflag:s22], $0x3E80  }
0x297: {  	[sflag:s22] =	ssyncset.done $0x0  }
0x298: {  	s19 =	simm.s32 $0x1500;
	[sflag:s22] =	ssyncadd.s32 $0xFFFFC180  }
0x299: {  	[spmem:s2] =	stream.indirect.scatter.add.f32 [tilespmem:s14], [sflag:$0x3], $0x80, s19, s13, $0xb8;
	[tilespmem:$0x1D800] =	vst v63  }
0x29a: {  	_ =	swait.ge [sflag:s23], $0x3E80  }
0x29b: {  	[sflag:s23] =	ssyncset.done $0x0  }
0x29c: {  	s20 =	simm.s32 $0x1580;
	[sflag:s23] =	ssyncadd.s32 $0xFFFFC180  }
0x29d: {  	[spmem:s2] =	stream.indirect.scatter.add.f32 [tilespmem:s17], [sflag:$0x4], $0x80, s20, s13, $0xb8;
	[tilespmem:$0x1D800] =	vst v63  }
0x29e: {  	_ =	swait.ge [sflag:s10], $0x3E80  }
0x29f: {  	[sflag:s10] =	ssyncset.done $0x0  }
0x2a0: {  	[sflag:s10] =	ssyncadd.s32 $0xFFFFC180  }
0x2a1: {  	_ =	swait.ge [sflag:s26], $0x3E80  }
0x2a2: {  	[sflag:s26] =	ssyncset.done $0x0  }
0x2a3: {  	[sflag:s26] =	ssyncadd.s32 $0xFFFFC180  }
0x2a4: {  	[bflag:$0x0] =	sbarrier.arrive $0xFFFF  }
0x2a5: {  	s21 =	rddreg [dreg:$0x1d]  }
0x2a6: {  	[tilespmem:s14], [sflag:$0x5] =	stream.linear.gather [spmem:s21], $0x1000, $0x38;
	[tilespmem:$0x1D800] =	vst v63  }
0x2a7: {  	_ =	swait.ge [sflag:s5], $0x1000  }
0x2a8: {  	s1 =	rddreg [dreg:$0x18]  }
0x2a9: {  	[sflag:s5] =	ssyncset.done $0x0;
	s24 =	sld [smem:$0x7E6]  }
0x2aa: {  	[sflag:s5] =	ssyncadd.s32 $0xFFFFF000;
	s28 =	sadd.s32 $0x0, s1  }
0x2ab: {  	[hbm4b:s28+s3] =	stream.linear.scatter [tilespmem:s14], [sflag:$0x3], $0x1000, $0x38;
	[tilespmem:$0x1D800] =	vst v63  }
0x2ac: {  	s31 =	sadd.s32 $0xFFFFF000, s24  }
0x2ad: {  	[smem:$0x7E3] =	sst s31  }
0x2ae: {  	[tilespmem:s17], [sflag:$0x5] =	stream.linear.gather [spmem:s31], $0x1000, $0x38;
	[tilespmem:$0x1D800] =	vst v63  }
0x2af: {  	_ =	swait.ge [sflag:s5], $0x1000  }
0x2b0: {  	[sflag:s5] =	ssyncset.done $0x0  }
0x2b1: {  	[sflag:s5] =	ssyncadd.s32 $0xFFFFF000  }
0x2b2: {  	_ =	swait.ge [sflag:s10], $0x1000  }
0x2b3: {  	[sflag:s10] =	ssyncset.done $0x0;
	s28 =	rddreg [dreg:$0x19]  }
0x2b4: {  	[sflag:s10] =	ssyncadd.s32 $0xFFFFF000;
	s28 =	sadd.s32 $0x0, s28  }
0x2b5: {  	[hbm4b:s28+s3] =	stream.linear.scatter [tilespmem:s17], [sflag:$0x4], $0x1000, $0x38;
	[tilespmem:$0x1D800] =	vst v63  }
0x2b6: {  	_ = 	snop  }
0x2b7: {  	[tilespmem:s14], [sflag:$0x5] =	stream.linear.gather [spmem:s24], $0x1000, $0x38;
	[tilespmem:$0x1D800] =	vst v63  }
0x2b8: {  	_ =	swait.ge [sflag:s5], $0x1000  }
0x2b9: {  	[sflag:s5] =	ssyncset.done $0x0  }
0x2ba: {  	[sflag:s5] =	ssyncadd.s32 $0xFFFFF000  }
0x2bb: {  	s30 =	simm.s32 $0x800;
	_ =	swait.ge [sflag:s26], $0x1000  }
0x2bc: {  	s29 =	sadd.s32 $0x2000, s24;
	s28 =	simm.s32 $0x400;
	[sflag:s26] =	ssyncset.done $0x0  }
.LBB2_4:
0x2bd: {  	s31 =	sadd.s32 s28, s1;
	[sflag:s26] =	ssyncadd.s32 $0xFFFFF000;
	s24 =	smov.u32 s30  }
0x2be: {  	[hbm4b:s31+s3] =	stream.linear.scatter [tilespmem:s14], [sflag:$0x3], $0x1000, $0x38;
	[tilespmem:$0x1D800] =	vst v63  }
0x2bf: {  	s0 =	sadd.s32 $0x400, s30;
	p0 =	sne.s32 s30, $0x2000;
	s30 =	sadd.s32 $0xFFFFF000, s29  }
0x2c0: {  	[tilespmem:s17], [sflag:$0x5] =	stream.linear.gather [spmem:s30], $0x1000, $0x38;
	[tilespmem:$0x1D800] =	vst v63  }
0x2c1: {  	s31 =	rddreg [dreg:$0x19];
	_ =	swait.ge [sflag:s5], $0x1000  }
0x2c2: {  	[sflag:s5] =	ssyncset.done $0x0  }
0x2c3: {  	[sflag:s5] =	ssyncadd.s32 $0xFFFFF000  }
0x2c4: {  	_ =	swait.ge [sflag:s10], $0x1000  }
0x2c5: {  	[sflag:s10] =	ssyncset.done $0x0  }
0x2c6: {  	s30 =	sadd.s32 s28, s31;
	[sflag:s10] =	ssyncadd.s32 $0xFFFFF000  }
0x2c7: {  	[hbm4b:s30+s3] =	stream.linear.scatter [tilespmem:s17], [sflag:$0x4], $0x1000, $0x38;
	[tilespmem:$0x1D800] =	vst v63  }
0x2c8: {  	_ = 	snop  }
0x2c9: {  	[tilespmem:s14], [sflag:$0x5] =	stream.linear.gather [spmem:s29], $0x1000, $0x38;
	[tilespmem:$0x1D800] =	vst v63  }
.Ltmp1:
0x2ca: {  	s1 =	rddreg [dreg:$0x18];
	_ =	swait.ge [sflag:s5], $0x1000;
	(pc) =	sbr.rel @p0 .LBB2_4-.Ltmp1, $4  }
0x2cb: {  	[sflag:s5] =	ssyncset.done $0x0  }
0x2cc: {  	[sflag:s5] =	ssyncadd.s32 $0xFFFFF000  }
0x2cd: {  	s28 =	smov.u32 s24;
	_ =	swait.ge [sflag:s26], $0x1000  }
0x2ce: {  	s30 =	smov.u32 s0;
	s29 =	sadd.s32 $0x2000, s29;
	[sflag:s26] =	ssyncset.done $0x0  }
0x2cf: {  	s0 =	sadd.s32 s28, s1;
	[sflag:s26] =	ssyncadd.s32 $0xFFFFF000  }
0x2d0: {  	[hbm4b:s0+s3] =	stream.linear.scatter [tilespmem:s14], [sflag:$0x3], $0x1000, $0x38;
	[tilespmem:$0x1D800] =	vst v63  }
0x2d1: {  	s21 =	sadd.s32 $0xFFFFF000, s29  }
0x2d2: {  	[tilespmem:s17], [sflag:$0x5] =	stream.linear.gather [spmem:s21], $0x1000, $0x38;
	[tilespmem:$0x1D800] =	vst v63  }
0x2d3: {  	_ =	swait.ge [sflag:s5], $0x1000  }
0x2d4: {  	[sflag:s5] =	ssyncset.done $0x0  }
0x2d5: {  	[sflag:s5] =	ssyncadd.s32 $0xFFFFF000  }
0x2d6: {  	_ =	swait.ge [sflag:s10], $0x1000  }
0x2d7: {  	[sflag:s10] =	ssyncset.done $0x0  }
0x2d8: {  	s24 =	sadd.s32 s28, s31;
	[sflag:s10] =	ssyncadd.s32 $0xFFFFF000  }
0x2d9: {  	[hbm4b:s24+s3] =	stream.linear.scatter [tilespmem:s17], [sflag:$0x4], $0x1000, $0x38;
	[tilespmem:$0x1D800] =	vst v63  }
0x2da: {  	_ = 	snop  }
0x2db: {  	[tilespmem:s14], [sflag:$0x5] =	stream.linear.gather [spmem:s29], $0x1000, $0x38;
	[tilespmem:$0x1D800] =	vst v63  }
0x2dc: {  	_ =	swait.ge [sflag:s5], $0x1000  }
0x2dd: {  	[sflag:s5] =	ssyncset.done $0x0  }
0x2de: {  	[sflag:s5] =	ssyncadd.s32 $0xFFFFF000  }
0x2df: {  	_ =	swait.ge [sflag:s26], $0x1000  }
0x2e0: {  	s29 =	sld [smem:$0x7EA]  }
0x2e1: {  	[sflag:s26] =	ssyncset.done $0x0  }
0x2e2: {  	s28 =	simm.s32 $0x0;
	s1 =	sld [smem:$0x7EF];
	[sflag:s26] =	ssyncadd.s32 $0xFFFFF000  }
0x2e3: {  	[hbm4b:s29+s28] =	stream.linear.scatter [tilespmem:s14], [sflag:$0x3], $0x1000, $0x38;
	[tilespmem:$0x1D800] =	vst v63  }
0x2e4: {  	_ = 	snop  }
0x2e5: {  	[tilespmem:s17], [sflag:$0x5] =	stream.linear.gather [spmem:s1], $0x1000, $0x38;
	[tilespmem:$0x1D800] =	vst v63  }
0x2e6: {  	_ =	swait.ge [sflag:s5], $0x1000  }
0x2e7: {  	[sflag:s5] =	ssyncset.done $0x0  }
0x2e8: {  	[sflag:s5] =	ssyncadd.s32 $0xFFFFF000  }
0x2e9: {  	_ =	swait.ge [sflag:s10], $0x1000  }
0x2ea: {  	s6 =	sld [smem:$0x7EB]  }
0x2eb: {  	[sflag:s10] =	ssyncset.done $0x0  }
0x2ec: {  	[sflag:s10] =	ssyncadd.s32 $0xFFFFF000  }
0x2ed: {  	[hbm4b:s6+s28] =	stream.linear.scatter [tilespmem:s17], [sflag:$0x4], $0x1000, $0x38;
	[tilespmem:$0x1D800] =	vst v63  }
0x2ee: {  	_ =	swait.ge [sflag:s26], $0x1000  }
0x2ef: {  	[sflag:s26] =	ssyncset.done $0x0  }
0x2f0: {  	s7 =	rddreg [dreg:$0x1b];
	[sflag:s26] =	ssyncadd.s32 $0xFFFFF000  }
0x2f1: {  	[tilespmem:s17], [sflag:$0x5] =	stream.linear.gather [hbm4b:s7+s28], $0x1000, $0x38;
	[tilespmem:$0x1D800] =	vst v63  }
0x2f2: {  	_ =	swait.ge [sflag:s5], $0x1000  }
0x2f3: {  	[sflag:s5] =	ssyncset.done $0x0;
	s8 =	rddreg [dreg:$0x1d]  }
0x2f4: {  	s9 =	sld [smem:$0x7E5];
	[sflag:s5] =	ssyncadd.s32 $0xFFFFF000  }
0x2f5: {  	[spmem:s8] =	stream.linear.scatter [tilespmem:s17], [sflag:$0x3], $0x1000, $0x38;
	[tilespmem:$0x1D800] =	vst v63  }
0x2f6: {  	s11 =	sld [smem:$0x7E6]  }
0x2f7: {  	[spmem:s9] =	stream.linear.scatter [tilespmem:s17], [sflag:$0x3], $0x1000, $0x38;
	[tilespmem:$0x1D800] =	vst v63  }
0x2f8: {  	s15 =	sld [smem:$0x7E7]  }
0x2f9: {  	[spmem:s11] =	stream.linear.scatter [tilespmem:s17], [sflag:$0x3], $0x1000, $0x38;
	[tilespmem:$0x1D800] =	vst v63  }
0x2fa: {  	s16 =	sld [smem:$0x7E8]  }
0x2fb: {  	[spmem:s15] =	stream.linear.scatter [tilespmem:s17], [sflag:$0x3], $0x1000, $0x38;
	[tilespmem:$0x1D800] =	vst v63  }
0x2fc: {  	s18 =	sld [smem:$0x7E9]  }
0x2fd: {  	[spmem:s16] =	stream.linear.scatter [tilespmem:s17], [sflag:$0x3], $0x1000, $0x38;
	[tilespmem:$0x1D800] =	vst v63  }
0x2fe: {  	s19 =	sld [smem:$0x7ED]  }
0x2ff: {  	[spmem:s18] =	stream.linear.scatter [tilespmem:s17], [sflag:$0x3], $0x1000, $0x38;
	[tilespmem:$0x1D800] =	vst v63  }
0x300: {  	s20 =	sld [smem:$0x7EE]  }
0x301: {  	[spmem:s19] =	stream.linear.scatter [tilespmem:s17], [sflag:$0x3], $0x1000, $0x38;
	[tilespmem:$0x1D800] =	vst v63  }
0x302: {  	s21 =	sld [smem:$0x7F0]  }
0x303: {  	[spmem:s20] =	stream.linear.scatter [tilespmem:s17], [sflag:$0x3], $0x1000, $0x38;
	[tilespmem:$0x1D800] =	vst v63  }
0x304: {  	s24 =	sld [smem:$0x7F1]  }
0x305: {  	[spmem:s21] =	stream.linear.scatter [tilespmem:s17], [sflag:$0x3], $0x1000, $0x38;
	[tilespmem:$0x1D800] =	vst v63  }
0x306: {  	s29 =	sld [smem:$0x7F2]  }
0x307: {  	[spmem:s24] =	stream.linear.scatter [tilespmem:s17], [sflag:$0x3], $0x1000, $0x38;
	[tilespmem:$0x1D800] =	vst v63  }
0x308: {  	s1 =	sld [smem:$0x7F3]  }
0x309: {  	[spmem:s29] =	stream.linear.scatter [tilespmem:s17], [sflag:$0x3], $0x1000, $0x38;
	[tilespmem:$0x1D800] =	vst v63  }
0x30a: {  	s6 =	sld [smem:$0x7F4]  }
0x30b: {  	[spmem:s1] =	stream.linear.scatter [tilespmem:s17], [sflag:$0x3], $0x1000, $0x38;
	[tilespmem:$0x1D800] =	vst v63  }
0x30c: {  	s7 =	sld [smem:$0x7F5]  }
0x30d: {  	[spmem:s6] =	stream.linear.scatter [tilespmem:s17], [sflag:$0x3], $0x1000, $0x38;
	[tilespmem:$0x1D800] =	vst v63  }
0x30e: {  	s8 =	sld [smem:$0x7F6]  }
0x30f: {  	[spmem:s7] =	stream.linear.scatter [tilespmem:s17], [sflag:$0x3], $0x1000, $0x38;
	[tilespmem:$0x1D800] =	vst v63  }
0x310: {  	s9 =	sld [smem:$0x7F7]  }
0x311: {  	[spmem:s8] =	stream.linear.scatter [tilespmem:s17], [sflag:$0x3], $0x1000, $0x38;
	[tilespmem:$0x1D800] =	vst v63  }
0x312: {  	s11 =	sld [smem:$0x7F8]  }
0x313: {  	[spmem:s9] =	stream.linear.scatter [tilespmem:s17], [sflag:$0x3], $0x1000, $0x38;
	[tilespmem:$0x1D800] =	vst v63  }
0x314: {  	s15 =	sld [smem:$0x7F9]  }
0x315: {  	[spmem:s11] =	stream.linear.scatter [tilespmem:s17], [sflag:$0x3], $0x1000, $0x38;
	[tilespmem:$0x1D800] =	vst v63  }
0x316: {  	s16 =	sld [smem:$0x7FA]  }
0x317: {  	[spmem:s15] =	stream.linear.scatter [tilespmem:s17], [sflag:$0x3], $0x1000, $0x38;
	[tilespmem:$0x1D800] =	vst v63  }
0x318: {  	s18 =	sld [smem:$0x7FB]  }
0x319: {  	[spmem:s16] =	stream.linear.scatter [tilespmem:s17], [sflag:$0x3], $0x1000, $0x38;
	[tilespmem:$0x1D800] =	vst v63  }
0x31a: {  	_ = 	snop  }
0x31b: {  	[spmem:s18] =	stream.linear.scatter [tilespmem:s17], [sflag:$0x3], $0x1000, $0x38;
	[tilespmem:$0x1D800] =	vst v63  }
0x31c: {  	_ =	swait.ge [sflag:s10], $0x1000  }
0x31d: {  	[sflag:s10] =	ssyncset.done $0x0  }
0x31e: {  	[sflag:s10] =	ssyncadd.s32 $0xFFFFF000  }
0x31f: {  	_ =	swait.ge [sflag:s10], $0x1000  }
0x320: {  	[sflag:s10] =	ssyncset.done $0x0  }
0x321: {  	[sflag:s10] =	ssyncadd.s32 $0xFFFFF000  }
0x322: {  	_ =	swait.ge [sflag:s10], $0x1000  }
0x323: {  	[sflag:s10] =	ssyncset.done $0x0  }
0x324: {  	[sflag:s10] =	ssyncadd.s32 $0xFFFFF000  }
0x325: {  	_ =	swait.ge [sflag:s10], $0x1000  }
0x326: {  	[sflag:s10] =	ssyncset.done $0x0  }
0x327: {  	[sflag:s10] =	ssyncadd.s32 $0xFFFFF000  }
0x328: {  	_ =	swait.ge [sflag:s10], $0x1000  }
0x329: {  	[sflag:s10] =	ssyncset.done $0x0  }
0x32a: {  	[sflag:s10] =	ssyncadd.s32 $0xFFFFF000  }
0x32b: {  	_ =	swait.ge [sflag:s10], $0x1000  }
0x32c: {  	[sflag:s10] =	ssyncset.done $0x0  }
0x32d: {  	[sflag:s10] =	ssyncadd.s32 $0xFFFFF000  }
0x32e: {  	_ =	swait.ge [sflag:s10], $0x1000  }
0x32f: {  	[sflag:s10] =	ssyncset.done $0x0  }
0x330: {  	[sflag:s10] =	ssyncadd.s32 $0xFFFFF000  }
0x331: {  	_ =	swait.ge [sflag:s10], $0x1000  }
0x332: {  	[sflag:s10] =	ssyncset.done $0x0  }
0x333: {  	[sflag:s10] =	ssyncadd.s32 $0xFFFFF000  }
0x334: {  	_ =	swait.ge [sflag:s10], $0x1000  }
0x335: {  	[sflag:s10] =	ssyncset.done $0x0  }
0x336: {  	[sflag:s10] =	ssyncadd.s32 $0xFFFFF000  }
0x337: {  	_ =	swait.ge [sflag:s10], $0x1000  }
0x338: {  	[sflag:s10] =	ssyncset.done $0x0  }
0x339: {  	[sflag:s10] =	ssyncadd.s32 $0xFFFFF000  }
0x33a: {  	_ =	swait.ge [sflag:s10], $0x1000  }
0x33b: {  	[sflag:s10] =	ssyncset.done $0x0  }
0x33c: {  	[sflag:s10] =	ssyncadd.s32 $0xFFFFF000  }
0x33d: {  	_ =	swait.ge [sflag:s10], $0x1000  }
0x33e: {  	[sflag:s10] =	ssyncset.done $0x0  }
0x33f: {  	[sflag:s10] =	ssyncadd.s32 $0xFFFFF000  }
0x340: {  	_ =	swait.ge [sflag:s10], $0x1000  }
0x341: {  	[sflag:s10] =	ssyncset.done $0x0  }
0x342: {  	[sflag:s10] =	ssyncadd.s32 $0xFFFFF000  }
0x343: {  	_ =	swait.ge [sflag:s10], $0x1000  }
0x344: {  	[sflag:s10] =	ssyncset.done $0x0  }
0x345: {  	[sflag:s10] =	ssyncadd.s32 $0xFFFFF000  }
0x346: {  	_ =	swait.ge [sflag:s10], $0x1000  }
0x347: {  	[sflag:s10] =	ssyncset.done $0x0  }
0x348: {  	[sflag:s10] =	ssyncadd.s32 $0xFFFFF000  }
0x349: {  	_ =	swait.ge [sflag:s10], $0x1000  }
0x34a: {  	[sflag:s10] =	ssyncset.done $0x0  }
0x34b: {  	[sflag:s10] =	ssyncadd.s32 $0xFFFFF000  }
0x34c: {  	_ =	swait.ge [sflag:s10], $0x1000  }
0x34d: {  	[sflag:s10] =	ssyncset.done $0x0  }
0x34e: {  	[sflag:s10] =	ssyncadd.s32 $0xFFFFF000  }
0x34f: {  	_ =	swait.ge [sflag:s10], $0x1000  }
0x350: {  	[sflag:s10] =	ssyncset.done $0x0  }
0x351: {  	[sflag:s10] =	ssyncadd.s32 $0xFFFFF000  }
0x352: {  	_ =	swait.ge [sflag:s10], $0x1000  }
0x353: {  	[sflag:s10] =	ssyncset.done $0x0  }
0x354: {  	[sflag:s10] =	ssyncadd.s32 $0xFFFFF000  }
0x355: {  	_ =	swait.ge [sflag:s10], $0x1000  }
0x356: {  	[sflag:s10] =	ssyncset.done $0x0  }
0x357: {  	s19 =	rddreg [dreg:$0x1c];
	[sflag:s10] =	ssyncadd.s32 $0xFFFFF000  }
0x358: {  	[tilespmem:s14], [sflag:$0x5] =	stream.linear.gather [hbm4b:s19+s28], $0x3E80, $0x38;
	[tilespmem:$0x1D800] =	vst v63  }
0x359: {  	_ =	swait.ge [sflag:s5], $0x3E80  }
0x35a: {  	[sflag:s5] =	ssyncset.done $0x0  }
0x35b: {  	[sflag:s5] =	ssyncadd.s32 $0xFFFFC180  }
0x35c: {  	s20 =	sadd.s32 $0x0, s25;
	[bflag:$0x0] =	sbarrier.arrive $0xFFFF  }
0x35d: {  	[tilespmem:s12], [sflag:$0x5] =	stream.linear.gather [hbm4b:s20+s3], $0xA00, $0x38;
	[tilespmem:$0x1D800] =	vst v63  }
0x35e: {  	_ =	swait.ge [sflag:s5], $0xA00  }
0x35f: {  	[sflag:s5] =	ssyncset.done $0x0  }
0x360: {  	[sflag:s5] =	ssyncadd.s32 $0xFFFFF600  }
0x361: {  	[spmem:s2] =	stream.indirect.scatter.add.f32 [tilespmem:s14], [sflag:$0x5], $0x80, s12, s13, $0xb8;
	[tilespmem:$0x1D800] =	vst v63  }
0x362: {  	_ =	swait.ge [sflag:s5], $0x3E80  }
0x363: {  	[sflag:s5] =	ssyncset.done $0x0  }
0x364: {  	s21 =	simm.s32 $0xC80;
	[sflag:s5] =	ssyncadd.s32 $0xFFFFC180  }
0x365: {  	[spmem:s2] =	stream.indirect.scatter.add.f32 [tilespmem:s14], [sflag:$0x5], $0x80, s21, s13, $0xb8;
	[tilespmem:$0x1D800] =	vst v63  }
0x366: {  	_ =	swait.ge [sflag:s5], $0x3E80  }
0x367: {  	[sflag:s5] =	ssyncset.done $0x0  }
0x368: {  	s24 =	simm.s32 $0xD00;
	[sflag:s5] =	ssyncadd.s32 $0xFFFFC180  }
0x369: {  	[spmem:s2] =	stream.indirect.scatter.add.f32 [tilespmem:s14], [sflag:$0x5], $0x80, s24, s13, $0xb8;
	[tilespmem:$0x1D800] =	vst v63  }
0x36a: {  	_ =	swait.ge [sflag:s5], $0x3E80  }
0x36b: {  	[sflag:s5] =	ssyncset.done $0x0  }
0x36c: {  	s31 =	simm.s32 $0xD80;
	[sflag:s5] =	ssyncadd.s32 $0xFFFFC180  }
0x36d: {  	[spmem:s2] =	stream.indirect.scatter.add.f32 [tilespmem:s14], [sflag:$0x5], $0x80, s31, s13, $0xb8;
	[tilespmem:$0x1D800] =	vst v63  }
0x36e: {  	_ =	swait.ge [sflag:s5], $0x3E80  }
0x36f: {  	[sflag:s5] =	ssyncset.done $0x0  }
0x370: {  	s9 =	simm.s32 $0xE00;
	[sflag:s5] =	ssyncadd.s32 $0xFFFFC180  }
0x371: {  	[spmem:s2] =	stream.indirect.scatter.add.f32 [tilespmem:s14], [sflag:$0x5], $0x80, s9, s13, $0xb8;
	[tilespmem:$0x1D800] =	vst v63  }
0x372: {  	_ =	swait.ge [sflag:s5], $0x3E80  }
0x373: {  	[sflag:s5] =	ssyncset.done $0x0  }
0x374: {  	s15 =	simm.s32 $0xE80;
	[sflag:s5] =	ssyncadd.s32 $0xFFFFC180  }
0x375: {  	[spmem:s2] =	stream.indirect.scatter.add.f32 [tilespmem:s14], [sflag:$0x5], $0x80, s15, s13, $0xb8;
	[tilespmem:$0x1D800] =	vst v63  }
0x376: {  	_ =	swait.ge [sflag:s5], $0x3E80  }
0x377: {  	[sflag:s5] =	ssyncset.done $0x0  }
0x378: {  	s16 =	simm.s32 $0xF00;
	[sflag:s5] =	ssyncadd.s32 $0xFFFFC180  }
0x379: {  	[spmem:s2] =	stream.indirect.scatter.add.f32 [tilespmem:s14], [sflag:$0x5], $0x80, s16, s13, $0xb8;
	[tilespmem:$0x1D800] =	vst v63  }
0x37a: {  	_ =	swait.ge [sflag:s5], $0x3E80  }
0x37b: {  	[sflag:s5] =	ssyncset.done $0x0  }
0x37c: {  	s7 =	simm.s32 $0xF80;
	[sflag:s5] =	ssyncadd.s32 $0xFFFFC180  }
0x37d: {  	[spmem:s2] =	stream.indirect.scatter.add.f32 [tilespmem:s14], [sflag:$0x5], $0x80, s7, s13, $0xb8;
	[tilespmem:$0x1D800] =	vst v63  }
0x37e: {  	_ =	swait.ge [sflag:s5], $0x3E80  }
0x37f: {  	[sflag:s5] =	ssyncset.done $0x0  }
0x380: {  	s11 =	simm.s32 $0x1000;
	[sflag:s5] =	ssyncadd.s32 $0xFFFFC180  }
0x381: {  	[spmem:s2] =	stream.indirect.scatter.add.f32 [tilespmem:s14], [sflag:$0x5], $0x80, s11, s13, $0xb8;
	[tilespmem:$0x1D800] =	vst v63  }
0x382: {  	_ =	swait.ge [sflag:s5], $0x3E80  }
0x383: {  	[sflag:s5] =	ssyncset.done $0x0  }
0x384: {  	s18 =	simm.s32 $0x1080;
	[sflag:s5] =	ssyncadd.s32 $0xFFFFC180  }
0x385: {  	[spmem:s2] =	stream.indirect.scatter.add.f32 [tilespmem:s14], [sflag:$0x5], $0x80, s18, s13, $0xb8;
	[tilespmem:$0x1D800] =	vst v63  }
0x386: {  	_ =	swait.ge [sflag:s5], $0x3E80  }
0x387: {  	[sflag:s5] =	ssyncset.done $0x0  }
0x388: {  	s19 =	simm.s32 $0x1100;
	[sflag:s5] =	ssyncadd.s32 $0xFFFFC180  }
0x389: {  	[spmem:s2] =	stream.indirect.scatter.add.f32 [tilespmem:s14], [sflag:$0x5], $0x80, s19, s13, $0xb8;
	[tilespmem:$0x1D800] =	vst v63  }
0x38a: {  	_ =	swait.ge [sflag:s5], $0x3E80  }
0x38b: {  	[sflag:s5] =	ssyncset.done $0x0  }
0x38c: {  	s20 =	simm.s32 $0x1180;
	[sflag:s5] =	ssyncadd.s32 $0xFFFFC180  }
0x38d: {  	[spmem:s2] =	stream.indirect.scatter.add.f32 [tilespmem:s14], [sflag:$0x5], $0x80, s20, s13, $0xb8;
	[tilespmem:$0x1D800] =	vst v63  }
0x38e: {  	_ =	swait.ge [sflag:s5], $0x3E80  }
0x38f: {  	[sflag:s5] =	ssyncset.done $0x0  }
0x390: {  	s21 =	simm.s32 $0x1200;
	[sflag:s5] =	ssyncadd.s32 $0xFFFFC180  }
0x391: {  	[spmem:s2] =	stream.indirect.scatter.add.f32 [tilespmem:s14], [sflag:$0x5], $0x80, s21, s13, $0xb8;
	[tilespmem:$0x1D800] =	vst v63  }
0x392: {  	_ =	swait.ge [sflag:s5], $0x3E80  }
0x393: {  	[sflag:s5] =	ssyncset.done $0x0  }
0x394: {  	s24 =	simm.s32 $0x1280;
	[sflag:s5] =	ssyncadd.s32 $0xFFFFC180  }
0x395: {  	[spmem:s2] =	stream.indirect.scatter.add.f32 [tilespmem:s14], [sflag:$0x5], $0x80, s24, s13, $0xb8;
	[tilespmem:$0x1D800] =	vst v63  }
0x396: {  	_ =	swait.ge [sflag:s5], $0x3E80  }
0x397: {  	[sflag:s5] =	ssyncset.done $0x0  }
0x398: {  	s6 =	simm.s32 $0x1300;
	[sflag:s5] =	ssyncadd.s32 $0xFFFFC180  }
0x399: {  	[spmem:s2] =	stream.indirect.scatter.add.f32 [tilespmem:s14], [sflag:$0x5], $0x80, s6, s13, $0xb8;
	[tilespmem:$0x1D800] =	vst v63  }
0x39a: {  	_ =	swait.ge [sflag:s5], $0x3E80  }
0x39b: {  	[sflag:s5] =	ssyncset.done $0x0  }
0x39c: {  	s8 =	simm.s32 $0x1380;
	[sflag:s5] =	ssyncadd.s32 $0xFFFFC180  }
0x39d: {  	[spmem:s2] =	stream.indirect.scatter.add.f32 [tilespmem:s14], [sflag:$0x5], $0x80, s8, s13, $0xb8;
	[tilespmem:$0x1D800] =	vst v63  }
0x39e: {  	_ =	swait.ge [sflag:s5], $0x3E80  }
0x39f: {  	[sflag:s5] =	ssyncset.done $0x0  }
0x3a0: {  	s12 =	simm.s32 $0x1400;
	[sflag:s5] =	ssyncadd.s32 $0xFFFFC180  }
0x3a1: {  	[spmem:s2] =	stream.indirect.scatter.add.f32 [tilespmem:s14], [sflag:$0x5], $0x80, s12, s13, $0xb8;
	[tilespmem:$0x1D800] =	vst v63  }
0x3a2: {  	_ =	swait.ge [sflag:s5], $0x3E80  }
0x3a3: {  	[sflag:s5] =	ssyncset.done $0x0  }
0x3a4: {  	s29 =	simm.s32 $0x1480;
	[sflag:s5] =	ssyncadd.s32 $0xFFFFC180  }
0x3a5: {  	[spmem:s2] =	stream.indirect.scatter.add.f32 [tilespmem:s14], [sflag:$0x5], $0x80, s29, s13, $0xb8;
	[tilespmem:$0x1D800] =	vst v63  }
0x3a6: {  	_ =	swait.ge [sflag:s5], $0x3E80  }
0x3a7: {  	[sflag:s5] =	ssyncset.done $0x0  }
0x3a8: {  	s29 =	simm.s32 $0x1500;
	[sflag:s5] =	ssyncadd.s32 $0xFFFFC180  }
0x3a9: {  	[spmem:s2] =	stream.indirect.scatter.add.f32 [tilespmem:s14], [sflag:$0x5], $0x80, s29, s13, $0xb8;
	[tilespmem:$0x1D800] =	vst v63  }
0x3aa: {  	_ =	swait.ge [sflag:s5], $0x3E80  }
0x3ab: {  	[sflag:s5] =	ssyncset.done $0x0  }
0x3ac: {  	s29 =	simm.s32 $0x1580;
	[sflag:s5] =	ssyncadd.s32 $0xFFFFC180  }
0x3ad: {  	[spmem:s2] =	stream.indirect.scatter.add.f32 [tilespmem:s14], [sflag:$0x5], $0x80, s29, s13, $0xb8;
	[tilespmem:$0x1D800] =	vst v63  }
0x3ae: {  	s30 =	simm.s32 $0x300;
	_ =	swait.ge [sflag:s5], $0x3E80  }
0x3af: {  	s1 =	simm.s32 $0xC00;
	s28 =	simm.s32 $0x180;
	[sflag:s5] =	ssyncset.done $0x0  }
.LBB2_6:
0x3b0: {  	s0 =	sadd.s32 s28, s25  }
0x3b1: {  	[sflag:s5] =	ssyncadd.s32 $0xFFFFC180;
	s28 =	smov.u32 s30;
	s29 =	sadd.s32 $0x180, s30  }
0x3b2: {  	[tilespmem:s1], [sflag:$0x5] =	stream.linear.gather [hbm4b:s0+s3], $0xA00, $0x38;
	[tilespmem:$0x1D800] =	vst v63  }
0x3b3: {  	p0 =	sne.s32 s30, $0x480;
	_ =	swait.ge [sflag:s5], $0xA00  }
0x3b4: {  	[sflag:s5] =	ssyncset.done $0x0  }
0x3b5: {  	[sflag:s5] =	ssyncadd.s32 $0xFFFFF600  }
0x3b6: {  	[spmem:s2] =	stream.indirect.scatter.add.f32 [tilespmem:s14], [sflag:$0x5], $0x80, s1, s13, $0xb8;
	[tilespmem:$0x1D800] =	vst v63  }
0x3b7: {  	_ =	swait.ge [sflag:s5], $0x3E80  }
0x3b8: {  	[sflag:s5] =	ssyncset.done $0x0  }
0x3b9: {  	s0 =	simm.s32 $0xC80;
	[sflag:s5] =	ssyncadd.s32 $0xFFFFC180  }
0x3ba: {  	[spmem:s2] =	stream.indirect.scatter.add.f32 [tilespmem:s14], [sflag:$0x5], $0x80, s0, s13, $0xb8;
	[tilespmem:$0x1D800] =	vst v63  }
0x3bb: {  	_ =	swait.ge [sflag:s5], $0x3E80  }
0x3bc: {  	[sflag:s5] =	ssyncset.done $0x0  }
0x3bd: {  	s0 =	simm.s32 $0xD00;
	[sflag:s5] =	ssyncadd.s32 $0xFFFFC180  }
0x3be: {  	[spmem:s2] =	stream.indirect.scatter.add.f32 [tilespmem:s14], [sflag:$0x5], $0x80, s0, s13, $0xb8;
	[tilespmem:$0x1D800] =	vst v63  }
0x3bf: {  	_ =	swait.ge [sflag:s5], $0x3E80  }
0x3c0: {  	[sflag:s5] =	ssyncset.done $0x0  }
0x3c1: {  	[sflag:s5] =	ssyncadd.s32 $0xFFFFC180  }
0x3c2: {  	[spmem:s2] =	stream.indirect.scatter.add.f32 [tilespmem:s14], [sflag:$0x5], $0x80, s31, s13, $0xb8;
	[tilespmem:$0x1D800] =	vst v63  }
0x3c3: {  	_ =	swait.ge [sflag:s5], $0x3E80  }
0x3c4: {  	[sflag:s5] =	ssyncset.done $0x0  }
0x3c5: {  	[sflag:s5] =	ssyncadd.s32 $0xFFFFC180  }
0x3c6: {  	[spmem:s2] =	stream.indirect.scatter.add.f32 [tilespmem:s14], [sflag:$0x5], $0x80, s9, s13, $0xb8;
	[tilespmem:$0x1D800] =	vst v63  }
0x3c7: {  	_ =	swait.ge [sflag:s5], $0x3E80  }
0x3c8: {  	[sflag:s5] =	ssyncset.done $0x0  }
0x3c9: {  	[sflag:s5] =	ssyncadd.s32 $0xFFFFC180  }
0x3ca: {  	[spmem:s2] =	stream.indirect.scatter.add.f32 [tilespmem:s14], [sflag:$0x5], $0x80, s15, s13, $0xb8;
	[tilespmem:$0x1D800] =	vst v63  }
0x3cb: {  	_ =	swait.ge [sflag:s5], $0x3E80  }
0x3cc: {  	[sflag:s5] =	ssyncset.done $0x0  }
0x3cd: {  	[sflag:s5] =	ssyncadd.s32 $0xFFFFC180  }
0x3ce: {  	[spmem:s2] =	stream.indirect.scatter.add.f32 [tilespmem:s14], [sflag:$0x5], $0x80, s16, s13, $0xb8;
	[tilespmem:$0x1D800] =	vst v63  }
0x3cf: {  	_ =	swait.ge [sflag:s5], $0x3E80  }
0x3d0: {  	[sflag:s5] =	ssyncset.done $0x0  }
0x3d1: {  	[sflag:s5] =	ssyncadd.s32 $0xFFFFC180  }
0x3d2: {  	[spmem:s2] =	stream.indirect.scatter.add.f32 [tilespmem:s14], [sflag:$0x5], $0x80, s7, s13, $0xb8;
	[tilespmem:$0x1D800] =	vst v63  }
0x3d3: {  	_ =	swait.ge [sflag:s5], $0x3E80  }
0x3d4: {  	[sflag:s5] =	ssyncset.done $0x0  }
0x3d5: {  	[sflag:s5] =	ssyncadd.s32 $0xFFFFC180  }
0x3d6: {  	[spmem:s2] =	stream.indirect.scatter.add.f32 [tilespmem:s14], [sflag:$0x5], $0x80, s11, s13, $0xb8;
	[tilespmem:$0x1D800] =	vst v63  }
0x3d7: {  	_ =	swait.ge [sflag:s5], $0x3E80  }
0x3d8: {  	[sflag:s5] =	ssyncset.done $0x0  }
0x3d9: {  	[sflag:s5] =	ssyncadd.s32 $0xFFFFC180  }
0x3da: {  	[spmem:s2] =	stream.indirect.scatter.add.f32 [tilespmem:s14], [sflag:$0x5], $0x80, s18, s13, $0xb8;
	[tilespmem:$0x1D800] =	vst v63  }
0x3db: {  	_ =	swait.ge [sflag:s5], $0x3E80  }
0x3dc: {  	[sflag:s5] =	ssyncset.done $0x0  }
0x3dd: {  	[sflag:s5] =	ssyncadd.s32 $0xFFFFC180  }
0x3de: {  	[spmem:s2] =	stream.indirect.scatter.add.f32 [tilespmem:s14], [sflag:$0x5], $0x80, s19, s13, $0xb8;
	[tilespmem:$0x1D800] =	vst v63  }
0x3df: {  	_ =	swait.ge [sflag:s5], $0x3E80  }
0x3e0: {  	[sflag:s5] =	ssyncset.done $0x0  }
0x3e1: {  	[sflag:s5] =	ssyncadd.s32 $0xFFFFC180  }
0x3e2: {  	[spmem:s2] =	stream.indirect.scatter.add.f32 [tilespmem:s14], [sflag:$0x5], $0x80, s20, s13, $0xb8;
	[tilespmem:$0x1D800] =	vst v63  }
0x3e3: {  	_ =	swait.ge [sflag:s5], $0x3E80  }
0x3e4: {  	[sflag:s5] =	ssyncset.done $0x0  }
0x3e5: {  	[sflag:s5] =	ssyncadd.s32 $0xFFFFC180  }
0x3e6: {  	[spmem:s2] =	stream.indirect.scatter.add.f32 [tilespmem:s14], [sflag:$0x5], $0x80, s21, s13, $0xb8;
	[tilespmem:$0x1D800] =	vst v63  }
0x3e7: {  	_ =	swait.ge [sflag:s5], $0x3E80  }
0x3e8: {  	[sflag:s5] =	ssyncset.done $0x0  }
0x3e9: {  	[sflag:s5] =	ssyncadd.s32 $0xFFFFC180  }
0x3ea: {  	[spmem:s2] =	stream.indirect.scatter.add.f32 [tilespmem:s14], [sflag:$0x5], $0x80, s24, s13, $0xb8;
	[tilespmem:$0x1D800] =	vst v63  }
0x3eb: {  	_ =	swait.ge [sflag:s5], $0x3E80  }
0x3ec: {  	[sflag:s5] =	ssyncset.done $0x0  }
0x3ed: {  	[sflag:s5] =	ssyncadd.s32 $0xFFFFC180  }
0x3ee: {  	[spmem:s2] =	stream.indirect.scatter.add.f32 [tilespmem:s14], [sflag:$0x5], $0x80, s6, s13, $0xb8;
	[tilespmem:$0x1D800] =	vst v63  }
0x3ef: {  	_ =	swait.ge [sflag:s5], $0x3E80  }
0x3f0: {  	[sflag:s5] =	ssyncset.done $0x0  }
0x3f1: {  	[sflag:s5] =	ssyncadd.s32 $0xFFFFC180  }
0x3f2: {  	[spmem:s2] =	stream.indirect.scatter.add.f32 [tilespmem:s14], [sflag:$0x5], $0x80, s8, s13, $0xb8;
	[tilespmem:$0x1D800] =	vst v63  }
0x3f3: {  	_ =	swait.ge [sflag:s5], $0x3E80  }
0x3f4: {  	[sflag:s5] =	ssyncset.done $0x0  }
0x3f5: {  	[sflag:s5] =	ssyncadd.s32 $0xFFFFC180  }
0x3f6: {  	[spmem:s2] =	stream.indirect.scatter.add.f32 [tilespmem:s14], [sflag:$0x5], $0x80, s12, s13, $0xb8;
	[tilespmem:$0x1D800] =	vst v63  }
0x3f7: {  	_ =	swait.ge [sflag:s5], $0x3E80  }
0x3f8: {  	[sflag:s5] =	ssyncset.done $0x0  }
0x3f9: {  	s0 =	simm.s32 $0x1480;
	[sflag:s5] =	ssyncadd.s32 $0xFFFFC180  }
0x3fa: {  	[spmem:s2] =	stream.indirect.scatter.add.f32 [tilespmem:s14], [sflag:$0x5], $0x80, s0, s13, $0xb8;
	[tilespmem:$0x1D800] =	vst v63  }
0x3fb: {  	_ =	swait.ge [sflag:s5], $0x3E80  }
0x3fc: {  	[sflag:s5] =	ssyncset.done $0x0  }
0x3fd: {  	s0 =	simm.s32 $0x1500;
	[sflag:s5] =	ssyncadd.s32 $0xFFFFC180  }
0x3fe: {  	[spmem:s2] =	stream.indirect.scatter.add.f32 [tilespmem:s14], [sflag:$0x5], $0x80, s0, s13, $0xb8;
	[tilespmem:$0x1D800] =	vst v63  }
0x3ff: {  	_ =	swait.ge [sflag:s5], $0x3E80  }
.Ltmp2:
0x400: {  	[sflag:s5] =	ssyncset.done $0x0;
	(pc) =	sbr.rel @p0 .LBB2_6-.Ltmp2, $4  }
0x401: {  	s0 =	simm.s32 $0x1580;
	[sflag:s5] =	ssyncadd.s32 $0xFFFFC180  }
0x402: {  	[spmem:s2] =	stream.indirect.scatter.add.f32 [tilespmem:s14], [sflag:$0x5], $0x80, s0, s13, $0xb8;
	[tilespmem:$0x1D800] =	vst v63  }
0x403: {  	_ =	swait.ge [sflag:s5], $0x3E80  }
0x404: {  	s30 =	smov.u32 s29;
	[sflag:s5] =	ssyncset.done $0x0  }
0x405: {  	s0 =	sadd.s32 s28, s25;
	[sflag:s5] =	ssyncadd.s32 $0xFFFFC180  }
0x406: {  	[tilespmem:s1], [sflag:$0x5] =	stream.linear.gather [hbm4b:s0+s3], $0xA00, $0x38;
	[tilespmem:$0x1D800] =	vst v63  }
0x407: {  	_ =	swait.ge [sflag:s5], $0xA00  }
0x408: {  	[sflag:s5] =	ssyncset.done $0x0  }
0x409: {  	[sflag:s5] =	ssyncadd.s32 $0xFFFFF600  }
0x40a: {  	[spmem:s2] =	stream.indirect.scatter.add.f32 [tilespmem:s14], [sflag:$0x5], $0x80, s1, s13, $0xb8;
	[tilespmem:$0x1D800] =	vst v63  }
0x40b: {  	_ =	swait.ge [sflag:s5], $0x3E80  }
0x40c: {  	[sflag:s5] =	ssyncset.done $0x0  }
0x40d: {  	s25 =	simm.s32 $0xC80;
	[sflag:s5] =	ssyncadd.s32 $0xFFFFC180  }
0x40e: {  	[spmem:s2] =	stream.indirect.scatter.add.f32 [tilespmem:s14], [sflag:$0x5], $0x80, s25, s13, $0xb8;
	[tilespmem:$0x1D800] =	vst v63  }
0x40f: {  	_ =	swait.ge [sflag:s5], $0x3E80  }
0x410: {  	[sflag:s5] =	ssyncset.done $0x0  }
0x411: {  	s1 =	simm.s32 $0xD00;
	[sflag:s5] =	ssyncadd.s32 $0xFFFFC180  }
0x412: {  	[spmem:s2] =	stream.indirect.scatter.add.f32 [tilespmem:s14], [sflag:$0x5], $0x80, s1, s13, $0xb8;
	[tilespmem:$0x1D800] =	vst v63  }
0x413: {  	_ =	swait.ge [sflag:s5], $0x3E80  }
0x414: {  	[sflag:s5] =	ssyncset.done $0x0  }
0x415: {  	[sflag:s5] =	ssyncadd.s32 $0xFFFFC180  }
0x416: {  	[spmem:s2] =	stream.indirect.scatter.add.f32 [tilespmem:s14], [sflag:$0x5], $0x80, s31, s13, $0xb8;
	[tilespmem:$0x1D800] =	vst v63  }
0x417: {  	_ =	swait.ge [sflag:s5], $0x3E80  }
0x418: {  	[sflag:s5] =	ssyncset.done $0x0  }
0x419: {  	[sflag:s5] =	ssyncadd.s32 $0xFFFFC180  }
0x41a: {  	[spmem:s2] =	stream.indirect.scatter.add.f32 [tilespmem:s14], [sflag:$0x5], $0x80, s9, s13, $0xb8;
	[tilespmem:$0x1D800] =	vst v63  }
0x41b: {  	_ =	swait.ge [sflag:s5], $0x3E80  }
0x41c: {  	[sflag:s5] =	ssyncset.done $0x0  }
0x41d: {  	[sflag:s5] =	ssyncadd.s32 $0xFFFFC180  }
0x41e: {  	[spmem:s2] =	stream.indirect.scatter.add.f32 [tilespmem:s14], [sflag:$0x5], $0x80, s15, s13, $0xb8;
	[tilespmem:$0x1D800] =	vst v63  }
0x41f: {  	_ =	swait.ge [sflag:s5], $0x3E80  }
0x420: {  	[sflag:s5] =	ssyncset.done $0x0  }
0x421: {  	[sflag:s5] =	ssyncadd.s32 $0xFFFFC180  }
0x422: {  	[spmem:s2] =	stream.indirect.scatter.add.f32 [tilespmem:s14], [sflag:$0x5], $0x80, s16, s13, $0xb8;
	[tilespmem:$0x1D800] =	vst v63  }
0x423: {  	_ =	swait.ge [sflag:s5], $0x3E80  }
0x424: {  	[sflag:s5] =	ssyncset.done $0x0  }
0x425: {  	[sflag:s5] =	ssyncadd.s32 $0xFFFFC180  }
0x426: {  	[spmem:s2] =	stream.indirect.scatter.add.f32 [tilespmem:s14], [sflag:$0x5], $0x80, s7, s13, $0xb8;
	[tilespmem:$0x1D800] =	vst v63  }
0x427: {  	_ =	swait.ge [sflag:s5], $0x3E80  }
0x428: {  	[sflag:s5] =	ssyncset.done $0x0  }
0x429: {  	[sflag:s5] =	ssyncadd.s32 $0xFFFFC180  }
0x42a: {  	[spmem:s2] =	stream.indirect.scatter.add.f32 [tilespmem:s14], [sflag:$0x5], $0x80, s11, s13, $0xb8;
	[tilespmem:$0x1D800] =	vst v63  }
0x42b: {  	_ =	swait.ge [sflag:s5], $0x3E80  }
0x42c: {  	[sflag:s5] =	ssyncset.done $0x0  }
0x42d: {  	[sflag:s5] =	ssyncadd.s32 $0xFFFFC180  }
0x42e: {  	[spmem:s2] =	stream.indirect.scatter.add.f32 [tilespmem:s14], [sflag:$0x5], $0x80, s18, s13, $0xb8;
	[tilespmem:$0x1D800] =	vst v63  }
0x42f: {  	_ =	swait.ge [sflag:s5], $0x3E80  }
0x430: {  	[sflag:s5] =	ssyncset.done $0x0  }
0x431: {  	[sflag:s5] =	ssyncadd.s32 $0xFFFFC180  }
0x432: {  	[spmem:s2] =	stream.indirect.scatter.add.f32 [tilespmem:s14], [sflag:$0x5], $0x80, s19, s13, $0xb8;
	[tilespmem:$0x1D800] =	vst v63  }
0x433: {  	_ =	swait.ge [sflag:s5], $0x3E80  }
0x434: {  	[sflag:s5] =	ssyncset.done $0x0  }
0x435: {  	[sflag:s5] =	ssyncadd.s32 $0xFFFFC180  }
0x436: {  	[spmem:s2] =	stream.indirect.scatter.add.f32 [tilespmem:s14], [sflag:$0x5], $0x80, s20, s13, $0xb8;
	[tilespmem:$0x1D800] =	vst v63  }
0x437: {  	_ =	swait.ge [sflag:s5], $0x3E80  }
0x438: {  	[sflag:s5] =	ssyncset.done $0x0  }
0x439: {  	[sflag:s5] =	ssyncadd.s32 $0xFFFFC180  }
0x43a: {  	[spmem:s2] =	stream.indirect.scatter.add.f32 [tilespmem:s14], [sflag:$0x5], $0x80, s21, s13, $0xb8;
	[tilespmem:$0x1D800] =	vst v63  }
0x43b: {  	_ =	swait.ge [sflag:s5], $0x3E80  }
0x43c: {  	[sflag:s5] =	ssyncset.done $0x0  }
0x43d: {  	[sflag:s5] =	ssyncadd.s32 $0xFFFFC180  }
0x43e: {  	[spmem:s2] =	stream.indirect.scatter.add.f32 [tilespmem:s14], [sflag:$0x5], $0x80, s24, s13, $0xb8;
	[tilespmem:$0x1D800] =	vst v63  }
0x43f: {  	_ =	swait.ge [sflag:s5], $0x3E80  }
0x440: {  	[sflag:s5] =	ssyncset.done $0x0  }
0x441: {  	[sflag:s5] =	ssyncadd.s32 $0xFFFFC180  }
0x442: {  	[spmem:s2] =	stream.indirect.scatter.add.f32 [tilespmem:s14], [sflag:$0x5], $0x80, s6, s13, $0xb8;
	[tilespmem:$0x1D800] =	vst v63  }
0x443: {  	_ =	swait.ge [sflag:s5], $0x3E80  }
0x444: {  	[sflag:s5] =	ssyncset.done $0x0  }
0x445: {  	[sflag:s5] =	ssyncadd.s32 $0xFFFFC180  }
0x446: {  	[spmem:s2] =	stream.indirect.scatter.add.f32 [tilespmem:s14], [sflag:$0x5], $0x80, s8, s13, $0xb8;
	[tilespmem:$0x1D800] =	vst v63  }
0x447: {  	_ =	swait.ge [sflag:s5], $0x3E80  }
0x448: {  	[sflag:s5] =	ssyncset.done $0x0  }
0x449: {  	[sflag:s5] =	ssyncadd.s32 $0xFFFFC180  }
0x44a: {  	[spmem:s2] =	stream.indirect.scatter.add.f32 [tilespmem:s14], [sflag:$0x5], $0x80, s12, s13, $0xb8;
	[tilespmem:$0x1D800] =	vst v63  }
0x44b: {  	_ =	swait.ge [sflag:s5], $0x3E80  }
0x44c: {  	[sflag:s5] =	ssyncset.done $0x0  }
0x44d: {  	s15 =	simm.s32 $0x1480;
	[sflag:s5] =	ssyncadd.s32 $0xFFFFC180  }
0x44e: {  	[spmem:s2] =	stream.indirect.scatter.add.f32 [tilespmem:s14], [sflag:$0x5], $0x80, s15, s13, $0xb8;
	[tilespmem:$0x1D800] =	vst v63  }
0x44f: {  	_ =	swait.ge [sflag:s5], $0x3E80  }
0x450: {  	[sflag:s5] =	ssyncset.done $0x0  }
0x451: {  	s16 =	simm.s32 $0x1500;
	[sflag:s5] =	ssyncadd.s32 $0xFFFFC180  }
0x452: {  	[spmem:s2] =	stream.indirect.scatter.add.f32 [tilespmem:s14], [sflag:$0x5], $0x80, s16, s13, $0xb8;
	[tilespmem:$0x1D800] =	vst v63  }
0x453: {  	_ =	swait.ge [sflag:s5], $0x3E80  }
0x454: {  	[sflag:s5] =	ssyncset.done $0x0  }
0x455: {  	s18 =	simm.s32 $0x1580;
	[sflag:s5] =	ssyncadd.s32 $0xFFFFC180  }
0x456: {  	[spmem:s2] =	stream.indirect.scatter.add.f32 [tilespmem:s14], [sflag:$0x5], $0x80, s18, s13, $0xb8;
	[tilespmem:$0x1D800] =	vst v63  }
0x457: {  	_ =	swait.ge [sflag:s5], $0x3E80  }
0x458: {  	[sflag:s5] =	ssyncset.done $0x0  }
0x459: {  	[sflag:s5] =	ssyncadd.s32 $0xFFFFC180  }
0x45a: {  	[bflag:$0x0] =	sbarrier.arrive $0xFFFF  }
0x45b: {  	s19 =	rddreg [dreg:$0x1d]  }
0x45c: {  	[tilespmem:s14], [sflag:$0x5] =	stream.linear.gather [spmem:s19], $0x1000, $0x38;
	[tilespmem:$0x1D800] =	vst v63  }
0x45d: {  	_ =	swait.ge [sflag:s5], $0x1000  }
0x45e: {  	[sflag:s5] =	ssyncset.done $0x0;
	s31 =	rddreg [dreg:$0x1a]  }
0x45f: {  	s21 =	sld [smem:$0x7E3];
	[sflag:s5] =	ssyncadd.s32 $0xFFFFF000;
	s20 =	sadd.s32 $0x0, s31  }
0x460: {  	[hbm4b:s20+s3] =	stream.linear.scatter [tilespmem:s14], [sflag:$0x3], $0x1000, $0x38;
	[tilespmem:$0x1D800] =	vst v63  }
0x461: {  	_ = 	snop  }
0x462: {  	[tilespmem:s17], [sflag:$0x5] =	stream.linear.gather [spmem:s21], $0x1000, $0x38;
	[tilespmem:$0x1D800] =	vst v63  }
0x463: {  	_ =	swait.ge [sflag:s5], $0x1000  }
0x464: {  	[sflag:s5] =	ssyncset.done $0x0  }
0x465: {  	[sflag:s5] =	ssyncadd.s32 $0xFFFFF000  }
0x466: {  	_ =	swait.ge [sflag:s10], $0x1000  }
0x467: {  	s8 =	sld [smem:$0x7FC];
	_ =	sdelay $0x1  }
0x468: {  	s28 =	simm.s32 $0x400;
	[sflag:s10] =	ssyncset.done $0x0  }
0x469: {  	s25 =	sld [smem:$0x7E6];
	[sflag:s10] =	ssyncadd.s32 $0xFFFFF000;
	s24 =	sadd.s32 $0x0, s8  }
0x46a: {  	[hbm4b:s24+s3] =	stream.linear.scatter [tilespmem:s17], [sflag:$0x4], $0x1000, $0x38;
	[tilespmem:$0x1D800] =	vst v63  }
0x46b: {  	s30 =	simm.s32 $0x800;
	s9 =	simm.s32 $0xE80;
	s7 =	simm.s32 $0x1000  }
0x46c: {  	[tilespmem:s14], [sflag:$0x5] =	stream.linear.gather [spmem:s25], $0x1000, $0x38;
	[tilespmem:$0x1D800] =	vst v63  }
0x46d: {  	s11 =	simm.s32 $0x1080;
	s6 =	simm.s32 $0x1380;
	_ =	swait.ge [sflag:s5], $0x1000  }
0x46e: {  	s15 =	simm.s32 $0xF00;
	s16 =	simm.s32 $0xF80;
	[sflag:s5] =	ssyncset.done $0x0  }
0x46f: {  	s18 =	simm.s32 $0x1100;
	s19 =	simm.s32 $0x1180;
	[sflag:s5] =	ssyncadd.s32 $0xFFFFF000  }
0x470: {  	s20 =	simm.s32 $0x1200;
	s21 =	simm.s32 $0x1280;
	_ =	swait.ge [sflag:s26], $0x1000  }
0x471: {  	s29 =	sadd.s32 $0x2000, s25;
	s24 =	simm.s32 $0x1300;
	[sflag:s26] =	ssyncset.done $0x0  }
.LBB2_8:
0x472: {  	s0 =	sadd.s32 s28, s31;
	[sflag:s26] =	ssyncadd.s32 $0xFFFFF000  }
0x473: {  	[hbm4b:s0+s3] =	stream.linear.scatter [tilespmem:s14], [sflag:$0x3], $0x1000, $0x38;
	[tilespmem:$0x1D800] =	vst v63  }
0x474: {  	s12 =	sadd.s32 $0xFFFFF000, s29  }
0x475: {  	[tilespmem:s17], [sflag:$0x5] =	stream.linear.gather [spmem:s12], $0x1000, $0x38;
	[tilespmem:$0x1D800] =	vst v63  }
0x476: {  	_ =	swait.ge [sflag:s5], $0x1000  }
0x477: {  	[sflag:s5] =	ssyncset.done $0x0  }
0x478: {  	[sflag:s5] =	ssyncadd.s32 $0xFFFFF000  }
0x479: {  	_ =	swait.ge [sflag:s10], $0x1000  }
0x47a: {  	[sflag:s10] =	ssyncset.done $0x0  }
0x47b: {  	s25 =	sadd.s32 s28, s8;
	[sflag:s10] =	ssyncadd.s32 $0xFFFFF000  }
0x47c: {  	[hbm4b:s25+s3] =	stream.linear.scatter [tilespmem:s17], [sflag:$0x4], $0x1000, $0x38;
	[tilespmem:$0x1D800] =	vst v63  }
0x47d: {  	p0 =	sne.s32 s30, $0x2000  }
0x47e: {  	[tilespmem:s14], [sflag:$0x5] =	stream.linear.gather [spmem:s29], $0x1000, $0x38;
	[tilespmem:$0x1D800] =	vst v63  }
.Ltmp3:
0x47f: {  	_ =	swait.ge [sflag:s5], $0x1000;
	(pc) =	sbr.rel @p0 .LBB2_8-.Ltmp3, $4  }
0x480: {  	[sflag:s5] =	ssyncset.done $0x0  }
0x481: {  	s1 =	smov.u32 s30;
	s31 =	sadd.s32 $0x400, s30;
	[sflag:s5] =	ssyncadd.s32 $0xFFFFF000  }
0x482: {  	s28 =	smov.u32 s1;
	s30 =	smov.u32 s31;
	_ =	swait.ge [sflag:s26], $0x1000  }
0x483: {  	s29 =	sadd.s32 $0x2000, s29;
	[sflag:s26] =	ssyncset.done $0x0;
	s31 =	rddreg [dreg:$0x1a]  }
0x484: {  	s0 =	sadd.s32 s28, s31;
	[sflag:s26] =	ssyncadd.s32 $0xFFFFF000  }
0x485: {  	[hbm4b:s0+s3] =	stream.linear.scatter [tilespmem:s14], [sflag:$0x3], $0x1000, $0x38;
	[tilespmem:$0x1D800] =	vst v63  }
0x486: {  	s31 =	sadd.s32 $0xFFFFF000, s29  }
0x487: {  	[tilespmem:s17], [sflag:$0x5] =	stream.linear.gather [spmem:s31], $0x1000, $0x38;
	[tilespmem:$0x1D800] =	vst v63  }
0x488: {  	_ =	swait.ge [sflag:s5], $0x1000  }
0x489: {  	[sflag:s5] =	ssyncset.done $0x0  }
0x48a: {  	[sflag:s5] =	ssyncadd.s32 $0xFFFFF000  }
0x48b: {  	_ =	swait.ge [sflag:s10], $0x1000  }
0x48c: {  	[sflag:s10] =	ssyncset.done $0x0  }
0x48d: {  	s1 =	sadd.s32 s28, s8;
	[sflag:s10] =	ssyncadd.s32 $0xFFFFF000  }
0x48e: {  	[hbm4b:s1+s3] =	stream.linear.scatter [tilespmem:s17], [sflag:$0x4], $0x1000, $0x38;
	[tilespmem:$0x1D800] =	vst v63  }
0x48f: {  	_ = 	snop  }
0x490: {  	[tilespmem:s14], [sflag:$0x5] =	stream.linear.gather [spmem:s29], $0x1000, $0x38;
	[tilespmem:$0x1D800] =	vst v63  }
0x491: {  	_ =	swait.ge [sflag:s5], $0x1000  }
0x492: {  	[sflag:s5] =	ssyncset.done $0x0  }
0x493: {  	[sflag:s5] =	ssyncadd.s32 $0xFFFFF000  }
0x494: {  	_ =	swait.ge [sflag:s26], $0x1000  }
0x495: {  	[sflag:s26] =	ssyncset.done $0x0;
	s8 =	rddreg [dreg:$0x1f]  }
0x496: {  	s12 =	sld [smem:$0x7EF];
	[sflag:s26] =	ssyncadd.s32 $0xFFFFF000  }
0x497: {  	[hbm4b:s8+s3] =	stream.linear.scatter [tilespmem:s14], [sflag:$0x3], $0x1000, $0x38;
	[tilespmem:$0x1D800] =	vst v63  }
0x498: {  	_ = 	snop  }
0x499: {  	[tilespmem:s17], [sflag:$0x5] =	stream.linear.gather [spmem:s12], $0x1000, $0x38;
	[tilespmem:$0x1D800] =	vst v63  }
0x49a: {  	_ =	swait.ge [sflag:s5], $0x1000  }
0x49b: {  	[sflag:s5] =	ssyncset.done $0x0  }
0x49c: {  	[sflag:s5] =	ssyncadd.s32 $0xFFFFF000  }
0x49d: {  	_ =	swait.ge [sflag:s10], $0x1000  }
0x49e: {  	s25 =	sld [smem:$0x7EC]  }
0x49f: {  	[sflag:s10] =	ssyncset.done $0x0  }
0x4a0: {  	[sflag:s10] =	ssyncadd.s32 $0xFFFFF000  }
0x4a1: {  	[hbm4b:s25+s3] =	stream.linear.scatter [tilespmem:s17], [sflag:$0x4], $0x1000, $0x38;
	[tilespmem:$0x1D800] =	vst v63  }
0x4a2: {  	_ =	swait.ge [sflag:s26], $0x1000  }
0x4a3: {  	s28 =	sld [smem:$0x7E4];
	_ =	sdelay $0x2  }
0x4a4: {  	s31 =	rddreg [dreg:$0x1e];
	s28 =	sadd.s32 $0x1, s28  }
0x4a5: {  	p0 =	sne.s32 s28, s31  }
.Ltmp4:
0x4a6: {  	_ = 	snop;
	(pc) =	sbr.rel @p0 .LBB2_1-.Ltmp4, $4  }
0x4a7: {  	_ = 	snop  }
0x4a8: {  	s25 =	sld [smem:$0x7FD]  }
0x4a9: {  	s30 =	simm.s32 $0x1500;
	s1 =	simm.s32 $0xD00;
	[sflag:s26] =	ssyncset.done $0x0  }
0x4aa: {  	s29 =	simm.s32 $0x1480;
	s12 =	simm.s32 $0xC00;
	[sflag:s26] =	ssyncadd.s32 $0xFFFFF000  }
0x4ab: {  	_ =	sfence.sel $0x180000  }
0x4ac: {  	[bflag:$0x0] =	sbarrier.arrive $0xFFFF  }
0x4ad: {  	_ =	strace $0x90000047  }
0x4ae: {  	s0 =	stileid.u32;
	[bflag:$0x2] =	sbarrier.arrive $0xFFFF  }
0x4af: {  	p0 =	sne.s32 s0, $0x0;
	s0 =	rddreg [dreg:$0x3]  }
0x4b0: {  	s0 =	sadd.s32 @!p0 $0x100000, s0  }
0x4b1: {  	[sflag:s0] =	ssyncadd.tile.s32 @!p0 $0x1;
	_ =	shalt  }
.Lfunc_end2:
_tile_overlayer_lowered:
.L_overlay_start_2:
0x4b2: {  	(tag) =	ssettag $0x2  }
0x4b3: {  	s0 =	rddreg [dreg:$0x0];
	s2 =	stileid.u32  }
0x4b4: {  	s1 =	rddreg [dreg:$0x1];
	p0 =	sne.s32 s2, $0x0  }
0x4b5: {  	s3 =	rddreg [dreg:$0x2];
	[bflag:$0x3] =	sbarrier.arrive $0xFFFF;
	s2 =	simm.s32 @!p0 $0x1C05  }
0x4b6: {  	[timem:s3], [sflag:s2] =	dma.local @!p0 [hbm:s0], s1  }
0x4b7: {  	s0 =	simm.s32 @!p0 $0x5  }
0x4b8: {  	_ =	swait.ge @!p0 [sflag:s0], s1  }
0x4b9: {  	s1 =	ssub.s32 @!p0 $0x0, s1;
	[sflag:s0] =	ssyncset.done @!p0 $0x0  }
0x4ba: {  	[sflag:s0] =	ssyncadd.s32 @!p0 s1  }
0x4bb: {  	[bflag:$0x3] =	sbarrier.arrive $0xFFFF  }
0x4bc: {  	_ =	shalt  }

</sc_bundles>
